<compile_context>
chip_gen: v7x
topology: tpu7x:2x2x1
jax: 0.10.2.dev20260603
libtpu: 0.0.44.dev20260713+nightly
codegen_flags: <defaults>
</compile_context>

<pallas_src>
import jax
import jax.numpy as jnp
from jax import lax
from jax.experimental import pallas as pl
from jax.experimental.pallas import tpu as pltpu
from jax.experimental.pallas import tpu_sc as plsc

N = 10000
E = 320000
D = 128
H = 128
C = 2
EPS = 1e-5

NC = 2
NS = 16
NW = NC * NS

NPAD = 10240
SR = NPAD // NS
CH = 64
RPW = 160
GW = 80
NT = (GW - 3) // 3
EEPAD = NW * RPW * CH
ROWS = EEPAD // CH

_mesh = plsc.VectorSubcoreMesh(
    core_axis_name="c", subcore_axis_name="s", num_cores=NC, num_subcores=NS)


def _make_agg(with_counts):
    out_type = [jax.ShapeDtypeStruct((NC, NPAD, H), jnp.float32)]
    scratch = [
        pltpu.VMEM((GW, CH), jnp.int32),
        pltpu.VMEM((GW, CH), jnp.int32),
        pltpu.VMEM((CH, H), jnp.float32),
        pltpu.VMEM((CH, H), jnp.float32),
        pltpu.VMEM((CH, H), jnp.float32),
        pltpu.VMEM_SHARED((NPAD, H), jnp.float32),
        pltpu.SemaphoreType.DMA,
        pltpu.SemaphoreType.DMA,
        pltpu.SemaphoreType.DMA,
        pltpu.SemaphoreType.DMA,
        pltpu.SemaphoreType.DMA,
        pltpu.SemaphoreType.DMA,
    ]
    if with_counts:
        out_type.append(jax.ShapeDtypeStruct((NC, NPAD), jnp.float32))
        scratch += [
            pltpu.VMEM((CH,), jnp.float32),
            pltpu.VMEM((SR,), jnp.float32),
            pltpu.VMEM_SHARED((NPAD,), jnp.float32),
        ]

    def body(h_hbm, srcR_hbm, dstR_hbm, zrows_hbm, psum_hbm, *rest):
        if with_counts:
            (pcnt_hbm, src_vB, dst_vB, r0, r1, r2, acc_sh,
             sg0, sg1, sg2, ss0, ss1, ss2, ones_v, zcnt_v, cnt_sh) = rest
        else:
            (src_vB, dst_vB, r0, r1, r2, acc_sh,
             sg0, sg1, sg2, ss0, ss1, ss2) = rest
        rows = (r0, r1, r2)
        sg = (sg0, sg1, sg2)
        ss = (ss0, ss1, ss2)
        cid = lax.axis_index("c")
        sid = lax.axis_index("s")
        wid = cid * NS + sid
        ebase = wid * RPW
        nbase = sid * SR

        @pl.when(cid == 0)
        def _():
            pltpu.sync_copy(h_hbm.at[pl.ds(nbase, SR)],
                            acc_sh.at[pl.ds(nbase, SR)])

        @pl.when(cid != 0)
        def _():
            pltpu.sync_copy(zrows_hbm, acc_sh.at[pl.ds(nbase, SR)])

        if with_counts:
            z16 = jnp.zeros((16,), jnp.float32)
            for k in range(SR // 16):
                zcnt_v[pl.ds(k * 16, 16)] = z16
            o16 = jnp.ones((16,), jnp.float32)
            for k in range(CH // 16):
                ones_v[pl.ds(k * 16, 16)] = o16
            pltpu.sync_copy(zcnt_v, cnt_sh.at[pl.ds(nbase, SR)])
        plsc.subcore_barrier()

        def gat(j, b):
            pltpu.async_copy(h_hbm.at[src_vB.at[j]], rows[b], sg[b])

        def wait_g(j, b):
            pltpu.make_async_copy(h_hbm.at[src_vB.at[j]], rows[b],
                                  sg[b]).wait()

        def scat(j, b):
            pltpu.async_copy(rows[b], acc_sh.at[dst_vB.at[j]], ss[b],
                             add=True)
            if with_counts:
                pltpu.sync_copy(ones_v, cnt_sh.at[dst_vB.at[j]], add=True)

        def wait_s(b):
            pltpu.make_async_copy(rows[b], acc_sh.at[dst_vB.at[0]],
                                  ss[b]).wait()

        def iter_body(j, b, first, prefetch):
            bp = (b + 2) % 3
            if prefetch:
                if not first:
                    wait_s(bp)
                gat(j + 2, bp)
            wait_g(j, b)
            scat(j, b)

        for g in range(RPW // GW):
            gbase = ebase + g * GW
            pltpu.sync_copy(srcR_hbm.at[pl.ds(gbase, GW)], src_vB)
            pltpu.sync_copy(dstR_hbm.at[pl.ds(gbase, GW)], dst_vB)
            gat(0, 0)
            gat(1, 1)
            iter_body(0, 0, True, True)

            def triple(t, carry):
                j = 3 * t + 1
                iter_body(j, 1, False, True)
                iter_body(j + 1, 2, False, True)
                iter_body(j + 2, 0, False, True)
                return carry
            lax.fori_loop(0, NT, triple, 0)
            for j in range(3 * NT + 1, GW):
                iter_body(j, j % 3, False, j + 2 < GW)
            wait_s(0)
            wait_s(1)
            wait_s(2)
        plsc.subcore_barrier()

        pltpu.sync_copy(acc_sh.at[pl.ds(nbase, SR)],
                        psum_hbm.at[cid, pl.ds(nbase, SR)])
        if with_counts:
            pltpu.sync_copy(cnt_sh.at[pl.ds(nbase, SR)],
                            pcnt_hbm.at[cid, pl.ds(nbase, SR)])

    return pl.kernel(body, out_type=out_type, mesh=_mesh,
                     scratch_types=scratch)


_agg_counts = _make_agg(True)
_agg = _make_agg(False)



def _proj_body(x_ref, wp_ref, bp_ref, w0_ref, b0_ref, oh_ref, oz_ref):
    h0 = jax.nn.relu(
        jnp.dot(x_ref[...], wp_ref[...], preferred_element_type=jnp.float32)
        + bp_ref[...])
    z1 = jnp.dot(h0, w0_ref[...], preferred_element_type=jnp.float32) + b0_ref[...]
    oh_ref[0:N, :] = h0
    oh_ref[N:NPAD, :] = jnp.zeros((NPAD - N, H), jnp.float32)
    oz_ref[0:N, :] = z1
    oz_ref[N:NPAD, :] = jnp.zeros((NPAD - N, H), jnp.float32)


_proj = pl.pallas_call(
    _proj_body, out_shape=[jax.ShapeDtypeStruct((NPAD, H), jnp.float32),
                           jax.ShapeDtypeStruct((NPAD, H), jnp.float32)])


def _mean_bn(p_ref, c_ref, g_ref, be_ref):
    inv = 1.0 / (c_ref[0] + c_ref[1] + 1.0)
    a = (p_ref[0] + p_ref[1]) * inv
    zs = a[0:N, :]
    mu = jnp.mean(zs, axis=0, keepdims=True)
    var = jnp.mean((zs - mu) ** 2, axis=0, keepdims=True)
    return jax.nn.relu((a - mu) * lax.rsqrt(var + EPS) * g_ref[...] + be_ref[...])


def _layer0_body(p_ref, c_ref, g_ref, be_ref, wn_ref, bn_ref, oh_ref, oz_ref):
    h = _mean_bn(p_ref, c_ref, g_ref, be_ref)
    oh_ref[...] = h
    oz_ref[...] = (jnp.dot(h, wn_ref[...], preferred_element_type=jnp.float32)
                   + bn_ref[...])


_layer0 = pl.pallas_call(
    _layer0_body, out_shape=[jax.ShapeDtypeStruct((NPAD, H), jnp.float32),
                             jax.ShapeDtypeStruct((NPAD, H), jnp.float32)])


def _layer1_body(p_ref, c_ref, skip_ref, g_ref, be_ref, wn_ref, bn_ref,
                 oh_ref, oz_ref):
    h = _mean_bn(p_ref, c_ref, g_ref, be_ref) + skip_ref[...]
    oh_ref[...] = h
    oz_ref[...] = (jnp.dot(h, wn_ref[...], preferred_element_type=jnp.float32)
                   + bn_ref[...])


_layer1 = pl.pallas_call(
    _layer1_body, out_shape=[jax.ShapeDtypeStruct((NPAD, H), jnp.float32),
                             jax.ShapeDtypeStruct((NPAD, H), jnp.float32)])


def _final_body(p_ref, c_ref, h0_ref, h1_ref, h2_ref, g_ref, be_ref, lw_ref,
                w1_ref, b1_ref, w2_ref, b2_ref, w3_ref, b3_ref, o_ref):
    h3 = _mean_bn(p_ref, c_ref, g_ref, be_ref) + h0_ref[...]
    lw = lw_ref[...]
    e = jnp.exp(lw - jnp.max(lw, axis=0, keepdims=True))
    wsm = e / jnp.sum(e, axis=0, keepdims=True)
    hc = (h1_ref[...] * wsm[0:1, :] + h2_ref[...] * wsm[1:2, :]
          + h3 * wsm[2:3, :])
    a1 = jax.nn.relu(
        jnp.dot(hc, w1_ref[...], preferred_element_type=jnp.float32)
        + b1_ref[...])
    a2 = jax.nn.relu(
        jnp.dot(a1, w2_ref[...], preferred_element_type=jnp.float32)
        + b2_ref[...])
    o_ref[...] = (jnp.dot(a2, w3_ref[...], preferred_element_type=jnp.float32)
                  + b3_ref[...])


_final = pl.pallas_call(
    _final_body, out_shape=jax.ShapeDtypeStruct((NPAD, 8), jnp.float32))


def kernel(x, edge_index, Wp, bp, Wconv, bconv, gamma, beta, layer_weights,
           Wc1, bc1, Wc2, bc2, Wc3, bc3):
    pad = EEPAD - E
    ar = jnp.arange(pad, dtype=jnp.int32)
    srcR = jnp.concatenate([edge_index[0], ar % N]).reshape(ROWS, CH)
    dstR = jnp.concatenate([edge_index[1], N + (ar % (NPAD - N))]).reshape(ROWS, CH)
    zrows = jnp.zeros((SR, H), jnp.float32)

    b2d = lambda v: v.reshape(1, -1)

    h0, z1 = _proj(x, Wp.T, b2d(bp), Wconv[0].T, b2d(bconv[0]))
    p1, cnt = _agg_counts(z1, srcR, dstR, zrows)
    c3 = cnt.reshape(NC, NPAD, 1)
    h1, z2 = _layer0(p1, c3, b2d(gamma[0]), b2d(beta[0]), Wconv[1].T,
                     b2d(bconv[1]))
    (p2,) = _agg(z2, srcR, dstR, zrows)
    h2, z3 = _layer1(p2, c3, h0, b2d(gamma[1]), b2d(beta[1]), Wconv[2].T,
                     b2d(bconv[2]))
    (p3,) = _agg(z3, srcR, dstR, zrows)
    lwb = jnp.broadcast_to(layer_weights.reshape(3, 1), (3, H))
    Wc3p = jnp.zeros((8, H // 2), jnp.float32).at[:C].set(Wc3)
    bc3p = jnp.zeros((1, 8), jnp.float32).at[0, :C].set(bc3)
    out8 = _final(p3, c3, h0, h1, h2, b2d(gamma[2]), b2d(beta[2]), lwb,
                  Wc1.T, b2d(bc1), Wc2.T, b2d(bc2), Wc3p.T, bc3p)
    return out8[:N, :C]

# --- scband reference (transcript-rebuilt; emitter-appended) ---
"""Pipeline reference for scband-improved-gnn-82454782148696 (READ-ONLY COPY).

The authoritative reference and input builder live on the scoring server;
editing this copy changes nothing except your own understanding.
"""

import jax
import jax.numpy as jnp
import numpy as np

N = 10000
E = 320000
D = 128
H = 128
C = 2
L = 3
EPS = 1e-5


def setup_inputs(seed: int = 0) -> dict:
    key = jax.random.key(seed)
    ks = jax.random.split(key, 20)
    x = jax.random.normal(ks[0], (N, D), dtype=jnp.float32)
    edge_index = jax.random.randint(ks[1], (2, E), 0, N, dtype=jnp.int32)
    s = 1.0 / np.sqrt(H)
    Wp = jax.random.uniform(ks[2], (H, D), jnp.float32, -s, s)
    bp = jax.random.uniform(ks[3], (H,), jnp.float32, -s, s)
    Wconv = jax.random.uniform(ks[4], (L, H, H), jnp.float32, -s, s)
    bconv = jax.random.uniform(ks[5], (L, H), jnp.float32, -s, s)
    gamma = jnp.ones((L, H), jnp.float32)
    beta = jnp.zeros((L, H), jnp.float32)
    layer_weights = jnp.ones((L,), jnp.float32)
    Wc1 = jax.random.uniform(ks[6], (H, H), jnp.float32, -s, s)
    bc1 = jax.random.uniform(ks[7], (H,), jnp.float32, -s, s)
    s2 = 1.0 / np.sqrt(H)
    Wc2 = jax.random.uniform(ks[8], (H // 2, H), jnp.float32, -s2, s2)
    bc2 = jax.random.uniform(ks[9], (H // 2,), jnp.float32, -s2, s2)
    s3 = 1.0 / np.sqrt(H // 2)
    Wc3 = jax.random.uniform(ks[10], (C, H // 2), jnp.float32, -s3, s3)
    bc3 = jax.random.uniform(ks[11], (C,), jnp.float32, -s3, s3)
    return {"x": x, "edge_index": edge_index, "Wp": Wp, "bp": bp,
            "Wconv": Wconv, "bconv": bconv, "gamma": gamma, "beta": beta,
            "layer_weights": layer_weights, "Wc1": Wc1, "bc1": bc1,
            "Wc2": Wc2, "bc2": bc2, "Wc3": Wc3, "bc3": bc3}


def _gnn_layer(x, src, dst, W, b):
    # GNNLayer: add self loops, lin(x), propagate with mean aggregation
    h = x @ W.T + b
    msgs = jnp.take(h, src, axis=0)
    summ = jax.ops.segment_sum(msgs, dst, num_segments=N)
    cnt = jax.ops.segment_sum(jnp.ones_like(dst, dtype=h.dtype), dst, num_segments=N)
    return summ / jnp.maximum(cnt, 1.0)[:, None]


def _batch_norm(x, g, b):
    mu = jnp.mean(x, axis=0)
    var = jnp.mean((x - mu) ** 2, axis=0)
    return (x - mu) / jnp.sqrt(var + EPS) * g + b


def reference(x, edge_index, Wp, bp, Wconv, bconv, gamma, beta,
              layer_weights, Wc1, bc1, Wc2, bc2, Wc3, bc3):
    loop = jnp.arange(N, dtype=edge_index.dtype)
    src = jnp.concatenate([edge_index[0], loop])
    dst = jnp.concatenate([edge_index[1], loop])
    h = jax.nn.relu(x @ Wp.T + bp)
    h_init = h
    layer_outputs = []
    for i in range(L):
        h = _gnn_layer(h, src, dst, Wconv[i], bconv[i])
        h = _batch_norm(h, gamma[i], beta[i])
        h = jax.nn.relu(h)
        # dropout: identity (deterministic reference)
        if i > 0:
            h = h + h_init
        layer_outputs.append(h)
    w = jax.nn.softmax(layer_weights)
    h = sum(w[i] * layer_outputs[i] for i in range(L))
    h = jax.nn.relu(h @ Wc1.T + bc1)
    h = jax.nn.relu(h @ Wc2.T + bc2)
    out = h @ Wc3.T + bc3
    return out

if __name__ == "__main__":
    import jax
    _d = setup_inputs()
    print(jax.jit(kernel)(*tuple(_d.values())))

</pallas_src>

<mosaic_0001>
#map = affine_map<(d0, d1) -> (0, 0)>
#map1 = affine_map<(d0, d1) -> (0, 0, 0)>
module attributes {stable_mosaic.version = 14 : i64} {
  func.func @body(%arg0: i32, %arg1: i32, %arg2: memref<10240x128xf32, #tpu.memory_space<hbm>>, %arg3: memref<5120x64xi32, #tpu.memory_space<hbm>>, %arg4: memref<5120x64xi32, #tpu.memory_space<hbm>>, %arg5: memref<640x128xf32, #tpu.memory_space<hbm>>, %arg6: memref<2x10240x128xf32, #tpu.memory_space<hbm>>, %arg7: memref<2x10240xf32, #tpu.memory_space<hbm>>, %arg8: memref<80x64xi32, #tpu.memory_space<vmem>>, %arg9: memref<80x64xi32, #tpu.memory_space<vmem>>, %arg10: memref<64x128xf32, #tpu.memory_space<vmem>>, %arg11: memref<64x128xf32, #tpu.memory_space<vmem>>, %arg12: memref<64x128xf32, #tpu.memory_space<vmem>>, %arg13: memref<10240x128xf32, #tpu.memory_space<vmem_shared>>, %arg14: memref<!tpu.dma_semaphore, #tpu.memory_space<semaphore_mem>>, %arg15: memref<!tpu.dma_semaphore, #tpu.memory_space<semaphore_mem>>, %arg16: memref<!tpu.dma_semaphore, #tpu.memory_space<semaphore_mem>>, %arg17: memref<!tpu.dma_semaphore, #tpu.memory_space<semaphore_mem>>, %arg18: memref<!tpu.dma_semaphore, #tpu.memory_space<semaphore_mem>>, %arg19: memref<!tpu.dma_semaphore, #tpu.memory_space<semaphore_mem>>, %arg20: memref<64xf32, #tpu.memory_space<vmem>>, %arg21: memref<640xf32, #tpu.memory_space<vmem>>, %arg22: memref<10240xf32, #tpu.memory_space<vmem_shared>>) attributes {dimension_semantics = [#tpu.dimension_semantics<core_parallel>, #tpu.dimension_semantics<subcore_parallel>], iteration_bounds = array<i64: 2, 16>, scalar_prefetch = 0 : i64, scratch_operands = 15 : i64, tpu.core_type = #tpu.core_type<sc_vector_subcore>, window_params = [{transform_indices = #map}, {transform_indices = #map}, {transform_indices = #map}, {transform_indices = #map}, {transform_indices = #map1}, {transform_indices = #map}]} {
    %mul3A = arith.constant 16 : i32
    %mul3A_0 = arith.muli %arg0, %mul3A : i32
    %add3A = arith.addi %mul3A_0, %arg1 : i32
    %mul3A_1 = arith.constant 160 : i32
    %mul3A_2 = arith.muli %add3A, %mul3A_1 : i32
    %mul3A_3 = arith.constant 640 : i32
    %mul3A_4 = arith.muli %arg1, %mul3A_3 : i32
    %eq3A = arith.constant 0 : i32
    %eq3A_5 = arith.cmpi eq, %arg0, %eq3A : i32
    %convert_element_type3A = arith.extui %eq3A_5 : i1 to i32
    %cond3A = arith.constant 0 : i32
    %cond3A_6 = arith.cmpi ne, %convert_element_type3A, %cond3A : i32
    scf.if %cond3A_6 {
      "tpu.region"() ({
        %run_scoped3A_492 = tpu.sem_alloc : memref<!tpu.dma_semaphore, #tpu.memory_space<semaphore_mem>>
        %dma_start3A_493 = arith.constant 0 : i32
        %dma_start3A_494 = tpu.memref_slice %arg13[%mul3A_4, %dma_start3A_493] : memref<10240x128xf32, #tpu.memory_space<vmem_shared>> -> memref<640x128xf32, #tpu.memory_space<vmem_shared>>
        %dma_start3A_495 = arith.constant 0 : i32
        %dma_start3A_496 = tpu.memref_slice %arg2[%mul3A_4, %dma_start3A_495] : memref<10240x128xf32, #tpu.memory_space<hbm>> -> memref<640x128xf32, #tpu.memory_space<hbm>>
        tpu.enqueue_dma source(%dma_start3A_496 : memref<640x128xf32, #tpu.memory_space<hbm>>) target(%dma_start3A_494 : memref<640x128xf32, #tpu.memory_space<vmem_shared>>) target_semaphore(%run_scoped3A_492 : memref<!tpu.dma_semaphore, #tpu.memory_space<semaphore_mem>>)
        %dma_wait3A_497 = arith.constant 0 : i32
        %dma_wait3A_498 = tpu.memref_slice %arg13[%mul3A_4, %dma_wait3A_497] : memref<10240x128xf32, #tpu.memory_space<vmem_shared>> -> memref<640x128xf32, #tpu.memory_space<vmem_shared>>
        %dma_wait3A_499 = arith.constant 0 : i32
        %dma_wait3A_500 = tpu.memref_slice %arg2[%mul3A_4, %dma_wait3A_499] : memref<10240x128xf32, #tpu.memory_space<hbm>> -> memref<640x128xf32, #tpu.memory_space<hbm>>
        tpu.wait_dma2 semaphore(%run_scoped3A_492 : memref<!tpu.dma_semaphore, #tpu.memory_space<semaphore_mem>>) src(%dma_wait3A_500 : memref<640x128xf32, #tpu.memory_space<hbm>>) dst(%dma_wait3A_498 : memref<640x128xf32, #tpu.memory_space<vmem_shared>>)
        tpu.yield
      }) : () -> ()
    } else {
    }
    %ne3A = arith.constant 0 : i32
    %ne3A_7 = arith.cmpi ne, %arg0, %ne3A : i32
    %convert_element_type3A_8 = arith.extui %ne3A_7 : i1 to i32
    %cond3A_9 = arith.constant 0 : i32
    %cond3A_10 = arith.cmpi ne, %convert_element_type3A_8, %cond3A_9 : i32
    scf.if %cond3A_10 {
      "tpu.region"() ({
        %run_scoped3A_492 = tpu.sem_alloc : memref<!tpu.dma_semaphore, #tpu.memory_space<semaphore_mem>>
        %dma_start3A_493 = arith.constant 0 : i32
        %dma_start3A_494 = tpu.memref_slice %arg13[%mul3A_4, %dma_start3A_493] : memref<10240x128xf32, #tpu.memory_space<vmem_shared>> -> memref<640x128xf32, #tpu.memory_space<vmem_shared>>
        tpu.enqueue_dma source(%arg5 : memref<640x128xf32, #tpu.memory_space<hbm>>) target(%dma_start3A_494 : memref<640x128xf32, #tpu.memory_space<vmem_shared>>) target_semaphore(%run_scoped3A_492 : memref<!tpu.dma_semaphore, #tpu.memory_space<semaphore_mem>>)
        %dma_wait3A_495 = arith.constant 0 : i32
        %dma_wait3A_496 = tpu.memref_slice %arg13[%mul3A_4, %dma_wait3A_495] : memref<10240x128xf32, #tpu.memory_space<vmem_shared>> -> memref<640x128xf32, #tpu.memory_space<vmem_shared>>
        tpu.wait_dma2 semaphore(%run_scoped3A_492 : memref<!tpu.dma_semaphore, #tpu.memory_space<semaphore_mem>>) src(%arg5 : memref<640x128xf32, #tpu.memory_space<hbm>>) dst(%dma_wait3A_496 : memref<640x128xf32, #tpu.memory_space<vmem_shared>>)
        tpu.yield
      }) : () -> ()
    } else {
    }
    %broadcast_in_dim3A = arith.constant 0.000000e+00 : f32
    %broadcast_in_dim3A_11 = vector.broadcast %broadcast_in_dim3A : f32 to vector<16xf32>
    %swap3A = arith.constant 0 : index
    %swap3A_12 = tpu.vector_load %arg21[%swap3A] {strides = array<i32>} : memref<640xf32, #tpu.memory_space<vmem>>, vector<16xf32>,
    %swap3A_13 = vector.shape_cast %swap3A_12 : vector<16xf32> to vector<16xf32>
    %swap3A_14 = vector.shape_cast %broadcast_in_dim3A_11 : vector<16xf32> to vector<16xf32>
    tpu.vector_store %arg21[%swap3A], %swap3A_14 {strides = array<i32>} : memref<640xf32, #tpu.memory_space<vmem>>, vector<16xf32>,
    %swap3A_15 = arith.constant 16 : index
    %swap3A_16 = tpu.vector_load %arg21[%swap3A_15] {strides = array<i32>} : memref<640xf32, #tpu.memory_space<vmem>>, vector<16xf32>,
    %swap3A_17 = vector.shape_cast %swap3A_16 : vector<16xf32> to vector<16xf32>
    %swap3A_18 = vector.shape_cast %broadcast_in_dim3A_11 : vector<16xf32> to vector<16xf32>
    tpu.vector_store %arg21[%swap3A_15], %swap3A_18 {strides = array<i32>} : memref<640xf32, #tpu.memory_space<vmem>>, vector<16xf32>,
    %swap3A_19 = arith.constant 32 : index
    %swap3A_20 = tpu.vector_load %arg21[%swap3A_19] {strides = array<i32>} : memref<640xf32, #tpu.memory_space<vmem>>, vector<16xf32>,
    %swap3A_21 = vector.shape_cast %swap3A_20 : vector<16xf32> to vector<16xf32>
    %swap3A_22 = vector.shape_cast %broadcast_in_dim3A_11 : vector<16xf32> to vector<16xf32>
    tpu.vector_store %arg21[%swap3A_19], %swap3A_22 {strides = array<i32>} : memref<640xf32, #tpu.memory_space<vmem>>, vector<16xf32>,
    %swap3A_23 = arith.constant 48 : index
    %swap3A_24 = tpu.vector_load %arg21[%swap3A_23] {strides = array<i32>} : memref<640xf32, #tpu.memory_space<vmem>>, vector<16xf32>,
    %swap3A_25 = vector.shape_cast %swap3A_24 : vector<16xf32> to vector<16xf32>
    %swap3A_26 = vector.shape_cast %broadcast_in_dim3A_11 : vector<16xf32> to vector<16xf32>
    tpu.vector_store %arg21[%swap3A_23], %swap3A_26 {strides = array<i32>} : memref<640xf32, #tpu.memory_space<vmem>>, vector<16xf32>,
    %swap3A_27 = arith.constant 64 : index
    %swap3A_28 = tpu.vector_load %arg21[%swap3A_27] {strides = array<i32>} : memref<640xf32, #tpu.memory_space<vmem>>, vector<16xf32>,
    %swap3A_29 = vector.shape_cast %swap3A_28 : vector<16xf32> to vector<16xf32>
    %swap3A_30 = vector.shape_cast %broadcast_in_dim3A_11 : vector<16xf32> to vector<16xf32>
    tpu.vector_store %arg21[%swap3A_27], %swap3A_30 {strides = array<i32>} : memref<640xf32, #tpu.memory_space<vmem>>, vector<16xf32>,
    %swap3A_31 = arith.constant 80 : index
    %swap3A_32 = tpu.vector_load %arg21[%swap3A_31] {strides = array<i32>} : memref<640xf32, #tpu.memory_space<vmem>>, vector<16xf32>,
    %swap3A_33 = vector.shape_cast %swap3A_32 : vector<16xf32> to vector<16xf32>
    %swap3A_34 = vector.shape_cast %broadcast_in_dim3A_11 : vector<16xf32> to vector<16xf32>
    tpu.vector_store %arg21[%swap3A_31], %swap3A_34 {strides = array<i32>} : memref<640xf32, #tpu.memory_space<vmem>>, vector<16xf32>,
    %swap3A_35 = arith.constant 96 : index
    %swap3A_36 = tpu.vector_load %arg21[%swap3A_35] {strides = array<i32>} : memref<640xf32, #tpu.memory_space<vmem>>, vector<16xf32>,
    %swap3A_37 = vector.shape_cast %swap3A_36 : vector<16xf32> to vector<16xf32>
    %swap3A_38 = vector.shape_cast %broadcast_in_dim3A_11 : vector<16xf32> to vector<16xf32>
    tpu.vector_store %arg21[%swap3A_35], %swap3A_38 {strides = array<i32>} : memref<640xf32, #tpu.memory_space<vmem>>, vector<16xf32>,
    %swap3A_39 = arith.constant 112 : index
    %swap3A_40 = tpu.vector_load %arg21[%swap3A_39] {strides = array<i32>} : memref<640xf32, #tpu.memory_space<vmem>>, vector<16xf32>,
    %swap3A_41 = vector.shape_cast %swap3A_40 : vector<16xf32> to vector<16xf32>
    %swap3A_42 = vector.shape_cast %broadcast_in_dim3A_11 : vector<16xf32> to vector<16xf32>
    tpu.vector_store %arg21[%swap3A_39], %swap3A_42 {strides = array<i32>} : memref<640xf32, #tpu.memory_space<vmem>>, vector<16xf32>,
    %swap3A_43 = arith.constant 128 : index
    %swap3A_44 = tpu.vector_load %arg21[%swap3A_43] {strides = array<i32>} : memref<640xf32, #tpu.memory_space<vmem>>, vector<16xf32>,
    %swap3A_45 = vector.shape_cast %swap3A_44 : vector<16xf32> to vector<16xf32>
    %swap3A_46 = vector.shape_cast %broadcast_in_dim3A_11 : vector<16xf32> to vector<16xf32>
    tpu.vector_store %arg21[%swap3A_43], %swap3A_46 {strides = array<i32>} : memref<640xf32, #tpu.memory_space<vmem>>, vector<16xf32>,
    %swap3A_47 = arith.constant 144 : index
    %swap3A_48 = tpu.vector_load %arg21[%swap3A_47] {strides = array<i32>} : memref<640xf32, #tpu.memory_space<vmem>>, vector<16xf32>,
    %swap3A_49 = vector.shape_cast %swap3A_48 : vector<16xf32> to vector<16xf32>
    %swap3A_50 = vector.shape_cast %broadcast_in_dim3A_11 : vector<16xf32> to vector<16xf32>
    tpu.vector_store %arg21[%swap3A_47], %swap3A_50 {strides = array<i32>} : memref<640xf32, #tpu.memory_space<vmem>>, vector<16xf32>,
    %swap3A_51 = arith.constant 160 : index
    %swap3A_52 = tpu.vector_load %arg21[%swap3A_51] {strides = array<i32>} : memref<640xf32, #tpu.memory_space<vmem>>, vector<16xf32>,
    %swap3A_53 = vector.shape_cast %swap3A_52 : vector<16xf32> to vector<16xf32>
    %swap3A_54 = vector.shape_cast %broadcast_in_dim3A_11 : vector<16xf32> to vector<16xf32>
    tpu.vector_store %arg21[%swap3A_51], %swap3A_54 {strides = array<i32>} : memref<640xf32, #tpu.memory_space<vmem>>, vector<16xf32>,
    %swap3A_55 = arith.constant 176 : index
    %swap3A_56 = tpu.vector_load %arg21[%swap3A_55] {strides = array<i32>} : memref<640xf32, #tpu.memory_space<vmem>>, vector<16xf32>,
    %swap3A_57 = vector.shape_cast %swap3A_56 : vector<16xf32> to vector<16xf32>
    %swap3A_58 = vector.shape_cast %broadcast_in_dim3A_11 : vector<16xf32> to vector<16xf32>
    tpu.vector_store %arg21[%swap3A_55], %swap3A_58 {strides = array<i32>} : memref<640xf32, #tpu.memory_space<vmem>>, vector<16xf32>,
    %swap3A_59 = arith.constant 192 : index
    %swap3A_60 = tpu.vector_load %arg21[%swap3A_59] {strides = array<i32>} : memref<640xf32, #tpu.memory_space<vmem>>, vector<16xf32>,
    %swap3A_61 = vector.shape_cast %swap3A_60 : vector<16xf32> to vector<16xf32>
    %swap3A_62 = vector.shape_cast %broadcast_in_dim3A_11 : vector<16xf32> to vector<16xf32>
    tpu.vector_store %arg21[%swap3A_59], %swap3A_62 {strides = array<i32>} : memref<640xf32, #tpu.memory_space<vmem>>, vector<16xf32>,
    %swap3A_63 = arith.constant 208 : index
    %swap3A_64 = tpu.vector_load %arg21[%swap3A_63] {strides = array<i32>} : memref<640xf32, #tpu.memory_space<vmem>>, vector<16xf32>,
    %swap3A_65 = vector.shape_cast %swap3A_64 : vector<16xf32> to vector<16xf32>
    %swap3A_66 = vector.shape_cast %broadcast_in_dim3A_11 : vector<16xf32> to vector<16xf32>
    tpu.vector_store %arg21[%swap3A_63], %swap3A_66 {strides = array<i32>} : memref<640xf32, #tpu.memory_space<vmem>>, vector<16xf32>,
    %swap3A_67 = arith.constant 224 : index
    %swap3A_68 = tpu.vector_load %arg21[%swap3A_67] {strides = array<i32>} : memref<640xf32, #tpu.memory_space<vmem>>, vector<16xf32>,
    %swap3A_69 = vector.shape_cast %swap3A_68 : vector<16xf32> to vector<16xf32>
    %swap3A_70 = vector.shape_cast %broadcast_in_dim3A_11 : vector<16xf32> to vector<16xf32>
    tpu.vector_store %arg21[%swap3A_67], %swap3A_70 {strides = array<i32>} : memref<640xf32, #tpu.memory_space<vmem>>, vector<16xf32>,
    %swap3A_71 = arith.constant 240 : index
    %swap3A_72 = tpu.vector_load %arg21[%swap3A_71] {strides = array<i32>} : memref<640xf32, #tpu.memory_space<vmem>>, vector<16xf32>,
    %swap3A_73 = vector.shape_cast %swap3A_72 : vector<16xf32> to vector<16xf32>
    %swap3A_74 = vector.shape_cast %broadcast_in_dim3A_11 : vector<16xf32> to vector<16xf32>
    tpu.vector_store %arg21[%swap3A_71], %swap3A_74 {strides = array<i32>} : memref<640xf32, #tpu.memory_space<vmem>>, vector<16xf32>,
    %swap3A_75 = arith.constant 256 : index
    %swap3A_76 = tpu.vector_load %arg21[%swap3A_75] {strides = array<i32>} : memref<640xf32, #tpu.memory_space<vmem>>, vector<16xf32>,
    %swap3A_77 = vector.shape_cast %swap3A_76 : vector<16xf32> to vector<16xf32>
    %swap3A_78 = vector.shape_cast %broadcast_in_dim3A_11 : vector<16xf32> to vector<16xf32>
    tpu.vector_store %arg21[%swap3A_75], %swap3A_78 {strides = array<i32>} : memref<640xf32, #tpu.memory_space<vmem>>, vector<16xf32>,
    %swap3A_79 = arith.constant 272 : index
    %swap3A_80 = tpu.vector_load %arg21[%swap3A_79] {strides = array<i32>} : memref<640xf32, #tpu.memory_space<vmem>>, vector<16xf32>,
    %swap3A_81 = vector.shape_cast %swap3A_80 : vector<16xf32> to vector<16xf32>
    %swap3A_82 = vector.shape_cast %broadcast_in_dim3A_11 : vector<16xf32> to vector<16xf32>
    tpu.vector_store %arg21[%swap3A_79], %swap3A_82 {strides = array<i32>} : memref<640xf32, #tpu.memory_space<vmem>>, vector<16xf32>,
    %swap3A_83 = arith.constant 288 : index
    %swap3A_84 = tpu.vector_load %arg21[%swap3A_83] {strides = array<i32>} : memref<640xf32, #tpu.memory_space<vmem>>, vector<16xf32>,
    %swap3A_85 = vector.shape_cast %swap3A_84 : vector<16xf32> to vector<16xf32>
    %swap3A_86 = vector.shape_cast %broadcast_in_dim3A_11 : vector<16xf32> to vector<16xf32>
    tpu.vector_store %arg21[%swap3A_83], %swap3A_86 {strides = array<i32>} : memref<640xf32, #tpu.memory_space<vmem>>, vector<16xf32>,
    %swap3A_87 = arith.constant 304 : index
    %swap3A_88 = tpu.vector_load %arg21[%swap3A_87] {strides = array<i32>} : memref<640xf32, #tpu.memory_space<vmem>>, vector<16xf32>,
    %swap3A_89 = vector.shape_cast %swap3A_88 : vector<16xf32> to vector<16xf32>
    %swap3A_90 = vector.shape_cast %broadcast_in_dim3A_11 : vector<16xf32> to vector<16xf32>
    tpu.vector_store %arg21[%swap3A_87], %swap3A_90 {strides = array<i32>} : memref<640xf32, #tpu.memory_space<vmem>>, vector<16xf32>,
    %swap3A_91 = arith.constant 320 : index
    %swap3A_92 = tpu.vector_load %arg21[%swap3A_91] {strides = array<i32>} : memref<640xf32, #tpu.memory_space<vmem>>, vector<16xf32>,
    %swap3A_93 = vector.shape_cast %swap3A_92 : vector<16xf32> to vector<16xf32>
    %swap3A_94 = vector.shape_cast %broadcast_in_dim3A_11 : vector<16xf32> to vector<16xf32>
    tpu.vector_store %arg21[%swap3A_91], %swap3A_94 {strides = array<i32>} : memref<640xf32, #tpu.memory_space<vmem>>, vector<16xf32>,
    %swap3A_95 = arith.constant 336 : index
    %swap3A_96 = tpu.vector_load %arg21[%swap3A_95] {strides = array<i32>} : memref<640xf32, #tpu.memory_space<vmem>>, vector<16xf32>,
    %swap3A_97 = vector.shape_cast %swap3A_96 : vector<16xf32> to vector<16xf32>
    %swap3A_98 = vector.shape_cast %broadcast_in_dim3A_11 : vector<16xf32> to vector<16xf32>
    tpu.vector_store %arg21[%swap3A_95], %swap3A_98 {strides = array<i32>} : memref<640xf32, #tpu.memory_space<vmem>>, vector<16xf32>,
    %swap3A_99 = arith.constant 352 : index
    %swap3A_100 = tpu.vector_load %arg21[%swap3A_99] {strides = array<i32>} : memref<640xf32, #tpu.memory_space<vmem>>, vector<16xf32>,
    %swap3A_101 = vector.shape_cast %swap3A_100 : vector<16xf32> to vector<16xf32>
    %swap3A_102 = vector.shape_cast %broadcast_in_dim3A_11 : vector<16xf32> to vector<16xf32>
    tpu.vector_store %arg21[%swap3A_99], %swap3A_102 {strides = array<i32>} : memref<640xf32, #tpu.memory_space<vmem>>, vector<16xf32>,
    %swap3A_103 = arith.constant 368 : index
    %swap3A_104 = tpu.vector_load %arg21[%swap3A_103] {strides = array<i32>} : memref<640xf32, #tpu.memory_space<vmem>>, vector<16xf32>,
    %swap3A_105 = vector.shape_cast %swap3A_104 : vector<16xf32> to vector<16xf32>
    %swap3A_106 = vector.shape_cast %broadcast_in_dim3A_11 : vector<16xf32> to vector<16xf32>
    tpu.vector_store %arg21[%swap3A_103], %swap3A_106 {strides = array<i32>} : memref<640xf32, #tpu.memory_space<vmem>>, vector<16xf32>,
    %swap3A_107 = arith.constant 384 : index
    %swap3A_108 = tpu.vector_load %arg21[%swap3A_107] {strides = array<i32>} : memref<640xf32, #tpu.memory_space<vmem>>, vector<16xf32>,
    %swap3A_109 = vector.shape_cast %swap3A_108 : vector<16xf32> to vector<16xf32>
    %swap3A_110 = vector.shape_cast %broadcast_in_dim3A_11 : vector<16xf32> to vector<16xf32>
    tpu.vector_store %arg21[%swap3A_107], %swap3A_110 {strides = array<i32>} : memref<640xf32, #tpu.memory_space<vmem>>, vector<16xf32>,
    %swap3A_111 = arith.constant 400 : index
    %swap3A_112 = tpu.vector_load %arg21[%swap3A_111] {strides = array<i32>} : memref<640xf32, #tpu.memory_space<vmem>>, vector<16xf32>,
    %swap3A_113 = vector.shape_cast %swap3A_112 : vector<16xf32> to vector<16xf32>
    %swap3A_114 = vector.shape_cast %broadcast_in_dim3A_11 : vector<16xf32> to vector<16xf32>
    tpu.vector_store %arg21[%swap3A_111], %swap3A_114 {strides = array<i32>} : memref<640xf32, #tpu.memory_space<vmem>>, vector<16xf32>,
    %swap3A_115 = arith.constant 416 : index
    %swap3A_116 = tpu.vector_load %arg21[%swap3A_115] {strides = array<i32>} : memref<640xf32, #tpu.memory_space<vmem>>, vector<16xf32>,
    %swap3A_117 = vector.shape_cast %swap3A_116 : vector<16xf32> to vector<16xf32>
    %swap3A_118 = vector.shape_cast %broadcast_in_dim3A_11 : vector<16xf32> to vector<16xf32>
    tpu.vector_store %arg21[%swap3A_115], %swap3A_118 {strides = array<i32>} : memref<640xf32, #tpu.memory_space<vmem>>, vector<16xf32>,
    %swap3A_119 = arith.constant 432 : index
    %swap3A_120 = tpu.vector_load %arg21[%swap3A_119] {strides = array<i32>} : memref<640xf32, #tpu.memory_space<vmem>>, vector<16xf32>,
    %swap3A_121 = vector.shape_cast %swap3A_120 : vector<16xf32> to vector<16xf32>
    %swap3A_122 = vector.shape_cast %broadcast_in_dim3A_11 : vector<16xf32> to vector<16xf32>
    tpu.vector_store %arg21[%swap3A_119], %swap3A_122 {strides = array<i32>} : memref<640xf32, #tpu.memory_space<vmem>>, vector<16xf32>,
    %swap3A_123 = arith.constant 448 : index
    %swap3A_124 = tpu.vector_load %arg21[%swap3A_123] {strides = array<i32>} : memref<640xf32, #tpu.memory_space<vmem>>, vector<16xf32>,
    %swap3A_125 = vector.shape_cast %swap3A_124 : vector<16xf32> to vector<16xf32>
    %swap3A_126 = vector.shape_cast %broadcast_in_dim3A_11 : vector<16xf32> to vector<16xf32>
    tpu.vector_store %arg21[%swap3A_123], %swap3A_126 {strides = array<i32>} : memref<640xf32, #tpu.memory_space<vmem>>, vector<16xf32>,
    %swap3A_127 = arith.constant 464 : index
    %swap3A_128 = tpu.vector_load %arg21[%swap3A_127] {strides = array<i32>} : memref<640xf32, #tpu.memory_space<vmem>>, vector<16xf32>,
    %swap3A_129 = vector.shape_cast %swap3A_128 : vector<16xf32> to vector<16xf32>
    %swap3A_130 = vector.shape_cast %broadcast_in_dim3A_11 : vector<16xf32> to vector<16xf32>
    tpu.vector_store %arg21[%swap3A_127], %swap3A_130 {strides = array<i32>} : memref<640xf32, #tpu.memory_space<vmem>>, vector<16xf32>,
    %swap3A_131 = arith.constant 480 : index
    %swap3A_132 = tpu.vector_load %arg21[%swap3A_131] {strides = array<i32>} : memref<640xf32, #tpu.memory_space<vmem>>, vector<16xf32>,
    %swap3A_133 = vector.shape_cast %swap3A_132 : vector<16xf32> to vector<16xf32>
    %swap3A_134 = vector.shape_cast %broadcast_in_dim3A_11 : vector<16xf32> to vector<16xf32>
    tpu.vector_store %arg21[%swap3A_131], %swap3A_134 {strides = array<i32>} : memref<640xf32, #tpu.memory_space<vmem>>, vector<16xf32>,
    %swap3A_135 = arith.constant 496 : index
    %swap3A_136 = tpu.vector_load %arg21[%swap3A_135] {strides = array<i32>} : memref<640xf32, #tpu.memory_space<vmem>>, vector<16xf32>,
    %swap3A_137 = vector.shape_cast %swap3A_136 : vector<16xf32> to vector<16xf32>
    %swap3A_138 = vector.shape_cast %broadcast_in_dim3A_11 : vector<16xf32> to vector<16xf32>
    tpu.vector_store %arg21[%swap3A_135], %swap3A_138 {strides = array<i32>} : memref<640xf32, #tpu.memory_space<vmem>>, vector<16xf32>,
    %swap3A_139 = arith.constant 512 : index
    %swap3A_140 = tpu.vector_load %arg21[%swap3A_139] {strides = array<i32>} : memref<640xf32, #tpu.memory_space<vmem>>, vector<16xf32>,
    %swap3A_141 = vector.shape_cast %swap3A_140 : vector<16xf32> to vector<16xf32>
    %swap3A_142 = vector.shape_cast %broadcast_in_dim3A_11 : vector<16xf32> to vector<16xf32>
    tpu.vector_store %arg21[%swap3A_139], %swap3A_142 {strides = array<i32>} : memref<640xf32, #tpu.memory_space<vmem>>, vector<16xf32>,
    %swap3A_143 = arith.constant 528 : index
    %swap3A_144 = tpu.vector_load %arg21[%swap3A_143] {strides = array<i32>} : memref<640xf32, #tpu.memory_space<vmem>>, vector<16xf32>,
    %swap3A_145 = vector.shape_cast %swap3A_144 : vector<16xf32> to vector<16xf32>
    %swap3A_146 = vector.shape_cast %broadcast_in_dim3A_11 : vector<16xf32> to vector<16xf32>
    tpu.vector_store %arg21[%swap3A_143], %swap3A_146 {strides = array<i32>} : memref<640xf32, #tpu.memory_space<vmem>>, vector<16xf32>,
    %swap3A_147 = arith.constant 544 : index
    %swap3A_148 = tpu.vector_load %arg21[%swap3A_147] {strides = array<i32>} : memref<640xf32, #tpu.memory_space<vmem>>, vector<16xf32>,
    %swap3A_149 = vector.shape_cast %swap3A_148 : vector<16xf32> to vector<16xf32>
    %swap3A_150 = vector.shape_cast %broadcast_in_dim3A_11 : vector<16xf32> to vector<16xf32>
    tpu.vector_store %arg21[%swap3A_147], %swap3A_150 {strides = array<i32>} : memref<640xf32, #tpu.memory_space<vmem>>, vector<16xf32>,
    %swap3A_151 = arith.constant 560 : index
    %swap3A_152 = tpu.vector_load %arg21[%swap3A_151] {strides = array<i32>} : memref<640xf32, #tpu.memory_space<vmem>>, vector<16xf32>,
    %swap3A_153 = vector.shape_cast %swap3A_152 : vector<16xf32> to vector<16xf32>
    %swap3A_154 = vector.shape_cast %broadcast_in_dim3A_11 : vector<16xf32> to vector<16xf32>
    tpu.vector_store %arg21[%swap3A_151], %swap3A_154 {strides = array<i32>} : memref<640xf32, #tpu.memory_space<vmem>>, vector<16xf32>,
    %swap3A_155 = arith.constant 576 : index
    %swap3A_156 = tpu.vector_load %arg21[%swap3A_155] {strides = array<i32>} : memref<640xf32, #tpu.memory_space<vmem>>, vector<16xf32>,
    %swap3A_157 = vector.shape_cast %swap3A_156 : vector<16xf32> to vector<16xf32>
    %swap3A_158 = vector.shape_cast %broadcast_in_dim3A_11 : vector<16xf32> to vector<16xf32>
    tpu.vector_store %arg21[%swap3A_155], %swap3A_158 {strides = array<i32>} : memref<640xf32, #tpu.memory_space<vmem>>, vector<16xf32>,
    %swap3A_159 = arith.constant 592 : index
    %swap3A_160 = tpu.vector_load %arg21[%swap3A_159] {strides = array<i32>} : memref<640xf32, #tpu.memory_space<vmem>>, vector<16xf32>,
    %swap3A_161 = vector.shape_cast %swap3A_160 : vector<16xf32> to vector<16xf32>
    %swap3A_162 = vector.shape_cast %broadcast_in_dim3A_11 : vector<16xf32> to vector<16xf32>
    tpu.vector_store %arg21[%swap3A_159], %swap3A_162 {strides = array<i32>} : memref<640xf32, #tpu.memory_space<vmem>>, vector<16xf32>,
    %swap3A_163 = arith.constant 608 : index
    %swap3A_164 = tpu.vector_load %arg21[%swap3A_163] {strides = array<i32>} : memref<640xf32, #tpu.memory_space<vmem>>, vector<16xf32>,
    %swap3A_165 = vector.shape_cast %swap3A_164 : vector<16xf32> to vector<16xf32>
    %swap3A_166 = vector.shape_cast %broadcast_in_dim3A_11 : vector<16xf32> to vector<16xf32>
    tpu.vector_store %arg21[%swap3A_163], %swap3A_166 {strides = array<i32>} : memref<640xf32, #tpu.memory_space<vmem>>, vector<16xf32>,
    %swap3A_167 = arith.constant 624 : index
    %swap3A_168 = tpu.vector_load %arg21[%swap3A_167] {strides = array<i32>} : memref<640xf32, #tpu.memory_space<vmem>>, vector<16xf32>,
    %swap3A_169 = vector.shape_cast %swap3A_168 : vector<16xf32> to vector<16xf32>
    %swap3A_170 = vector.shape_cast %broadcast_in_dim3A_11 : vector<16xf32> to vector<16xf32>
    tpu.vector_store %arg21[%swap3A_167], %swap3A_170 {strides = array<i32>} : memref<640xf32, #tpu.memory_space<vmem>>, vector<16xf32>,
    %broadcast_in_dim3A_171 = arith.constant 1.000000e+00 : f32
    %broadcast_in_dim3A_172 = vector.broadcast %broadcast_in_dim3A_171 : f32 to vector<16xf32>
    %swap3A_173 = arith.constant 0 : index
    %swap3A_174 = tpu.vector_load %arg20[%swap3A_173] {strides = array<i32>} : memref<64xf32, #tpu.memory_space<vmem>>, vector<16xf32>,
    %swap3A_175 = vector.shape_cast %swap3A_174 : vector<16xf32> to vector<16xf32>
    %swap3A_176 = vector.shape_cast %broadcast_in_dim3A_172 : vector<16xf32> to vector<16xf32>
    tpu.vector_store %arg20[%swap3A_173], %swap3A_176 {strides = array<i32>} : memref<64xf32, #tpu.memory_space<vmem>>, vector<16xf32>,
    %swap3A_177 = arith.constant 16 : index
    %swap3A_178 = tpu.vector_load %arg20[%swap3A_177] {strides = array<i32>} : memref<64xf32, #tpu.memory_space<vmem>>, vector<16xf32>,
    %swap3A_179 = vector.shape_cast %swap3A_178 : vector<16xf32> to vector<16xf32>
    %swap3A_180 = vector.shape_cast %broadcast_in_dim3A_172 : vector<16xf32> to vector<16xf32>
    tpu.vector_store %arg20[%swap3A_177], %swap3A_180 {strides = array<i32>} : memref<64xf32, #tpu.memory_space<vmem>>, vector<16xf32>,
    %swap3A_181 = arith.constant 32 : index
    %swap3A_182 = tpu.vector_load %arg20[%swap3A_181] {strides = array<i32>} : memref<64xf32, #tpu.memory_space<vmem>>, vector<16xf32>,
    %swap3A_183 = vector.shape_cast %swap3A_182 : vector<16xf32> to vector<16xf32>
    %swap3A_184 = vector.shape_cast %broadcast_in_dim3A_172 : vector<16xf32> to vector<16xf32>
    tpu.vector_store %arg20[%swap3A_181], %swap3A_184 {strides = array<i32>} : memref<64xf32, #tpu.memory_space<vmem>>, vector<16xf32>,
    %swap3A_185 = arith.constant 48 : index
    %swap3A_186 = tpu.vector_load %arg20[%swap3A_185] {strides = array<i32>} : memref<64xf32, #tpu.memory_space<vmem>>, vector<16xf32>,
    %swap3A_187 = vector.shape_cast %swap3A_186 : vector<16xf32> to vector<16xf32>
    %swap3A_188 = vector.shape_cast %broadcast_in_dim3A_172 : vector<16xf32> to vector<16xf32>
    tpu.vector_store %arg20[%swap3A_185], %swap3A_188 {strides = array<i32>} : memref<64xf32, #tpu.memory_space<vmem>>, vector<16xf32>,
    "tpu.region"() ({
      %run_scoped3A_492 = tpu.sem_alloc : memref<!tpu.dma_semaphore, #tpu.memory_space<semaphore_mem>>
      %dma_start3A_493 = tpu.memref_slice %arg22[%mul3A_4] : memref<10240xf32, #tpu.memory_space<vmem_shared>> -> memref<640xf32, #tpu.memory_space<vmem_shared>>
      %dma_start3A_494 = tpu.memref_slice %arg22[%mul3A_4] : memref<10240xf32, #tpu.memory_space<vmem_shared>> -> memref<640xf32, #tpu.memory_space<vmem_shared>>
      tpu.enqueue_dma source(%arg21 : memref<640xf32, #tpu.memory_space<vmem>>) target(%dma_start3A_494 : memref<640xf32, #tpu.memory_space<vmem_shared>>) target_semaphore(%run_scoped3A_492 : memref<!tpu.dma_semaphore, #tpu.memory_space<semaphore_mem>>)
      %dma_wait3A_495 = tpu.memref_slice %arg22[%mul3A_4] : memref<10240xf32, #tpu.memory_space<vmem_shared>> -> memref<640xf32, #tpu.memory_space<vmem_shared>>
      %dma_wait3A_496 = tpu.memref_slice %arg22[%mul3A_4] : memref<10240xf32, #tpu.memory_space<vmem_shared>> -> memref<640xf32, #tpu.memory_space<vmem_shared>>
      tpu.wait_dma2 semaphore(%run_scoped3A_492 : memref<!tpu.dma_semaphore, #tpu.memory_space<semaphore_mem>>) src(%arg21 : memref<640xf32, #tpu.memory_space<vmem>>) dst(%dma_wait3A_496 : memref<640xf32, #tpu.memory_space<vmem_shared>>)
      tpu.yield
    }) : () -> ()
    %barrier3A = arith.constant 0 : index
    tpu.barrier barrier_id(%barrier3A)
    %add3A_189 = arith.constant 0 : i32
    %add3A_190 = arith.addi %mul3A_2, %add3A_189 : i32
    "tpu.region"() ({
      %run_scoped3A_492 = tpu.sem_alloc : memref<!tpu.dma_semaphore, #tpu.memory_space<semaphore_mem>>
      %dma_start3A_493 = arith.constant 0 : i32
      %dma_start3A_494 = tpu.memref_slice %arg3[%add3A_190, %dma_start3A_493] : memref<5120x64xi32, #tpu.memory_space<hbm>> -> memref<80x64xi32, #tpu.memory_space<hbm>>
      %dma_start3A_495 = arith.constant 0 : i32
      %dma_start3A_496 = tpu.memref_slice %arg3[%add3A_190, %dma_start3A_495] : memref<5120x64xi32, #tpu.memory_space<hbm>> -> memref<80x64xi32, #tpu.memory_space<hbm>>
      tpu.enqueue_dma source(%dma_start3A_496 : memref<80x64xi32, #tpu.memory_space<hbm>>) target(%arg8 : memref<80x64xi32, #tpu.memory_space<vmem>>) target_semaphore(%run_scoped3A_492 : memref<!tpu.dma_semaphore, #tpu.memory_space<semaphore_mem>>)
      %dma_wait3A_497 = arith.constant 0 : i32
      %dma_wait3A_498 = tpu.memref_slice %arg3[%add3A_190, %dma_wait3A_497] : memref<5120x64xi32, #tpu.memory_space<hbm>> -> memref<80x64xi32, #tpu.memory_space<hbm>>
      %dma_wait3A_499 = arith.constant 0 : i32
      %dma_wait3A_500 = tpu.memref_slice %arg3[%add3A_190, %dma_wait3A_499] : memref<5120x64xi32, #tpu.memory_space<hbm>> -> memref<80x64xi32, #tpu.memory_space<hbm>>
      tpu.wait_dma2 semaphore(%run_scoped3A_492 : memref<!tpu.dma_semaphore, #tpu.memory_space<semaphore_mem>>) src(%dma_wait3A_500 : memref<80x64xi32, #tpu.memory_space<hbm>>) dst(%arg8 : memref<80x64xi32, #tpu.memory_space<vmem>>)
      tpu.yield
    }) : () -> ()
    "tpu.region"() ({
      %run_scoped3A_492 = tpu.sem_alloc : memref<!tpu.dma_semaphore, #tpu.memory_space<semaphore_mem>>
      %dma_start3A_493 = arith.constant 0 : i32
      %dma_start3A_494 = tpu.memref_slice %arg4[%add3A_190, %dma_start3A_493] : memref<5120x64xi32, #tpu.memory_space<hbm>> -> memref<80x64xi32, #tpu.memory_space<hbm>>
      %dma_start3A_495 = arith.constant 0 : i32
      %dma_start3A_496 = tpu.memref_slice %arg4[%add3A_190, %dma_start3A_495] : memref<5120x64xi32, #tpu.memory_space<hbm>> -> memref<80x64xi32, #tpu.memory_space<hbm>>
      tpu.enqueue_dma source(%dma_start3A_496 : memref<80x64xi32, #tpu.memory_space<hbm>>) target(%arg9 : memref<80x64xi32, #tpu.memory_space<vmem>>) target_semaphore(%run_scoped3A_492 : memref<!tpu.dma_semaphore, #tpu.memory_space<semaphore_mem>>)
      %dma_wait3A_497 = arith.constant 0 : i32
      %dma_wait3A_498 = tpu.memref_slice %arg4[%add3A_190, %dma_wait3A_497] : memref<5120x64xi32, #tpu.memory_space<hbm>> -> memref<80x64xi32, #tpu.memory_space<hbm>>
      %dma_wait3A_499 = arith.constant 0 : i32
      %dma_wait3A_500 = tpu.memref_slice %arg4[%add3A_190, %dma_wait3A_499] : memref<5120x64xi32, #tpu.memory_space<hbm>> -> memref<80x64xi32, #tpu.memory_space<hbm>>
      tpu.wait_dma2 semaphore(%run_scoped3A_492 : memref<!tpu.dma_semaphore, #tpu.memory_space<semaphore_mem>>) src(%dma_wait3A_500 : memref<80x64xi32, #tpu.memory_space<hbm>>) dst(%arg9 : memref<80x64xi32, #tpu.memory_space<vmem>>)
      tpu.yield
    }) : () -> ()
    %dma_start3A = arith.constant 0 : i32
    %dma_start3A_191 = arith.constant 0 : i32
    %dma_start3A_192 = tpu.memref_slice %arg8[%dma_start3A, %dma_start3A_191] : memref<80x64xi32, #tpu.memory_space<vmem>> -> memref<1x64xi32, #tpu.memory_space<vmem>>
    %dma_start3A_193 = tpu.memref_squeeze %dma_start3A_192 : memref<1x64xi32, #tpu.memory_space<vmem>> -> memref<64xi32, #tpu.memory_space<vmem>>
    %dma_start3A_194 = arith.constant 0 : i32
    %dma_start3A_195 = arith.constant 0 : i32
    %dma_start3A_196 = tpu.memref_slice %arg2[%dma_start3A_194, %dma_start3A_195] : memref<10240x128xf32, #tpu.memory_space<hbm>> -> memref<10240x128xf32, #tpu.memory_space<hbm>>
    tpu.enqueue_indirect_dma source(%dma_start3A_196 : memref<10240x128xf32, #tpu.memory_space<hbm>>) target(%arg10 : memref<64x128xf32, #tpu.memory_space<vmem>>) offsets(%dma_start3A_193 : memref<64xi32, #tpu.memory_space<vmem>>) semaphore(%arg14 : memref<!tpu.dma_semaphore, #tpu.memory_space<semaphore_mem>>)
    %dma_start3A_197 = arith.constant 1 : i32
    %dma_start3A_198 = arith.constant 0 : i32
    %dma_start3A_199 = tpu.memref_slice %arg8[%dma_start3A_197, %dma_start3A_198] : memref<80x64xi32, #tpu.memory_space<vmem>> -> memref<1x64xi32, #tpu.memory_space<vmem>>
    %dma_start3A_200 = tpu.memref_squeeze %dma_start3A_199 : memref<1x64xi32, #tpu.memory_space<vmem>> -> memref<64xi32, #tpu.memory_space<vmem>>
    %dma_start3A_201 = arith.constant 0 : i32
    %dma_start3A_202 = arith.constant 0 : i32
    %dma_start3A_203 = tpu.memref_slice %arg2[%dma_start3A_201, %dma_start3A_202] : memref<10240x128xf32, #tpu.memory_space<hbm>> -> memref<10240x128xf32, #tpu.memory_space<hbm>>
    tpu.enqueue_indirect_dma source(%dma_start3A_203 : memref<10240x128xf32, #tpu.memory_space<hbm>>) target(%arg11 : memref<64x128xf32, #tpu.memory_space<vmem>>) offsets(%dma_start3A_200 : memref<64xi32, #tpu.memory_space<vmem>>) semaphore(%arg15 : memref<!tpu.dma_semaphore, #tpu.memory_space<semaphore_mem>>)
    %dma_start3A_204 = arith.constant 2 : i32
    %dma_start3A_205 = arith.constant 0 : i32
    %dma_start3A_206 = tpu.memref_slice %arg8[%dma_start3A_204, %dma_start3A_205] : memref<80x64xi32, #tpu.memory_space<vmem>> -> memref<1x64xi32, #tpu.memory_space<vmem>>
    %dma_start3A_207 = tpu.memref_squeeze %dma_start3A_206 : memref<1x64xi32, #tpu.memory_space<vmem>> -> memref<64xi32, #tpu.memory_space<vmem>>
    %dma_start3A_208 = arith.constant 0 : i32
    %dma_start3A_209 = arith.constant 0 : i32
    %dma_start3A_210 = tpu.memref_slice %arg2[%dma_start3A_208, %dma_start3A_209] : memref<10240x128xf32, #tpu.memory_space<hbm>> -> memref<10240x128xf32, #tpu.memory_space<hbm>>
    tpu.enqueue_indirect_dma source(%dma_start3A_210 : memref<10240x128xf32, #tpu.memory_space<hbm>>) target(%arg12 : memref<64x128xf32, #tpu.memory_space<vmem>>) offsets(%dma_start3A_207 : memref<64xi32, #tpu.memory_space<vmem>>) semaphore(%arg16 : memref<!tpu.dma_semaphore, #tpu.memory_space<semaphore_mem>>)
    %dma_wait3A = arith.constant 0 : i32
    %dma_wait3A_211 = arith.constant 0 : i32
    %dma_wait3A_212 = tpu.memref_slice %arg8[%dma_wait3A, %dma_wait3A_211] : memref<80x64xi32, #tpu.memory_space<vmem>> -> memref<1x64xi32, #tpu.memory_space<vmem>>
    %dma_wait3A_213 = tpu.memref_squeeze %dma_wait3A_212 : memref<1x64xi32, #tpu.memory_space<vmem>> -> memref<64xi32, #tpu.memory_space<vmem>>
    %dma_wait3A_214 = arith.constant 0 : i32
    %dma_wait3A_215 = arith.constant 0 : i32
    %dma_wait3A_216 = tpu.memref_slice %arg2[%dma_wait3A_214, %dma_wait3A_215] : memref<10240x128xf32, #tpu.memory_space<hbm>> -> memref<10240x128xf32, #tpu.memory_space<hbm>>
    tpu.wait_indirect_dma semaphore(%arg14 : memref<!tpu.dma_semaphore, #tpu.memory_space<semaphore_mem>>) src(%dma_wait3A_216 : memref<10240x128xf32, #tpu.memory_space<hbm>>) dst(%arg10 : memref<64x128xf32, #tpu.memory_space<vmem>>)
    %dma_start3A_217 = arith.constant 0 : i32
    %dma_start3A_218 = arith.constant 0 : i32
    %dma_start3A_219 = tpu.memref_slice %arg9[%dma_start3A_217, %dma_start3A_218] : memref<80x64xi32, #tpu.memory_space<vmem>> -> memref<1x64xi32, #tpu.memory_space<vmem>>
    %dma_start3A_220 = tpu.memref_squeeze %dma_start3A_219 : memref<1x64xi32, #tpu.memory_space<vmem>> -> memref<64xi32, #tpu.memory_space<vmem>>
    %dma_start3A_221 = arith.constant 0 : i32
    %dma_start3A_222 = arith.constant 0 : i32
    %dma_start3A_223 = tpu.memref_slice %arg13[%dma_start3A_221, %dma_start3A_222] : memref<10240x128xf32, #tpu.memory_space<vmem_shared>> -> memref<10240x128xf32, #tpu.memory_space<vmem_shared>>
    tpu.enqueue_indirect_dma source(%arg10 : memref<64x128xf32, #tpu.memory_space<vmem>>) target(%dma_start3A_223 : memref<10240x128xf32, #tpu.memory_space<vmem_shared>>) offsets(%dma_start3A_220 : memref<64xi32, #tpu.memory_space<vmem>>) semaphore(%arg17 : memref<!tpu.dma_semaphore, #tpu.memory_space<semaphore_mem>>) {add = true}
    %run_scoped3A = arith.constant 0 : i32
    "tpu.region"() ({
      %run_scoped3A_492 = tpu.sem_alloc : memref<!tpu.dma_semaphore, #tpu.memory_space<semaphore_mem>>
      %dma_start3A_493 = arith.constant 0 : i32
      %dma_start3A_494 = tpu.memref_slice %arg9[%run_scoped3A, %dma_start3A_493] : memref<80x64xi32, #tpu.memory_space<vmem>> -> memref<1x64xi32, #tpu.memory_space<vmem>>
      %dma_start3A_495 = tpu.memref_squeeze %dma_start3A_494 : memref<1x64xi32, #tpu.memory_space<vmem>> -> memref<64xi32, #tpu.memory_space<vmem>>
      %dma_start3A_496 = arith.constant 0 : i32
      %dma_start3A_497 = tpu.memref_slice %arg22[%dma_start3A_496] : memref<10240xf32, #tpu.memory_space<vmem_shared>> -> memref<10240xf32, #tpu.memory_space<vmem_shared>>
      tpu.enqueue_indirect_dma source(%arg20 : memref<64xf32, #tpu.memory_space<vmem>>) target(%dma_start3A_497 : memref<10240xf32, #tpu.memory_space<vmem_shared>>) offsets(%dma_start3A_495 : memref<64xi32, #tpu.memory_space<vmem>>) semaphore(%run_scoped3A_492 : memref<!tpu.dma_semaphore, #tpu.memory_space<semaphore_mem>>) {add = true}
      %dma_wait3A_498 = arith.constant 0 : i32
      %dma_wait3A_499 = tpu.memref_slice %arg9[%run_scoped3A, %dma_wait3A_498] : memref<80x64xi32, #tpu.memory_space<vmem>> -> memref<1x64xi32, #tpu.memory_space<vmem>>
      %dma_wait3A_500 = tpu.memref_squeeze %dma_wait3A_499 : memref<1x64xi32, #tpu.memory_space<vmem>> -> memref<64xi32, #tpu.memory_space<vmem>>
      %dma_wait3A_501 = arith.constant 0 : i32
      %dma_wait3A_502 = tpu.memref_slice %arg22[%dma_wait3A_501] : memref<10240xf32, #tpu.memory_space<vmem_shared>> -> memref<10240xf32, #tpu.memory_space<vmem_shared>>
      tpu.wait_indirect_dma semaphore(%run_scoped3A_492 : memref<!tpu.dma_semaphore, #tpu.memory_space<semaphore_mem>>) src(%arg20 : memref<64xf32, #tpu.memory_space<vmem>>) dst(%dma_wait3A_502 : memref<10240xf32, #tpu.memory_space<vmem_shared>>)
      tpu.yield
    }) : () -> ()
    %scan3A = arith.constant 0 : i32
    %scan3A_224 = arith.constant 0 : i32
    %scan3A_225 = arith.constant 25 : i32
    %scan3A_226 = arith.addi %scan3A_224, %scan3A_225 : i32
    %scan3A_227 = arith.constant 1 : i32
    scf.for %scan3A_492 = %scan3A_224 to %scan3A_226 step %scan3A_227  : i32 {
      %mul3A_493 = arith.constant 3 : i32
      %mul3A_494 = arith.muli %mul3A_493, %scan3A_492 : i32
      %add3A_495 = arith.constant 1 : i32
      %add3A_496 = arith.addi %mul3A_494, %add3A_495 : i32
      %dma_wait3A_497 = arith.constant 0 : i32
      %dma_wait3A_498 = arith.constant 0 : i32
      %dma_wait3A_499 = tpu.memref_slice %arg9[%dma_wait3A_497, %dma_wait3A_498] : memref<80x64xi32, #tpu.memory_space<vmem>> -> memref<1x64xi32, #tpu.memory_space<vmem>>
      %dma_wait3A_500 = tpu.memref_squeeze %dma_wait3A_499 : memref<1x64xi32, #tpu.memory_space<vmem>> -> memref<64xi32, #tpu.memory_space<vmem>>
      %dma_wait3A_501 = arith.constant 0 : i32
      %dma_wait3A_502 = arith.constant 0 : i32
      %dma_wait3A_503 = tpu.memref_slice %arg13[%dma_wait3A_501, %dma_wait3A_502] : memref<10240x128xf32, #tpu.memory_space<vmem_shared>> -> memref<10240x128xf32, #tpu.memory_space<vmem_shared>>
      tpu.wait_indirect_dma semaphore(%arg17 : memref<!tpu.dma_semaphore, #tpu.memory_space<semaphore_mem>>) src(%arg10 : memref<64x128xf32, #tpu.memory_space<vmem>>) dst(%dma_wait3A_503 : memref<10240x128xf32, #tpu.memory_space<vmem_shared>>)
      %add3A_504 = arith.constant 2 : i32
      %add3A_505 = arith.addi %add3A_496, %add3A_504 : i32
      %dma_start3A_506 = arith.constant 0 : i32
      %dma_start3A_507 = tpu.memref_slice %arg8[%add3A_505, %dma_start3A_506] : memref<80x64xi32, #tpu.memory_space<vmem>> -> memref<1x64xi32, #tpu.memory_space<vmem>>
      %dma_start3A_508 = tpu.memref_squeeze %dma_start3A_507 : memref<1x64xi32, #tpu.memory_space<vmem>> -> memref<64xi32, #tpu.memory_space<vmem>>
      %dma_start3A_509 = arith.constant 0 : i32
      %dma_start3A_510 = arith.constant 0 : i32
      %dma_start3A_511 = tpu.memref_slice %arg2[%dma_start3A_509, %dma_start3A_510] : memref<10240x128xf32, #tpu.memory_space<hbm>> -> memref<10240x128xf32, #tpu.memory_space<hbm>>
      tpu.enqueue_indirect_dma source(%dma_start3A_511 : memref<10240x128xf32, #tpu.memory_space<hbm>>) target(%arg10 : memref<64x128xf32, #tpu.memory_space<vmem>>) offsets(%dma_start3A_508 : memref<64xi32, #tpu.memory_space<vmem>>) semaphore(%arg14 : memref<!tpu.dma_semaphore, #tpu.memory_space<semaphore_mem>>)
      %dma_wait3A_512 = arith.constant 0 : i32
      %dma_wait3A_513 = tpu.memref_slice %arg8[%add3A_496, %dma_wait3A_512] : memref<80x64xi32, #tpu.memory_space<vmem>> -> memref<1x64xi32, #tpu.memory_space<vmem>>
      %dma_wait3A_514 = tpu.memref_squeeze %dma_wait3A_513 : memref<1x64xi32, #tpu.memory_space<vmem>> -> memref<64xi32, #tpu.memory_space<vmem>>
      %dma_wait3A_515 = arith.constant 0 : i32
      %dma_wait3A_516 = arith.constant 0 : i32
      %dma_wait3A_517 = tpu.memref_slice %arg2[%dma_wait3A_515, %dma_wait3A_516] : memref<10240x128xf32, #tpu.memory_space<hbm>> -> memref<10240x128xf32, #tpu.memory_space<hbm>>
      tpu.wait_indirect_dma semaphore(%arg15 : memref<!tpu.dma_semaphore, #tpu.memory_space<semaphore_mem>>) src(%dma_wait3A_517 : memref<10240x128xf32, #tpu.memory_space<hbm>>) dst(%arg11 : memref<64x128xf32, #tpu.memory_space<vmem>>)
      %dma_start3A_518 = arith.constant 0 : i32
      %dma_start3A_519 = tpu.memref_slice %arg9[%add3A_496, %dma_start3A_518] : memref<80x64xi32, #tpu.memory_space<vmem>> -> memref<1x64xi32, #tpu.memory_space<vmem>>
      %dma_start3A_520 = tpu.memref_squeeze %dma_start3A_519 : memref<1x64xi32, #tpu.memory_space<vmem>> -> memref<64xi32, #tpu.memory_space<vmem>>
      %dma_start3A_521 = arith.constant 0 : i32
      %dma_start3A_522 = arith.constant 0 : i32
      %dma_start3A_523 = tpu.memref_slice %arg13[%dma_start3A_521, %dma_start3A_522] : memref<10240x128xf32, #tpu.memory_space<vmem_shared>> -> memref<10240x128xf32, #tpu.memory_space<vmem_shared>>
      tpu.enqueue_indirect_dma source(%arg11 : memref<64x128xf32, #tpu.memory_space<vmem>>) target(%dma_start3A_523 : memref<10240x128xf32, #tpu.memory_space<vmem_shared>>) offsets(%dma_start3A_520 : memref<64xi32, #tpu.memory_space<vmem>>) semaphore(%arg18 : memref<!tpu.dma_semaphore, #tpu.memory_space<semaphore_mem>>) {add = true}
      "tpu.region"() ({
        %run_scoped3A_582 = tpu.sem_alloc : memref<!tpu.dma_semaphore, #tpu.memory_space<semaphore_mem>>
        %dma_start3A_583 = arith.constant 0 : i32
        %dma_start3A_584 = tpu.memref_slice %arg9[%add3A_496, %dma_start3A_583] : memref<80x64xi32, #tpu.memory_space<vmem>> -> memref<1x64xi32, #tpu.memory_space<vmem>>
        %dma_start3A_585 = tpu.memref_squeeze %dma_start3A_584 : memref<1x64xi32, #tpu.memory_space<vmem>> -> memref<64xi32, #tpu.memory_space<vmem>>
        %dma_start3A_586 = arith.constant 0 : i32
        %dma_start3A_587 = tpu.memref_slice %arg22[%dma_start3A_586] : memref<10240xf32, #tpu.memory_space<vmem_shared>> -> memref<10240xf32, #tpu.memory_space<vmem_shared>>
        tpu.enqueue_indirect_dma source(%arg20 : memref<64xf32, #tpu.memory_space<vmem>>) target(%dma_start3A_587 : memref<10240xf32, #tpu.memory_space<vmem_shared>>) offsets(%dma_start3A_585 : memref<64xi32, #tpu.memory_space<vmem>>) semaphore(%run_scoped3A_582 : memref<!tpu.dma_semaphore, #tpu.memory_space<semaphore_mem>>) {add = true}
        %dma_wait3A_588 = arith.constant 0 : i32
        %dma_wait3A_589 = tpu.memref_slice %arg9[%add3A_496, %dma_wait3A_588] : memref<80x64xi32, #tpu.memory_space<vmem>> -> memref<1x64xi32, #tpu.memory_space<vmem>>
        %dma_wait3A_590 = tpu.memref_squeeze %dma_wait3A_589 : memref<1x64xi32, #tpu.memory_space<vmem>> -> memref<64xi32, #tpu.memory_space<vmem>>
        %dma_wait3A_591 = arith.constant 0 : i32
        %dma_wait3A_592 = tpu.memref_slice %arg22[%dma_wait3A_591] : memref<10240xf32, #tpu.memory_space<vmem_shared>> -> memref<10240xf32, #tpu.memory_space<vmem_shared>>
        tpu.wait_indirect_dma semaphore(%run_scoped3A_582 : memref<!tpu.dma_semaphore, #tpu.memory_space<semaphore_mem>>) src(%arg20 : memref<64xf32, #tpu.memory_space<vmem>>) dst(%dma_wait3A_592 : memref<10240xf32, #tpu.memory_space<vmem_shared>>)
        tpu.yield
      }) : () -> ()
      %add3A_524 = arith.constant 1 : i32
      %add3A_525 = arith.addi %add3A_496, %add3A_524 : i32
      %dma_wait3A_526 = arith.constant 0 : i32
      %dma_wait3A_527 = arith.constant 0 : i32
      %dma_wait3A_528 = tpu.memref_slice %arg9[%dma_wait3A_526, %dma_wait3A_527] : memref<80x64xi32, #tpu.memory_space<vmem>> -> memref<1x64xi32, #tpu.memory_space<vmem>>
      %dma_wait3A_529 = tpu.memref_squeeze %dma_wait3A_528 : memref<1x64xi32, #tpu.memory_space<vmem>> -> memref<64xi32, #tpu.memory_space<vmem>>
      %dma_wait3A_530 = arith.constant 0 : i32
      %dma_wait3A_531 = arith.constant 0 : i32
      %dma_wait3A_532 = tpu.memref_slice %arg13[%dma_wait3A_530, %dma_wait3A_531] : memref<10240x128xf32, #tpu.memory_space<vmem_shared>> -> memref<10240x128xf32, #tpu.memory_space<vmem_shared>>
      tpu.wait_indirect_dma semaphore(%arg18 : memref<!tpu.dma_semaphore, #tpu.memory_space<semaphore_mem>>) src(%arg11 : memref<64x128xf32, #tpu.memory_space<vmem>>) dst(%dma_wait3A_532 : memref<10240x128xf32, #tpu.memory_space<vmem_shared>>)
      %add3A_533 = arith.constant 2 : i32
      %add3A_534 = arith.addi %add3A_525, %add3A_533 : i32
      %dma_start3A_535 = arith.constant 0 : i32
      %dma_start3A_536 = tpu.memref_slice %arg8[%add3A_534, %dma_start3A_535] : memref<80x64xi32, #tpu.memory_space<vmem>> -> memref<1x64xi32, #tpu.memory_space<vmem>>
      %dma_start3A_537 = tpu.memref_squeeze %dma_start3A_536 : memref<1x64xi32, #tpu.memory_space<vmem>> -> memref<64xi32, #tpu.memory_space<vmem>>
      %dma_start3A_538 = arith.constant 0 : i32
      %dma_start3A_539 = arith.constant 0 : i32
      %dma_start3A_540 = tpu.memref_slice %arg2[%dma_start3A_538, %dma_start3A_539] : memref<10240x128xf32, #tpu.memory_space<hbm>> -> memref<10240x128xf32, #tpu.memory_space<hbm>>
      tpu.enqueue_indirect_dma source(%dma_start3A_540 : memref<10240x128xf32, #tpu.memory_space<hbm>>) target(%arg11 : memref<64x128xf32, #tpu.memory_space<vmem>>) offsets(%dma_start3A_537 : memref<64xi32, #tpu.memory_space<vmem>>) semaphore(%arg15 : memref<!tpu.dma_semaphore, #tpu.memory_space<semaphore_mem>>)
      %dma_wait3A_541 = arith.constant 0 : i32
      %dma_wait3A_542 = tpu.memref_slice %arg8[%add3A_525, %dma_wait3A_541] : memref<80x64xi32, #tpu.memory_space<vmem>> -> memref<1x64xi32, #tpu.memory_space<vmem>>
      %dma_wait3A_543 = tpu.memref_squeeze %dma_wait3A_542 : memref<1x64xi32, #tpu.memory_space<vmem>> -> memref<64xi32, #tpu.memory_space<vmem>>
      %dma_wait3A_544 = arith.constant 0 : i32
      %dma_wait3A_545 = arith.constant 0 : i32
      %dma_wait3A_546 = tpu.memref_slice %arg2[%dma_wait3A_544, %dma_wait3A_545] : memref<10240x128xf32, #tpu.memory_space<hbm>> -> memref<10240x128xf32, #tpu.memory_space<hbm>>
      tpu.wait_indirect_dma semaphore(%arg16 : memref<!tpu.dma_semaphore, #tpu.memory_space<semaphore_mem>>) src(%dma_wait3A_546 : memref<10240x128xf32, #tpu.memory_space<hbm>>) dst(%arg12 : memref<64x128xf32, #tpu.memory_space<vmem>>)
      %dma_start3A_547 = arith.constant 0 : i32
      %dma_start3A_548 = tpu.memref_slice %arg9[%add3A_525, %dma_start3A_547] : memref<80x64xi32, #tpu.memory_space<vmem>> -> memref<1x64xi32, #tpu.memory_space<vmem>>
      %dma_start3A_549 = tpu.memref_squeeze %dma_start3A_548 : memref<1x64xi32, #tpu.memory_space<vmem>> -> memref<64xi32, #tpu.memory_space<vmem>>
      %dma_start3A_550 = arith.constant 0 : i32
      %dma_start3A_551 = arith.constant 0 : i32
      %dma_start3A_552 = tpu.memref_slice %arg13[%dma_start3A_550, %dma_start3A_551] : memref<10240x128xf32, #tpu.memory_space<vmem_shared>> -> memref<10240x128xf32, #tpu.memory_space<vmem_shared>>
      tpu.enqueue_indirect_dma source(%arg12 : memref<64x128xf32, #tpu.memory_space<vmem>>) target(%dma_start3A_552 : memref<10240x128xf32, #tpu.memory_space<vmem_shared>>) offsets(%dma_start3A_549 : memref<64xi32, #tpu.memory_space<vmem>>) semaphore(%arg19 : memref<!tpu.dma_semaphore, #tpu.memory_space<semaphore_mem>>) {add = true}
      "tpu.region"() ({
        %run_scoped3A_582 = tpu.sem_alloc : memref<!tpu.dma_semaphore, #tpu.memory_space<semaphore_mem>>
        %dma_start3A_583 = arith.constant 0 : i32
        %dma_start3A_584 = tpu.memref_slice %arg9[%add3A_525, %dma_start3A_583] : memref<80x64xi32, #tpu.memory_space<vmem>> -> memref<1x64xi32, #tpu.memory_space<vmem>>
        %dma_start3A_585 = tpu.memref_squeeze %dma_start3A_584 : memref<1x64xi32, #tpu.memory_space<vmem>> -> memref<64xi32, #tpu.memory_space<vmem>>
        %dma_start3A_586 = arith.constant 0 : i32
        %dma_start3A_587 = tpu.memref_slice %arg22[%dma_start3A_586] : memref<10240xf32, #tpu.memory_space<vmem_shared>> -> memref<10240xf32, #tpu.memory_space<vmem_shared>>
        tpu.enqueue_indirect_dma source(%arg20 : memref<64xf32, #tpu.memory_space<vmem>>) target(%dma_start3A_587 : memref<10240xf32, #tpu.memory_space<vmem_shared>>) offsets(%dma_start3A_585 : memref<64xi32, #tpu.memory_space<vmem>>) semaphore(%run_scoped3A_582 : memref<!tpu.dma_semaphore, #tpu.memory_space<semaphore_mem>>) {add = true}
        %dma_wait3A_588 = arith.constant 0 : i32
        %dma_wait3A_589 = tpu.memref_slice %arg9[%add3A_525, %dma_wait3A_588] : memref<80x64xi32, #tpu.memory_space<vmem>> -> memref<1x64xi32, #tpu.memory_space<vmem>>
        %dma_wait3A_590 = tpu.memref_squeeze %dma_wait3A_589 : memref<1x64xi32, #tpu.memory_space<vmem>> -> memref<64xi32, #tpu.memory_space<vmem>>
        %dma_wait3A_591 = arith.constant 0 : i32
        %dma_wait3A_592 = tpu.memref_slice %arg22[%dma_wait3A_591] : memref<10240xf32, #tpu.memory_space<vmem_shared>> -> memref<10240xf32, #tpu.memory_space<vmem_shared>>
        tpu.wait_indirect_dma semaphore(%run_scoped3A_582 : memref<!tpu.dma_semaphore, #tpu.memory_space<semaphore_mem>>) src(%arg20 : memref<64xf32, #tpu.memory_space<vmem>>) dst(%dma_wait3A_592 : memref<10240xf32, #tpu.memory_space<vmem_shared>>)
        tpu.yield
      }) : () -> ()
      %add3A_553 = arith.constant 2 : i32
      %add3A_554 = arith.addi %add3A_496, %add3A_553 : i32
      %dma_wait3A_555 = arith.constant 0 : i32
      %dma_wait3A_556 = arith.constant 0 : i32
      %dma_wait3A_557 = tpu.memref_slice %arg9[%dma_wait3A_555, %dma_wait3A_556] : memref<80x64xi32, #tpu.memory_space<vmem>> -> memref<1x64xi32, #tpu.memory_space<vmem>>
      %dma_wait3A_558 = tpu.memref_squeeze %dma_wait3A_557 : memref<1x64xi32, #tpu.memory_space<vmem>> -> memref<64xi32, #tpu.memory_space<vmem>>
      %dma_wait3A_559 = arith.constant 0 : i32
      %dma_wait3A_560 = arith.constant 0 : i32
      %dma_wait3A_561 = tpu.memref_slice %arg13[%dma_wait3A_559, %dma_wait3A_560] : memref<10240x128xf32, #tpu.memory_space<vmem_shared>> -> memref<10240x128xf32, #tpu.memory_space<vmem_shared>>
      tpu.wait_indirect_dma semaphore(%arg19 : memref<!tpu.dma_semaphore, #tpu.memory_space<semaphore_mem>>) src(%arg12 : memref<64x128xf32, #tpu.memory_space<vmem>>) dst(%dma_wait3A_561 : memref<10240x128xf32, #tpu.memory_space<vmem_shared>>)
      %add3A_562 = arith.constant 2 : i32
      %add3A_563 = arith.addi %add3A_554, %add3A_562 : i32
      %dma_start3A_564 = arith.constant 0 : i32
      %dma_start3A_565 = tpu.memref_slice %arg8[%add3A_563, %dma_start3A_564] : memref<80x64xi32, #tpu.memory_space<vmem>> -> memref<1x64xi32, #tpu.memory_space<vmem>>
      %dma_start3A_566 = tpu.memref_squeeze %dma_start3A_565 : memref<1x64xi32, #tpu.memory_space<vmem>> -> memref<64xi32, #tpu.memory_space<vmem>>
      %dma_start3A_567 = arith.constant 0 : i32
      %dma_start3A_568 = arith.constant 0 : i32
      %dma_start3A_569 = tpu.memref_slice %arg2[%dma_start3A_567, %dma_start3A_568] : memref<10240x128xf32, #tpu.memory_space<hbm>> -> memref<10240x128xf32, #tpu.memory_space<hbm>>
      tpu.enqueue_indirect_dma source(%dma_start3A_569 : memref<10240x128xf32, #tpu.memory_space<hbm>>) target(%arg12 : memref<64x128xf32, #tpu.memory_space<vmem>>) offsets(%dma_start3A_566 : memref<64xi32, #tpu.memory_space<vmem>>) semaphore(%arg16 : memref<!tpu.dma_semaphore, #tpu.memory_space<semaphore_mem>>)
      %dma_wait3A_570 = arith.constant 0 : i32
      %dma_wait3A_571 = tpu.memref_slice %arg8[%add3A_554, %dma_wait3A_570] : memref<80x64xi32, #tpu.memory_space<vmem>> -> memref<1x64xi32, #tpu.memory_space<vmem>>
      %dma_wait3A_572 = tpu.memref_squeeze %dma_wait3A_571 : memref<1x64xi32, #tpu.memory_space<vmem>> -> memref<64xi32, #tpu.memory_space<vmem>>
      %dma_wait3A_573 = arith.constant 0 : i32
      %dma_wait3A_574 = arith.constant 0 : i32
      %dma_wait3A_575 = tpu.memref_slice %arg2[%dma_wait3A_573, %dma_wait3A_574] : memref<10240x128xf32, #tpu.memory_space<hbm>> -> memref<10240x128xf32, #tpu.memory_space<hbm>>
      tpu.wait_indirect_dma semaphore(%arg14 : memref<!tpu.dma_semaphore, #tpu.memory_space<semaphore_mem>>) src(%dma_wait3A_575 : memref<10240x128xf32, #tpu.memory_space<hbm>>) dst(%arg10 : memref<64x128xf32, #tpu.memory_space<vmem>>)
      %dma_start3A_576 = arith.constant 0 : i32
      %dma_start3A_577 = tpu.memref_slice %arg9[%add3A_554, %dma_start3A_576] : memref<80x64xi32, #tpu.memory_space<vmem>> -> memref<1x64xi32, #tpu.memory_space<vmem>>
      %dma_start3A_578 = tpu.memref_squeeze %dma_start3A_577 : memref<1x64xi32, #tpu.memory_space<vmem>> -> memref<64xi32, #tpu.memory_space<vmem>>
      %dma_start3A_579 = arith.constant 0 : i32
      %dma_start3A_580 = arith.constant 0 : i32
      %dma_start3A_581 = tpu.memref_slice %arg13[%dma_start3A_579, %dma_start3A_580] : memref<10240x128xf32, #tpu.memory_space<vmem_shared>> -> memref<10240x128xf32, #tpu.memory_space<vmem_shared>>
      tpu.enqueue_indirect_dma source(%arg10 : memref<64x128xf32, #tpu.memory_space<vmem>>) target(%dma_start3A_581 : memref<10240x128xf32, #tpu.memory_space<vmem_shared>>) offsets(%dma_start3A_578 : memref<64xi32, #tpu.memory_space<vmem>>) semaphore(%arg17 : memref<!tpu.dma_semaphore, #tpu.memory_space<semaphore_mem>>) {add = true}
      "tpu.region"() ({
        %run_scoped3A_582 = tpu.sem_alloc : memref<!tpu.dma_semaphore, #tpu.memory_space<semaphore_mem>>
        %dma_start3A_583 = arith.constant 0 : i32
        %dma_start3A_584 = tpu.memref_slice %arg9[%add3A_554, %dma_start3A_583] : memref<80x64xi32, #tpu.memory_space<vmem>> -> memref<1x64xi32, #tpu.memory_space<vmem>>
        %dma_start3A_585 = tpu.memref_squeeze %dma_start3A_584 : memref<1x64xi32, #tpu.memory_space<vmem>> -> memref<64xi32, #tpu.memory_space<vmem>>
        %dma_start3A_586 = arith.constant 0 : i32
        %dma_start3A_587 = tpu.memref_slice %arg22[%dma_start3A_586] : memref<10240xf32, #tpu.memory_space<vmem_shared>> -> memref<10240xf32, #tpu.memory_space<vmem_shared>>
        tpu.enqueue_indirect_dma source(%arg20 : memref<64xf32, #tpu.memory_space<vmem>>) target(%dma_start3A_587 : memref<10240xf32, #tpu.memory_space<vmem_shared>>) offsets(%dma_start3A_585 : memref<64xi32, #tpu.memory_space<vmem>>) semaphore(%run_scoped3A_582 : memref<!tpu.dma_semaphore, #tpu.memory_space<semaphore_mem>>) {add = true}
        %dma_wait3A_588 = arith.constant 0 : i32
        %dma_wait3A_589 = tpu.memref_slice %arg9[%add3A_554, %dma_wait3A_588] : memref<80x64xi32, #tpu.memory_space<vmem>> -> memref<1x64xi32, #tpu.memory_space<vmem>>
        %dma_wait3A_590 = tpu.memref_squeeze %dma_wait3A_589 : memref<1x64xi32, #tpu.memory_space<vmem>> -> memref<64xi32, #tpu.memory_space<vmem>>
        %dma_wait3A_591 = arith.constant 0 : i32
        %dma_wait3A_592 = tpu.memref_slice %arg22[%dma_wait3A_591] : memref<10240xf32, #tpu.memory_space<vmem_shared>> -> memref<10240xf32, #tpu.memory_space<vmem_shared>>
        tpu.wait_indirect_dma semaphore(%run_scoped3A_582 : memref<!tpu.dma_semaphore, #tpu.memory_space<semaphore_mem>>) src(%arg20 : memref<64xf32, #tpu.memory_space<vmem>>) dst(%dma_wait3A_592 : memref<10240xf32, #tpu.memory_space<vmem_shared>>)
        tpu.yield
      }) : () -> ()
    }
    %scan3A_228 = arith.constant 25 : i32
    %dma_wait3A_229 = arith.constant 0 : i32
    %dma_wait3A_230 = arith.constant 0 : i32
    %dma_wait3A_231 = tpu.memref_slice %arg9[%dma_wait3A_229, %dma_wait3A_230] : memref<80x64xi32, #tpu.memory_space<vmem>> -> memref<1x64xi32, #tpu.memory_space<vmem>>
    %dma_wait3A_232 = tpu.memref_squeeze %dma_wait3A_231 : memref<1x64xi32, #tpu.memory_space<vmem>> -> memref<64xi32, #tpu.memory_space<vmem>>
    %dma_wait3A_233 = arith.constant 0 : i32
    %dma_wait3A_234 = arith.constant 0 : i32
    %dma_wait3A_235 = tpu.memref_slice %arg13[%dma_wait3A_233, %dma_wait3A_234] : memref<10240x128xf32, #tpu.memory_space<vmem_shared>> -> memref<10240x128xf32, #tpu.memory_space<vmem_shared>>
    tpu.wait_indirect_dma semaphore(%arg17 : memref<!tpu.dma_semaphore, #tpu.memory_space<semaphore_mem>>) src(%arg10 : memref<64x128xf32, #tpu.memory_space<vmem>>) dst(%dma_wait3A_235 : memref<10240x128xf32, #tpu.memory_space<vmem_shared>>)
    %dma_start3A_236 = arith.constant 78 : i32
    %dma_start3A_237 = arith.constant 0 : i32
    %dma_start3A_238 = tpu.memref_slice %arg8[%dma_start3A_236, %dma_start3A_237] : memref<80x64xi32, #tpu.memory_space<vmem>> -> memref<1x64xi32, #tpu.memory_space<vmem>>
    %dma_start3A_239 = tpu.memref_squeeze %dma_start3A_238 : memref<1x64xi32, #tpu.memory_space<vmem>> -> memref<64xi32, #tpu.memory_space<vmem>>
    %dma_start3A_240 = arith.constant 0 : i32
    %dma_start3A_241 = arith.constant 0 : i32
    %dma_start3A_242 = tpu.memref_slice %arg2[%dma_start3A_240, %dma_start3A_241] : memref<10240x128xf32, #tpu.memory_space<hbm>> -> memref<10240x128xf32, #tpu.memory_space<hbm>>
    tpu.enqueue_indirect_dma source(%dma_start3A_242 : memref<10240x128xf32, #tpu.memory_space<hbm>>) target(%arg10 : memref<64x128xf32, #tpu.memory_space<vmem>>) offsets(%dma_start3A_239 : memref<64xi32, #tpu.memory_space<vmem>>) semaphore(%arg14 : memref<!tpu.dma_semaphore, #tpu.memory_space<semaphore_mem>>)
    %dma_wait3A_243 = arith.constant 76 : i32
    %dma_wait3A_244 = arith.constant 0 : i32
    %dma_wait3A_245 = tpu.memref_slice %arg8[%dma_wait3A_243, %dma_wait3A_244] : memref<80x64xi32, #tpu.memory_space<vmem>> -> memref<1x64xi32, #tpu.memory_space<vmem>>
    %dma_wait3A_246 = tpu.memref_squeeze %dma_wait3A_245 : memref<1x64xi32, #tpu.memory_space<vmem>> -> memref<64xi32, #tpu.memory_space<vmem>>
    %dma_wait3A_247 = arith.constant 0 : i32
    %dma_wait3A_248 = arith.constant 0 : i32
    %dma_wait3A_249 = tpu.memref_slice %arg2[%dma_wait3A_247, %dma_wait3A_248] : memref<10240x128xf32, #tpu.memory_space<hbm>> -> memref<10240x128xf32, #tpu.memory_space<hbm>>
    tpu.wait_indirect_dma semaphore(%arg15 : memref<!tpu.dma_semaphore, #tpu.memory_space<semaphore_mem>>) src(%dma_wait3A_249 : memref<10240x128xf32, #tpu.memory_space<hbm>>) dst(%arg11 : memref<64x128xf32, #tpu.memory_space<vmem>>)
    %dma_start3A_250 = arith.constant 76 : i32
    %dma_start3A_251 = arith.constant 0 : i32
    %dma_start3A_252 = tpu.memref_slice %arg9[%dma_start3A_250, %dma_start3A_251] : memref<80x64xi32, #tpu.memory_space<vmem>> -> memref<1x64xi32, #tpu.memory_space<vmem>>
    %dma_start3A_253 = tpu.memref_squeeze %dma_start3A_252 : memref<1x64xi32, #tpu.memory_space<vmem>> -> memref<64xi32, #tpu.memory_space<vmem>>
    %dma_start3A_254 = arith.constant 0 : i32
    %dma_start3A_255 = arith.constant 0 : i32
    %dma_start3A_256 = tpu.memref_slice %arg13[%dma_start3A_254, %dma_start3A_255] : memref<10240x128xf32, #tpu.memory_space<vmem_shared>> -> memref<10240x128xf32, #tpu.memory_space<vmem_shared>>
    tpu.enqueue_indirect_dma source(%arg11 : memref<64x128xf32, #tpu.memory_space<vmem>>) target(%dma_start3A_256 : memref<10240x128xf32, #tpu.memory_space<vmem_shared>>) offsets(%dma_start3A_253 : memref<64xi32, #tpu.memory_space<vmem>>) semaphore(%arg18 : memref<!tpu.dma_semaphore, #tpu.memory_space<semaphore_mem>>) {add = true}
    %run_scoped3A_257 = arith.constant 76 : i32
    "tpu.region"() ({
      %run_scoped3A_492 = tpu.sem_alloc : memref<!tpu.dma_semaphore, #tpu.memory_space<semaphore_mem>>
      %dma_start3A_493 = arith.constant 0 : i32
      %dma_start3A_494 = tpu.memref_slice %arg9[%run_scoped3A_257, %dma_start3A_493] : memref<80x64xi32, #tpu.memory_space<vmem>> -> memref<1x64xi32, #tpu.memory_space<vmem>>
      %dma_start3A_495 = tpu.memref_squeeze %dma_start3A_494 : memref<1x64xi32, #tpu.memory_space<vmem>> -> memref<64xi32, #tpu.memory_space<vmem>>
      %dma_start3A_496 = arith.constant 0 : i32
      %dma_start3A_497 = tpu.memref_slice %arg22[%dma_start3A_496] : memref<10240xf32, #tpu.memory_space<vmem_shared>> -> memref<10240xf32, #tpu.memory_space<vmem_shared>>
      tpu.enqueue_indirect_dma source(%arg20 : memref<64xf32, #tpu.memory_space<vmem>>) target(%dma_start3A_497 : memref<10240xf32, #tpu.memory_space<vmem_shared>>) offsets(%dma_start3A_495 : memref<64xi32, #tpu.memory_space<vmem>>) semaphore(%run_scoped3A_492 : memref<!tpu.dma_semaphore, #tpu.memory_space<semaphore_mem>>) {add = true}
      %dma_wait3A_498 = arith.constant 0 : i32
      %dma_wait3A_499 = tpu.memref_slice %arg9[%run_scoped3A_257, %dma_wait3A_498] : memref<80x64xi32, #tpu.memory_space<vmem>> -> memref<1x64xi32, #tpu.memory_space<vmem>>
      %dma_wait3A_500 = tpu.memref_squeeze %dma_wait3A_499 : memref<1x64xi32, #tpu.memory_space<vmem>> -> memref<64xi32, #tpu.memory_space<vmem>>
      %dma_wait3A_501 = arith.constant 0 : i32
      %dma_wait3A_502 = tpu.memref_slice %arg22[%dma_wait3A_501] : memref<10240xf32, #tpu.memory_space<vmem_shared>> -> memref<10240xf32, #tpu.memory_space<vmem_shared>>
      tpu.wait_indirect_dma semaphore(%run_scoped3A_492 : memref<!tpu.dma_semaphore, #tpu.memory_space<semaphore_mem>>) src(%arg20 : memref<64xf32, #tpu.memory_space<vmem>>) dst(%dma_wait3A_502 : memref<10240xf32, #tpu.memory_space<vmem_shared>>)
      tpu.yield
    }) : () -> ()
    %dma_wait3A_258 = arith.constant 0 : i32
    %dma_wait3A_259 = arith.constant 0 : i32
    %dma_wait3A_260 = tpu.memref_slice %arg9[%dma_wait3A_258, %dma_wait3A_259] : memref<80x64xi32, #tpu.memory_space<vmem>> -> memref<1x64xi32, #tpu.memory_space<vmem>>
    %dma_wait3A_261 = tpu.memref_squeeze %dma_wait3A_260 : memref<1x64xi32, #tpu.memory_space<vmem>> -> memref<64xi32, #tpu.memory_space<vmem>>
    %dma_wait3A_262 = arith.constant 0 : i32
    %dma_wait3A_263 = arith.constant 0 : i32
    %dma_wait3A_264 = tpu.memref_slice %arg13[%dma_wait3A_262, %dma_wait3A_263] : memref<10240x128xf32, #tpu.memory_space<vmem_shared>> -> memref<10240x128xf32, #tpu.memory_space<vmem_shared>>
    tpu.wait_indirect_dma semaphore(%arg18 : memref<!tpu.dma_semaphore, #tpu.memory_space<semaphore_mem>>) src(%arg11 : memref<64x128xf32, #tpu.memory_space<vmem>>) dst(%dma_wait3A_264 : memref<10240x128xf32, #tpu.memory_space<vmem_shared>>)
    %dma_start3A_265 = arith.constant 79 : i32
    %dma_start3A_266 = arith.constant 0 : i32
    %dma_start3A_267 = tpu.memref_slice %arg8[%dma_start3A_265, %dma_start3A_266] : memref<80x64xi32, #tpu.memory_space<vmem>> -> memref<1x64xi32, #tpu.memory_space<vmem>>
    %dma_start3A_268 = tpu.memref_squeeze %dma_start3A_267 : memref<1x64xi32, #tpu.memory_space<vmem>> -> memref<64xi32, #tpu.memory_space<vmem>>
    %dma_start3A_269 = arith.constant 0 : i32
    %dma_start3A_270 = arith.constant 0 : i32
    %dma_start3A_271 = tpu.memref_slice %arg2[%dma_start3A_269, %dma_start3A_270] : memref<10240x128xf32, #tpu.memory_space<hbm>> -> memref<10240x128xf32, #tpu.memory_space<hbm>>
    tpu.enqueue_indirect_dma source(%dma_start3A_271 : memref<10240x128xf32, #tpu.memory_space<hbm>>) target(%arg11 : memref<64x128xf32, #tpu.memory_space<vmem>>) offsets(%dma_start3A_268 : memref<64xi32, #tpu.memory_space<vmem>>) semaphore(%arg15 : memref<!tpu.dma_semaphore, #tpu.memory_space<semaphore_mem>>)
    %dma_wait3A_272 = arith.constant 77 : i32
    %dma_wait3A_273 = arith.constant 0 : i32
    %dma_wait3A_274 = tpu.memref_slice %arg8[%dma_wait3A_272, %dma_wait3A_273] : memref<80x64xi32, #tpu.memory_space<vmem>> -> memref<1x64xi32, #tpu.memory_space<vmem>>
    %dma_wait3A_275 = tpu.memref_squeeze %dma_wait3A_274 : memref<1x64xi32, #tpu.memory_space<vmem>> -> memref<64xi32, #tpu.memory_space<vmem>>
    %dma_wait3A_276 = arith.constant 0 : i32
    %dma_wait3A_277 = arith.constant 0 : i32
    %dma_wait3A_278 = tpu.memref_slice %arg2[%dma_wait3A_276, %dma_wait3A_277] : memref<10240x128xf32, #tpu.memory_space<hbm>> -> memref<10240x128xf32, #tpu.memory_space<hbm>>
    tpu.wait_indirect_dma semaphore(%arg16 : memref<!tpu.dma_semaphore, #tpu.memory_space<semaphore_mem>>) src(%dma_wait3A_278 : memref<10240x128xf32, #tpu.memory_space<hbm>>) dst(%arg12 : memref<64x128xf32, #tpu.memory_space<vmem>>)
    %dma_start3A_279 = arith.constant 77 : i32
    %dma_start3A_280 = arith.constant 0 : i32
    %dma_start3A_281 = tpu.memref_slice %arg9[%dma_start3A_279, %dma_start3A_280] : memref<80x64xi32, #tpu.memory_space<vmem>> -> memref<1x64xi32, #tpu.memory_space<vmem>>
    %dma_start3A_282 = tpu.memref_squeeze %dma_start3A_281 : memref<1x64xi32, #tpu.memory_space<vmem>> -> memref<64xi32, #tpu.memory_space<vmem>>
    %dma_start3A_283 = arith.constant 0 : i32
    %dma_start3A_284 = arith.constant 0 : i32
    %dma_start3A_285 = tpu.memref_slice %arg13[%dma_start3A_283, %dma_start3A_284] : memref<10240x128xf32, #tpu.memory_space<vmem_shared>> -> memref<10240x128xf32, #tpu.memory_space<vmem_shared>>
    tpu.enqueue_indirect_dma source(%arg12 : memref<64x128xf32, #tpu.memory_space<vmem>>) target(%dma_start3A_285 : memref<10240x128xf32, #tpu.memory_space<vmem_shared>>) offsets(%dma_start3A_282 : memref<64xi32, #tpu.memory_space<vmem>>) semaphore(%arg19 : memref<!tpu.dma_semaphore, #tpu.memory_space<semaphore_mem>>) {add = true}
    %run_scoped3A_286 = arith.constant 77 : i32
    "tpu.region"() ({
      %run_scoped3A_492 = tpu.sem_alloc : memref<!tpu.dma_semaphore, #tpu.memory_space<semaphore_mem>>
      %dma_start3A_493 = arith.constant 0 : i32
      %dma_start3A_494 = tpu.memref_slice %arg9[%run_scoped3A_286, %dma_start3A_493] : memref<80x64xi32, #tpu.memory_space<vmem>> -> memref<1x64xi32, #tpu.memory_space<vmem>>
      %dma_start3A_495 = tpu.memref_squeeze %dma_start3A_494 : memref<1x64xi32, #tpu.memory_space<vmem>> -> memref<64xi32, #tpu.memory_space<vmem>>
      %dma_start3A_496 = arith.constant 0 : i32
      %dma_start3A_497 = tpu.memref_slice %arg22[%dma_start3A_496] : memref<10240xf32, #tpu.memory_space<vmem_shared>> -> memref<10240xf32, #tpu.memory_space<vmem_shared>>
      tpu.enqueue_indirect_dma source(%arg20 : memref<64xf32, #tpu.memory_space<vmem>>) target(%dma_start3A_497 : memref<10240xf32, #tpu.memory_space<vmem_shared>>) offsets(%dma_start3A_495 : memref<64xi32, #tpu.memory_space<vmem>>) semaphore(%run_scoped3A_492 : memref<!tpu.dma_semaphore, #tpu.memory_space<semaphore_mem>>) {add = true}
      %dma_wait3A_498 = arith.constant 0 : i32
      %dma_wait3A_499 = tpu.memref_slice %arg9[%run_scoped3A_286, %dma_wait3A_498] : memref<80x64xi32, #tpu.memory_space<vmem>> -> memref<1x64xi32, #tpu.memory_space<vmem>>
      %dma_wait3A_500 = tpu.memref_squeeze %dma_wait3A_499 : memref<1x64xi32, #tpu.memory_space<vmem>> -> memref<64xi32, #tpu.memory_space<vmem>>
      %dma_wait3A_501 = arith.constant 0 : i32
      %dma_wait3A_502 = tpu.memref_slice %arg22[%dma_wait3A_501] : memref<10240xf32, #tpu.memory_space<vmem_shared>> -> memref<10240xf32, #tpu.memory_space<vmem_shared>>
      tpu.wait_indirect_dma semaphore(%run_scoped3A_492 : memref<!tpu.dma_semaphore, #tpu.memory_space<semaphore_mem>>) src(%arg20 : memref<64xf32, #tpu.memory_space<vmem>>) dst(%dma_wait3A_502 : memref<10240xf32, #tpu.memory_space<vmem_shared>>)
      tpu.yield
    }) : () -> ()
    %dma_wait3A_287 = arith.constant 78 : i32
    %dma_wait3A_288 = arith.constant 0 : i32
    %dma_wait3A_289 = tpu.memref_slice %arg8[%dma_wait3A_287, %dma_wait3A_288] : memref<80x64xi32, #tpu.memory_space<vmem>> -> memref<1x64xi32, #tpu.memory_space<vmem>>
    %dma_wait3A_290 = tpu.memref_squeeze %dma_wait3A_289 : memref<1x64xi32, #tpu.memory_space<vmem>> -> memref<64xi32, #tpu.memory_space<vmem>>
    %dma_wait3A_291 = arith.constant 0 : i32
    %dma_wait3A_292 = arith.constant 0 : i32
    %dma_wait3A_293 = tpu.memref_slice %arg2[%dma_wait3A_291, %dma_wait3A_292] : memref<10240x128xf32, #tpu.memory_space<hbm>> -> memref<10240x128xf32, #tpu.memory_space<hbm>>
    tpu.wait_indirect_dma semaphore(%arg14 : memref<!tpu.dma_semaphore, #tpu.memory_space<semaphore_mem>>) src(%dma_wait3A_293 : memref<10240x128xf32, #tpu.memory_space<hbm>>) dst(%arg10 : memref<64x128xf32, #tpu.memory_space<vmem>>)
    %dma_start3A_294 = arith.constant 78 : i32
    %dma_start3A_295 = arith.constant 0 : i32
    %dma_start3A_296 = tpu.memref_slice %arg9[%dma_start3A_294, %dma_start3A_295] : memref<80x64xi32, #tpu.memory_space<vmem>> -> memref<1x64xi32, #tpu.memory_space<vmem>>
    %dma_start3A_297 = tpu.memref_squeeze %dma_start3A_296 : memref<1x64xi32, #tpu.memory_space<vmem>> -> memref<64xi32, #tpu.memory_space<vmem>>
    %dma_start3A_298 = arith.constant 0 : i32
    %dma_start3A_299 = arith.constant 0 : i32
    %dma_start3A_300 = tpu.memref_slice %arg13[%dma_start3A_298, %dma_start3A_299] : memref<10240x128xf32, #tpu.memory_space<vmem_shared>> -> memref<10240x128xf32, #tpu.memory_space<vmem_shared>>
    tpu.enqueue_indirect_dma source(%arg10 : memref<64x128xf32, #tpu.memory_space<vmem>>) target(%dma_start3A_300 : memref<10240x128xf32, #tpu.memory_space<vmem_shared>>) offsets(%dma_start3A_297 : memref<64xi32, #tpu.memory_space<vmem>>) semaphore(%arg17 : memref<!tpu.dma_semaphore, #tpu.memory_space<semaphore_mem>>) {add = true}
    %run_scoped3A_301 = arith.constant 78 : i32
    "tpu.region"() ({
      %run_scoped3A_492 = tpu.sem_alloc : memref<!tpu.dma_semaphore, #tpu.memory_space<semaphore_mem>>
      %dma_start3A_493 = arith.constant 0 : i32
      %dma_start3A_494 = tpu.memref_slice %arg9[%run_scoped3A_301, %dma_start3A_493] : memref<80x64xi32, #tpu.memory_space<vmem>> -> memref<1x64xi32, #tpu.memory_space<vmem>>
      %dma_start3A_495 = tpu.memref_squeeze %dma_start3A_494 : memref<1x64xi32, #tpu.memory_space<vmem>> -> memref<64xi32, #tpu.memory_space<vmem>>
      %dma_start3A_496 = arith.constant 0 : i32
      %dma_start3A_497 = tpu.memref_slice %arg22[%dma_start3A_496] : memref<10240xf32, #tpu.memory_space<vmem_shared>> -> memref<10240xf32, #tpu.memory_space<vmem_shared>>
      tpu.enqueue_indirect_dma source(%arg20 : memref<64xf32, #tpu.memory_space<vmem>>) target(%dma_start3A_497 : memref<10240xf32, #tpu.memory_space<vmem_shared>>) offsets(%dma_start3A_495 : memref<64xi32, #tpu.memory_space<vmem>>) semaphore(%run_scoped3A_492 : memref<!tpu.dma_semaphore, #tpu.memory_space<semaphore_mem>>) {add = true}
      %dma_wait3A_498 = arith.constant 0 : i32
      %dma_wait3A_499 = tpu.memref_slice %arg9[%run_scoped3A_301, %dma_wait3A_498] : memref<80x64xi32, #tpu.memory_space<vmem>> -> memref<1x64xi32, #tpu.memory_space<vmem>>
      %dma_wait3A_500 = tpu.memref_squeeze %dma_wait3A_499 : memref<1x64xi32, #tpu.memory_space<vmem>> -> memref<64xi32, #tpu.memory_space<vmem>>
      %dma_wait3A_501 = arith.constant 0 : i32
      %dma_wait3A_502 = tpu.memref_slice %arg22[%dma_wait3A_501] : memref<10240xf32, #tpu.memory_space<vmem_shared>> -> memref<10240xf32, #tpu.memory_space<vmem_shared>>
      tpu.wait_indirect_dma semaphore(%run_scoped3A_492 : memref<!tpu.dma_semaphore, #tpu.memory_space<semaphore_mem>>) src(%arg20 : memref<64xf32, #tpu.memory_space<vmem>>) dst(%dma_wait3A_502 : memref<10240xf32, #tpu.memory_space<vmem_shared>>)
      tpu.yield
    }) : () -> ()
    %dma_wait3A_302 = arith.constant 79 : i32
    %dma_wait3A_303 = arith.constant 0 : i32
    %dma_wait3A_304 = tpu.memref_slice %arg8[%dma_wait3A_302, %dma_wait3A_303] : memref<80x64xi32, #tpu.memory_space<vmem>> -> memref<1x64xi32, #tpu.memory_space<vmem>>
    %dma_wait3A_305 = tpu.memref_squeeze %dma_wait3A_304 : memref<1x64xi32, #tpu.memory_space<vmem>> -> memref<64xi32, #tpu.memory_space<vmem>>
    %dma_wait3A_306 = arith.constant 0 : i32
    %dma_wait3A_307 = arith.constant 0 : i32
    %dma_wait3A_308 = tpu.memref_slice %arg2[%dma_wait3A_306, %dma_wait3A_307] : memref<10240x128xf32, #tpu.memory_space<hbm>> -> memref<10240x128xf32, #tpu.memory_space<hbm>>
    tpu.wait_indirect_dma semaphore(%arg15 : memref<!tpu.dma_semaphore, #tpu.memory_space<semaphore_mem>>) src(%dma_wait3A_308 : memref<10240x128xf32, #tpu.memory_space<hbm>>) dst(%arg11 : memref<64x128xf32, #tpu.memory_space<vmem>>)
    %dma_start3A_309 = arith.constant 79 : i32
    %dma_start3A_310 = arith.constant 0 : i32
    %dma_start3A_311 = tpu.memref_slice %arg9[%dma_start3A_309, %dma_start3A_310] : memref<80x64xi32, #tpu.memory_space<vmem>> -> memref<1x64xi32, #tpu.memory_space<vmem>>
    %dma_start3A_312 = tpu.memref_squeeze %dma_start3A_311 : memref<1x64xi32, #tpu.memory_space<vmem>> -> memref<64xi32, #tpu.memory_space<vmem>>
    %dma_start3A_313 = arith.constant 0 : i32
    %dma_start3A_314 = arith.constant 0 : i32
    %dma_start3A_315 = tpu.memref_slice %arg13[%dma_start3A_313, %dma_start3A_314] : memref<10240x128xf32, #tpu.memory_space<vmem_shared>> -> memref<10240x128xf32, #tpu.memory_space<vmem_shared>>
    tpu.enqueue_indirect_dma source(%arg11 : memref<64x128xf32, #tpu.memory_space<vmem>>) target(%dma_start3A_315 : memref<10240x128xf32, #tpu.memory_space<vmem_shared>>) offsets(%dma_start3A_312 : memref<64xi32, #tpu.memory_space<vmem>>) semaphore(%arg18 : memref<!tpu.dma_semaphore, #tpu.memory_space<semaphore_mem>>) {add = true}
    %run_scoped3A_316 = arith.constant 79 : i32
    "tpu.region"() ({
      %run_scoped3A_492 = tpu.sem_alloc : memref<!tpu.dma_semaphore, #tpu.memory_space<semaphore_mem>>
      %dma_start3A_493 = arith.constant 0 : i32
      %dma_start3A_494 = tpu.memref_slice %arg9[%run_scoped3A_316, %dma_start3A_493] : memref<80x64xi32, #tpu.memory_space<vmem>> -> memref<1x64xi32, #tpu.memory_space<vmem>>
      %dma_start3A_495 = tpu.memref_squeeze %dma_start3A_494 : memref<1x64xi32, #tpu.memory_space<vmem>> -> memref<64xi32, #tpu.memory_space<vmem>>
      %dma_start3A_496 = arith.constant 0 : i32
      %dma_start3A_497 = tpu.memref_slice %arg22[%dma_start3A_496] : memref<10240xf32, #tpu.memory_space<vmem_shared>> -> memref<10240xf32, #tpu.memory_space<vmem_shared>>
      tpu.enqueue_indirect_dma source(%arg20 : memref<64xf32, #tpu.memory_space<vmem>>) target(%dma_start3A_497 : memref<10240xf32, #tpu.memory_space<vmem_shared>>) offsets(%dma_start3A_495 : memref<64xi32, #tpu.memory_space<vmem>>) semaphore(%run_scoped3A_492 : memref<!tpu.dma_semaphore, #tpu.memory_space<semaphore_mem>>) {add = true}
      %dma_wait3A_498 = arith.constant 0 : i32
      %dma_wait3A_499 = tpu.memref_slice %arg9[%run_scoped3A_316, %dma_wait3A_498] : memref<80x64xi32, #tpu.memory_space<vmem>> -> memref<1x64xi32, #tpu.memory_space<vmem>>
      %dma_wait3A_500 = tpu.memref_squeeze %dma_wait3A_499 : memref<1x64xi32, #tpu.memory_space<vmem>> -> memref<64xi32, #tpu.memory_space<vmem>>
      %dma_wait3A_501 = arith.constant 0 : i32
      %dma_wait3A_502 = tpu.memref_slice %arg22[%dma_wait3A_501] : memref<10240xf32, #tpu.memory_space<vmem_shared>> -> memref<10240xf32, #tpu.memory_space<vmem_shared>>
      tpu.wait_indirect_dma semaphore(%run_scoped3A_492 : memref<!tpu.dma_semaphore, #tpu.memory_space<semaphore_mem>>) src(%arg20 : memref<64xf32, #tpu.memory_space<vmem>>) dst(%dma_wait3A_502 : memref<10240xf32, #tpu.memory_space<vmem_shared>>)
      tpu.yield
    }) : () -> ()
    %dma_wait3A_317 = arith.constant 0 : i32
    %dma_wait3A_318 = arith.constant 0 : i32
    %dma_wait3A_319 = tpu.memref_slice %arg9[%dma_wait3A_317, %dma_wait3A_318] : memref<80x64xi32, #tpu.memory_space<vmem>> -> memref<1x64xi32, #tpu.memory_space<vmem>>
    %dma_wait3A_320 = tpu.memref_squeeze %dma_wait3A_319 : memref<1x64xi32, #tpu.memory_space<vmem>> -> memref<64xi32, #tpu.memory_space<vmem>>
    %dma_wait3A_321 = arith.constant 0 : i32
    %dma_wait3A_322 = arith.constant 0 : i32
    %dma_wait3A_323 = tpu.memref_slice %arg13[%dma_wait3A_321, %dma_wait3A_322] : memref<10240x128xf32, #tpu.memory_space<vmem_shared>> -> memref<10240x128xf32, #tpu.memory_space<vmem_shared>>
    tpu.wait_indirect_dma semaphore(%arg17 : memref<!tpu.dma_semaphore, #tpu.memory_space<semaphore_mem>>) src(%arg10 : memref<64x128xf32, #tpu.memory_space<vmem>>) dst(%dma_wait3A_323 : memref<10240x128xf32, #tpu.memory_space<vmem_shared>>)
    %dma_wait3A_324 = arith.constant 0 : i32
    %dma_wait3A_325 = arith.constant 0 : i32
    %dma_wait3A_326 = tpu.memref_slice %arg9[%dma_wait3A_324, %dma_wait3A_325] : memref<80x64xi32, #tpu.memory_space<vmem>> -> memref<1x64xi32, #tpu.memory_space<vmem>>
    %dma_wait3A_327 = tpu.memref_squeeze %dma_wait3A_326 : memref<1x64xi32, #tpu.memory_space<vmem>> -> memref<64xi32, #tpu.memory_space<vmem>>
    %dma_wait3A_328 = arith.constant 0 : i32
    %dma_wait3A_329 = arith.constant 0 : i32
    %dma_wait3A_330 = tpu.memref_slice %arg13[%dma_wait3A_328, %dma_wait3A_329] : memref<10240x128xf32, #tpu.memory_space<vmem_shared>> -> memref<10240x128xf32, #tpu.memory_space<vmem_shared>>
    tpu.wait_indirect_dma semaphore(%arg18 : memref<!tpu.dma_semaphore, #tpu.memory_space<semaphore_mem>>) src(%arg11 : memref<64x128xf32, #tpu.memory_space<vmem>>) dst(%dma_wait3A_330 : memref<10240x128xf32, #tpu.memory_space<vmem_shared>>)
    %dma_wait3A_331 = arith.constant 0 : i32
    %dma_wait3A_332 = arith.constant 0 : i32
    %dma_wait3A_333 = tpu.memref_slice %arg9[%dma_wait3A_331, %dma_wait3A_332] : memref<80x64xi32, #tpu.memory_space<vmem>> -> memref<1x64xi32, #tpu.memory_space<vmem>>
    %dma_wait3A_334 = tpu.memref_squeeze %dma_wait3A_333 : memref<1x64xi32, #tpu.memory_space<vmem>> -> memref<64xi32, #tpu.memory_space<vmem>>
    %dma_wait3A_335 = arith.constant 0 : i32
    %dma_wait3A_336 = arith.constant 0 : i32
    %dma_wait3A_337 = tpu.memref_slice %arg13[%dma_wait3A_335, %dma_wait3A_336] : memref<10240x128xf32, #tpu.memory_space<vmem_shared>> -> memref<10240x128xf32, #tpu.memory_space<vmem_shared>>
    tpu.wait_indirect_dma semaphore(%arg19 : memref<!tpu.dma_semaphore, #tpu.memory_space<semaphore_mem>>) src(%arg12 : memref<64x128xf32, #tpu.memory_space<vmem>>) dst(%dma_wait3A_337 : memref<10240x128xf32, #tpu.memory_space<vmem_shared>>)
    %add3A_338 = arith.constant 80 : i32
    %add3A_339 = arith.addi %mul3A_2, %add3A_338 : i32
    "tpu.region"() ({
      %run_scoped3A_492 = tpu.sem_alloc : memref<!tpu.dma_semaphore, #tpu.memory_space<semaphore_mem>>
      %dma_start3A_493 = arith.constant 0 : i32
      %dma_start3A_494 = tpu.memref_slice %arg3[%add3A_339, %dma_start3A_493] : memref<5120x64xi32, #tpu.memory_space<hbm>> -> memref<80x64xi32, #tpu.memory_space<hbm>>
      %dma_start3A_495 = arith.constant 0 : i32
      %dma_start3A_496 = tpu.memref_slice %arg3[%add3A_339, %dma_start3A_495] : memref<5120x64xi32, #tpu.memory_space<hbm>> -> memref<80x64xi32, #tpu.memory_space<hbm>>
      tpu.enqueue_dma source(%dma_start3A_496 : memref<80x64xi32, #tpu.memory_space<hbm>>) target(%arg8 : memref<80x64xi32, #tpu.memory_space<vmem>>) target_semaphore(%run_scoped3A_492 : memref<!tpu.dma_semaphore, #tpu.memory_space<semaphore_mem>>)
      %dma_wait3A_497 = arith.constant 0 : i32
      %dma_wait3A_498 = tpu.memref_slice %arg3[%add3A_339, %dma_wait3A_497] : memref<5120x64xi32, #tpu.memory_space<hbm>> -> memref<80x64xi32, #tpu.memory_space<hbm>>
      %dma_wait3A_499 = arith.constant 0 : i32
      %dma_wait3A_500 = tpu.memref_slice %arg3[%add3A_339, %dma_wait3A_499] : memref<5120x64xi32, #tpu.memory_space<hbm>> -> memref<80x64xi32, #tpu.memory_space<hbm>>
      tpu.wait_dma2 semaphore(%run_scoped3A_492 : memref<!tpu.dma_semaphore, #tpu.memory_space<semaphore_mem>>) src(%dma_wait3A_500 : memref<80x64xi32, #tpu.memory_space<hbm>>) dst(%arg8 : memref<80x64xi32, #tpu.memory_space<vmem>>)
      tpu.yield
    }) : () -> ()
    "tpu.region"() ({
      %run_scoped3A_492 = tpu.sem_alloc : memref<!tpu.dma_semaphore, #tpu.memory_space<semaphore_mem>>
      %dma_start3A_493 = arith.constant 0 : i32
      %dma_start3A_494 = tpu.memref_slice %arg4[%add3A_339, %dma_start3A_493] : memref<5120x64xi32, #tpu.memory_space<hbm>> -> memref<80x64xi32, #tpu.memory_space<hbm>>
      %dma_start3A_495 = arith.constant 0 : i32
      %dma_start3A_496 = tpu.memref_slice %arg4[%add3A_339, %dma_start3A_495] : memref<5120x64xi32, #tpu.memory_space<hbm>> -> memref<80x64xi32, #tpu.memory_space<hbm>>
      tpu.enqueue_dma source(%dma_start3A_496 : memref<80x64xi32, #tpu.memory_space<hbm>>) target(%arg9 : memref<80x64xi32, #tpu.memory_space<vmem>>) target_semaphore(%run_scoped3A_492 : memref<!tpu.dma_semaphore, #tpu.memory_space<semaphore_mem>>)
      %dma_wait3A_497 = arith.constant 0 : i32
      %dma_wait3A_498 = tpu.memref_slice %arg4[%add3A_339, %dma_wait3A_497] : memref<5120x64xi32, #tpu.memory_space<hbm>> -> memref<80x64xi32, #tpu.memory_space<hbm>>
      %dma_wait3A_499 = arith.constant 0 : i32
      %dma_wait3A_500 = tpu.memref_slice %arg4[%add3A_339, %dma_wait3A_499] : memref<5120x64xi32, #tpu.memory_space<hbm>> -> memref<80x64xi32, #tpu.memory_space<hbm>>
      tpu.wait_dma2 semaphore(%run_scoped3A_492 : memref<!tpu.dma_semaphore, #tpu.memory_space<semaphore_mem>>) src(%dma_wait3A_500 : memref<80x64xi32, #tpu.memory_space<hbm>>) dst(%arg9 : memref<80x64xi32, #tpu.memory_space<vmem>>)
      tpu.yield
    }) : () -> ()
    %dma_start3A_340 = arith.constant 0 : i32
    %dma_start3A_341 = arith.constant 0 : i32
    %dma_start3A_342 = tpu.memref_slice %arg8[%dma_start3A_340, %dma_start3A_341] : memref<80x64xi32, #tpu.memory_space<vmem>> -> memref<1x64xi32, #tpu.memory_space<vmem>>
    %dma_start3A_343 = tpu.memref_squeeze %dma_start3A_342 : memref<1x64xi32, #tpu.memory_space<vmem>> -> memref<64xi32, #tpu.memory_space<vmem>>
    %dma_start3A_344 = arith.constant 0 : i32
    %dma_start3A_345 = arith.constant 0 : i32
    %dma_start3A_346 = tpu.memref_slice %arg2[%dma_start3A_344, %dma_start3A_345] : memref<10240x128xf32, #tpu.memory_space<hbm>> -> memref<10240x128xf32, #tpu.memory_space<hbm>>
    tpu.enqueue_indirect_dma source(%dma_start3A_346 : memref<10240x128xf32, #tpu.memory_space<hbm>>) target(%arg10 : memref<64x128xf32, #tpu.memory_space<vmem>>) offsets(%dma_start3A_343 : memref<64xi32, #tpu.memory_space<vmem>>) semaphore(%arg14 : memref<!tpu.dma_semaphore, #tpu.memory_space<semaphore_mem>>)
    %dma_start3A_347 = arith.constant 1 : i32
    %dma_start3A_348 = arith.constant 0 : i32
    %dma_start3A_349 = tpu.memref_slice %arg8[%dma_start3A_347, %dma_start3A_348] : memref<80x64xi32, #tpu.memory_space<vmem>> -> memref<1x64xi32, #tpu.memory_space<vmem>>
    %dma_start3A_350 = tpu.memref_squeeze %dma_start3A_349 : memref<1x64xi32, #tpu.memory_space<vmem>> -> memref<64xi32, #tpu.memory_space<vmem>>
    %dma_start3A_351 = arith.constant 0 : i32
    %dma_start3A_352 = arith.constant 0 : i32
    %dma_start3A_353 = tpu.memref_slice %arg2[%dma_start3A_351, %dma_start3A_352] : memref<10240x128xf32, #tpu.memory_space<hbm>> -> memref<10240x128xf32, #tpu.memory_space<hbm>>
    tpu.enqueue_indirect_dma source(%dma_start3A_353 : memref<10240x128xf32, #tpu.memory_space<hbm>>) target(%arg11 : memref<64x128xf32, #tpu.memory_space<vmem>>) offsets(%dma_start3A_350 : memref<64xi32, #tpu.memory_space<vmem>>) semaphore(%arg15 : memref<!tpu.dma_semaphore, #tpu.memory_space<semaphore_mem>>)
    %dma_start3A_354 = arith.constant 2 : i32
    %dma_start3A_355 = arith.constant 0 : i32
    %dma_start3A_356 = tpu.memref_slice %arg8[%dma_start3A_354, %dma_start3A_355] : memref<80x64xi32, #tpu.memory_space<vmem>> -> memref<1x64xi32, #tpu.memory_space<vmem>>
    %dma_start3A_357 = tpu.memref_squeeze %dma_start3A_356 : memref<1x64xi32, #tpu.memory_space<vmem>> -> memref<64xi32, #tpu.memory_space<vmem>>
    %dma_start3A_358 = arith.constant 0 : i32
    %dma_start3A_359 = arith.constant 0 : i32
    %dma_start3A_360 = tpu.memref_slice %arg2[%dma_start3A_358, %dma_start3A_359] : memref<10240x128xf32, #tpu.memory_space<hbm>> -> memref<10240x128xf32, #tpu.memory_space<hbm>>
    tpu.enqueue_indirect_dma source(%dma_start3A_360 : memref<10240x128xf32, #tpu.memory_space<hbm>>) target(%arg12 : memref<64x128xf32, #tpu.memory_space<vmem>>) offsets(%dma_start3A_357 : memref<64xi32, #tpu.memory_space<vmem>>) semaphore(%arg16 : memref<!tpu.dma_semaphore, #tpu.memory_space<semaphore_mem>>)
    %dma_wait3A_361 = arith.constant 0 : i32
    %dma_wait3A_362 = arith.constant 0 : i32
    %dma_wait3A_363 = tpu.memref_slice %arg8[%dma_wait3A_361, %dma_wait3A_362] : memref<80x64xi32, #tpu.memory_space<vmem>> -> memref<1x64xi32, #tpu.memory_space<vmem>>
    %dma_wait3A_364 = tpu.memref_squeeze %dma_wait3A_363 : memref<1x64xi32, #tpu.memory_space<vmem>> -> memref<64xi32, #tpu.memory_space<vmem>>
    %dma_wait3A_365 = arith.constant 0 : i32
    %dma_wait3A_366 = arith.constant 0 : i32
    %dma_wait3A_367 = tpu.memref_slice %arg2[%dma_wait3A_365, %dma_wait3A_366] : memref<10240x128xf32, #tpu.memory_space<hbm>> -> memref<10240x128xf32, #tpu.memory_space<hbm>>
    tpu.wait_indirect_dma semaphore(%arg14 : memref<!tpu.dma_semaphore, #tpu.memory_space<semaphore_mem>>) src(%dma_wait3A_367 : memref<10240x128xf32, #tpu.memory_space<hbm>>) dst(%arg10 : memref<64x128xf32, #tpu.memory_space<vmem>>)
    %dma_start3A_368 = arith.constant 0 : i32
    %dma_start3A_369 = arith.constant 0 : i32
    %dma_start3A_370 = tpu.memref_slice %arg9[%dma_start3A_368, %dma_start3A_369] : memref<80x64xi32, #tpu.memory_space<vmem>> -> memref<1x64xi32, #tpu.memory_space<vmem>>
    %dma_start3A_371 = tpu.memref_squeeze %dma_start3A_370 : memref<1x64xi32, #tpu.memory_space<vmem>> -> memref<64xi32, #tpu.memory_space<vmem>>
    %dma_start3A_372 = arith.constant 0 : i32
    %dma_start3A_373 = arith.constant 0 : i32
    %dma_start3A_374 = tpu.memref_slice %arg13[%dma_start3A_372, %dma_start3A_373] : memref<10240x128xf32, #tpu.memory_space<vmem_shared>> -> memref<10240x128xf32, #tpu.memory_space<vmem_shared>>
    tpu.enqueue_indirect_dma source(%arg10 : memref<64x128xf32, #tpu.memory_space<vmem>>) target(%dma_start3A_374 : memref<10240x128xf32, #tpu.memory_space<vmem_shared>>) offsets(%dma_start3A_371 : memref<64xi32, #tpu.memory_space<vmem>>) semaphore(%arg17 : memref<!tpu.dma_semaphore, #tpu.memory_space<semaphore_mem>>) {add = true}
    %run_scoped3A_375 = arith.constant 0 : i32
    "tpu.region"() ({
      %run_scoped3A_492 = tpu.sem_alloc : memref<!tpu.dma_semaphore, #tpu.memory_space<semaphore_mem>>
      %dma_start3A_493 = arith.constant 0 : i32
      %dma_start3A_494 = tpu.memref_slice %arg9[%run_scoped3A_375, %dma_start3A_493] : memref<80x64xi32, #tpu.memory_space<vmem>> -> memref<1x64xi32, #tpu.memory_space<vmem>>
      %dma_start3A_495 = tpu.memref_squeeze %dma_start3A_494 : memref<1x64xi32, #tpu.memory_space<vmem>> -> memref<64xi32, #tpu.memory_space<vmem>>
      %dma_start3A_496 = arith.constant 0 : i32
      %dma_start3A_497 = tpu.memref_slice %arg22[%dma_start3A_496] : memref<10240xf32, #tpu.memory_space<vmem_shared>> -> memref<10240xf32, #tpu.memory_space<vmem_shared>>
      tpu.enqueue_indirect_dma source(%arg20 : memref<64xf32, #tpu.memory_space<vmem>>) target(%dma_start3A_497 : memref<10240xf32, #tpu.memory_space<vmem_shared>>) offsets(%dma_start3A_495 : memref<64xi32, #tpu.memory_space<vmem>>) semaphore(%run_scoped3A_492 : memref<!tpu.dma_semaphore, #tpu.memory_space<semaphore_mem>>) {add = true}
      %dma_wait3A_498 = arith.constant 0 : i32
      %dma_wait3A_499 = tpu.memref_slice %arg9[%run_scoped3A_375, %dma_wait3A_498] : memref<80x64xi32, #tpu.memory_space<vmem>> -> memref<1x64xi32, #tpu.memory_space<vmem>>
      %dma_wait3A_500 = tpu.memref_squeeze %dma_wait3A_499 : memref<1x64xi32, #tpu.memory_space<vmem>> -> memref<64xi32, #tpu.memory_space<vmem>>
      %dma_wait3A_501 = arith.constant 0 : i32
      %dma_wait3A_502 = tpu.memref_slice %arg22[%dma_wait3A_501] : memref<10240xf32, #tpu.memory_space<vmem_shared>> -> memref<10240xf32, #tpu.memory_space<vmem_shared>>
      tpu.wait_indirect_dma semaphore(%run_scoped3A_492 : memref<!tpu.dma_semaphore, #tpu.memory_space<semaphore_mem>>) src(%arg20 : memref<64xf32, #tpu.memory_space<vmem>>) dst(%dma_wait3A_502 : memref<10240xf32, #tpu.memory_space<vmem_shared>>)
      tpu.yield
    }) : () -> ()
    %scan3A_376 = arith.constant 0 : i32
    %scan3A_377 = arith.constant 0 : i32
    %scan3A_378 = arith.constant 25 : i32
    %scan3A_379 = arith.addi %scan3A_377, %scan3A_378 : i32
    %scan3A_380 = arith.constant 1 : i32
    scf.for %scan3A_492 = %scan3A_377 to %scan3A_379 step %scan3A_380  : i32 {
      %mul3A_493 = arith.constant 3 : i32
      %mul3A_494 = arith.muli %mul3A_493, %scan3A_492 : i32
      %add3A_495 = arith.constant 1 : i32
      %add3A_496 = arith.addi %mul3A_494, %add3A_495 : i32
      %dma_wait3A_497 = arith.constant 0 : i32
      %dma_wait3A_498 = arith.constant 0 : i32
      %dma_wait3A_499 = tpu.memref_slice %arg9[%dma_wait3A_497, %dma_wait3A_498] : memref<80x64xi32, #tpu.memory_space<vmem>> -> memref<1x64xi32, #tpu.memory_space<vmem>>
      %dma_wait3A_500 = tpu.memref_squeeze %dma_wait3A_499 : memref<1x64xi32, #tpu.memory_space<vmem>> -> memref<64xi32, #tpu.memory_space<vmem>>
      %dma_wait3A_501 = arith.constant 0 : i32
      %dma_wait3A_502 = arith.constant 0 : i32
      %dma_wait3A_503 = tpu.memref_slice %arg13[%dma_wait3A_501, %dma_wait3A_502] : memref<10240x128xf32, #tpu.memory_space<vmem_shared>> -> memref<10240x128xf32, #tpu.memory_space<vmem_shared>>
      tpu.wait_indirect_dma semaphore(%arg17 : memref<!tpu.dma_semaphore, #tpu.memory_space<semaphore_mem>>) src(%arg10 : memref<64x128xf32, #tpu.memory_space<vmem>>) dst(%dma_wait3A_503 : memref<10240x128xf32, #tpu.memory_space<vmem_shared>>)
      %add3A_504 = arith.constant 2 : i32
      %add3A_505 = arith.addi %add3A_496, %add3A_504 : i32
      %dma_start3A_506 = arith.constant 0 : i32
      %dma_start3A_507 = tpu.memref_slice %arg8[%add3A_505, %dma_start3A_506] : memref<80x64xi32, #tpu.memory_space<vmem>> -> memref<1x64xi32, #tpu.memory_space<vmem>>
      %dma_start3A_508 = tpu.memref_squeeze %dma_start3A_507 : memref<1x64xi32, #tpu.memory_space<vmem>> -> memref<64xi32, #tpu.memory_space<vmem>>
      %dma_start3A_509 = arith.constant 0 : i32
      %dma_start3A_510 = arith.constant 0 : i32
      %dma_start3A_511 = tpu.memref_slice %arg2[%dma_start3A_509, %dma_start3A_510] : memref<10240x128xf32, #tpu.memory_space<hbm>> -> memref<10240x128xf32, #tpu.memory_space<hbm>>
      tpu.enqueue_indirect_dma source(%dma_start3A_511 : memref<10240x128xf32, #tpu.memory_space<hbm>>) target(%arg10 : memref<64x128xf32, #tpu.memory_space<vmem>>) offsets(%dma_start3A_508 : memref<64xi32, #tpu.memory_space<vmem>>) semaphore(%arg14 : memref<!tpu.dma_semaphore, #tpu.memory_space<semaphore_mem>>)
      %dma_wait3A_512 = arith.constant 0 : i32
      %dma_wait3A_513 = tpu.memref_slice %arg8[%add3A_496, %dma_wait3A_512] : memref<80x64xi32, #tpu.memory_space<vmem>> -> memref<1x64xi32, #tpu.memory_space<vmem>>
      %dma_wait3A_514 = tpu.memref_squeeze %dma_wait3A_513 : memref<1x64xi32, #tpu.memory_space<vmem>> -> memref<64xi32, #tpu.memory_space<vmem>>
      %dma_wait3A_515 = arith.constant 0 : i32
      %dma_wait3A_516 = arith.constant 0 : i32
      %dma_wait3A_517 = tpu.memref_slice %arg2[%dma_wait3A_515, %dma_wait3A_516] : memref<10240x128xf32, #tpu.memory_space<hbm>> -> memref<10240x128xf32, #tpu.memory_space<hbm>>
      tpu.wait_indirect_dma semaphore(%arg15 : memref<!tpu.dma_semaphore, #tpu.memory_space<semaphore_mem>>) src(%dma_wait3A_517 : memref<10240x128xf32, #tpu.memory_space<hbm>>) dst(%arg11 : memref<64x128xf32, #tpu.memory_space<vmem>>)
      %dma_start3A_518 = arith.constant 0 : i32
      %dma_start3A_519 = tpu.memref_slice %arg9[%add3A_496, %dma_start3A_518] : memref<80x64xi32, #tpu.memory_space<vmem>> -> memref<1x64xi32, #tpu.memory_space<vmem>>
      %dma_start3A_520 = tpu.memref_squeeze %dma_start3A_519 : memref<1x64xi32, #tpu.memory_space<vmem>> -> memref<64xi32, #tpu.memory_space<vmem>>
      %dma_start3A_521 = arith.constant 0 : i32
      %dma_start3A_522 = arith.constant 0 : i32
      %dma_start3A_523 = tpu.memref_slice %arg13[%dma_start3A_521, %dma_start3A_522] : memref<10240x128xf32, #tpu.memory_space<vmem_shared>> -> memref<10240x128xf32, #tpu.memory_space<vmem_shared>>
      tpu.enqueue_indirect_dma source(%arg11 : memref<64x128xf32, #tpu.memory_space<vmem>>) target(%dma_start3A_523 : memref<10240x128xf32, #tpu.memory_space<vmem_shared>>) offsets(%dma_start3A_520 : memref<64xi32, #tpu.memory_space<vmem>>) semaphore(%arg18 : memref<!tpu.dma_semaphore, #tpu.memory_space<semaphore_mem>>) {add = true}
      "tpu.region"() ({
        %run_scoped3A_582 = tpu.sem_alloc : memref<!tpu.dma_semaphore, #tpu.memory_space<semaphore_mem>>
        %dma_start3A_583 = arith.constant 0 : i32
        %dma_start3A_584 = tpu.memref_slice %arg9[%add3A_496, %dma_start3A_583] : memref<80x64xi32, #tpu.memory_space<vmem>> -> memref<1x64xi32, #tpu.memory_space<vmem>>
        %dma_start3A_585 = tpu.memref_squeeze %dma_start3A_584 : memref<1x64xi32, #tpu.memory_space<vmem>> -> memref<64xi32, #tpu.memory_space<vmem>>
        %dma_start3A_586 = arith.constant 0 : i32
        %dma_start3A_587 = tpu.memref_slice %arg22[%dma_start3A_586] : memref<10240xf32, #tpu.memory_space<vmem_shared>> -> memref<10240xf32, #tpu.memory_space<vmem_shared>>
        tpu.enqueue_indirect_dma source(%arg20 : memref<64xf32, #tpu.memory_space<vmem>>) target(%dma_start3A_587 : memref<10240xf32, #tpu.memory_space<vmem_shared>>) offsets(%dma_start3A_585 : memref<64xi32, #tpu.memory_space<vmem>>) semaphore(%run_scoped3A_582 : memref<!tpu.dma_semaphore, #tpu.memory_space<semaphore_mem>>) {add = true}
        %dma_wait3A_588 = arith.constant 0 : i32
        %dma_wait3A_589 = tpu.memref_slice %arg9[%add3A_496, %dma_wait3A_588] : memref<80x64xi32, #tpu.memory_space<vmem>> -> memref<1x64xi32, #tpu.memory_space<vmem>>
        %dma_wait3A_590 = tpu.memref_squeeze %dma_wait3A_589 : memref<1x64xi32, #tpu.memory_space<vmem>> -> memref<64xi32, #tpu.memory_space<vmem>>
        %dma_wait3A_591 = arith.constant 0 : i32
        %dma_wait3A_592 = tpu.memref_slice %arg22[%dma_wait3A_591] : memref<10240xf32, #tpu.memory_space<vmem_shared>> -> memref<10240xf32, #tpu.memory_space<vmem_shared>>
        tpu.wait_indirect_dma semaphore(%run_scoped3A_582 : memref<!tpu.dma_semaphore, #tpu.memory_space<semaphore_mem>>) src(%arg20 : memref<64xf32, #tpu.memory_space<vmem>>) dst(%dma_wait3A_592 : memref<10240xf32, #tpu.memory_space<vmem_shared>>)
        tpu.yield
      }) : () -> ()
      %add3A_524 = arith.constant 1 : i32
      %add3A_525 = arith.addi %add3A_496, %add3A_524 : i32
      %dma_wait3A_526 = arith.constant 0 : i32
      %dma_wait3A_527 = arith.constant 0 : i32
      %dma_wait3A_528 = tpu.memref_slice %arg9[%dma_wait3A_526, %dma_wait3A_527] : memref<80x64xi32, #tpu.memory_space<vmem>> -> memref<1x64xi32, #tpu.memory_space<vmem>>
      %dma_wait3A_529 = tpu.memref_squeeze %dma_wait3A_528 : memref<1x64xi32, #tpu.memory_space<vmem>> -> memref<64xi32, #tpu.memory_space<vmem>>
      %dma_wait3A_530 = arith.constant 0 : i32
      %dma_wait3A_531 = arith.constant 0 : i32
      %dma_wait3A_532 = tpu.memref_slice %arg13[%dma_wait3A_530, %dma_wait3A_531] : memref<10240x128xf32, #tpu.memory_space<vmem_shared>> -> memref<10240x128xf32, #tpu.memory_space<vmem_shared>>
      tpu.wait_indirect_dma semaphore(%arg18 : memref<!tpu.dma_semaphore, #tpu.memory_space<semaphore_mem>>) src(%arg11 : memref<64x128xf32, #tpu.memory_space<vmem>>) dst(%dma_wait3A_532 : memref<10240x128xf32, #tpu.memory_space<vmem_shared>>)
      %add3A_533 = arith.constant 2 : i32
      %add3A_534 = arith.addi %add3A_525, %add3A_533 : i32
      %dma_start3A_535 = arith.constant 0 : i32
      %dma_start3A_536 = tpu.memref_slice %arg8[%add3A_534, %dma_start3A_535] : memref<80x64xi32, #tpu.memory_space<vmem>> -> memref<1x64xi32, #tpu.memory_space<vmem>>
      %dma_start3A_537 = tpu.memref_squeeze %dma_start3A_536 : memref<1x64xi32, #tpu.memory_space<vmem>> -> memref<64xi32, #tpu.memory_space<vmem>>
      %dma_start3A_538 = arith.constant 0 : i32
      %dma_start3A_539 = arith.constant 0 : i32
      %dma_start3A_540 = tpu.memref_slice %arg2[%dma_start3A_538, %dma_start3A_539] : memref<10240x128xf32, #tpu.memory_space<hbm>> -> memref<10240x128xf32, #tpu.memory_space<hbm>>
      tpu.enqueue_indirect_dma source(%dma_start3A_540 : memref<10240x128xf32, #tpu.memory_space<hbm>>) target(%arg11 : memref<64x128xf32, #tpu.memory_space<vmem>>) offsets(%dma_start3A_537 : memref<64xi32, #tpu.memory_space<vmem>>) semaphore(%arg15 : memref<!tpu.dma_semaphore, #tpu.memory_space<semaphore_mem>>)
      %dma_wait3A_541 = arith.constant 0 : i32
      %dma_wait3A_542 = tpu.memref_slice %arg8[%add3A_525, %dma_wait3A_541] : memref<80x64xi32, #tpu.memory_space<vmem>> -> memref<1x64xi32, #tpu.memory_space<vmem>>
      %dma_wait3A_543 = tpu.memref_squeeze %dma_wait3A_542 : memref<1x64xi32, #tpu.memory_space<vmem>> -> memref<64xi32, #tpu.memory_space<vmem>>
      %dma_wait3A_544 = arith.constant 0 : i32
      %dma_wait3A_545 = arith.constant 0 : i32
      %dma_wait3A_546 = tpu.memref_slice %arg2[%dma_wait3A_544, %dma_wait3A_545] : memref<10240x128xf32, #tpu.memory_space<hbm>> -> memref<10240x128xf32, #tpu.memory_space<hbm>>
      tpu.wait_indirect_dma semaphore(%arg16 : memref<!tpu.dma_semaphore, #tpu.memory_space<semaphore_mem>>) src(%dma_wait3A_546 : memref<10240x128xf32, #tpu.memory_space<hbm>>) dst(%arg12 : memref<64x128xf32, #tpu.memory_space<vmem>>)
      %dma_start3A_547 = arith.constant 0 : i32
      %dma_start3A_548 = tpu.memref_slice %arg9[%add3A_525, %dma_start3A_547] : memref<80x64xi32, #tpu.memory_space<vmem>> -> memref<1x64xi32, #tpu.memory_space<vmem>>
      %dma_start3A_549 = tpu.memref_squeeze %dma_start3A_548 : memref<1x64xi32, #tpu.memory_space<vmem>> -> memref<64xi32, #tpu.memory_space<vmem>>
      %dma_start3A_550 = arith.constant 0 : i32
      %dma_start3A_551 = arith.constant 0 : i32
      %dma_start3A_552 = tpu.memref_slice %arg13[%dma_start3A_550, %dma_start3A_551] : memref<10240x128xf32, #tpu.memory_space<vmem_shared>> -> memref<10240x128xf32, #tpu.memory_space<vmem_shared>>
      tpu.enqueue_indirect_dma source(%arg12 : memref<64x128xf32, #tpu.memory_space<vmem>>) target(%dma_start3A_552 : memref<10240x128xf32, #tpu.memory_space<vmem_shared>>) offsets(%dma_start3A_549 : memref<64xi32, #tpu.memory_space<vmem>>) semaphore(%arg19 : memref<!tpu.dma_semaphore, #tpu.memory_space<semaphore_mem>>) {add = true}
      "tpu.region"() ({
        %run_scoped3A_582 = tpu.sem_alloc : memref<!tpu.dma_semaphore, #tpu.memory_space<semaphore_mem>>
        %dma_start3A_583 = arith.constant 0 : i32
        %dma_start3A_584 = tpu.memref_slice %arg9[%add3A_525, %dma_start3A_583] : memref<80x64xi32, #tpu.memory_space<vmem>> -> memref<1x64xi32, #tpu.memory_space<vmem>>
        %dma_start3A_585 = tpu.memref_squeeze %dma_start3A_584 : memref<1x64xi32, #tpu.memory_space<vmem>> -> memref<64xi32, #tpu.memory_space<vmem>>
        %dma_start3A_586 = arith.constant 0 : i32
        %dma_start3A_587 = tpu.memref_slice %arg22[%dma_start3A_586] : memref<10240xf32, #tpu.memory_space<vmem_shared>> -> memref<10240xf32, #tpu.memory_space<vmem_shared>>
        tpu.enqueue_indirect_dma source(%arg20 : memref<64xf32, #tpu.memory_space<vmem>>) target(%dma_start3A_587 : memref<10240xf32, #tpu.memory_space<vmem_shared>>) offsets(%dma_start3A_585 : memref<64xi32, #tpu.memory_space<vmem>>) semaphore(%run_scoped3A_582 : memref<!tpu.dma_semaphore, #tpu.memory_space<semaphore_mem>>) {add = true}
        %dma_wait3A_588 = arith.constant 0 : i32
        %dma_wait3A_589 = tpu.memref_slice %arg9[%add3A_525, %dma_wait3A_588] : memref<80x64xi32, #tpu.memory_space<vmem>> -> memref<1x64xi32, #tpu.memory_space<vmem>>
        %dma_wait3A_590 = tpu.memref_squeeze %dma_wait3A_589 : memref<1x64xi32, #tpu.memory_space<vmem>> -> memref<64xi32, #tpu.memory_space<vmem>>
        %dma_wait3A_591 = arith.constant 0 : i32
        %dma_wait3A_592 = tpu.memref_slice %arg22[%dma_wait3A_591] : memref<10240xf32, #tpu.memory_space<vmem_shared>> -> memref<10240xf32, #tpu.memory_space<vmem_shared>>
        tpu.wait_indirect_dma semaphore(%run_scoped3A_582 : memref<!tpu.dma_semaphore, #tpu.memory_space<semaphore_mem>>) src(%arg20 : memref<64xf32, #tpu.memory_space<vmem>>) dst(%dma_wait3A_592 : memref<10240xf32, #tpu.memory_space<vmem_shared>>)
        tpu.yield
      }) : () -> ()
      %add3A_553 = arith.constant 2 : i32
      %add3A_554 = arith.addi %add3A_496, %add3A_553 : i32
      %dma_wait3A_555 = arith.constant 0 : i32
      %dma_wait3A_556 = arith.constant 0 : i32
      %dma_wait3A_557 = tpu.memref_slice %arg9[%dma_wait3A_555, %dma_wait3A_556] : memref<80x64xi32, #tpu.memory_space<vmem>> -> memref<1x64xi32, #tpu.memory_space<vmem>>
      %dma_wait3A_558 = tpu.memref_squeeze %dma_wait3A_557 : memref<1x64xi32, #tpu.memory_space<vmem>> -> memref<64xi32, #tpu.memory_space<vmem>>
      %dma_wait3A_559 = arith.constant 0 : i32
      %dma_wait3A_560 = arith.constant 0 : i32
      %dma_wait3A_561 = tpu.memref_slice %arg13[%dma_wait3A_559, %dma_wait3A_560] : memref<10240x128xf32, #tpu.memory_space<vmem_shared>> -> memref<10240x128xf32, #tpu.memory_space<vmem_shared>>
      tpu.wait_indirect_dma semaphore(%arg19 : memref<!tpu.dma_semaphore, #tpu.memory_space<semaphore_mem>>) src(%arg12 : memref<64x128xf32, #tpu.memory_space<vmem>>) dst(%dma_wait3A_561 : memref<10240x128xf32, #tpu.memory_space<vmem_shared>>)
      %add3A_562 = arith.constant 2 : i32
      %add3A_563 = arith.addi %add3A_554, %add3A_562 : i32
      %dma_start3A_564 = arith.constant 0 : i32
      %dma_start3A_565 = tpu.memref_slice %arg8[%add3A_563, %dma_start3A_564] : memref<80x64xi32, #tpu.memory_space<vmem>> -> memref<1x64xi32, #tpu.memory_space<vmem>>
      %dma_start3A_566 = tpu.memref_squeeze %dma_start3A_565 : memref<1x64xi32, #tpu.memory_space<vmem>> -> memref<64xi32, #tpu.memory_space<vmem>>
      %dma_start3A_567 = arith.constant 0 : i32
      %dma_start3A_568 = arith.constant 0 : i32
      %dma_start3A_569 = tpu.memref_slice %arg2[%dma_start3A_567, %dma_start3A_568] : memref<10240x128xf32, #tpu.memory_space<hbm>> -> memref<10240x128xf32, #tpu.memory_space<hbm>>
      tpu.enqueue_indirect_dma source(%dma_start3A_569 : memref<10240x128xf32, #tpu.memory_space<hbm>>) target(%arg12 : memref<64x128xf32, #tpu.memory_space<vmem>>) offsets(%dma_start3A_566 : memref<64xi32, #tpu.memory_space<vmem>>) semaphore(%arg16 : memref<!tpu.dma_semaphore, #tpu.memory_space<semaphore_mem>>)
      %dma_wait3A_570 = arith.constant 0 : i32
      %dma_wait3A_571 = tpu.memref_slice %arg8[%add3A_554, %dma_wait3A_570] : memref<80x64xi32, #tpu.memory_space<vmem>> -> memref<1x64xi32, #tpu.memory_space<vmem>>
      %dma_wait3A_572 = tpu.memref_squeeze %dma_wait3A_571 : memref<1x64xi32, #tpu.memory_space<vmem>> -> memref<64xi32, #tpu.memory_space<vmem>>
      %dma_wait3A_573 = arith.constant 0 : i32
      %dma_wait3A_574 = arith.constant 0 : i32
      %dma_wait3A_575 = tpu.memref_slice %arg2[%dma_wait3A_573, %dma_wait3A_574] : memref<10240x128xf32, #tpu.memory_space<hbm>> -> memref<10240x128xf32, #tpu.memory_space<hbm>>
      tpu.wait_indirect_dma semaphore(%arg14 : memref<!tpu.dma_semaphore, #tpu.memory_space<semaphore_mem>>) src(%dma_wait3A_575 : memref<10240x128xf32, #tpu.memory_space<hbm>>) dst(%arg10 : memref<64x128xf32, #tpu.memory_space<vmem>>)
      %dma_start3A_576 = arith.constant 0 : i32
      %dma_start3A_577 = tpu.memref_slice %arg9[%add3A_554, %dma_start3A_576] : memref<80x64xi32, #tpu.memory_space<vmem>> -> memref<1x64xi32, #tpu.memory_space<vmem>>
      %dma_start3A_578 = tpu.memref_squeeze %dma_start3A_577 : memref<1x64xi32, #tpu.memory_space<vmem>> -> memref<64xi32, #tpu.memory_space<vmem>>
      %dma_start3A_579 = arith.constant 0 : i32
      %dma_start3A_580 = arith.constant 0 : i32
      %dma_start3A_581 = tpu.memref_slice %arg13[%dma_start3A_579, %dma_start3A_580] : memref<10240x128xf32, #tpu.memory_space<vmem_shared>> -> memref<10240x128xf32, #tpu.memory_space<vmem_shared>>
      tpu.enqueue_indirect_dma source(%arg10 : memref<64x128xf32, #tpu.memory_space<vmem>>) target(%dma_start3A_581 : memref<10240x128xf32, #tpu.memory_space<vmem_shared>>) offsets(%dma_start3A_578 : memref<64xi32, #tpu.memory_space<vmem>>) semaphore(%arg17 : memref<!tpu.dma_semaphore, #tpu.memory_space<semaphore_mem>>) {add = true}
      "tpu.region"() ({
        %run_scoped3A_582 = tpu.sem_alloc : memref<!tpu.dma_semaphore, #tpu.memory_space<semaphore_mem>>
        %dma_start3A_583 = arith.constant 0 : i32
        %dma_start3A_584 = tpu.memref_slice %arg9[%add3A_554, %dma_start3A_583] : memref<80x64xi32, #tpu.memory_space<vmem>> -> memref<1x64xi32, #tpu.memory_space<vmem>>
        %dma_start3A_585 = tpu.memref_squeeze %dma_start3A_584 : memref<1x64xi32, #tpu.memory_space<vmem>> -> memref<64xi32, #tpu.memory_space<vmem>>
        %dma_start3A_586 = arith.constant 0 : i32
        %dma_start3A_587 = tpu.memref_slice %arg22[%dma_start3A_586] : memref<10240xf32, #tpu.memory_space<vmem_shared>> -> memref<10240xf32, #tpu.memory_space<vmem_shared>>
        tpu.enqueue_indirect_dma source(%arg20 : memref<64xf32, #tpu.memory_space<vmem>>) target(%dma_start3A_587 : memref<10240xf32, #tpu.memory_space<vmem_shared>>) offsets(%dma_start3A_585 : memref<64xi32, #tpu.memory_space<vmem>>) semaphore(%run_scoped3A_582 : memref<!tpu.dma_semaphore, #tpu.memory_space<semaphore_mem>>) {add = true}
        %dma_wait3A_588 = arith.constant 0 : i32
        %dma_wait3A_589 = tpu.memref_slice %arg9[%add3A_554, %dma_wait3A_588] : memref<80x64xi32, #tpu.memory_space<vmem>> -> memref<1x64xi32, #tpu.memory_space<vmem>>
        %dma_wait3A_590 = tpu.memref_squeeze %dma_wait3A_589 : memref<1x64xi32, #tpu.memory_space<vmem>> -> memref<64xi32, #tpu.memory_space<vmem>>
        %dma_wait3A_591 = arith.constant 0 : i32
        %dma_wait3A_592 = tpu.memref_slice %arg22[%dma_wait3A_591] : memref<10240xf32, #tpu.memory_space<vmem_shared>> -> memref<10240xf32, #tpu.memory_space<vmem_shared>>
        tpu.wait_indirect_dma semaphore(%run_scoped3A_582 : memref<!tpu.dma_semaphore, #tpu.memory_space<semaphore_mem>>) src(%arg20 : memref<64xf32, #tpu.memory_space<vmem>>) dst(%dma_wait3A_592 : memref<10240xf32, #tpu.memory_space<vmem_shared>>)
        tpu.yield
      }) : () -> ()
    }
    %scan3A_381 = arith.constant 25 : i32
    %dma_wait3A_382 = arith.constant 0 : i32
    %dma_wait3A_383 = arith.constant 0 : i32
    %dma_wait3A_384 = tpu.memref_slice %arg9[%dma_wait3A_382, %dma_wait3A_383] : memref<80x64xi32, #tpu.memory_space<vmem>> -> memref<1x64xi32, #tpu.memory_space<vmem>>
    %dma_wait3A_385 = tpu.memref_squeeze %dma_wait3A_384 : memref<1x64xi32, #tpu.memory_space<vmem>> -> memref<64xi32, #tpu.memory_space<vmem>>
    %dma_wait3A_386 = arith.constant 0 : i32
    %dma_wait3A_387 = arith.constant 0 : i32
    %dma_wait3A_388 = tpu.memref_slice %arg13[%dma_wait3A_386, %dma_wait3A_387] : memref<10240x128xf32, #tpu.memory_space<vmem_shared>> -> memref<10240x128xf32, #tpu.memory_space<vmem_shared>>
    tpu.wait_indirect_dma semaphore(%arg17 : memref<!tpu.dma_semaphore, #tpu.memory_space<semaphore_mem>>) src(%arg10 : memref<64x128xf32, #tpu.memory_space<vmem>>) dst(%dma_wait3A_388 : memref<10240x128xf32, #tpu.memory_space<vmem_shared>>)
    %dma_start3A_389 = arith.constant 78 : i32
    %dma_start3A_390 = arith.constant 0 : i32
    %dma_start3A_391 = tpu.memref_slice %arg8[%dma_start3A_389, %dma_start3A_390] : memref<80x64xi32, #tpu.memory_space<vmem>> -> memref<1x64xi32, #tpu.memory_space<vmem>>
    %dma_start3A_392 = tpu.memref_squeeze %dma_start3A_391 : memref<1x64xi32, #tpu.memory_space<vmem>> -> memref<64xi32, #tpu.memory_space<vmem>>
    %dma_start3A_393 = arith.constant 0 : i32
    %dma_start3A_394 = arith.constant 0 : i32
    %dma_start3A_395 = tpu.memref_slice %arg2[%dma_start3A_393, %dma_start3A_394] : memref<10240x128xf32, #tpu.memory_space<hbm>> -> memref<10240x128xf32, #tpu.memory_space<hbm>>
    tpu.enqueue_indirect_dma source(%dma_start3A_395 : memref<10240x128xf32, #tpu.memory_space<hbm>>) target(%arg10 : memref<64x128xf32, #tpu.memory_space<vmem>>) offsets(%dma_start3A_392 : memref<64xi32, #tpu.memory_space<vmem>>) semaphore(%arg14 : memref<!tpu.dma_semaphore, #tpu.memory_space<semaphore_mem>>)
    %dma_wait3A_396 = arith.constant 76 : i32
    %dma_wait3A_397 = arith.constant 0 : i32
    %dma_wait3A_398 = tpu.memref_slice %arg8[%dma_wait3A_396, %dma_wait3A_397] : memref<80x64xi32, #tpu.memory_space<vmem>> -> memref<1x64xi32, #tpu.memory_space<vmem>>
    %dma_wait3A_399 = tpu.memref_squeeze %dma_wait3A_398 : memref<1x64xi32, #tpu.memory_space<vmem>> -> memref<64xi32, #tpu.memory_space<vmem>>
    %dma_wait3A_400 = arith.constant 0 : i32
    %dma_wait3A_401 = arith.constant 0 : i32
    %dma_wait3A_402 = tpu.memref_slice %arg2[%dma_wait3A_400, %dma_wait3A_401] : memref<10240x128xf32, #tpu.memory_space<hbm>> -> memref<10240x128xf32, #tpu.memory_space<hbm>>
    tpu.wait_indirect_dma semaphore(%arg15 : memref<!tpu.dma_semaphore, #tpu.memory_space<semaphore_mem>>) src(%dma_wait3A_402 : memref<10240x128xf32, #tpu.memory_space<hbm>>) dst(%arg11 : memref<64x128xf32, #tpu.memory_space<vmem>>)
    %dma_start3A_403 = arith.constant 76 : i32
    %dma_start3A_404 = arith.constant 0 : i32
    %dma_start3A_405 = tpu.memref_slice %arg9[%dma_start3A_403, %dma_start3A_404] : memref<80x64xi32, #tpu.memory_space<vmem>> -> memref<1x64xi32, #tpu.memory_space<vmem>>
    %dma_start3A_406 = tpu.memref_squeeze %dma_start3A_405 : memref<1x64xi32, #tpu.memory_space<vmem>> -> memref<64xi32, #tpu.memory_space<vmem>>
    %dma_start3A_407 = arith.constant 0 : i32
    %dma_start3A_408 = arith.constant 0 : i32
    %dma_start3A_409 = tpu.memref_slice %arg13[%dma_start3A_407, %dma_start3A_408] : memref<10240x128xf32, #tpu.memory_space<vmem_shared>> -> memref<10240x128xf32, #tpu.memory_space<vmem_shared>>
    tpu.enqueue_indirect_dma source(%arg11 : memref<64x128xf32, #tpu.memory_space<vmem>>) target(%dma_start3A_409 : memref<10240x128xf32, #tpu.memory_space<vmem_shared>>) offsets(%dma_start3A_406 : memref<64xi32, #tpu.memory_space<vmem>>) semaphore(%arg18 : memref<!tpu.dma_semaphore, #tpu.memory_space<semaphore_mem>>) {add = true}
    %run_scoped3A_410 = arith.constant 76 : i32
    "tpu.region"() ({
      %run_scoped3A_492 = tpu.sem_alloc : memref<!tpu.dma_semaphore, #tpu.memory_space<semaphore_mem>>
      %dma_start3A_493 = arith.constant 0 : i32
      %dma_start3A_494 = tpu.memref_slice %arg9[%run_scoped3A_410, %dma_start3A_493] : memref<80x64xi32, #tpu.memory_space<vmem>> -> memref<1x64xi32, #tpu.memory_space<vmem>>
      %dma_start3A_495 = tpu.memref_squeeze %dma_start3A_494 : memref<1x64xi32, #tpu.memory_space<vmem>> -> memref<64xi32, #tpu.memory_space<vmem>>
      %dma_start3A_496 = arith.constant 0 : i32
      %dma_start3A_497 = tpu.memref_slice %arg22[%dma_start3A_496] : memref<10240xf32, #tpu.memory_space<vmem_shared>> -> memref<10240xf32, #tpu.memory_space<vmem_shared>>
      tpu.enqueue_indirect_dma source(%arg20 : memref<64xf32, #tpu.memory_space<vmem>>) target(%dma_start3A_497 : memref<10240xf32, #tpu.memory_space<vmem_shared>>) offsets(%dma_start3A_495 : memref<64xi32, #tpu.memory_space<vmem>>) semaphore(%run_scoped3A_492 : memref<!tpu.dma_semaphore, #tpu.memory_space<semaphore_mem>>) {add = true}
      %dma_wait3A_498 = arith.constant 0 : i32
      %dma_wait3A_499 = tpu.memref_slice %arg9[%run_scoped3A_410, %dma_wait3A_498] : memref<80x64xi32, #tpu.memory_space<vmem>> -> memref<1x64xi32, #tpu.memory_space<vmem>>
      %dma_wait3A_500 = tpu.memref_squeeze %dma_wait3A_499 : memref<1x64xi32, #tpu.memory_space<vmem>> -> memref<64xi32, #tpu.memory_space<vmem>>
      %dma_wait3A_501 = arith.constant 0 : i32
      %dma_wait3A_502 = tpu.memref_slice %arg22[%dma_wait3A_501] : memref<10240xf32, #tpu.memory_space<vmem_shared>> -> memref<10240xf32, #tpu.memory_space<vmem_shared>>
      tpu.wait_indirect_dma semaphore(%run_scoped3A_492 : memref<!tpu.dma_semaphore, #tpu.memory_space<semaphore_mem>>) src(%arg20 : memref<64xf32, #tpu.memory_space<vmem>>) dst(%dma_wait3A_502 : memref<10240xf32, #tpu.memory_space<vmem_shared>>)
      tpu.yield
    }) : () -> ()
    %dma_wait3A_411 = arith.constant 0 : i32
    %dma_wait3A_412 = arith.constant 0 : i32
    %dma_wait3A_413 = tpu.memref_slice %arg9[%dma_wait3A_411, %dma_wait3A_412] : memref<80x64xi32, #tpu.memory_space<vmem>> -> memref<1x64xi32, #tpu.memory_space<vmem>>
    %dma_wait3A_414 = tpu.memref_squeeze %dma_wait3A_413 : memref<1x64xi32, #tpu.memory_space<vmem>> -> memref<64xi32, #tpu.memory_space<vmem>>
    %dma_wait3A_415 = arith.constant 0 : i32
    %dma_wait3A_416 = arith.constant 0 : i32
    %dma_wait3A_417 = tpu.memref_slice %arg13[%dma_wait3A_415, %dma_wait3A_416] : memref<10240x128xf32, #tpu.memory_space<vmem_shared>> -> memref<10240x128xf32, #tpu.memory_space<vmem_shared>>
    tpu.wait_indirect_dma semaphore(%arg18 : memref<!tpu.dma_semaphore, #tpu.memory_space<semaphore_mem>>) src(%arg11 : memref<64x128xf32, #tpu.memory_space<vmem>>) dst(%dma_wait3A_417 : memref<10240x128xf32, #tpu.memory_space<vmem_shared>>)
    %dma_start3A_418 = arith.constant 79 : i32
    %dma_start3A_419 = arith.constant 0 : i32
    %dma_start3A_420 = tpu.memref_slice %arg8[%dma_start3A_418, %dma_start3A_419] : memref<80x64xi32, #tpu.memory_space<vmem>> -> memref<1x64xi32, #tpu.memory_space<vmem>>
    %dma_start3A_421 = tpu.memref_squeeze %dma_start3A_420 : memref<1x64xi32, #tpu.memory_space<vmem>> -> memref<64xi32, #tpu.memory_space<vmem>>
    %dma_start3A_422 = arith.constant 0 : i32
    %dma_start3A_423 = arith.constant 0 : i32
    %dma_start3A_424 = tpu.memref_slice %arg2[%dma_start3A_422, %dma_start3A_423] : memref<10240x128xf32, #tpu.memory_space<hbm>> -> memref<10240x128xf32, #tpu.memory_space<hbm>>
    tpu.enqueue_indirect_dma source(%dma_start3A_424 : memref<10240x128xf32, #tpu.memory_space<hbm>>) target(%arg11 : memref<64x128xf32, #tpu.memory_space<vmem>>) offsets(%dma_start3A_421 : memref<64xi32, #tpu.memory_space<vmem>>) semaphore(%arg15 : memref<!tpu.dma_semaphore, #tpu.memory_space<semaphore_mem>>)
    %dma_wait3A_425 = arith.constant 77 : i32
    %dma_wait3A_426 = arith.constant 0 : i32
    %dma_wait3A_427 = tpu.memref_slice %arg8[%dma_wait3A_425, %dma_wait3A_426] : memref<80x64xi32, #tpu.memory_space<vmem>> -> memref<1x64xi32, #tpu.memory_space<vmem>>
    %dma_wait3A_428 = tpu.memref_squeeze %dma_wait3A_427 : memref<1x64xi32, #tpu.memory_space<vmem>> -> memref<64xi32, #tpu.memory_space<vmem>>
    %dma_wait3A_429 = arith.constant 0 : i32
    %dma_wait3A_430 = arith.constant 0 : i32
    %dma_wait3A_431 = tpu.memref_slice %arg2[%dma_wait3A_429, %dma_wait3A_430] : memref<10240x128xf32, #tpu.memory_space<hbm>> -> memref<10240x128xf32, #tpu.memory_space<hbm>>
    tpu.wait_indirect_dma semaphore(%arg16 : memref<!tpu.dma_semaphore, #tpu.memory_space<semaphore_mem>>) src(%dma_wait3A_431 : memref<10240x128xf32, #tpu.memory_space<hbm>>) dst(%arg12 : memref<64x128xf32, #tpu.memory_space<vmem>>)
    %dma_start3A_432 = arith.constant 77 : i32
    %dma_start3A_433 = arith.constant 0 : i32
    %dma_start3A_434 = tpu.memref_slice %arg9[%dma_start3A_432, %dma_start3A_433] : memref<80x64xi32, #tpu.memory_space<vmem>> -> memref<1x64xi32, #tpu.memory_space<vmem>>
    %dma_start3A_435 = tpu.memref_squeeze %dma_start3A_434 : memref<1x64xi32, #tpu.memory_space<vmem>> -> memref<64xi32, #tpu.memory_space<vmem>>
    %dma_start3A_436 = arith.constant 0 : i32
    %dma_start3A_437 = arith.constant 0 : i32
    %dma_start3A_438 = tpu.memref_slice %arg13[%dma_start3A_436, %dma_start3A_437] : memref<10240x128xf32, #tpu.memory_space<vmem_shared>> -> memref<10240x128xf32, #tpu.memory_space<vmem_shared>>
    tpu.enqueue_indirect_dma source(%arg12 : memref<64x128xf32, #tpu.memory_space<vmem>>) target(%dma_start3A_438 : memref<10240x128xf32, #tpu.memory_space<vmem_shared>>) offsets(%dma_start3A_435 : memref<64xi32, #tpu.memory_space<vmem>>) semaphore(%arg19 : memref<!tpu.dma_semaphore, #tpu.memory_space<semaphore_mem>>) {add = true}
    %run_scoped3A_439 = arith.constant 77 : i32
    "tpu.region"() ({
      %run_scoped3A_492 = tpu.sem_alloc : memref<!tpu.dma_semaphore, #tpu.memory_space<semaphore_mem>>
      %dma_start3A_493 = arith.constant 0 : i32
      %dma_start3A_494 = tpu.memref_slice %arg9[%run_scoped3A_439, %dma_start3A_493] : memref<80x64xi32, #tpu.memory_space<vmem>> -> memref<1x64xi32, #tpu.memory_space<vmem>>
      %dma_start3A_495 = tpu.memref_squeeze %dma_start3A_494 : memref<1x64xi32, #tpu.memory_space<vmem>> -> memref<64xi32, #tpu.memory_space<vmem>>
      %dma_start3A_496 = arith.constant 0 : i32
      %dma_start3A_497 = tpu.memref_slice %arg22[%dma_start3A_496] : memref<10240xf32, #tpu.memory_space<vmem_shared>> -> memref<10240xf32, #tpu.memory_space<vmem_shared>>
      tpu.enqueue_indirect_dma source(%arg20 : memref<64xf32, #tpu.memory_space<vmem>>) target(%dma_start3A_497 : memref<10240xf32, #tpu.memory_space<vmem_shared>>) offsets(%dma_start3A_495 : memref<64xi32, #tpu.memory_space<vmem>>) semaphore(%run_scoped3A_492 : memref<!tpu.dma_semaphore, #tpu.memory_space<semaphore_mem>>) {add = true}
      %dma_wait3A_498 = arith.constant 0 : i32
      %dma_wait3A_499 = tpu.memref_slice %arg9[%run_scoped3A_439, %dma_wait3A_498] : memref<80x64xi32, #tpu.memory_space<vmem>> -> memref<1x64xi32, #tpu.memory_space<vmem>>
      %dma_wait3A_500 = tpu.memref_squeeze %dma_wait3A_499 : memref<1x64xi32, #tpu.memory_space<vmem>> -> memref<64xi32, #tpu.memory_space<vmem>>
      %dma_wait3A_501 = arith.constant 0 : i32
      %dma_wait3A_502 = tpu.memref_slice %arg22[%dma_wait3A_501] : memref<10240xf32, #tpu.memory_space<vmem_shared>> -> memref<10240xf32, #tpu.memory_space<vmem_shared>>
      tpu.wait_indirect_dma semaphore(%run_scoped3A_492 : memref<!tpu.dma_semaphore, #tpu.memory_space<semaphore_mem>>) src(%arg20 : memref<64xf32, #tpu.memory_space<vmem>>) dst(%dma_wait3A_502 : memref<10240xf32, #tpu.memory_space<vmem_shared>>)
      tpu.yield
    }) : () -> ()
    %dma_wait3A_440 = arith.constant 78 : i32
    %dma_wait3A_441 = arith.constant 0 : i32
    %dma_wait3A_442 = tpu.memref_slice %arg8[%dma_wait3A_440, %dma_wait3A_441] : memref<80x64xi32, #tpu.memory_space<vmem>> -> memref<1x64xi32, #tpu.memory_space<vmem>>
    %dma_wait3A_443 = tpu.memref_squeeze %dma_wait3A_442 : memref<1x64xi32, #tpu.memory_space<vmem>> -> memref<64xi32, #tpu.memory_space<vmem>>
    %dma_wait3A_444 = arith.constant 0 : i32
    %dma_wait3A_445 = arith.constant 0 : i32
    %dma_wait3A_446 = tpu.memref_slice %arg2[%dma_wait3A_444, %dma_wait3A_445] : memref<10240x128xf32, #tpu.memory_space<hbm>> -> memref<10240x128xf32, #tpu.memory_space<hbm>>
    tpu.wait_indirect_dma semaphore(%arg14 : memref<!tpu.dma_semaphore, #tpu.memory_space<semaphore_mem>>) src(%dma_wait3A_446 : memref<10240x128xf32, #tpu.memory_space<hbm>>) dst(%arg10 : memref<64x128xf32, #tpu.memory_space<vmem>>)
    %dma_start3A_447 = arith.constant 78 : i32
    %dma_start3A_448 = arith.constant 0 : i32
    %dma_start3A_449 = tpu.memref_slice %arg9[%dma_start3A_447, %dma_start3A_448] : memref<80x64xi32, #tpu.memory_space<vmem>> -> memref<1x64xi32, #tpu.memory_space<vmem>>
    %dma_start3A_450 = tpu.memref_squeeze %dma_start3A_449 : memref<1x64xi32, #tpu.memory_space<vmem>> -> memref<64xi32, #tpu.memory_space<vmem>>
    %dma_start3A_451 = arith.constant 0 : i32
    %dma_start3A_452 = arith.constant 0 : i32
    %dma_start3A_453 = tpu.memref_slice %arg13[%dma_start3A_451, %dma_start3A_452] : memref<10240x128xf32, #tpu.memory_space<vmem_shared>> -> memref<10240x128xf32, #tpu.memory_space<vmem_shared>>
    tpu.enqueue_indirect_dma source(%arg10 : memref<64x128xf32, #tpu.memory_space<vmem>>) target(%dma_start3A_453 : memref<10240x128xf32, #tpu.memory_space<vmem_shared>>) offsets(%dma_start3A_450 : memref<64xi32, #tpu.memory_space<vmem>>) semaphore(%arg17 : memref<!tpu.dma_semaphore, #tpu.memory_space<semaphore_mem>>) {add = true}
    %run_scoped3A_454 = arith.constant 78 : i32
    "tpu.region"() ({
      %run_scoped3A_492 = tpu.sem_alloc : memref<!tpu.dma_semaphore, #tpu.memory_space<semaphore_mem>>
      %dma_start3A_493 = arith.constant 0 : i32
      %dma_start3A_494 = tpu.memref_slice %arg9[%run_scoped3A_454, %dma_start3A_493] : memref<80x64xi32, #tpu.memory_space<vmem>> -> memref<1x64xi32, #tpu.memory_space<vmem>>
      %dma_start3A_495 = tpu.memref_squeeze %dma_start3A_494 : memref<1x64xi32, #tpu.memory_space<vmem>> -> memref<64xi32, #tpu.memory_space<vmem>>
      %dma_start3A_496 = arith.constant 0 : i32
      %dma_start3A_497 = tpu.memref_slice %arg22[%dma_start3A_496] : memref<10240xf32, #tpu.memory_space<vmem_shared>> -> memref<10240xf32, #tpu.memory_space<vmem_shared>>
      tpu.enqueue_indirect_dma source(%arg20 : memref<64xf32, #tpu.memory_space<vmem>>) target(%dma_start3A_497 : memref<10240xf32, #tpu.memory_space<vmem_shared>>) offsets(%dma_start3A_495 : memref<64xi32, #tpu.memory_space<vmem>>) semaphore(%run_scoped3A_492 : memref<!tpu.dma_semaphore, #tpu.memory_space<semaphore_mem>>) {add = true}
      %dma_wait3A_498 = arith.constant 0 : i32
      %dma_wait3A_499 = tpu.memref_slice %arg9[%run_scoped3A_454, %dma_wait3A_498] : memref<80x64xi32, #tpu.memory_space<vmem>> -> memref<1x64xi32, #tpu.memory_space<vmem>>
      %dma_wait3A_500 = tpu.memref_squeeze %dma_wait3A_499 : memref<1x64xi32, #tpu.memory_space<vmem>> -> memref<64xi32, #tpu.memory_space<vmem>>
      %dma_wait3A_501 = arith.constant 0 : i32
      %dma_wait3A_502 = tpu.memref_slice %arg22[%dma_wait3A_501] : memref<10240xf32, #tpu.memory_space<vmem_shared>> -> memref<10240xf32, #tpu.memory_space<vmem_shared>>
      tpu.wait_indirect_dma semaphore(%run_scoped3A_492 : memref<!tpu.dma_semaphore, #tpu.memory_space<semaphore_mem>>) src(%arg20 : memref<64xf32, #tpu.memory_space<vmem>>) dst(%dma_wait3A_502 : memref<10240xf32, #tpu.memory_space<vmem_shared>>)
      tpu.yield
    }) : () -> ()
    %dma_wait3A_455 = arith.constant 79 : i32
    %dma_wait3A_456 = arith.constant 0 : i32
    %dma_wait3A_457 = tpu.memref_slice %arg8[%dma_wait3A_455, %dma_wait3A_456] : memref<80x64xi32, #tpu.memory_space<vmem>> -> memref<1x64xi32, #tpu.memory_space<vmem>>
    %dma_wait3A_458 = tpu.memref_squeeze %dma_wait3A_457 : memref<1x64xi32, #tpu.memory_space<vmem>> -> memref<64xi32, #tpu.memory_space<vmem>>
    %dma_wait3A_459 = arith.constant 0 : i32
    %dma_wait3A_460 = arith.constant 0 : i32
    %dma_wait3A_461 = tpu.memref_slice %arg2[%dma_wait3A_459, %dma_wait3A_460] : memref<10240x128xf32, #tpu.memory_space<hbm>> -> memref<10240x128xf32, #tpu.memory_space<hbm>>
    tpu.wait_indirect_dma semaphore(%arg15 : memref<!tpu.dma_semaphore, #tpu.memory_space<semaphore_mem>>) src(%dma_wait3A_461 : memref<10240x128xf32, #tpu.memory_space<hbm>>) dst(%arg11 : memref<64x128xf32, #tpu.memory_space<vmem>>)
    %dma_start3A_462 = arith.constant 79 : i32
    %dma_start3A_463 = arith.constant 0 : i32
    %dma_start3A_464 = tpu.memref_slice %arg9[%dma_start3A_462, %dma_start3A_463] : memref<80x64xi32, #tpu.memory_space<vmem>> -> memref<1x64xi32, #tpu.memory_space<vmem>>
    %dma_start3A_465 = tpu.memref_squeeze %dma_start3A_464 : memref<1x64xi32, #tpu.memory_space<vmem>> -> memref<64xi32, #tpu.memory_space<vmem>>
    %dma_start3A_466 = arith.constant 0 : i32
    %dma_start3A_467 = arith.constant 0 : i32
    %dma_start3A_468 = tpu.memref_slice %arg13[%dma_start3A_466, %dma_start3A_467] : memref<10240x128xf32, #tpu.memory_space<vmem_shared>> -> memref<10240x128xf32, #tpu.memory_space<vmem_shared>>
    tpu.enqueue_indirect_dma source(%arg11 : memref<64x128xf32, #tpu.memory_space<vmem>>) target(%dma_start3A_468 : memref<10240x128xf32, #tpu.memory_space<vmem_shared>>) offsets(%dma_start3A_465 : memref<64xi32, #tpu.memory_space<vmem>>) semaphore(%arg18 : memref<!tpu.dma_semaphore, #tpu.memory_space<semaphore_mem>>) {add = true}
    %run_scoped3A_469 = arith.constant 79 : i32
    "tpu.region"() ({
      %run_scoped3A_492 = tpu.sem_alloc : memref<!tpu.dma_semaphore, #tpu.memory_space<semaphore_mem>>
      %dma_start3A_493 = arith.constant 0 : i32
      %dma_start3A_494 = tpu.memref_slice %arg9[%run_scoped3A_469, %dma_start3A_493] : memref<80x64xi32, #tpu.memory_space<vmem>> -> memref<1x64xi32, #tpu.memory_space<vmem>>
      %dma_start3A_495 = tpu.memref_squeeze %dma_start3A_494 : memref<1x64xi32, #tpu.memory_space<vmem>> -> memref<64xi32, #tpu.memory_space<vmem>>
      %dma_start3A_496 = arith.constant 0 : i32
      %dma_start3A_497 = tpu.memref_slice %arg22[%dma_start3A_496] : memref<10240xf32, #tpu.memory_space<vmem_shared>> -> memref<10240xf32, #tpu.memory_space<vmem_shared>>
      tpu.enqueue_indirect_dma source(%arg20 : memref<64xf32, #tpu.memory_space<vmem>>) target(%dma_start3A_497 : memref<10240xf32, #tpu.memory_space<vmem_shared>>) offsets(%dma_start3A_495 : memref<64xi32, #tpu.memory_space<vmem>>) semaphore(%run_scoped3A_492 : memref<!tpu.dma_semaphore, #tpu.memory_space<semaphore_mem>>) {add = true}
      %dma_wait3A_498 = arith.constant 0 : i32
      %dma_wait3A_499 = tpu.memref_slice %arg9[%run_scoped3A_469, %dma_wait3A_498] : memref<80x64xi32, #tpu.memory_space<vmem>> -> memref<1x64xi32, #tpu.memory_space<vmem>>
      %dma_wait3A_500 = tpu.memref_squeeze %dma_wait3A_499 : memref<1x64xi32, #tpu.memory_space<vmem>> -> memref<64xi32, #tpu.memory_space<vmem>>
      %dma_wait3A_501 = arith.constant 0 : i32
      %dma_wait3A_502 = tpu.memref_slice %arg22[%dma_wait3A_501] : memref<10240xf32, #tpu.memory_space<vmem_shared>> -> memref<10240xf32, #tpu.memory_space<vmem_shared>>
      tpu.wait_indirect_dma semaphore(%run_scoped3A_492 : memref<!tpu.dma_semaphore, #tpu.memory_space<semaphore_mem>>) src(%arg20 : memref<64xf32, #tpu.memory_space<vmem>>) dst(%dma_wait3A_502 : memref<10240xf32, #tpu.memory_space<vmem_shared>>)
      tpu.yield
    }) : () -> ()
    %dma_wait3A_470 = arith.constant 0 : i32
    %dma_wait3A_471 = arith.constant 0 : i32
    %dma_wait3A_472 = tpu.memref_slice %arg9[%dma_wait3A_470, %dma_wait3A_471] : memref<80x64xi32, #tpu.memory_space<vmem>> -> memref<1x64xi32, #tpu.memory_space<vmem>>
    %dma_wait3A_473 = tpu.memref_squeeze %dma_wait3A_472 : memref<1x64xi32, #tpu.memory_space<vmem>> -> memref<64xi32, #tpu.memory_space<vmem>>
    %dma_wait3A_474 = arith.constant 0 : i32
    %dma_wait3A_475 = arith.constant 0 : i32
    %dma_wait3A_476 = tpu.memref_slice %arg13[%dma_wait3A_474, %dma_wait3A_475] : memref<10240x128xf32, #tpu.memory_space<vmem_shared>> -> memref<10240x128xf32, #tpu.memory_space<vmem_shared>>
    tpu.wait_indirect_dma semaphore(%arg17 : memref<!tpu.dma_semaphore, #tpu.memory_space<semaphore_mem>>) src(%arg10 : memref<64x128xf32, #tpu.memory_space<vmem>>) dst(%dma_wait3A_476 : memref<10240x128xf32, #tpu.memory_space<vmem_shared>>)
    %dma_wait3A_477 = arith.constant 0 : i32
    %dma_wait3A_478 = arith.constant 0 : i32
    %dma_wait3A_479 = tpu.memref_slice %arg9[%dma_wait3A_477, %dma_wait3A_478] : memref<80x64xi32, #tpu.memory_space<vmem>> -> memref<1x64xi32, #tpu.memory_space<vmem>>
    %dma_wait3A_480 = tpu.memref_squeeze %dma_wait3A_479 : memref<1x64xi32, #tpu.memory_space<vmem>> -> memref<64xi32, #tpu.memory_space<vmem>>
    %dma_wait3A_481 = arith.constant 0 : i32
    %dma_wait3A_482 = arith.constant 0 : i32
    %dma_wait3A_483 = tpu.memref_slice %arg13[%dma_wait3A_481, %dma_wait3A_482] : memref<10240x128xf32, #tpu.memory_space<vmem_shared>> -> memref<10240x128xf32, #tpu.memory_space<vmem_shared>>
    tpu.wait_indirect_dma semaphore(%arg18 : memref<!tpu.dma_semaphore, #tpu.memory_space<semaphore_mem>>) src(%arg11 : memref<64x128xf32, #tpu.memory_space<vmem>>) dst(%dma_wait3A_483 : memref<10240x128xf32, #tpu.memory_space<vmem_shared>>)
    %dma_wait3A_484 = arith.constant 0 : i32
    %dma_wait3A_485 = arith.constant 0 : i32
    %dma_wait3A_486 = tpu.memref_slice %arg9[%dma_wait3A_484, %dma_wait3A_485] : memref<80x64xi32, #tpu.memory_space<vmem>> -> memref<1x64xi32, #tpu.memory_space<vmem>>
    %dma_wait3A_487 = tpu.memref_squeeze %dma_wait3A_486 : memref<1x64xi32, #tpu.memory_space<vmem>> -> memref<64xi32, #tpu.memory_space<vmem>>
    %dma_wait3A_488 = arith.constant 0 : i32
    %dma_wait3A_489 = arith.constant 0 : i32
    %dma_wait3A_490 = tpu.memref_slice %arg13[%dma_wait3A_488, %dma_wait3A_489] : memref<10240x128xf32, #tpu.memory_space<vmem_shared>> -> memref<10240x128xf32, #tpu.memory_space<vmem_shared>>
    tpu.wait_indirect_dma semaphore(%arg19 : memref<!tpu.dma_semaphore, #tpu.memory_space<semaphore_mem>>) src(%arg12 : memref<64x128xf32, #tpu.memory_space<vmem>>) dst(%dma_wait3A_490 : memref<10240x128xf32, #tpu.memory_space<vmem_shared>>)
    %barrier3A_491 = arith.constant 0 : index
    tpu.barrier barrier_id(%barrier3A_491)
    "tpu.region"() ({
      %run_scoped3A_492 = tpu.sem_alloc : memref<!tpu.dma_semaphore, #tpu.memory_space<semaphore_mem>>
      %dma_start3A_493 = arith.constant 0 : i32
      %dma_start3A_494 = tpu.memref_slice %arg6[%arg0, %mul3A_4, %dma_start3A_493] : memref<2x10240x128xf32, #tpu.memory_space<hbm>> -> memref<1x640x128xf32, #tpu.memory_space<hbm>>
      %dma_start3A_495 = tpu.memref_squeeze %dma_start3A_494 : memref<1x640x128xf32, #tpu.memory_space<hbm>> -> memref<640x128xf32, #tpu.memory_space<hbm>>
      %dma_start3A_496 = arith.constant 0 : i32
      %dma_start3A_497 = tpu.memref_slice %arg13[%mul3A_4, %dma_start3A_496] : memref<10240x128xf32, #tpu.memory_space<vmem_shared>> -> memref<640x128xf32, #tpu.memory_space<vmem_shared>>
      tpu.enqueue_dma source(%dma_start3A_497 : memref<640x128xf32, #tpu.memory_space<vmem_shared>>) target(%dma_start3A_495 : memref<640x128xf32, #tpu.memory_space<hbm>>) target_semaphore(%run_scoped3A_492 : memref<!tpu.dma_semaphore, #tpu.memory_space<semaphore_mem>>)
      %dma_wait3A_498 = arith.constant 0 : i32
      %dma_wait3A_499 = tpu.memref_slice %arg6[%arg0, %mul3A_4, %dma_wait3A_498] : memref<2x10240x128xf32, #tpu.memory_space<hbm>> -> memref<1x640x128xf32, #tpu.memory_space<hbm>>
      %dma_wait3A_500 = tpu.memref_squeeze %dma_wait3A_499 : memref<1x640x128xf32, #tpu.memory_space<hbm>> -> memref<640x128xf32, #tpu.memory_space<hbm>>
      %dma_wait3A_501 = arith.constant 0 : i32
      %dma_wait3A_502 = tpu.memref_slice %arg13[%mul3A_4, %dma_wait3A_501] : memref<10240x128xf32, #tpu.memory_space<vmem_shared>> -> memref<640x128xf32, #tpu.memory_space<vmem_shared>>
      tpu.wait_dma2 semaphore(%run_scoped3A_492 : memref<!tpu.dma_semaphore, #tpu.memory_space<semaphore_mem>>) src(%dma_wait3A_502 : memref<640x128xf32, #tpu.memory_space<vmem_shared>>) dst(%dma_wait3A_500 : memref<640x128xf32, #tpu.memory_space<hbm>>)
      tpu.yield
    }) : () -> ()
    "tpu.region"() ({
      %run_scoped3A_492 = tpu.sem_alloc : memref<!tpu.dma_semaphore, #tpu.memory_space<semaphore_mem>>
      %dma_start3A_493 = tpu.memref_slice %arg7[%arg0, %mul3A_4] : memref<2x10240xf32, #tpu.memory_space<hbm>> -> memref<1x640xf32, #tpu.memory_space<hbm>>
      %dma_start3A_494 = tpu.memref_squeeze %dma_start3A_493 : memref<1x640xf32, #tpu.memory_space<hbm>> -> memref<640xf32, #tpu.memory_space<hbm>>
      %dma_start3A_495 = tpu.memref_slice %arg22[%mul3A_4] : memref<10240xf32, #tpu.memory_space<vmem_shared>> -> memref<640xf32, #tpu.memory_space<vmem_shared>>
      tpu.enqueue_dma source(%dma_start3A_495 : memref<640xf32, #tpu.memory_space<vmem_shared>>) target(%dma_start3A_494 : memref<640xf32, #tpu.memory_space<hbm>>) target_semaphore(%run_scoped3A_492 : memref<!tpu.dma_semaphore, #tpu.memory_space<semaphore_mem>>)
      %dma_wait3A_496 = tpu.memref_slice %arg7[%arg0, %mul3A_4] : memref<2x10240xf32, #tpu.memory_space<hbm>> -> memref<1x640xf32, #tpu.memory_space<hbm>>
      %dma_wait3A_497 = tpu.memref_squeeze %dma_wait3A_496 : memref<1x640xf32, #tpu.memory_space<hbm>> -> memref<640xf32, #tpu.memory_space<hbm>>
      %dma_wait3A_498 = tpu.memref_slice %arg22[%mul3A_4] : memref<10240xf32, #tpu.memory_space<vmem_shared>> -> memref<640xf32, #tpu.memory_space<vmem_shared>>
      tpu.wait_dma2 semaphore(%run_scoped3A_492 : memref<!tpu.dma_semaphore, #tpu.memory_space<semaphore_mem>>) src(%dma_wait3A_498 : memref<640xf32, #tpu.memory_space<vmem_shared>>) dst(%dma_wait3A_497 : memref<640xf32, #tpu.memory_space<hbm>>)
      tpu.yield
    }) : () -> ()
    return
  }
}

#map = affine_map<(d0, d1) -> (0, 0)>
#map1 = affine_map<(d0, d1) -> (0, 0, 0)>
module attributes {stable_mosaic.version = 14 : i64} {
  func.func @body(%arg0: i32, %arg1: i32, %arg2: memref<10240x128xf32, #tpu.memory_space<hbm>>, %arg3: memref<5120x64xi32, #tpu.memory_space<hbm>>, %arg4: memref<5120x64xi32, #tpu.memory_space<hbm>>, %arg5: memref<640x128xf32, #tpu.memory_space<hbm>>, %arg6: memref<2x10240x128xf32, #tpu.memory_space<hbm>>, %arg7: memref<80x64xi32, #tpu.memory_space<vmem>>, %arg8: memref<80x64xi32, #tpu.memory_space<vmem>>, %arg9: memref<64x128xf32, #tpu.memory_space<vmem>>, %arg10: memref<64x128xf32, #tpu.memory_space<vmem>>, %arg11: memref<64x128xf32, #tpu.memory_space<vmem>>, %arg12: memref<10240x128xf32, #tpu.memory_space<vmem_shared>>, %arg13: memref<!tpu.dma_semaphore, #tpu.memory_space<semaphore_mem>>, %arg14: memref<!tpu.dma_semaphore, #tpu.memory_space<semaphore_mem>>, %arg15: memref<!tpu.dma_semaphore, #tpu.memory_space<semaphore_mem>>, %arg16: memref<!tpu.dma_semaphore, #tpu.memory_space<semaphore_mem>>, %arg17: memref<!tpu.dma_semaphore, #tpu.memory_space<semaphore_mem>>, %arg18: memref<!tpu.dma_semaphore, #tpu.memory_space<semaphore_mem>>) attributes {dimension_semantics = [#tpu.dimension_semantics<core_parallel>, #tpu.dimension_semantics<subcore_parallel>], iteration_bounds = array<i64: 2, 16>, scalar_prefetch = 0 : i64, scratch_operands = 12 : i64, tpu.core_type = #tpu.core_type<sc_vector_subcore>, window_params = [{transform_indices = #map}, {transform_indices = #map}, {transform_indices = #map}, {transform_indices = #map}, {transform_indices = #map1}]} {
    %mul3A = arith.constant 16 : i32
    %mul3A_0 = arith.muli %arg0, %mul3A : i32
    %add3A = arith.addi %mul3A_0, %arg1 : i32
    %mul3A_1 = arith.constant 160 : i32
    %mul3A_2 = arith.muli %add3A, %mul3A_1 : i32
    %mul3A_3 = arith.constant 640 : i32
    %mul3A_4 = arith.muli %arg1, %mul3A_3 : i32
    %eq3A = arith.constant 0 : i32
    %eq3A_5 = arith.cmpi eq, %arg0, %eq3A : i32
    %convert_element_type3A = arith.extui %eq3A_5 : i1 to i32
    %cond3A = arith.constant 0 : i32
    %cond3A_6 = arith.cmpi ne, %convert_element_type3A, %cond3A : i32
    scf.if %cond3A_6 {
      "tpu.region"() ({
        %run_scoped3A = tpu.sem_alloc : memref<!tpu.dma_semaphore, #tpu.memory_space<semaphore_mem>>
        %dma_start3A_305 = arith.constant 0 : i32
        %dma_start3A_306 = tpu.memref_slice %arg12[%mul3A_4, %dma_start3A_305] : memref<10240x128xf32, #tpu.memory_space<vmem_shared>> -> memref<640x128xf32, #tpu.memory_space<vmem_shared>>
        %dma_start3A_307 = arith.constant 0 : i32
        %dma_start3A_308 = tpu.memref_slice %arg2[%mul3A_4, %dma_start3A_307] : memref<10240x128xf32, #tpu.memory_space<hbm>> -> memref<640x128xf32, #tpu.memory_space<hbm>>
        tpu.enqueue_dma source(%dma_start3A_308 : memref<640x128xf32, #tpu.memory_space<hbm>>) target(%dma_start3A_306 : memref<640x128xf32, #tpu.memory_space<vmem_shared>>) target_semaphore(%run_scoped3A : memref<!tpu.dma_semaphore, #tpu.memory_space<semaphore_mem>>)
        %dma_wait3A_309 = arith.constant 0 : i32
        %dma_wait3A_310 = tpu.memref_slice %arg12[%mul3A_4, %dma_wait3A_309] : memref<10240x128xf32, #tpu.memory_space<vmem_shared>> -> memref<640x128xf32, #tpu.memory_space<vmem_shared>>
        %dma_wait3A_311 = arith.constant 0 : i32
        %dma_wait3A_312 = tpu.memref_slice %arg2[%mul3A_4, %dma_wait3A_311] : memref<10240x128xf32, #tpu.memory_space<hbm>> -> memref<640x128xf32, #tpu.memory_space<hbm>>
        tpu.wait_dma2 semaphore(%run_scoped3A : memref<!tpu.dma_semaphore, #tpu.memory_space<semaphore_mem>>) src(%dma_wait3A_312 : memref<640x128xf32, #tpu.memory_space<hbm>>) dst(%dma_wait3A_310 : memref<640x128xf32, #tpu.memory_space<vmem_shared>>)
        tpu.yield
      }) : () -> ()
    } else {
    }
    %ne3A = arith.constant 0 : i32
    %ne3A_7 = arith.cmpi ne, %arg0, %ne3A : i32
    %convert_element_type3A_8 = arith.extui %ne3A_7 : i1 to i32
    %cond3A_9 = arith.constant 0 : i32
    %cond3A_10 = arith.cmpi ne, %convert_element_type3A_8, %cond3A_9 : i32
    scf.if %cond3A_10 {
      "tpu.region"() ({
        %run_scoped3A = tpu.sem_alloc : memref<!tpu.dma_semaphore, #tpu.memory_space<semaphore_mem>>
        %dma_start3A_305 = arith.constant 0 : i32
        %dma_start3A_306 = tpu.memref_slice %arg12[%mul3A_4, %dma_start3A_305] : memref<10240x128xf32, #tpu.memory_space<vmem_shared>> -> memref<640x128xf32, #tpu.memory_space<vmem_shared>>
        tpu.enqueue_dma source(%arg5 : memref<640x128xf32, #tpu.memory_space<hbm>>) target(%dma_start3A_306 : memref<640x128xf32, #tpu.memory_space<vmem_shared>>) target_semaphore(%run_scoped3A : memref<!tpu.dma_semaphore, #tpu.memory_space<semaphore_mem>>)
        %dma_wait3A_307 = arith.constant 0 : i32
        %dma_wait3A_308 = tpu.memref_slice %arg12[%mul3A_4, %dma_wait3A_307] : memref<10240x128xf32, #tpu.memory_space<vmem_shared>> -> memref<640x128xf32, #tpu.memory_space<vmem_shared>>
        tpu.wait_dma2 semaphore(%run_scoped3A : memref<!tpu.dma_semaphore, #tpu.memory_space<semaphore_mem>>) src(%arg5 : memref<640x128xf32, #tpu.memory_space<hbm>>) dst(%dma_wait3A_308 : memref<640x128xf32, #tpu.memory_space<vmem_shared>>)
        tpu.yield
      }) : () -> ()
    } else {
    }
    %barrier3A = arith.constant 0 : index
    tpu.barrier barrier_id(%barrier3A)
    %add3A_11 = arith.constant 0 : i32
    %add3A_12 = arith.addi %mul3A_2, %add3A_11 : i32
    "tpu.region"() ({
      %run_scoped3A = tpu.sem_alloc : memref<!tpu.dma_semaphore, #tpu.memory_space<semaphore_mem>>
      %dma_start3A_305 = arith.constant 0 : i32
      %dma_start3A_306 = tpu.memref_slice %arg3[%add3A_12, %dma_start3A_305] : memref<5120x64xi32, #tpu.memory_space<hbm>> -> memref<80x64xi32, #tpu.memory_space<hbm>>
      %dma_start3A_307 = arith.constant 0 : i32
      %dma_start3A_308 = tpu.memref_slice %arg3[%add3A_12, %dma_start3A_307] : memref<5120x64xi32, #tpu.memory_space<hbm>> -> memref<80x64xi32, #tpu.memory_space<hbm>>
      tpu.enqueue_dma source(%dma_start3A_308 : memref<80x64xi32, #tpu.memory_space<hbm>>) target(%arg7 : memref<80x64xi32, #tpu.memory_space<vmem>>) target_semaphore(%run_scoped3A : memref<!tpu.dma_semaphore, #tpu.memory_space<semaphore_mem>>)
      %dma_wait3A_309 = arith.constant 0 : i32
      %dma_wait3A_310 = tpu.memref_slice %arg3[%add3A_12, %dma_wait3A_309] : memref<5120x64xi32, #tpu.memory_space<hbm>> -> memref<80x64xi32, #tpu.memory_space<hbm>>
      %dma_wait3A_311 = arith.constant 0 : i32
      %dma_wait3A_312 = tpu.memref_slice %arg3[%add3A_12, %dma_wait3A_311] : memref<5120x64xi32, #tpu.memory_space<hbm>> -> memref<80x64xi32, #tpu.memory_space<hbm>>
      tpu.wait_dma2 semaphore(%run_scoped3A : memref<!tpu.dma_semaphore, #tpu.memory_space<semaphore_mem>>) src(%dma_wait3A_312 : memref<80x64xi32, #tpu.memory_space<hbm>>) dst(%arg7 : memref<80x64xi32, #tpu.memory_space<vmem>>)
      tpu.yield
    }) : () -> ()
    "tpu.region"() ({
      %run_scoped3A = tpu.sem_alloc : memref<!tpu.dma_semaphore, #tpu.memory_space<semaphore_mem>>
      %dma_start3A_305 = arith.constant 0 : i32
      %dma_start3A_306 = tpu.memref_slice %arg4[%add3A_12, %dma_start3A_305] : memref<5120x64xi32, #tpu.memory_space<hbm>> -> memref<80x64xi32, #tpu.memory_space<hbm>>
      %dma_start3A_307 = arith.constant 0 : i32
      %dma_start3A_308 = tpu.memref_slice %arg4[%add3A_12, %dma_start3A_307] : memref<5120x64xi32, #tpu.memory_space<hbm>> -> memref<80x64xi32, #tpu.memory_space<hbm>>
      tpu.enqueue_dma source(%dma_start3A_308 : memref<80x64xi32, #tpu.memory_space<hbm>>) target(%arg8 : memref<80x64xi32, #tpu.memory_space<vmem>>) target_semaphore(%run_scoped3A : memref<!tpu.dma_semaphore, #tpu.memory_space<semaphore_mem>>)
      %dma_wait3A_309 = arith.constant 0 : i32
      %dma_wait3A_310 = tpu.memref_slice %arg4[%add3A_12, %dma_wait3A_309] : memref<5120x64xi32, #tpu.memory_space<hbm>> -> memref<80x64xi32, #tpu.memory_space<hbm>>
      %dma_wait3A_311 = arith.constant 0 : i32
      %dma_wait3A_312 = tpu.memref_slice %arg4[%add3A_12, %dma_wait3A_311] : memref<5120x64xi32, #tpu.memory_space<hbm>> -> memref<80x64xi32, #tpu.memory_space<hbm>>
      tpu.wait_dma2 semaphore(%run_scoped3A : memref<!tpu.dma_semaphore, #tpu.memory_space<semaphore_mem>>) src(%dma_wait3A_312 : memref<80x64xi32, #tpu.memory_space<hbm>>) dst(%arg8 : memref<80x64xi32, #tpu.memory_space<vmem>>)
      tpu.yield
    }) : () -> ()
    %dma_start3A = arith.constant 0 : i32
    %dma_start3A_13 = arith.constant 0 : i32
    %dma_start3A_14 = tpu.memref_slice %arg7[%dma_start3A, %dma_start3A_13] : memref<80x64xi32, #tpu.memory_space<vmem>> -> memref<1x64xi32, #tpu.memory_space<vmem>>
    %dma_start3A_15 = tpu.memref_squeeze %dma_start3A_14 : memref<1x64xi32, #tpu.memory_space<vmem>> -> memref<64xi32, #tpu.memory_space<vmem>>
    %dma_start3A_16 = arith.constant 0 : i32
    %dma_start3A_17 = arith.constant 0 : i32
    %dma_start3A_18 = tpu.memref_slice %arg2[%dma_start3A_16, %dma_start3A_17] : memref<10240x128xf32, #tpu.memory_space<hbm>> -> memref<10240x128xf32, #tpu.memory_space<hbm>>
    tpu.enqueue_indirect_dma source(%dma_start3A_18 : memref<10240x128xf32, #tpu.memory_space<hbm>>) target(%arg9 : memref<64x128xf32, #tpu.memory_space<vmem>>) offsets(%dma_start3A_15 : memref<64xi32, #tpu.memory_space<vmem>>) semaphore(%arg13 : memref<!tpu.dma_semaphore, #tpu.memory_space<semaphore_mem>>)
    %dma_start3A_19 = arith.constant 1 : i32
    %dma_start3A_20 = arith.constant 0 : i32
    %dma_start3A_21 = tpu.memref_slice %arg7[%dma_start3A_19, %dma_start3A_20] : memref<80x64xi32, #tpu.memory_space<vmem>> -> memref<1x64xi32, #tpu.memory_space<vmem>>
    %dma_start3A_22 = tpu.memref_squeeze %dma_start3A_21 : memref<1x64xi32, #tpu.memory_space<vmem>> -> memref<64xi32, #tpu.memory_space<vmem>>
    %dma_start3A_23 = arith.constant 0 : i32
    %dma_start3A_24 = arith.constant 0 : i32
    %dma_start3A_25 = tpu.memref_slice %arg2[%dma_start3A_23, %dma_start3A_24] : memref<10240x128xf32, #tpu.memory_space<hbm>> -> memref<10240x128xf32, #tpu.memory_space<hbm>>
    tpu.enqueue_indirect_dma source(%dma_start3A_25 : memref<10240x128xf32, #tpu.memory_space<hbm>>) target(%arg10 : memref<64x128xf32, #tpu.memory_space<vmem>>) offsets(%dma_start3A_22 : memref<64xi32, #tpu.memory_space<vmem>>) semaphore(%arg14 : memref<!tpu.dma_semaphore, #tpu.memory_space<semaphore_mem>>)
    %dma_start3A_26 = arith.constant 2 : i32
    %dma_start3A_27 = arith.constant 0 : i32
    %dma_start3A_28 = tpu.memref_slice %arg7[%dma_start3A_26, %dma_start3A_27] : memref<80x64xi32, #tpu.memory_space<vmem>> -> memref<1x64xi32, #tpu.memory_space<vmem>>
    %dma_start3A_29 = tpu.memref_squeeze %dma_start3A_28 : memref<1x64xi32, #tpu.memory_space<vmem>> -> memref<64xi32, #tpu.memory_space<vmem>>
    %dma_start3A_30 = arith.constant 0 : i32
    %dma_start3A_31 = arith.constant 0 : i32
    %dma_start3A_32 = tpu.memref_slice %arg2[%dma_start3A_30, %dma_start3A_31] : memref<10240x128xf32, #tpu.memory_space<hbm>> -> memref<10240x128xf32, #tpu.memory_space<hbm>>
    tpu.enqueue_indirect_dma source(%dma_start3A_32 : memref<10240x128xf32, #tpu.memory_space<hbm>>) target(%arg11 : memref<64x128xf32, #tpu.memory_space<vmem>>) offsets(%dma_start3A_29 : memref<64xi32, #tpu.memory_space<vmem>>) semaphore(%arg15 : memref<!tpu.dma_semaphore, #tpu.memory_space<semaphore_mem>>)
    %dma_wait3A = arith.constant 0 : i32
    %dma_wait3A_33 = arith.constant 0 : i32
    %dma_wait3A_34 = tpu.memref_slice %arg7[%dma_wait3A, %dma_wait3A_33] : memref<80x64xi32, #tpu.memory_space<vmem>> -> memref<1x64xi32, #tpu.memory_space<vmem>>
    %dma_wait3A_35 = tpu.memref_squeeze %dma_wait3A_34 : memref<1x64xi32, #tpu.memory_space<vmem>> -> memref<64xi32, #tpu.memory_space<vmem>>
    %dma_wait3A_36 = arith.constant 0 : i32
    %dma_wait3A_37 = arith.constant 0 : i32
    %dma_wait3A_38 = tpu.memref_slice %arg2[%dma_wait3A_36, %dma_wait3A_37] : memref<10240x128xf32, #tpu.memory_space<hbm>> -> memref<10240x128xf32, #tpu.memory_space<hbm>>
    tpu.wait_indirect_dma semaphore(%arg13 : memref<!tpu.dma_semaphore, #tpu.memory_space<semaphore_mem>>) src(%dma_wait3A_38 : memref<10240x128xf32, #tpu.memory_space<hbm>>) dst(%arg9 : memref<64x128xf32, #tpu.memory_space<vmem>>)
    %dma_start3A_39 = arith.constant 0 : i32
    %dma_start3A_40 = arith.constant 0 : i32
    %dma_start3A_41 = tpu.memref_slice %arg8[%dma_start3A_39, %dma_start3A_40] : memref<80x64xi32, #tpu.memory_space<vmem>> -> memref<1x64xi32, #tpu.memory_space<vmem>>
    %dma_start3A_42 = tpu.memref_squeeze %dma_start3A_41 : memref<1x64xi32, #tpu.memory_space<vmem>> -> memref<64xi32, #tpu.memory_space<vmem>>
    %dma_start3A_43 = arith.constant 0 : i32
    %dma_start3A_44 = arith.constant 0 : i32
    %dma_start3A_45 = tpu.memref_slice %arg12[%dma_start3A_43, %dma_start3A_44] : memref<10240x128xf32, #tpu.memory_space<vmem_shared>> -> memref<10240x128xf32, #tpu.memory_space<vmem_shared>>
    tpu.enqueue_indirect_dma source(%arg9 : memref<64x128xf32, #tpu.memory_space<vmem>>) target(%dma_start3A_45 : memref<10240x128xf32, #tpu.memory_space<vmem_shared>>) offsets(%dma_start3A_42 : memref<64xi32, #tpu.memory_space<vmem>>) semaphore(%arg16 : memref<!tpu.dma_semaphore, #tpu.memory_space<semaphore_mem>>) {add = true}
    %scan3A = arith.constant 0 : i32
    %scan3A_46 = arith.constant 0 : i32
    %scan3A_47 = arith.constant 25 : i32
    %scan3A_48 = arith.addi %scan3A_46, %scan3A_47 : i32
    %scan3A_49 = arith.constant 1 : i32
    scf.for %scan3A_305 = %scan3A_46 to %scan3A_48 step %scan3A_49  : i32 {
      %mul3A_306 = arith.constant 3 : i32
      %mul3A_307 = arith.muli %mul3A_306, %scan3A_305 : i32
      %add3A_308 = arith.constant 1 : i32
      %add3A_309 = arith.addi %mul3A_307, %add3A_308 : i32
      %dma_wait3A_310 = arith.constant 0 : i32
      %dma_wait3A_311 = arith.constant 0 : i32
      %dma_wait3A_312 = tpu.memref_slice %arg8[%dma_wait3A_310, %dma_wait3A_311] : memref<80x64xi32, #tpu.memory_space<vmem>> -> memref<1x64xi32, #tpu.memory_space<vmem>>
      %dma_wait3A_313 = tpu.memref_squeeze %dma_wait3A_312 : memref<1x64xi32, #tpu.memory_space<vmem>> -> memref<64xi32, #tpu.memory_space<vmem>>
      %dma_wait3A_314 = arith.constant 0 : i32
      %dma_wait3A_315 = arith.constant 0 : i32
      %dma_wait3A_316 = tpu.memref_slice %arg12[%dma_wait3A_314, %dma_wait3A_315] : memref<10240x128xf32, #tpu.memory_space<vmem_shared>> -> memref<10240x128xf32, #tpu.memory_space<vmem_shared>>
      tpu.wait_indirect_dma semaphore(%arg16 : memref<!tpu.dma_semaphore, #tpu.memory_space<semaphore_mem>>) src(%arg9 : memref<64x128xf32, #tpu.memory_space<vmem>>) dst(%dma_wait3A_316 : memref<10240x128xf32, #tpu.memory_space<vmem_shared>>)
      %add3A_317 = arith.constant 2 : i32
      %add3A_318 = arith.addi %add3A_309, %add3A_317 : i32
      %dma_start3A_319 = arith.constant 0 : i32
      %dma_start3A_320 = tpu.memref_slice %arg7[%add3A_318, %dma_start3A_319] : memref<80x64xi32, #tpu.memory_space<vmem>> -> memref<1x64xi32, #tpu.memory_space<vmem>>
      %dma_start3A_321 = tpu.memref_squeeze %dma_start3A_320 : memref<1x64xi32, #tpu.memory_space<vmem>> -> memref<64xi32, #tpu.memory_space<vmem>>
      %dma_start3A_322 = arith.constant 0 : i32
      %dma_start3A_323 = arith.constant 0 : i32
      %dma_start3A_324 = tpu.memref_slice %arg2[%dma_start3A_322, %dma_start3A_323] : memref<10240x128xf32, #tpu.memory_space<hbm>> -> memref<10240x128xf32, #tpu.memory_space<hbm>>
      tpu.enqueue_indirect_dma source(%dma_start3A_324 : memref<10240x128xf32, #tpu.memory_space<hbm>>) target(%arg9 : memref<64x128xf32, #tpu.memory_space<vmem>>) offsets(%dma_start3A_321 : memref<64xi32, #tpu.memory_space<vmem>>) semaphore(%arg13 : memref<!tpu.dma_semaphore, #tpu.memory_space<semaphore_mem>>)
      %dma_wait3A_325 = arith.constant 0 : i32
      %dma_wait3A_326 = tpu.memref_slice %arg7[%add3A_309, %dma_wait3A_325] : memref<80x64xi32, #tpu.memory_space<vmem>> -> memref<1x64xi32, #tpu.memory_space<vmem>>
      %dma_wait3A_327 = tpu.memref_squeeze %dma_wait3A_326 : memref<1x64xi32, #tpu.memory_space<vmem>> -> memref<64xi32, #tpu.memory_space<vmem>>
      %dma_wait3A_328 = arith.constant 0 : i32
      %dma_wait3A_329 = arith.constant 0 : i32
      %dma_wait3A_330 = tpu.memref_slice %arg2[%dma_wait3A_328, %dma_wait3A_329] : memref<10240x128xf32, #tpu.memory_space<hbm>> -> memref<10240x128xf32, #tpu.memory_space<hbm>>
      tpu.wait_indirect_dma semaphore(%arg14 : memref<!tpu.dma_semaphore, #tpu.memory_space<semaphore_mem>>) src(%dma_wait3A_330 : memref<10240x128xf32, #tpu.memory_space<hbm>>) dst(%arg10 : memref<64x128xf32, #tpu.memory_space<vmem>>)
      %dma_start3A_331 = arith.constant 0 : i32
      %dma_start3A_332 = tpu.memref_slice %arg8[%add3A_309, %dma_start3A_331] : memref<80x64xi32, #tpu.memory_space<vmem>> -> memref<1x64xi32, #tpu.memory_space<vmem>>
      %dma_start3A_333 = tpu.memref_squeeze %dma_start3A_332 : memref<1x64xi32, #tpu.memory_space<vmem>> -> memref<64xi32, #tpu.memory_space<vmem>>
      %dma_start3A_334 = arith.constant 0 : i32
      %dma_start3A_335 = arith.constant 0 : i32
      %dma_start3A_336 = tpu.memref_slice %arg12[%dma_start3A_334, %dma_start3A_335] : memref<10240x128xf32, #tpu.memory_space<vmem_shared>> -> memref<10240x128xf32, #tpu.memory_space<vmem_shared>>
      tpu.enqueue_indirect_dma source(%arg10 : memref<64x128xf32, #tpu.memory_space<vmem>>) target(%dma_start3A_336 : memref<10240x128xf32, #tpu.memory_space<vmem_shared>>) offsets(%dma_start3A_333 : memref<64xi32, #tpu.memory_space<vmem>>) semaphore(%arg17 : memref<!tpu.dma_semaphore, #tpu.memory_space<semaphore_mem>>) {add = true}
      %add3A_337 = arith.constant 1 : i32
      %add3A_338 = arith.addi %add3A_309, %add3A_337 : i32
      %dma_wait3A_339 = arith.constant 0 : i32
      %dma_wait3A_340 = arith.constant 0 : i32
      %dma_wait3A_341 = tpu.memref_slice %arg8[%dma_wait3A_339, %dma_wait3A_340] : memref<80x64xi32, #tpu.memory_space<vmem>> -> memref<1x64xi32, #tpu.memory_space<vmem>>
      %dma_wait3A_342 = tpu.memref_squeeze %dma_wait3A_341 : memref<1x64xi32, #tpu.memory_space<vmem>> -> memref<64xi32, #tpu.memory_space<vmem>>
      %dma_wait3A_343 = arith.constant 0 : i32
      %dma_wait3A_344 = arith.constant 0 : i32
      %dma_wait3A_345 = tpu.memref_slice %arg12[%dma_wait3A_343, %dma_wait3A_344] : memref<10240x128xf32, #tpu.memory_space<vmem_shared>> -> memref<10240x128xf32, #tpu.memory_space<vmem_shared>>
      tpu.wait_indirect_dma semaphore(%arg17 : memref<!tpu.dma_semaphore, #tpu.memory_space<semaphore_mem>>) src(%arg10 : memref<64x128xf32, #tpu.memory_space<vmem>>) dst(%dma_wait3A_345 : memref<10240x128xf32, #tpu.memory_space<vmem_shared>>)
      %add3A_346 = arith.constant 2 : i32
      %add3A_347 = arith.addi %add3A_338, %add3A_346 : i32
      %dma_start3A_348 = arith.constant 0 : i32
      %dma_start3A_349 = tpu.memref_slice %arg7[%add3A_347, %dma_start3A_348] : memref<80x64xi32, #tpu.memory_space<vmem>> -> memref<1x64xi32, #tpu.memory_space<vmem>>
      %dma_start3A_350 = tpu.memref_squeeze %dma_start3A_349 : memref<1x64xi32, #tpu.memory_space<vmem>> -> memref<64xi32, #tpu.memory_space<vmem>>
      %dma_start3A_351 = arith.constant 0 : i32
      %dma_start3A_352 = arith.constant 0 : i32
      %dma_start3A_353 = tpu.memref_slice %arg2[%dma_start3A_351, %dma_start3A_352] : memref<10240x128xf32, #tpu.memory_space<hbm>> -> memref<10240x128xf32, #tpu.memory_space<hbm>>
      tpu.enqueue_indirect_dma source(%dma_start3A_353 : memref<10240x128xf32, #tpu.memory_space<hbm>>) target(%arg10 : memref<64x128xf32, #tpu.memory_space<vmem>>) offsets(%dma_start3A_350 : memref<64xi32, #tpu.memory_space<vmem>>) semaphore(%arg14 : memref<!tpu.dma_semaphore, #tpu.memory_space<semaphore_mem>>)
      %dma_wait3A_354 = arith.constant 0 : i32
      %dma_wait3A_355 = tpu.memref_slice %arg7[%add3A_338, %dma_wait3A_354] : memref<80x64xi32, #tpu.memory_space<vmem>> -> memref<1x64xi32, #tpu.memory_space<vmem>>
      %dma_wait3A_356 = tpu.memref_squeeze %dma_wait3A_355 : memref<1x64xi32, #tpu.memory_space<vmem>> -> memref<64xi32, #tpu.memory_space<vmem>>
      %dma_wait3A_357 = arith.constant 0 : i32
      %dma_wait3A_358 = arith.constant 0 : i32
      %dma_wait3A_359 = tpu.memref_slice %arg2[%dma_wait3A_357, %dma_wait3A_358] : memref<10240x128xf32, #tpu.memory_space<hbm>> -> memref<10240x128xf32, #tpu.memory_space<hbm>>
      tpu.wait_indirect_dma semaphore(%arg15 : memref<!tpu.dma_semaphore, #tpu.memory_space<semaphore_mem>>) src(%dma_wait3A_359 : memref<10240x128xf32, #tpu.memory_space<hbm>>) dst(%arg11 : memref<64x128xf32, #tpu.memory_space<vmem>>)
      %dma_start3A_360 = arith.constant 0 : i32
      %dma_start3A_361 = tpu.memref_slice %arg8[%add3A_338, %dma_start3A_360] : memref<80x64xi32, #tpu.memory_space<vmem>> -> memref<1x64xi32, #tpu.memory_space<vmem>>
      %dma_start3A_362 = tpu.memref_squeeze %dma_start3A_361 : memref<1x64xi32, #tpu.memory_space<vmem>> -> memref<64xi32, #tpu.memory_space<vmem>>
      %dma_start3A_363 = arith.constant 0 : i32
      %dma_start3A_364 = arith.constant 0 : i32
      %dma_start3A_365 = tpu.memref_slice %arg12[%dma_start3A_363, %dma_start3A_364] : memref<10240x128xf32, #tpu.memory_space<vmem_shared>> -> memref<10240x128xf32, #tpu.memory_space<vmem_shared>>
      tpu.enqueue_indirect_dma source(%arg11 : memref<64x128xf32, #tpu.memory_space<vmem>>) target(%dma_start3A_365 : memref<10240x128xf32, #tpu.memory_space<vmem_shared>>) offsets(%dma_start3A_362 : memref<64xi32, #tpu.memory_space<vmem>>) semaphore(%arg18 : memref<!tpu.dma_semaphore, #tpu.memory_space<semaphore_mem>>) {add = true}
      %add3A_366 = arith.constant 2 : i32
      %add3A_367 = arith.addi %add3A_309, %add3A_366 : i32
      %dma_wait3A_368 = arith.constant 0 : i32
      %dma_wait3A_369 = arith.constant 0 : i32
      %dma_wait3A_370 = tpu.memref_slice %arg8[%dma_wait3A_368, %dma_wait3A_369] : memref<80x64xi32, #tpu.memory_space<vmem>> -> memref<1x64xi32, #tpu.memory_space<vmem>>
      %dma_wait3A_371 = tpu.memref_squeeze %dma_wait3A_370 : memref<1x64xi32, #tpu.memory_space<vmem>> -> memref<64xi32, #tpu.memory_space<vmem>>
      %dma_wait3A_372 = arith.constant 0 : i32
      %dma_wait3A_373 = arith.constant 0 : i32
      %dma_wait3A_374 = tpu.memref_slice %arg12[%dma_wait3A_372, %dma_wait3A_373] : memref<10240x128xf32, #tpu.memory_space<vmem_shared>> -> memref<10240x128xf32, #tpu.memory_space<vmem_shared>>
      tpu.wait_indirect_dma semaphore(%arg18 : memref<!tpu.dma_semaphore, #tpu.memory_space<semaphore_mem>>) src(%arg11 : memref<64x128xf32, #tpu.memory_space<vmem>>) dst(%dma_wait3A_374 : memref<10240x128xf32, #tpu.memory_space<vmem_shared>>)
      %add3A_375 = arith.constant 2 : i32
      %add3A_376 = arith.addi %add3A_367, %add3A_375 : i32
      %dma_start3A_377 = arith.constant 0 : i32
      %dma_start3A_378 = tpu.memref_slice %arg7[%add3A_376, %dma_start3A_377] : memref<80x64xi32, #tpu.memory_space<vmem>> -> memref<1x64xi32, #tpu.memory_space<vmem>>
      %dma_start3A_379 = tpu.memref_squeeze %dma_start3A_378 : memref<1x64xi32, #tpu.memory_space<vmem>> -> memref<64xi32, #tpu.memory_space<vmem>>
      %dma_start3A_380 = arith.constant 0 : i32
      %dma_start3A_381 = arith.constant 0 : i32
      %dma_start3A_382 = tpu.memref_slice %arg2[%dma_start3A_380, %dma_start3A_381] : memref<10240x128xf32, #tpu.memory_space<hbm>> -> memref<10240x128xf32, #tpu.memory_space<hbm>>
      tpu.enqueue_indirect_dma source(%dma_start3A_382 : memref<10240x128xf32, #tpu.memory_space<hbm>>) target(%arg11 : memref<64x128xf32, #tpu.memory_space<vmem>>) offsets(%dma_start3A_379 : memref<64xi32, #tpu.memory_space<vmem>>) semaphore(%arg15 : memref<!tpu.dma_semaphore, #tpu.memory_space<semaphore_mem>>)
      %dma_wait3A_383 = arith.constant 0 : i32
      %dma_wait3A_384 = tpu.memref_slice %arg7[%add3A_367, %dma_wait3A_383] : memref<80x64xi32, #tpu.memory_space<vmem>> -> memref<1x64xi32, #tpu.memory_space<vmem>>
      %dma_wait3A_385 = tpu.memref_squeeze %dma_wait3A_384 : memref<1x64xi32, #tpu.memory_space<vmem>> -> memref<64xi32, #tpu.memory_space<vmem>>
      %dma_wait3A_386 = arith.constant 0 : i32
      %dma_wait3A_387 = arith.constant 0 : i32
      %dma_wait3A_388 = tpu.memref_slice %arg2[%dma_wait3A_386, %dma_wait3A_387] : memref<10240x128xf32, #tpu.memory_space<hbm>> -> memref<10240x128xf32, #tpu.memory_space<hbm>>
      tpu.wait_indirect_dma semaphore(%arg13 : memref<!tpu.dma_semaphore, #tpu.memory_space<semaphore_mem>>) src(%dma_wait3A_388 : memref<10240x128xf32, #tpu.memory_space<hbm>>) dst(%arg9 : memref<64x128xf32, #tpu.memory_space<vmem>>)
      %dma_start3A_389 = arith.constant 0 : i32
      %dma_start3A_390 = tpu.memref_slice %arg8[%add3A_367, %dma_start3A_389] : memref<80x64xi32, #tpu.memory_space<vmem>> -> memref<1x64xi32, #tpu.memory_space<vmem>>
      %dma_start3A_391 = tpu.memref_squeeze %dma_start3A_390 : memref<1x64xi32, #tpu.memory_space<vmem>> -> memref<64xi32, #tpu.memory_space<vmem>>
      %dma_start3A_392 = arith.constant 0 : i32
      %dma_start3A_393 = arith.constant 0 : i32
      %dma_start3A_394 = tpu.memref_slice %arg12[%dma_start3A_392, %dma_start3A_393] : memref<10240x128xf32, #tpu.memory_space<vmem_shared>> -> memref<10240x128xf32, #tpu.memory_space<vmem_shared>>
      tpu.enqueue_indirect_dma source(%arg9 : memref<64x128xf32, #tpu.memory_space<vmem>>) target(%dma_start3A_394 : memref<10240x128xf32, #tpu.memory_space<vmem_shared>>) offsets(%dma_start3A_391 : memref<64xi32, #tpu.memory_space<vmem>>) semaphore(%arg16 : memref<!tpu.dma_semaphore, #tpu.memory_space<semaphore_mem>>) {add = true}
    }
    %scan3A_50 = arith.constant 25 : i32
    %dma_wait3A_51 = arith.constant 0 : i32
    %dma_wait3A_52 = arith.constant 0 : i32
    %dma_wait3A_53 = tpu.memref_slice %arg8[%dma_wait3A_51, %dma_wait3A_52] : memref<80x64xi32, #tpu.memory_space<vmem>> -> memref<1x64xi32, #tpu.memory_space<vmem>>
    %dma_wait3A_54 = tpu.memref_squeeze %dma_wait3A_53 : memref<1x64xi32, #tpu.memory_space<vmem>> -> memref<64xi32, #tpu.memory_space<vmem>>
    %dma_wait3A_55 = arith.constant 0 : i32
    %dma_wait3A_56 = arith.constant 0 : i32
    %dma_wait3A_57 = tpu.memref_slice %arg12[%dma_wait3A_55, %dma_wait3A_56] : memref<10240x128xf32, #tpu.memory_space<vmem_shared>> -> memref<10240x128xf32, #tpu.memory_space<vmem_shared>>
    tpu.wait_indirect_dma semaphore(%arg16 : memref<!tpu.dma_semaphore, #tpu.memory_space<semaphore_mem>>) src(%arg9 : memref<64x128xf32, #tpu.memory_space<vmem>>) dst(%dma_wait3A_57 : memref<10240x128xf32, #tpu.memory_space<vmem_shared>>)
    %dma_start3A_58 = arith.constant 78 : i32
    %dma_start3A_59 = arith.constant 0 : i32
    %dma_start3A_60 = tpu.memref_slice %arg7[%dma_start3A_58, %dma_start3A_59] : memref<80x64xi32, #tpu.memory_space<vmem>> -> memref<1x64xi32, #tpu.memory_space<vmem>>
    %dma_start3A_61 = tpu.memref_squeeze %dma_start3A_60 : memref<1x64xi32, #tpu.memory_space<vmem>> -> memref<64xi32, #tpu.memory_space<vmem>>
    %dma_start3A_62 = arith.constant 0 : i32
    %dma_start3A_63 = arith.constant 0 : i32
    %dma_start3A_64 = tpu.memref_slice %arg2[%dma_start3A_62, %dma_start3A_63] : memref<10240x128xf32, #tpu.memory_space<hbm>> -> memref<10240x128xf32, #tpu.memory_space<hbm>>
    tpu.enqueue_indirect_dma source(%dma_start3A_64 : memref<10240x128xf32, #tpu.memory_space<hbm>>) target(%arg9 : memref<64x128xf32, #tpu.memory_space<vmem>>) offsets(%dma_start3A_61 : memref<64xi32, #tpu.memory_space<vmem>>) semaphore(%arg13 : memref<!tpu.dma_semaphore, #tpu.memory_space<semaphore_mem>>)
    %dma_wait3A_65 = arith.constant 76 : i32
    %dma_wait3A_66 = arith.constant 0 : i32
    %dma_wait3A_67 = tpu.memref_slice %arg7[%dma_wait3A_65, %dma_wait3A_66] : memref<80x64xi32, #tpu.memory_space<vmem>> -> memref<1x64xi32, #tpu.memory_space<vmem>>
    %dma_wait3A_68 = tpu.memref_squeeze %dma_wait3A_67 : memref<1x64xi32, #tpu.memory_space<vmem>> -> memref<64xi32, #tpu.memory_space<vmem>>
    %dma_wait3A_69 = arith.constant 0 : i32
    %dma_wait3A_70 = arith.constant 0 : i32
    %dma_wait3A_71 = tpu.memref_slice %arg2[%dma_wait3A_69, %dma_wait3A_70] : memref<10240x128xf32, #tpu.memory_space<hbm>> -> memref<10240x128xf32, #tpu.memory_space<hbm>>
    tpu.wait_indirect_dma semaphore(%arg14 : memref<!tpu.dma_semaphore, #tpu.memory_space<semaphore_mem>>) src(%dma_wait3A_71 : memref<10240x128xf32, #tpu.memory_space<hbm>>) dst(%arg10 : memref<64x128xf32, #tpu.memory_space<vmem>>)
    %dma_start3A_72 = arith.constant 76 : i32
    %dma_start3A_73 = arith.constant 0 : i32
    %dma_start3A_74 = tpu.memref_slice %arg8[%dma_start3A_72, %dma_start3A_73] : memref<80x64xi32, #tpu.memory_space<vmem>> -> memref<1x64xi32, #tpu.memory_space<vmem>>
    %dma_start3A_75 = tpu.memref_squeeze %dma_start3A_74 : memref<1x64xi32, #tpu.memory_space<vmem>> -> memref<64xi32, #tpu.memory_space<vmem>>
    %dma_start3A_76 = arith.constant 0 : i32
    %dma_start3A_77 = arith.constant 0 : i32
    %dma_start3A_78 = tpu.memref_slice %arg12[%dma_start3A_76, %dma_start3A_77] : memref<10240x128xf32, #tpu.memory_space<vmem_shared>> -> memref<10240x128xf32, #tpu.memory_space<vmem_shared>>
    tpu.enqueue_indirect_dma source(%arg10 : memref<64x128xf32, #tpu.memory_space<vmem>>) target(%dma_start3A_78 : memref<10240x128xf32, #tpu.memory_space<vmem_shared>>) offsets(%dma_start3A_75 : memref<64xi32, #tpu.memory_space<vmem>>) semaphore(%arg17 : memref<!tpu.dma_semaphore, #tpu.memory_space<semaphore_mem>>) {add = true}
    %dma_wait3A_79 = arith.constant 0 : i32
    %dma_wait3A_80 = arith.constant 0 : i32
    %dma_wait3A_81 = tpu.memref_slice %arg8[%dma_wait3A_79, %dma_wait3A_80] : memref<80x64xi32, #tpu.memory_space<vmem>> -> memref<1x64xi32, #tpu.memory_space<vmem>>
    %dma_wait3A_82 = tpu.memref_squeeze %dma_wait3A_81 : memref<1x64xi32, #tpu.memory_space<vmem>> -> memref<64xi32, #tpu.memory_space<vmem>>
    %dma_wait3A_83 = arith.constant 0 : i32
    %dma_wait3A_84 = arith.constant 0 : i32
    %dma_wait3A_85 = tpu.memref_slice %arg12[%dma_wait3A_83, %dma_wait3A_84] : memref<10240x128xf32, #tpu.memory_space<vmem_shared>> -> memref<10240x128xf32, #tpu.memory_space<vmem_shared>>
    tpu.wait_indirect_dma semaphore(%arg17 : memref<!tpu.dma_semaphore, #tpu.memory_space<semaphore_mem>>) src(%arg10 : memref<64x128xf32, #tpu.memory_space<vmem>>) dst(%dma_wait3A_85 : memref<10240x128xf32, #tpu.memory_space<vmem_shared>>)
    %dma_start3A_86 = arith.constant 79 : i32
    %dma_start3A_87 = arith.constant 0 : i32
    %dma_start3A_88 = tpu.memref_slice %arg7[%dma_start3A_86, %dma_start3A_87] : memref<80x64xi32, #tpu.memory_space<vmem>> -> memref<1x64xi32, #tpu.memory_space<vmem>>
    %dma_start3A_89 = tpu.memref_squeeze %dma_start3A_88 : memref<1x64xi32, #tpu.memory_space<vmem>> -> memref<64xi32, #tpu.memory_space<vmem>>
    %dma_start3A_90 = arith.constant 0 : i32
    %dma_start3A_91 = arith.constant 0 : i32
    %dma_start3A_92 = tpu.memref_slice %arg2[%dma_start3A_90, %dma_start3A_91] : memref<10240x128xf32, #tpu.memory_space<hbm>> -> memref<10240x128xf32, #tpu.memory_space<hbm>>
    tpu.enqueue_indirect_dma source(%dma_start3A_92 : memref<10240x128xf32, #tpu.memory_space<hbm>>) target(%arg10 : memref<64x128xf32, #tpu.memory_space<vmem>>) offsets(%dma_start3A_89 : memref<64xi32, #tpu.memory_space<vmem>>) semaphore(%arg14 : memref<!tpu.dma_semaphore, #tpu.memory_space<semaphore_mem>>)
    %dma_wait3A_93 = arith.constant 77 : i32
    %dma_wait3A_94 = arith.constant 0 : i32
    %dma_wait3A_95 = tpu.memref_slice %arg7[%dma_wait3A_93, %dma_wait3A_94] : memref<80x64xi32, #tpu.memory_space<vmem>> -> memref<1x64xi32, #tpu.memory_space<vmem>>
    %dma_wait3A_96 = tpu.memref_squeeze %dma_wait3A_95 : memref<1x64xi32, #tpu.memory_space<vmem>> -> memref<64xi32, #tpu.memory_space<vmem>>
    %dma_wait3A_97 = arith.constant 0 : i32
    %dma_wait3A_98 = arith.constant 0 : i32
    %dma_wait3A_99 = tpu.memref_slice %arg2[%dma_wait3A_97, %dma_wait3A_98] : memref<10240x128xf32, #tpu.memory_space<hbm>> -> memref<10240x128xf32, #tpu.memory_space<hbm>>
    tpu.wait_indirect_dma semaphore(%arg15 : memref<!tpu.dma_semaphore, #tpu.memory_space<semaphore_mem>>) src(%dma_wait3A_99 : memref<10240x128xf32, #tpu.memory_space<hbm>>) dst(%arg11 : memref<64x128xf32, #tpu.memory_space<vmem>>)
    %dma_start3A_100 = arith.constant 77 : i32
    %dma_start3A_101 = arith.constant 0 : i32
    %dma_start3A_102 = tpu.memref_slice %arg8[%dma_start3A_100, %dma_start3A_101] : memref<80x64xi32, #tpu.memory_space<vmem>> -> memref<1x64xi32, #tpu.memory_space<vmem>>
    %dma_start3A_103 = tpu.memref_squeeze %dma_start3A_102 : memref<1x64xi32, #tpu.memory_space<vmem>> -> memref<64xi32, #tpu.memory_space<vmem>>
    %dma_start3A_104 = arith.constant 0 : i32
    %dma_start3A_105 = arith.constant 0 : i32
    %dma_start3A_106 = tpu.memref_slice %arg12[%dma_start3A_104, %dma_start3A_105] : memref<10240x128xf32, #tpu.memory_space<vmem_shared>> -> memref<10240x128xf32, #tpu.memory_space<vmem_shared>>
    tpu.enqueue_indirect_dma source(%arg11 : memref<64x128xf32, #tpu.memory_space<vmem>>) target(%dma_start3A_106 : memref<10240x128xf32, #tpu.memory_space<vmem_shared>>) offsets(%dma_start3A_103 : memref<64xi32, #tpu.memory_space<vmem>>) semaphore(%arg18 : memref<!tpu.dma_semaphore, #tpu.memory_space<semaphore_mem>>) {add = true}
    %dma_wait3A_107 = arith.constant 78 : i32
    %dma_wait3A_108 = arith.constant 0 : i32
    %dma_wait3A_109 = tpu.memref_slice %arg7[%dma_wait3A_107, %dma_wait3A_108] : memref<80x64xi32, #tpu.memory_space<vmem>> -> memref<1x64xi32, #tpu.memory_space<vmem>>
    %dma_wait3A_110 = tpu.memref_squeeze %dma_wait3A_109 : memref<1x64xi32, #tpu.memory_space<vmem>> -> memref<64xi32, #tpu.memory_space<vmem>>
    %dma_wait3A_111 = arith.constant 0 : i32
    %dma_wait3A_112 = arith.constant 0 : i32
    %dma_wait3A_113 = tpu.memref_slice %arg2[%dma_wait3A_111, %dma_wait3A_112] : memref<10240x128xf32, #tpu.memory_space<hbm>> -> memref<10240x128xf32, #tpu.memory_space<hbm>>
    tpu.wait_indirect_dma semaphore(%arg13 : memref<!tpu.dma_semaphore, #tpu.memory_space<semaphore_mem>>) src(%dma_wait3A_113 : memref<10240x128xf32, #tpu.memory_space<hbm>>) dst(%arg9 : memref<64x128xf32, #tpu.memory_space<vmem>>)
    %dma_start3A_114 = arith.constant 78 : i32
    %dma_start3A_115 = arith.constant 0 : i32
    %dma_start3A_116 = tpu.memref_slice %arg8[%dma_start3A_114, %dma_start3A_115] : memref<80x64xi32, #tpu.memory_space<vmem>> -> memref<1x64xi32, #tpu.memory_space<vmem>>
    %dma_start3A_117 = tpu.memref_squeeze %dma_start3A_116 : memref<1x64xi32, #tpu.memory_space<vmem>> -> memref<64xi32, #tpu.memory_space<vmem>>
    %dma_start3A_118 = arith.constant 0 : i32
    %dma_start3A_119 = arith.constant 0 : i32
    %dma_start3A_120 = tpu.memref_slice %arg12[%dma_start3A_118, %dma_start3A_119] : memref<10240x128xf32, #tpu.memory_space<vmem_shared>> -> memref<10240x128xf32, #tpu.memory_space<vmem_shared>>
    tpu.enqueue_indirect_dma source(%arg9 : memref<64x128xf32, #tpu.memory_space<vmem>>) target(%dma_start3A_120 : memref<10240x128xf32, #tpu.memory_space<vmem_shared>>) offsets(%dma_start3A_117 : memref<64xi32, #tpu.memory_space<vmem>>) semaphore(%arg16 : memref<!tpu.dma_semaphore, #tpu.memory_space<semaphore_mem>>) {add = true}
    %dma_wait3A_121 = arith.constant 79 : i32
    %dma_wait3A_122 = arith.constant 0 : i32
    %dma_wait3A_123 = tpu.memref_slice %arg7[%dma_wait3A_121, %dma_wait3A_122] : memref<80x64xi32, #tpu.memory_space<vmem>> -> memref<1x64xi32, #tpu.memory_space<vmem>>
    %dma_wait3A_124 = tpu.memref_squeeze %dma_wait3A_123 : memref<1x64xi32, #tpu.memory_space<vmem>> -> memref<64xi32, #tpu.memory_space<vmem>>
    %dma_wait3A_125 = arith.constant 0 : i32
    %dma_wait3A_126 = arith.constant 0 : i32
    %dma_wait3A_127 = tpu.memref_slice %arg2[%dma_wait3A_125, %dma_wait3A_126] : memref<10240x128xf32, #tpu.memory_space<hbm>> -> memref<10240x128xf32, #tpu.memory_space<hbm>>
    tpu.wait_indirect_dma semaphore(%arg14 : memref<!tpu.dma_semaphore, #tpu.memory_space<semaphore_mem>>) src(%dma_wait3A_127 : memref<10240x128xf32, #tpu.memory_space<hbm>>) dst(%arg10 : memref<64x128xf32, #tpu.memory_space<vmem>>)
    %dma_start3A_128 = arith.constant 79 : i32
    %dma_start3A_129 = arith.constant 0 : i32
    %dma_start3A_130 = tpu.memref_slice %arg8[%dma_start3A_128, %dma_start3A_129] : memref<80x64xi32, #tpu.memory_space<vmem>> -> memref<1x64xi32, #tpu.memory_space<vmem>>
    %dma_start3A_131 = tpu.memref_squeeze %dma_start3A_130 : memref<1x64xi32, #tpu.memory_space<vmem>> -> memref<64xi32, #tpu.memory_space<vmem>>
    %dma_start3A_132 = arith.constant 0 : i32
    %dma_start3A_133 = arith.constant 0 : i32
    %dma_start3A_134 = tpu.memref_slice %arg12[%dma_start3A_132, %dma_start3A_133] : memref<10240x128xf32, #tpu.memory_space<vmem_shared>> -> memref<10240x128xf32, #tpu.memory_space<vmem_shared>>
    tpu.enqueue_indirect_dma source(%arg10 : memref<64x128xf32, #tpu.memory_space<vmem>>) target(%dma_start3A_134 : memref<10240x128xf32, #tpu.memory_space<vmem_shared>>) offsets(%dma_start3A_131 : memref<64xi32, #tpu.memory_space<vmem>>) semaphore(%arg17 : memref<!tpu.dma_semaphore, #tpu.memory_space<semaphore_mem>>) {add = true}
    %dma_wait3A_135 = arith.constant 0 : i32
    %dma_wait3A_136 = arith.constant 0 : i32
    %dma_wait3A_137 = tpu.memref_slice %arg8[%dma_wait3A_135, %dma_wait3A_136] : memref<80x64xi32, #tpu.memory_space<vmem>> -> memref<1x64xi32, #tpu.memory_space<vmem>>
    %dma_wait3A_138 = tpu.memref_squeeze %dma_wait3A_137 : memref<1x64xi32, #tpu.memory_space<vmem>> -> memref<64xi32, #tpu.memory_space<vmem>>
    %dma_wait3A_139 = arith.constant 0 : i32
    %dma_wait3A_140 = arith.constant 0 : i32
    %dma_wait3A_141 = tpu.memref_slice %arg12[%dma_wait3A_139, %dma_wait3A_140] : memref<10240x128xf32, #tpu.memory_space<vmem_shared>> -> memref<10240x128xf32, #tpu.memory_space<vmem_shared>>
    tpu.wait_indirect_dma semaphore(%arg16 : memref<!tpu.dma_semaphore, #tpu.memory_space<semaphore_mem>>) src(%arg9 : memref<64x128xf32, #tpu.memory_space<vmem>>) dst(%dma_wait3A_141 : memref<10240x128xf32, #tpu.memory_space<vmem_shared>>)
    %dma_wait3A_142 = arith.constant 0 : i32
    %dma_wait3A_143 = arith.constant 0 : i32
    %dma_wait3A_144 = tpu.memref_slice %arg8[%dma_wait3A_142, %dma_wait3A_143] : memref<80x64xi32, #tpu.memory_space<vmem>> -> memref<1x64xi32, #tpu.memory_space<vmem>>
    %dma_wait3A_145 = tpu.memref_squeeze %dma_wait3A_144 : memref<1x64xi32, #tpu.memory_space<vmem>> -> memref<64xi32, #tpu.memory_space<vmem>>
    %dma_wait3A_146 = arith.constant 0 : i32
    %dma_wait3A_147 = arith.constant 0 : i32
    %dma_wait3A_148 = tpu.memref_slice %arg12[%dma_wait3A_146, %dma_wait3A_147] : memref<10240x128xf32, #tpu.memory_space<vmem_shared>> -> memref<10240x128xf32, #tpu.memory_space<vmem_shared>>
    tpu.wait_indirect_dma semaphore(%arg17 : memref<!tpu.dma_semaphore, #tpu.memory_space<semaphore_mem>>) src(%arg10 : memref<64x128xf32, #tpu.memory_space<vmem>>) dst(%dma_wait3A_148 : memref<10240x128xf32, #tpu.memory_space<vmem_shared>>)
    %dma_wait3A_149 = arith.constant 0 : i32
    %dma_wait3A_150 = arith.constant 0 : i32
    %dma_wait3A_151 = tpu.memref_slice %arg8[%dma_wait3A_149, %dma_wait3A_150] : memref<80x64xi32, #tpu.memory_space<vmem>> -> memref<1x64xi32, #tpu.memory_space<vmem>>
    %dma_wait3A_152 = tpu.memref_squeeze %dma_wait3A_151 : memref<1x64xi32, #tpu.memory_space<vmem>> -> memref<64xi32, #tpu.memory_space<vmem>>
    %dma_wait3A_153 = arith.constant 0 : i32
    %dma_wait3A_154 = arith.constant 0 : i32
    %dma_wait3A_155 = tpu.memref_slice %arg12[%dma_wait3A_153, %dma_wait3A_154] : memref<10240x128xf32, #tpu.memory_space<vmem_shared>> -> memref<10240x128xf32, #tpu.memory_space<vmem_shared>>
    tpu.wait_indirect_dma semaphore(%arg18 : memref<!tpu.dma_semaphore, #tpu.memory_space<semaphore_mem>>) src(%arg11 : memref<64x128xf32, #tpu.memory_space<vmem>>) dst(%dma_wait3A_155 : memref<10240x128xf32, #tpu.memory_space<vmem_shared>>)
    %add3A_156 = arith.constant 80 : i32
    %add3A_157 = arith.addi %mul3A_2, %add3A_156 : i32
    "tpu.region"() ({
      %run_scoped3A = tpu.sem_alloc : memref<!tpu.dma_semaphore, #tpu.memory_space<semaphore_mem>>
      %dma_start3A_305 = arith.constant 0 : i32
      %dma_start3A_306 = tpu.memref_slice %arg3[%add3A_157, %dma_start3A_305] : memref<5120x64xi32, #tpu.memory_space<hbm>> -> memref<80x64xi32, #tpu.memory_space<hbm>>
      %dma_start3A_307 = arith.constant 0 : i32
      %dma_start3A_308 = tpu.memref_slice %arg3[%add3A_157, %dma_start3A_307] : memref<5120x64xi32, #tpu.memory_space<hbm>> -> memref<80x64xi32, #tpu.memory_space<hbm>>
      tpu.enqueue_dma source(%dma_start3A_308 : memref<80x64xi32, #tpu.memory_space<hbm>>) target(%arg7 : memref<80x64xi32, #tpu.memory_space<vmem>>) target_semaphore(%run_scoped3A : memref<!tpu.dma_semaphore, #tpu.memory_space<semaphore_mem>>)
      %dma_wait3A_309 = arith.constant 0 : i32
      %dma_wait3A_310 = tpu.memref_slice %arg3[%add3A_157, %dma_wait3A_309] : memref<5120x64xi32, #tpu.memory_space<hbm>> -> memref<80x64xi32, #tpu.memory_space<hbm>>
      %dma_wait3A_311 = arith.constant 0 : i32
      %dma_wait3A_312 = tpu.memref_slice %arg3[%add3A_157, %dma_wait3A_311] : memref<5120x64xi32, #tpu.memory_space<hbm>> -> memref<80x64xi32, #tpu.memory_space<hbm>>
      tpu.wait_dma2 semaphore(%run_scoped3A : memref<!tpu.dma_semaphore, #tpu.memory_space<semaphore_mem>>) src(%dma_wait3A_312 : memref<80x64xi32, #tpu.memory_space<hbm>>) dst(%arg7 : memref<80x64xi32, #tpu.memory_space<vmem>>)
      tpu.yield
    }) : () -> ()
    "tpu.region"() ({
      %run_scoped3A = tpu.sem_alloc : memref<!tpu.dma_semaphore, #tpu.memory_space<semaphore_mem>>
      %dma_start3A_305 = arith.constant 0 : i32
      %dma_start3A_306 = tpu.memref_slice %arg4[%add3A_157, %dma_start3A_305] : memref<5120x64xi32, #tpu.memory_space<hbm>> -> memref<80x64xi32, #tpu.memory_space<hbm>>
      %dma_start3A_307 = arith.constant 0 : i32
      %dma_start3A_308 = tpu.memref_slice %arg4[%add3A_157, %dma_start3A_307] : memref<5120x64xi32, #tpu.memory_space<hbm>> -> memref<80x64xi32, #tpu.memory_space<hbm>>
      tpu.enqueue_dma source(%dma_start3A_308 : memref<80x64xi32, #tpu.memory_space<hbm>>) target(%arg8 : memref<80x64xi32, #tpu.memory_space<vmem>>) target_semaphore(%run_scoped3A : memref<!tpu.dma_semaphore, #tpu.memory_space<semaphore_mem>>)
      %dma_wait3A_309 = arith.constant 0 : i32
      %dma_wait3A_310 = tpu.memref_slice %arg4[%add3A_157, %dma_wait3A_309] : memref<5120x64xi32, #tpu.memory_space<hbm>> -> memref<80x64xi32, #tpu.memory_space<hbm>>
      %dma_wait3A_311 = arith.constant 0 : i32
      %dma_wait3A_312 = tpu.memref_slice %arg4[%add3A_157, %dma_wait3A_311] : memref<5120x64xi32, #tpu.memory_space<hbm>> -> memref<80x64xi32, #tpu.memory_space<hbm>>
      tpu.wait_dma2 semaphore(%run_scoped3A : memref<!tpu.dma_semaphore, #tpu.memory_space<semaphore_mem>>) src(%dma_wait3A_312 : memref<80x64xi32, #tpu.memory_space<hbm>>) dst(%arg8 : memref<80x64xi32, #tpu.memory_space<vmem>>)
      tpu.yield
    }) : () -> ()
    %dma_start3A_158 = arith.constant 0 : i32
    %dma_start3A_159 = arith.constant 0 : i32
    %dma_start3A_160 = tpu.memref_slice %arg7[%dma_start3A_158, %dma_start3A_159] : memref<80x64xi32, #tpu.memory_space<vmem>> -> memref<1x64xi32, #tpu.memory_space<vmem>>
    %dma_start3A_161 = tpu.memref_squeeze %dma_start3A_160 : memref<1x64xi32, #tpu.memory_space<vmem>> -> memref<64xi32, #tpu.memory_space<vmem>>
    %dma_start3A_162 = arith.constant 0 : i32
    %dma_start3A_163 = arith.constant 0 : i32
    %dma_start3A_164 = tpu.memref_slice %arg2[%dma_start3A_162, %dma_start3A_163] : memref<10240x128xf32, #tpu.memory_space<hbm>> -> memref<10240x128xf32, #tpu.memory_space<hbm>>
    tpu.enqueue_indirect_dma source(%dma_start3A_164 : memref<10240x128xf32, #tpu.memory_space<hbm>>) target(%arg9 : memref<64x128xf32, #tpu.memory_space<vmem>>) offsets(%dma_start3A_161 : memref<64xi32, #tpu.memory_space<vmem>>) semaphore(%arg13 : memref<!tpu.dma_semaphore, #tpu.memory_space<semaphore_mem>>)
    %dma_start3A_165 = arith.constant 1 : i32
    %dma_start3A_166 = arith.constant 0 : i32
    %dma_start3A_167 = tpu.memref_slice %arg7[%dma_start3A_165, %dma_start3A_166] : memref<80x64xi32, #tpu.memory_space<vmem>> -> memref<1x64xi32, #tpu.memory_space<vmem>>
    %dma_start3A_168 = tpu.memref_squeeze %dma_start3A_167 : memref<1x64xi32, #tpu.memory_space<vmem>> -> memref<64xi32, #tpu.memory_space<vmem>>
    %dma_start3A_169 = arith.constant 0 : i32
    %dma_start3A_170 = arith.constant 0 : i32
    %dma_start3A_171 = tpu.memref_slice %arg2[%dma_start3A_169, %dma_start3A_170] : memref<10240x128xf32, #tpu.memory_space<hbm>> -> memref<10240x128xf32, #tpu.memory_space<hbm>>
    tpu.enqueue_indirect_dma source(%dma_start3A_171 : memref<10240x128xf32, #tpu.memory_space<hbm>>) target(%arg10 : memref<64x128xf32, #tpu.memory_space<vmem>>) offsets(%dma_start3A_168 : memref<64xi32, #tpu.memory_space<vmem>>) semaphore(%arg14 : memref<!tpu.dma_semaphore, #tpu.memory_space<semaphore_mem>>)
    %dma_start3A_172 = arith.constant 2 : i32
    %dma_start3A_173 = arith.constant 0 : i32
    %dma_start3A_174 = tpu.memref_slice %arg7[%dma_start3A_172, %dma_start3A_173] : memref<80x64xi32, #tpu.memory_space<vmem>> -> memref<1x64xi32, #tpu.memory_space<vmem>>
    %dma_start3A_175 = tpu.memref_squeeze %dma_start3A_174 : memref<1x64xi32, #tpu.memory_space<vmem>> -> memref<64xi32, #tpu.memory_space<vmem>>
    %dma_start3A_176 = arith.constant 0 : i32
    %dma_start3A_177 = arith.constant 0 : i32
    %dma_start3A_178 = tpu.memref_slice %arg2[%dma_start3A_176, %dma_start3A_177] : memref<10240x128xf32, #tpu.memory_space<hbm>> -> memref<10240x128xf32, #tpu.memory_space<hbm>>
    tpu.enqueue_indirect_dma source(%dma_start3A_178 : memref<10240x128xf32, #tpu.memory_space<hbm>>) target(%arg11 : memref<64x128xf32, #tpu.memory_space<vmem>>) offsets(%dma_start3A_175 : memref<64xi32, #tpu.memory_space<vmem>>) semaphore(%arg15 : memref<!tpu.dma_semaphore, #tpu.memory_space<semaphore_mem>>)
    %dma_wait3A_179 = arith.constant 0 : i32
    %dma_wait3A_180 = arith.constant 0 : i32
    %dma_wait3A_181 = tpu.memref_slice %arg7[%dma_wait3A_179, %dma_wait3A_180] : memref<80x64xi32, #tpu.memory_space<vmem>> -> memref<1x64xi32, #tpu.memory_space<vmem>>
    %dma_wait3A_182 = tpu.memref_squeeze %dma_wait3A_181 : memref<1x64xi32, #tpu.memory_space<vmem>> -> memref<64xi32, #tpu.memory_space<vmem>>
    %dma_wait3A_183 = arith.constant 0 : i32
    %dma_wait3A_184 = arith.constant 0 : i32
    %dma_wait3A_185 = tpu.memref_slice %arg2[%dma_wait3A_183, %dma_wait3A_184] : memref<10240x128xf32, #tpu.memory_space<hbm>> -> memref<10240x128xf32, #tpu.memory_space<hbm>>
    tpu.wait_indirect_dma semaphore(%arg13 : memref<!tpu.dma_semaphore, #tpu.memory_space<semaphore_mem>>) src(%dma_wait3A_185 : memref<10240x128xf32, #tpu.memory_space<hbm>>) dst(%arg9 : memref<64x128xf32, #tpu.memory_space<vmem>>)
    %dma_start3A_186 = arith.constant 0 : i32
    %dma_start3A_187 = arith.constant 0 : i32
    %dma_start3A_188 = tpu.memref_slice %arg8[%dma_start3A_186, %dma_start3A_187] : memref<80x64xi32, #tpu.memory_space<vmem>> -> memref<1x64xi32, #tpu.memory_space<vmem>>
    %dma_start3A_189 = tpu.memref_squeeze %dma_start3A_188 : memref<1x64xi32, #tpu.memory_space<vmem>> -> memref<64xi32, #tpu.memory_space<vmem>>
    %dma_start3A_190 = arith.constant 0 : i32
    %dma_start3A_191 = arith.constant 0 : i32
    %dma_start3A_192 = tpu.memref_slice %arg12[%dma_start3A_190, %dma_start3A_191] : memref<10240x128xf32, #tpu.memory_space<vmem_shared>> -> memref<10240x128xf32, #tpu.memory_space<vmem_shared>>
    tpu.enqueue_indirect_dma source(%arg9 : memref<64x128xf32, #tpu.memory_space<vmem>>) target(%dma_start3A_192 : memref<10240x128xf32, #tpu.memory_space<vmem_shared>>) offsets(%dma_start3A_189 : memref<64xi32, #tpu.memory_space<vmem>>) semaphore(%arg16 : memref<!tpu.dma_semaphore, #tpu.memory_space<semaphore_mem>>) {add = true}
    %scan3A_193 = arith.constant 0 : i32
    %scan3A_194 = arith.constant 0 : i32
    %scan3A_195 = arith.constant 25 : i32
    %scan3A_196 = arith.addi %scan3A_194, %scan3A_195 : i32
    %scan3A_197 = arith.constant 1 : i32
    scf.for %scan3A_305 = %scan3A_194 to %scan3A_196 step %scan3A_197  : i32 {
      %mul3A_306 = arith.constant 3 : i32
      %mul3A_307 = arith.muli %mul3A_306, %scan3A_305 : i32
      %add3A_308 = arith.constant 1 : i32
      %add3A_309 = arith.addi %mul3A_307, %add3A_308 : i32
      %dma_wait3A_310 = arith.constant 0 : i32
      %dma_wait3A_311 = arith.constant 0 : i32
      %dma_wait3A_312 = tpu.memref_slice %arg8[%dma_wait3A_310, %dma_wait3A_311] : memref<80x64xi32, #tpu.memory_space<vmem>> -> memref<1x64xi32, #tpu.memory_space<vmem>>
      %dma_wait3A_313 = tpu.memref_squeeze %dma_wait3A_312 : memref<1x64xi32, #tpu.memory_space<vmem>> -> memref<64xi32, #tpu.memory_space<vmem>>
      %dma_wait3A_314 = arith.constant 0 : i32
      %dma_wait3A_315 = arith.constant 0 : i32
      %dma_wait3A_316 = tpu.memref_slice %arg12[%dma_wait3A_314, %dma_wait3A_315] : memref<10240x128xf32, #tpu.memory_space<vmem_shared>> -> memref<10240x128xf32, #tpu.memory_space<vmem_shared>>
      tpu.wait_indirect_dma semaphore(%arg16 : memref<!tpu.dma_semaphore, #tpu.memory_space<semaphore_mem>>) src(%arg9 : memref<64x128xf32, #tpu.memory_space<vmem>>) dst(%dma_wait3A_316 : memref<10240x128xf32, #tpu.memory_space<vmem_shared>>)
      %add3A_317 = arith.constant 2 : i32
      %add3A_318 = arith.addi %add3A_309, %add3A_317 : i32
      %dma_start3A_319 = arith.constant 0 : i32
      %dma_start3A_320 = tpu.memref_slice %arg7[%add3A_318, %dma_start3A_319] : memref<80x64xi32, #tpu.memory_space<vmem>> -> memref<1x64xi32, #tpu.memory_space<vmem>>
      %dma_start3A_321 = tpu.memref_squeeze %dma_start3A_320 : memref<1x64xi32, #tpu.memory_space<vmem>> -> memref<64xi32, #tpu.memory_space<vmem>>
      %dma_start3A_322 = arith.constant 0 : i32
      %dma_start3A_323 = arith.constant 0 : i32
      %dma_start3A_324 = tpu.memref_slice %arg2[%dma_start3A_322, %dma_start3A_323] : memref<10240x128xf32, #tpu.memory_space<hbm>> -> memref<10240x128xf32, #tpu.memory_space<hbm>>
      tpu.enqueue_indirect_dma source(%dma_start3A_324 : memref<10240x128xf32, #tpu.memory_space<hbm>>) target(%arg9 : memref<64x128xf32, #tpu.memory_space<vmem>>) offsets(%dma_start3A_321 : memref<64xi32, #tpu.memory_space<vmem>>) semaphore(%arg13 : memref<!tpu.dma_semaphore, #tpu.memory_space<semaphore_mem>>)
      %dma_wait3A_325 = arith.constant 0 : i32
      %dma_wait3A_326 = tpu.memref_slice %arg7[%add3A_309, %dma_wait3A_325] : memref<80x64xi32, #tpu.memory_space<vmem>> -> memref<1x64xi32, #tpu.memory_space<vmem>>
      %dma_wait3A_327 = tpu.memref_squeeze %dma_wait3A_326 : memref<1x64xi32, #tpu.memory_space<vmem>> -> memref<64xi32, #tpu.memory_space<vmem>>
      %dma_wait3A_328 = arith.constant 0 : i32
      %dma_wait3A_329 = arith.constant 0 : i32
      %dma_wait3A_330 = tpu.memref_slice %arg2[%dma_wait3A_328, %dma_wait3A_329] : memref<10240x128xf32, #tpu.memory_space<hbm>> -> memref<10240x128xf32, #tpu.memory_space<hbm>>
      tpu.wait_indirect_dma semaphore(%arg14 : memref<!tpu.dma_semaphore, #tpu.memory_space<semaphore_mem>>) src(%dma_wait3A_330 : memref<10240x128xf32, #tpu.memory_space<hbm>>) dst(%arg10 : memref<64x128xf32, #tpu.memory_space<vmem>>)
      %dma_start3A_331 = arith.constant 0 : i32
      %dma_start3A_332 = tpu.memref_slice %arg8[%add3A_309, %dma_start3A_331] : memref<80x64xi32, #tpu.memory_space<vmem>> -> memref<1x64xi32, #tpu.memory_space<vmem>>
      %dma_start3A_333 = tpu.memref_squeeze %dma_start3A_332 : memref<1x64xi32, #tpu.memory_space<vmem>> -> memref<64xi32, #tpu.memory_space<vmem>>
      %dma_start3A_334 = arith.constant 0 : i32
      %dma_start3A_335 = arith.constant 0 : i32
      %dma_start3A_336 = tpu.memref_slice %arg12[%dma_start3A_334, %dma_start3A_335] : memref<10240x128xf32, #tpu.memory_space<vmem_shared>> -> memref<10240x128xf32, #tpu.memory_space<vmem_shared>>
      tpu.enqueue_indirect_dma source(%arg10 : memref<64x128xf32, #tpu.memory_space<vmem>>) target(%dma_start3A_336 : memref<10240x128xf32, #tpu.memory_space<vmem_shared>>) offsets(%dma_start3A_333 : memref<64xi32, #tpu.memory_space<vmem>>) semaphore(%arg17 : memref<!tpu.dma_semaphore, #tpu.memory_space<semaphore_mem>>) {add = true}
      %add3A_337 = arith.constant 1 : i32
      %add3A_338 = arith.addi %add3A_309, %add3A_337 : i32
      %dma_wait3A_339 = arith.constant 0 : i32
      %dma_wait3A_340 = arith.constant 0 : i32
      %dma_wait3A_341 = tpu.memref_slice %arg8[%dma_wait3A_339, %dma_wait3A_340] : memref<80x64xi32, #tpu.memory_space<vmem>> -> memref<1x64xi32, #tpu.memory_space<vmem>>
      %dma_wait3A_342 = tpu.memref_squeeze %dma_wait3A_341 : memref<1x64xi32, #tpu.memory_space<vmem>> -> memref<64xi32, #tpu.memory_space<vmem>>
      %dma_wait3A_343 = arith.constant 0 : i32
      %dma_wait3A_344 = arith.constant 0 : i32
      %dma_wait3A_345 = tpu.memref_slice %arg12[%dma_wait3A_343, %dma_wait3A_344] : memref<10240x128xf32, #tpu.memory_space<vmem_shared>> -> memref<10240x128xf32, #tpu.memory_space<vmem_shared>>
      tpu.wait_indirect_dma semaphore(%arg17 : memref<!tpu.dma_semaphore, #tpu.memory_space<semaphore_mem>>) src(%arg10 : memref<64x128xf32, #tpu.memory_space<vmem>>) dst(%dma_wait3A_345 : memref<10240x128xf32, #tpu.memory_space<vmem_shared>>)
      %add3A_346 = arith.constant 2 : i32
      %add3A_347 = arith.addi %add3A_338, %add3A_346 : i32
      %dma_start3A_348 = arith.constant 0 : i32
      %dma_start3A_349 = tpu.memref_slice %arg7[%add3A_347, %dma_start3A_348] : memref<80x64xi32, #tpu.memory_space<vmem>> -> memref<1x64xi32, #tpu.memory_space<vmem>>
      %dma_start3A_350 = tpu.memref_squeeze %dma_start3A_349 : memref<1x64xi32, #tpu.memory_space<vmem>> -> memref<64xi32, #tpu.memory_space<vmem>>
      %dma_start3A_351 = arith.constant 0 : i32
      %dma_start3A_352 = arith.constant 0 : i32
      %dma_start3A_353 = tpu.memref_slice %arg2[%dma_start3A_351, %dma_start3A_352] : memref<10240x128xf32, #tpu.memory_space<hbm>> -> memref<10240x128xf32, #tpu.memory_space<hbm>>
      tpu.enqueue_indirect_dma source(%dma_start3A_353 : memref<10240x128xf32, #tpu.memory_space<hbm>>) target(%arg10 : memref<64x128xf32, #tpu.memory_space<vmem>>) offsets(%dma_start3A_350 : memref<64xi32, #tpu.memory_space<vmem>>) semaphore(%arg14 : memref<!tpu.dma_semaphore, #tpu.memory_space<semaphore_mem>>)
      %dma_wait3A_354 = arith.constant 0 : i32
      %dma_wait3A_355 = tpu.memref_slice %arg7[%add3A_338, %dma_wait3A_354] : memref<80x64xi32, #tpu.memory_space<vmem>> -> memref<1x64xi32, #tpu.memory_space<vmem>>
      %dma_wait3A_356 = tpu.memref_squeeze %dma_wait3A_355 : memref<1x64xi32, #tpu.memory_space<vmem>> -> memref<64xi32, #tpu.memory_space<vmem>>
      %dma_wait3A_357 = arith.constant 0 : i32
      %dma_wait3A_358 = arith.constant 0 : i32
      %dma_wait3A_359 = tpu.memref_slice %arg2[%dma_wait3A_357, %dma_wait3A_358] : memref<10240x128xf32, #tpu.memory_space<hbm>> -> memref<10240x128xf32, #tpu.memory_space<hbm>>
      tpu.wait_indirect_dma semaphore(%arg15 : memref<!tpu.dma_semaphore, #tpu.memory_space<semaphore_mem>>) src(%dma_wait3A_359 : memref<10240x128xf32, #tpu.memory_space<hbm>>) dst(%arg11 : memref<64x128xf32, #tpu.memory_space<vmem>>)
      %dma_start3A_360 = arith.constant 0 : i32
      %dma_start3A_361 = tpu.memref_slice %arg8[%add3A_338, %dma_start3A_360] : memref<80x64xi32, #tpu.memory_space<vmem>> -> memref<1x64xi32, #tpu.memory_space<vmem>>
      %dma_start3A_362 = tpu.memref_squeeze %dma_start3A_361 : memref<1x64xi32, #tpu.memory_space<vmem>> -> memref<64xi32, #tpu.memory_space<vmem>>
      %dma_start3A_363 = arith.constant 0 : i32
      %dma_start3A_364 = arith.constant 0 : i32
      %dma_start3A_365 = tpu.memref_slice %arg12[%dma_start3A_363, %dma_start3A_364] : memref<10240x128xf32, #tpu.memory_space<vmem_shared>> -> memref<10240x128xf32, #tpu.memory_space<vmem_shared>>
      tpu.enqueue_indirect_dma source(%arg11 : memref<64x128xf32, #tpu.memory_space<vmem>>) target(%dma_start3A_365 : memref<10240x128xf32, #tpu.memory_space<vmem_shared>>) offsets(%dma_start3A_362 : memref<64xi32, #tpu.memory_space<vmem>>) semaphore(%arg18 : memref<!tpu.dma_semaphore, #tpu.memory_space<semaphore_mem>>) {add = true}
      %add3A_366 = arith.constant 2 : i32
      %add3A_367 = arith.addi %add3A_309, %add3A_366 : i32
      %dma_wait3A_368 = arith.constant 0 : i32
      %dma_wait3A_369 = arith.constant 0 : i32
      %dma_wait3A_370 = tpu.memref_slice %arg8[%dma_wait3A_368, %dma_wait3A_369] : memref<80x64xi32, #tpu.memory_space<vmem>> -> memref<1x64xi32, #tpu.memory_space<vmem>>
      %dma_wait3A_371 = tpu.memref_squeeze %dma_wait3A_370 : memref<1x64xi32, #tpu.memory_space<vmem>> -> memref<64xi32, #tpu.memory_space<vmem>>
      %dma_wait3A_372 = arith.constant 0 : i32
      %dma_wait3A_373 = arith.constant 0 : i32
      %dma_wait3A_374 = tpu.memref_slice %arg12[%dma_wait3A_372, %dma_wait3A_373] : memref<10240x128xf32, #tpu.memory_space<vmem_shared>> -> memref<10240x128xf32, #tpu.memory_space<vmem_shared>>
      tpu.wait_indirect_dma semaphore(%arg18 : memref<!tpu.dma_semaphore, #tpu.memory_space<semaphore_mem>>) src(%arg11 : memref<64x128xf32, #tpu.memory_space<vmem>>) dst(%dma_wait3A_374 : memref<10240x128xf32, #tpu.memory_space<vmem_shared>>)
      %add3A_375 = arith.constant 2 : i32
      %add3A_376 = arith.addi %add3A_367, %add3A_375 : i32
      %dma_start3A_377 = arith.constant 0 : i32
      %dma_start3A_378 = tpu.memref_slice %arg7[%add3A_376, %dma_start3A_377] : memref<80x64xi32, #tpu.memory_space<vmem>> -> memref<1x64xi32, #tpu.memory_space<vmem>>
      %dma_start3A_379 = tpu.memref_squeeze %dma_start3A_378 : memref<1x64xi32, #tpu.memory_space<vmem>> -> memref<64xi32, #tpu.memory_space<vmem>>
      %dma_start3A_380 = arith.constant 0 : i32
      %dma_start3A_381 = arith.constant 0 : i32
      %dma_start3A_382 = tpu.memref_slice %arg2[%dma_start3A_380, %dma_start3A_381] : memref<10240x128xf32, #tpu.memory_space<hbm>> -> memref<10240x128xf32, #tpu.memory_space<hbm>>
      tpu.enqueue_indirect_dma source(%dma_start3A_382 : memref<10240x128xf32, #tpu.memory_space<hbm>>) target(%arg11 : memref<64x128xf32, #tpu.memory_space<vmem>>) offsets(%dma_start3A_379 : memref<64xi32, #tpu.memory_space<vmem>>) semaphore(%arg15 : memref<!tpu.dma_semaphore, #tpu.memory_space<semaphore_mem>>)
      %dma_wait3A_383 = arith.constant 0 : i32
      %dma_wait3A_384 = tpu.memref_slice %arg7[%add3A_367, %dma_wait3A_383] : memref<80x64xi32, #tpu.memory_space<vmem>> -> memref<1x64xi32, #tpu.memory_space<vmem>>
      %dma_wait3A_385 = tpu.memref_squeeze %dma_wait3A_384 : memref<1x64xi32, #tpu.memory_space<vmem>> -> memref<64xi32, #tpu.memory_space<vmem>>
      %dma_wait3A_386 = arith.constant 0 : i32
      %dma_wait3A_387 = arith.constant 0 : i32
      %dma_wait3A_388 = tpu.memref_slice %arg2[%dma_wait3A_386, %dma_wait3A_387] : memref<10240x128xf32, #tpu.memory_space<hbm>> -> memref<10240x128xf32, #tpu.memory_space<hbm>>
      tpu.wait_indirect_dma semaphore(%arg13 : memref<!tpu.dma_semaphore, #tpu.memory_space<semaphore_mem>>) src(%dma_wait3A_388 : memref<10240x128xf32, #tpu.memory_space<hbm>>) dst(%arg9 : memref<64x128xf32, #tpu.memory_space<vmem>>)
      %dma_start3A_389 = arith.constant 0 : i32
      %dma_start3A_390 = tpu.memref_slice %arg8[%add3A_367, %dma_start3A_389] : memref<80x64xi32, #tpu.memory_space<vmem>> -> memref<1x64xi32, #tpu.memory_space<vmem>>
      %dma_start3A_391 = tpu.memref_squeeze %dma_start3A_390 : memref<1x64xi32, #tpu.memory_space<vmem>> -> memref<64xi32, #tpu.memory_space<vmem>>
      %dma_start3A_392 = arith.constant 0 : i32
      %dma_start3A_393 = arith.constant 0 : i32
      %dma_start3A_394 = tpu.memref_slice %arg12[%dma_start3A_392, %dma_start3A_393] : memref<10240x128xf32, #tpu.memory_space<vmem_shared>> -> memref<10240x128xf32, #tpu.memory_space<vmem_shared>>
      tpu.enqueue_indirect_dma source(%arg9 : memref<64x128xf32, #tpu.memory_space<vmem>>) target(%dma_start3A_394 : memref<10240x128xf32, #tpu.memory_space<vmem_shared>>) offsets(%dma_start3A_391 : memref<64xi32, #tpu.memory_space<vmem>>) semaphore(%arg16 : memref<!tpu.dma_semaphore, #tpu.memory_space<semaphore_mem>>) {add = true}
    }
    %scan3A_198 = arith.constant 25 : i32
    %dma_wait3A_199 = arith.constant 0 : i32
    %dma_wait3A_200 = arith.constant 0 : i32
    %dma_wait3A_201 = tpu.memref_slice %arg8[%dma_wait3A_199, %dma_wait3A_200] : memref<80x64xi32, #tpu.memory_space<vmem>> -> memref<1x64xi32, #tpu.memory_space<vmem>>
    %dma_wait3A_202 = tpu.memref_squeeze %dma_wait3A_201 : memref<1x64xi32, #tpu.memory_space<vmem>> -> memref<64xi32, #tpu.memory_space<vmem>>
    %dma_wait3A_203 = arith.constant 0 : i32
    %dma_wait3A_204 = arith.constant 0 : i32
    %dma_wait3A_205 = tpu.memref_slice %arg12[%dma_wait3A_203, %dma_wait3A_204] : memref<10240x128xf32, #tpu.memory_space<vmem_shared>> -> memref<10240x128xf32, #tpu.memory_space<vmem_shared>>
    tpu.wait_indirect_dma semaphore(%arg16 : memref<!tpu.dma_semaphore, #tpu.memory_space<semaphore_mem>>) src(%arg9 : memref<64x128xf32, #tpu.memory_space<vmem>>) dst(%dma_wait3A_205 : memref<10240x128xf32, #tpu.memory_space<vmem_shared>>)
    %dma_start3A_206 = arith.constant 78 : i32
    %dma_start3A_207 = arith.constant 0 : i32
    %dma_start3A_208 = tpu.memref_slice %arg7[%dma_start3A_206, %dma_start3A_207] : memref<80x64xi32, #tpu.memory_space<vmem>> -> memref<1x64xi32, #tpu.memory_space<vmem>>
    %dma_start3A_209 = tpu.memref_squeeze %dma_start3A_208 : memref<1x64xi32, #tpu.memory_space<vmem>> -> memref<64xi32, #tpu.memory_space<vmem>>
    %dma_start3A_210 = arith.constant 0 : i32
    %dma_start3A_211 = arith.constant 0 : i32
    %dma_start3A_212 = tpu.memref_slice %arg2[%dma_start3A_210, %dma_start3A_211] : memref<10240x128xf32, #tpu.memory_space<hbm>> -> memref<10240x128xf32, #tpu.memory_space<hbm>>
    tpu.enqueue_indirect_dma source(%dma_start3A_212 : memref<10240x128xf32, #tpu.memory_space<hbm>>) target(%arg9 : memref<64x128xf32, #tpu.memory_space<vmem>>) offsets(%dma_start3A_209 : memref<64xi32, #tpu.memory_space<vmem>>) semaphore(%arg13 : memref<!tpu.dma_semaphore, #tpu.memory_space<semaphore_mem>>)
    %dma_wait3A_213 = arith.constant 76 : i32
    %dma_wait3A_214 = arith.constant 0 : i32
    %dma_wait3A_215 = tpu.memref_slice %arg7[%dma_wait3A_213, %dma_wait3A_214] : memref<80x64xi32, #tpu.memory_space<vmem>> -> memref<1x64xi32, #tpu.memory_space<vmem>>
    %dma_wait3A_216 = tpu.memref_squeeze %dma_wait3A_215 : memref<1x64xi32, #tpu.memory_space<vmem>> -> memref<64xi32, #tpu.memory_space<vmem>>
    %dma_wait3A_217 = arith.constant 0 : i32
    %dma_wait3A_218 = arith.constant 0 : i32
    %dma_wait3A_219 = tpu.memref_slice %arg2[%dma_wait3A_217, %dma_wait3A_218] : memref<10240x128xf32, #tpu.memory_space<hbm>> -> memref<10240x128xf32, #tpu.memory_space<hbm>>
    tpu.wait_indirect_dma semaphore(%arg14 : memref<!tpu.dma_semaphore, #tpu.memory_space<semaphore_mem>>) src(%dma_wait3A_219 : memref<10240x128xf32, #tpu.memory_space<hbm>>) dst(%arg10 : memref<64x128xf32, #tpu.memory_space<vmem>>)
    %dma_start3A_220 = arith.constant 76 : i32
    %dma_start3A_221 = arith.constant 0 : i32
    %dma_start3A_222 = tpu.memref_slice %arg8[%dma_start3A_220, %dma_start3A_221] : memref<80x64xi32, #tpu.memory_space<vmem>> -> memref<1x64xi32, #tpu.memory_space<vmem>>
    %dma_start3A_223 = tpu.memref_squeeze %dma_start3A_222 : memref<1x64xi32, #tpu.memory_space<vmem>> -> memref<64xi32, #tpu.memory_space<vmem>>
    %dma_start3A_224 = arith.constant 0 : i32
    %dma_start3A_225 = arith.constant 0 : i32
    %dma_start3A_226 = tpu.memref_slice %arg12[%dma_start3A_224, %dma_start3A_225] : memref<10240x128xf32, #tpu.memory_space<vmem_shared>> -> memref<10240x128xf32, #tpu.memory_space<vmem_shared>>
    tpu.enqueue_indirect_dma source(%arg10 : memref<64x128xf32, #tpu.memory_space<vmem>>) target(%dma_start3A_226 : memref<10240x128xf32, #tpu.memory_space<vmem_shared>>) offsets(%dma_start3A_223 : memref<64xi32, #tpu.memory_space<vmem>>) semaphore(%arg17 : memref<!tpu.dma_semaphore, #tpu.memory_space<semaphore_mem>>) {add = true}
    %dma_wait3A_227 = arith.constant 0 : i32
    %dma_wait3A_228 = arith.constant 0 : i32
    %dma_wait3A_229 = tpu.memref_slice %arg8[%dma_wait3A_227, %dma_wait3A_228] : memref<80x64xi32, #tpu.memory_space<vmem>> -> memref<1x64xi32, #tpu.memory_space<vmem>>
    %dma_wait3A_230 = tpu.memref_squeeze %dma_wait3A_229 : memref<1x64xi32, #tpu.memory_space<vmem>> -> memref<64xi32, #tpu.memory_space<vmem>>
    %dma_wait3A_231 = arith.constant 0 : i32
    %dma_wait3A_232 = arith.constant 0 : i32
    %dma_wait3A_233 = tpu.memref_slice %arg12[%dma_wait3A_231, %dma_wait3A_232] : memref<10240x128xf32, #tpu.memory_space<vmem_shared>> -> memref<10240x128xf32, #tpu.memory_space<vmem_shared>>
    tpu.wait_indirect_dma semaphore(%arg17 : memref<!tpu.dma_semaphore, #tpu.memory_space<semaphore_mem>>) src(%arg10 : memref<64x128xf32, #tpu.memory_space<vmem>>) dst(%dma_wait3A_233 : memref<10240x128xf32, #tpu.memory_space<vmem_shared>>)
    %dma_start3A_234 = arith.constant 79 : i32
    %dma_start3A_235 = arith.constant 0 : i32
    %dma_start3A_236 = tpu.memref_slice %arg7[%dma_start3A_234, %dma_start3A_235] : memref<80x64xi32, #tpu.memory_space<vmem>> -> memref<1x64xi32, #tpu.memory_space<vmem>>
    %dma_start3A_237 = tpu.memref_squeeze %dma_start3A_236 : memref<1x64xi32, #tpu.memory_space<vmem>> -> memref<64xi32, #tpu.memory_space<vmem>>
    %dma_start3A_238 = arith.constant 0 : i32
    %dma_start3A_239 = arith.constant 0 : i32
    %dma_start3A_240 = tpu.memref_slice %arg2[%dma_start3A_238, %dma_start3A_239] : memref<10240x128xf32, #tpu.memory_space<hbm>> -> memref<10240x128xf32, #tpu.memory_space<hbm>>
    tpu.enqueue_indirect_dma source(%dma_start3A_240 : memref<10240x128xf32, #tpu.memory_space<hbm>>) target(%arg10 : memref<64x128xf32, #tpu.memory_space<vmem>>) offsets(%dma_start3A_237 : memref<64xi32, #tpu.memory_space<vmem>>) semaphore(%arg14 : memref<!tpu.dma_semaphore, #tpu.memory_space<semaphore_mem>>)
    %dma_wait3A_241 = arith.constant 77 : i32
    %dma_wait3A_242 = arith.constant 0 : i32
    %dma_wait3A_243 = tpu.memref_slice %arg7[%dma_wait3A_241, %dma_wait3A_242] : memref<80x64xi32, #tpu.memory_space<vmem>> -> memref<1x64xi32, #tpu.memory_space<vmem>>
    %dma_wait3A_244 = tpu.memref_squeeze %dma_wait3A_243 : memref<1x64xi32, #tpu.memory_space<vmem>> -> memref<64xi32, #tpu.memory_space<vmem>>
    %dma_wait3A_245 = arith.constant 0 : i32
    %dma_wait3A_246 = arith.constant 0 : i32
    %dma_wait3A_247 = tpu.memref_slice %arg2[%dma_wait3A_245, %dma_wait3A_246] : memref<10240x128xf32, #tpu.memory_space<hbm>> -> memref<10240x128xf32, #tpu.memory_space<hbm>>
    tpu.wait_indirect_dma semaphore(%arg15 : memref<!tpu.dma_semaphore, #tpu.memory_space<semaphore_mem>>) src(%dma_wait3A_247 : memref<10240x128xf32, #tpu.memory_space<hbm>>) dst(%arg11 : memref<64x128xf32, #tpu.memory_space<vmem>>)
    %dma_start3A_248 = arith.constant 77 : i32
    %dma_start3A_249 = arith.constant 0 : i32
    %dma_start3A_250 = tpu.memref_slice %arg8[%dma_start3A_248, %dma_start3A_249] : memref<80x64xi32, #tpu.memory_space<vmem>> -> memref<1x64xi32, #tpu.memory_space<vmem>>
    %dma_start3A_251 = tpu.memref_squeeze %dma_start3A_250 : memref<1x64xi32, #tpu.memory_space<vmem>> -> memref<64xi32, #tpu.memory_space<vmem>>
    %dma_start3A_252 = arith.constant 0 : i32
    %dma_start3A_253 = arith.constant 0 : i32
    %dma_start3A_254 = tpu.memref_slice %arg12[%dma_start3A_252, %dma_start3A_253] : memref<10240x128xf32, #tpu.memory_space<vmem_shared>> -> memref<10240x128xf32, #tpu.memory_space<vmem_shared>>
    tpu.enqueue_indirect_dma source(%arg11 : memref<64x128xf32, #tpu.memory_space<vmem>>) target(%dma_start3A_254 : memref<10240x128xf32, #tpu.memory_space<vmem_shared>>) offsets(%dma_start3A_251 : memref<64xi32, #tpu.memory_space<vmem>>) semaphore(%arg18 : memref<!tpu.dma_semaphore, #tpu.memory_space<semaphore_mem>>) {add = true}
    %dma_wait3A_255 = arith.constant 78 : i32
    %dma_wait3A_256 = arith.constant 0 : i32
    %dma_wait3A_257 = tpu.memref_slice %arg7[%dma_wait3A_255, %dma_wait3A_256] : memref<80x64xi32, #tpu.memory_space<vmem>> -> memref<1x64xi32, #tpu.memory_space<vmem>>
    %dma_wait3A_258 = tpu.memref_squeeze %dma_wait3A_257 : memref<1x64xi32, #tpu.memory_space<vmem>> -> memref<64xi32, #tpu.memory_space<vmem>>
    %dma_wait3A_259 = arith.constant 0 : i32
    %dma_wait3A_260 = arith.constant 0 : i32
    %dma_wait3A_261 = tpu.memref_slice %arg2[%dma_wait3A_259, %dma_wait3A_260] : memref<10240x128xf32, #tpu.memory_space<hbm>> -> memref<10240x128xf32, #tpu.memory_space<hbm>>
    tpu.wait_indirect_dma semaphore(%arg13 : memref<!tpu.dma_semaphore, #tpu.memory_space<semaphore_mem>>) src(%dma_wait3A_261 : memref<10240x128xf32, #tpu.memory_space<hbm>>) dst(%arg9 : memref<64x128xf32, #tpu.memory_space<vmem>>)
    %dma_start3A_262 = arith.constant 78 : i32
    %dma_start3A_263 = arith.constant 0 : i32
    %dma_start3A_264 = tpu.memref_slice %arg8[%dma_start3A_262, %dma_start3A_263] : memref<80x64xi32, #tpu.memory_space<vmem>> -> memref<1x64xi32, #tpu.memory_space<vmem>>
    %dma_start3A_265 = tpu.memref_squeeze %dma_start3A_264 : memref<1x64xi32, #tpu.memory_space<vmem>> -> memref<64xi32, #tpu.memory_space<vmem>>
    %dma_start3A_266 = arith.constant 0 : i32
    %dma_start3A_267 = arith.constant 0 : i32
    %dma_start3A_268 = tpu.memref_slice %arg12[%dma_start3A_266, %dma_start3A_267] : memref<10240x128xf32, #tpu.memory_space<vmem_shared>> -> memref<10240x128xf32, #tpu.memory_space<vmem_shared>>
    tpu.enqueue_indirect_dma source(%arg9 : memref<64x128xf32, #tpu.memory_space<vmem>>) target(%dma_start3A_268 : memref<10240x128xf32, #tpu.memory_space<vmem_shared>>) offsets(%dma_start3A_265 : memref<64xi32, #tpu.memory_space<vmem>>) semaphore(%arg16 : memref<!tpu.dma_semaphore, #tpu.memory_space<semaphore_mem>>) {add = true}
    %dma_wait3A_269 = arith.constant 79 : i32
    %dma_wait3A_270 = arith.constant 0 : i32
    %dma_wait3A_271 = tpu.memref_slice %arg7[%dma_wait3A_269, %dma_wait3A_270] : memref<80x64xi32, #tpu.memory_space<vmem>> -> memref<1x64xi32, #tpu.memory_space<vmem>>
    %dma_wait3A_272 = tpu.memref_squeeze %dma_wait3A_271 : memref<1x64xi32, #tpu.memory_space<vmem>> -> memref<64xi32, #tpu.memory_space<vmem>>
    %dma_wait3A_273 = arith.constant 0 : i32
    %dma_wait3A_274 = arith.constant 0 : i32
    %dma_wait3A_275 = tpu.memref_slice %arg2[%dma_wait3A_273, %dma_wait3A_274] : memref<10240x128xf32, #tpu.memory_space<hbm>> -> memref<10240x128xf32, #tpu.memory_space<hbm>>
    tpu.wait_indirect_dma semaphore(%arg14 : memref<!tpu.dma_semaphore, #tpu.memory_space<semaphore_mem>>) src(%dma_wait3A_275 : memref<10240x128xf32, #tpu.memory_space<hbm>>) dst(%arg10 : memref<64x128xf32, #tpu.memory_space<vmem>>)
    %dma_start3A_276 = arith.constant 79 : i32
    %dma_start3A_277 = arith.constant 0 : i32
    %dma_start3A_278 = tpu.memref_slice %arg8[%dma_start3A_276, %dma_start3A_277] : memref<80x64xi32, #tpu.memory_space<vmem>> -> memref<1x64xi32, #tpu.memory_space<vmem>>
    %dma_start3A_279 = tpu.memref_squeeze %dma_start3A_278 : memref<1x64xi32, #tpu.memory_space<vmem>> -> memref<64xi32, #tpu.memory_space<vmem>>
    %dma_start3A_280 = arith.constant 0 : i32
    %dma_start3A_281 = arith.constant 0 : i32
    %dma_start3A_282 = tpu.memref_slice %arg12[%dma_start3A_280, %dma_start3A_281] : memref<10240x128xf32, #tpu.memory_space<vmem_shared>> -> memref<10240x128xf32, #tpu.memory_space<vmem_shared>>
    tpu.enqueue_indirect_dma source(%arg10 : memref<64x128xf32, #tpu.memory_space<vmem>>) target(%dma_start3A_282 : memref<10240x128xf32, #tpu.memory_space<vmem_shared>>) offsets(%dma_start3A_279 : memref<64xi32, #tpu.memory_space<vmem>>) semaphore(%arg17 : memref<!tpu.dma_semaphore, #tpu.memory_space<semaphore_mem>>) {add = true}
    %dma_wait3A_283 = arith.constant 0 : i32
    %dma_wait3A_284 = arith.constant 0 : i32
    %dma_wait3A_285 = tpu.memref_slice %arg8[%dma_wait3A_283, %dma_wait3A_284] : memref<80x64xi32, #tpu.memory_space<vmem>> -> memref<1x64xi32, #tpu.memory_space<vmem>>
    %dma_wait3A_286 = tpu.memref_squeeze %dma_wait3A_285 : memref<1x64xi32, #tpu.memory_space<vmem>> -> memref<64xi32, #tpu.memory_space<vmem>>
    %dma_wait3A_287 = arith.constant 0 : i32
    %dma_wait3A_288 = arith.constant 0 : i32
    %dma_wait3A_289 = tpu.memref_slice %arg12[%dma_wait3A_287, %dma_wait3A_288] : memref<10240x128xf32, #tpu.memory_space<vmem_shared>> -> memref<10240x128xf32, #tpu.memory_space<vmem_shared>>
    tpu.wait_indirect_dma semaphore(%arg16 : memref<!tpu.dma_semaphore, #tpu.memory_space<semaphore_mem>>) src(%arg9 : memref<64x128xf32, #tpu.memory_space<vmem>>) dst(%dma_wait3A_289 : memref<10240x128xf32, #tpu.memory_space<vmem_shared>>)
    %dma_wait3A_290 = arith.constant 0 : i32
    %dma_wait3A_291 = arith.constant 0 : i32
    %dma_wait3A_292 = tpu.memref_slice %arg8[%dma_wait3A_290, %dma_wait3A_291] : memref<80x64xi32, #tpu.memory_space<vmem>> -> memref<1x64xi32, #tpu.memory_space<vmem>>
    %dma_wait3A_293 = tpu.memref_squeeze %dma_wait3A_292 : memref<1x64xi32, #tpu.memory_space<vmem>> -> memref<64xi32, #tpu.memory_space<vmem>>
    %dma_wait3A_294 = arith.constant 0 : i32
    %dma_wait3A_295 = arith.constant 0 : i32
    %dma_wait3A_296 = tpu.memref_slice %arg12[%dma_wait3A_294, %dma_wait3A_295] : memref<10240x128xf32, #tpu.memory_space<vmem_shared>> -> memref<10240x128xf32, #tpu.memory_space<vmem_shared>>
    tpu.wait_indirect_dma semaphore(%arg17 : memref<!tpu.dma_semaphore, #tpu.memory_space<semaphore_mem>>) src(%arg10 : memref<64x128xf32, #tpu.memory_space<vmem>>) dst(%dma_wait3A_296 : memref<10240x128xf32, #tpu.memory_space<vmem_shared>>)
    %dma_wait3A_297 = arith.constant 0 : i32
    %dma_wait3A_298 = arith.constant 0 : i32
    %dma_wait3A_299 = tpu.memref_slice %arg8[%dma_wait3A_297, %dma_wait3A_298] : memref<80x64xi32, #tpu.memory_space<vmem>> -> memref<1x64xi32, #tpu.memory_space<vmem>>
    %dma_wait3A_300 = tpu.memref_squeeze %dma_wait3A_299 : memref<1x64xi32, #tpu.memory_space<vmem>> -> memref<64xi32, #tpu.memory_space<vmem>>
    %dma_wait3A_301 = arith.constant 0 : i32
    %dma_wait3A_302 = arith.constant 0 : i32
    %dma_wait3A_303 = tpu.memref_slice %arg12[%dma_wait3A_301, %dma_wait3A_302] : memref<10240x128xf32, #tpu.memory_space<vmem_shared>> -> memref<10240x128xf32, #tpu.memory_space<vmem_shared>>
    tpu.wait_indirect_dma semaphore(%arg18 : memref<!tpu.dma_semaphore, #tpu.memory_space<semaphore_mem>>) src(%arg11 : memref<64x128xf32, #tpu.memory_space<vmem>>) dst(%dma_wait3A_303 : memref<10240x128xf32, #tpu.memory_space<vmem_shared>>)
    %barrier3A_304 = arith.constant 0 : index
    tpu.barrier barrier_id(%barrier3A_304)
    "tpu.region"() ({
      %run_scoped3A = tpu.sem_alloc : memref<!tpu.dma_semaphore, #tpu.memory_space<semaphore_mem>>
      %dma_start3A_305 = arith.constant 0 : i32
      %dma_start3A_306 = tpu.memref_slice %arg6[%arg0, %mul3A_4, %dma_start3A_305] : memref<2x10240x128xf32, #tpu.memory_space<hbm>> -> memref<1x640x128xf32, #tpu.memory_space<hbm>>
      %dma_start3A_307 = tpu.memref_squeeze %dma_start3A_306 : memref<1x640x128xf32, #tpu.memory_space<hbm>> -> memref<640x128xf32, #tpu.memory_space<hbm>>
      %dma_start3A_308 = arith.constant 0 : i32
      %dma_start3A_309 = tpu.memref_slice %arg12[%mul3A_4, %dma_start3A_308] : memref<10240x128xf32, #tpu.memory_space<vmem_shared>> -> memref<640x128xf32, #tpu.memory_space<vmem_shared>>
      tpu.enqueue_dma source(%dma_start3A_309 : memref<640x128xf32, #tpu.memory_space<vmem_shared>>) target(%dma_start3A_307 : memref<640x128xf32, #tpu.memory_space<hbm>>) target_semaphore(%run_scoped3A : memref<!tpu.dma_semaphore, #tpu.memory_space<semaphore_mem>>)
      %dma_wait3A_310 = arith.constant 0 : i32
      %dma_wait3A_311 = tpu.memref_slice %arg6[%arg0, %mul3A_4, %dma_wait3A_310] : memref<2x10240x128xf32, #tpu.memory_space<hbm>> -> memref<1x640x128xf32, #tpu.memory_space<hbm>>
      %dma_wait3A_312 = tpu.memref_squeeze %dma_wait3A_311 : memref<1x640x128xf32, #tpu.memory_space<hbm>> -> memref<640x128xf32, #tpu.memory_space<hbm>>
      %dma_wait3A_313 = arith.constant 0 : i32
      %dma_wait3A_314 = tpu.memref_slice %arg12[%mul3A_4, %dma_wait3A_313] : memref<10240x128xf32, #tpu.memory_space<vmem_shared>> -> memref<640x128xf32, #tpu.memory_space<vmem_shared>>
      tpu.wait_dma2 semaphore(%run_scoped3A : memref<!tpu.dma_semaphore, #tpu.memory_space<semaphore_mem>>) src(%dma_wait3A_314 : memref<640x128xf32, #tpu.memory_space<vmem_shared>>) dst(%dma_wait3A_312 : memref<640x128xf32, #tpu.memory_space<hbm>>)
      tpu.yield
    }) : () -> ()
    return
  }
}

#map = affine_map<(d0, d1) -> (0, 0)>
#map1 = affine_map<(d0, d1) -> (0, 0, 0)>
module attributes {stable_mosaic.version = 14 : i64} {
  func.func @body(%arg0: i32, %arg1: i32, %arg2: memref<10240x128xf32, #tpu.memory_space<hbm>>, %arg3: memref<5120x64xi32, #tpu.memory_space<hbm>>, %arg4: memref<5120x64xi32, #tpu.memory_space<hbm>>, %arg5: memref<640x128xf32, #tpu.memory_space<hbm>>, %arg6: memref<2x10240x128xf32, #tpu.memory_space<hbm>>, %arg7: memref<80x64xi32, #tpu.memory_space<vmem>>, %arg8: memref<80x64xi32, #tpu.memory_space<vmem>>, %arg9: memref<64x128xf32, #tpu.memory_space<vmem>>, %arg10: memref<64x128xf32, #tpu.memory_space<vmem>>, %arg11: memref<64x128xf32, #tpu.memory_space<vmem>>, %arg12: memref<10240x128xf32, #tpu.memory_space<vmem_shared>>, %arg13: memref<!tpu.dma_semaphore, #tpu.memory_space<semaphore_mem>>, %arg14: memref<!tpu.dma_semaphore, #tpu.memory_space<semaphore_mem>>, %arg15: memref<!tpu.dma_semaphore, #tpu.memory_space<semaphore_mem>>, %arg16: memref<!tpu.dma_semaphore, #tpu.memory_space<semaphore_mem>>, %arg17: memref<!tpu.dma_semaphore, #tpu.memory_space<semaphore_mem>>, %arg18: memref<!tpu.dma_semaphore, #tpu.memory_space<semaphore_mem>>) attributes {dimension_semantics = [#tpu.dimension_semantics<core_parallel>, #tpu.dimension_semantics<subcore_parallel>], iteration_bounds = array<i64: 2, 16>, scalar_prefetch = 0 : i64, scratch_operands = 12 : i64, tpu.core_type = #tpu.core_type<sc_vector_subcore>, window_params = [{transform_indices = #map}, {transform_indices = #map}, {transform_indices = #map}, {transform_indices = #map}, {transform_indices = #map1}]} {
    %mul3A = arith.constant 16 : i32
    %mul3A_0 = arith.muli %arg0, %mul3A : i32
    %add3A = arith.addi %mul3A_0, %arg1 : i32
    %mul3A_1 = arith.constant 160 : i32
    %mul3A_2 = arith.muli %add3A, %mul3A_1 : i32
    %mul3A_3 = arith.constant 640 : i32
    %mul3A_4 = arith.muli %arg1, %mul3A_3 : i32
    %eq3A = arith.constant 0 : i32
    %eq3A_5 = arith.cmpi eq, %arg0, %eq3A : i32
    %convert_element_type3A = arith.extui %eq3A_5 : i1 to i32
    %cond3A = arith.constant 0 : i32
    %cond3A_6 = arith.cmpi ne, %convert_element_type3A, %cond3A : i32
    scf.if %cond3A_6 {
      "tpu.region"() ({
        %run_scoped3A = tpu.sem_alloc : memref<!tpu.dma_semaphore, #tpu.memory_space<semaphore_mem>>
        %dma_start3A_305 = arith.constant 0 : i32
        %dma_start3A_306 = tpu.memref_slice %arg12[%mul3A_4, %dma_start3A_305] : memref<10240x128xf32, #tpu.memory_space<vmem_shared>> -> memref<640x128xf32, #tpu.memory_space<vmem_shared>>
        %dma_start3A_307 = arith.constant 0 : i32
        %dma_start3A_308 = tpu.memref_slice %arg2[%mul3A_4, %dma_start3A_307] : memref<10240x128xf32, #tpu.memory_space<hbm>> -> memref<640x128xf32, #tpu.memory_space<hbm>>
        tpu.enqueue_dma source(%dma_start3A_308 : memref<640x128xf32, #tpu.memory_space<hbm>>) target(%dma_start3A_306 : memref<640x128xf32, #tpu.memory_space<vmem_shared>>) target_semaphore(%run_scoped3A : memref<!tpu.dma_semaphore, #tpu.memory_space<semaphore_mem>>)
        %dma_wait3A_309 = arith.constant 0 : i32
        %dma_wait3A_310 = tpu.memref_slice %arg12[%mul3A_4, %dma_wait3A_309] : memref<10240x128xf32, #tpu.memory_space<vmem_shared>> -> memref<640x128xf32, #tpu.memory_space<vmem_shared>>
        %dma_wait3A_311 = arith.constant 0 : i32
        %dma_wait3A_312 = tpu.memref_slice %arg2[%mul3A_4, %dma_wait3A_311] : memref<10240x128xf32, #tpu.memory_space<hbm>> -> memref<640x128xf32, #tpu.memory_space<hbm>>
        tpu.wait_dma2 semaphore(%run_scoped3A : memref<!tpu.dma_semaphore, #tpu.memory_space<semaphore_mem>>) src(%dma_wait3A_312 : memref<640x128xf32, #tpu.memory_space<hbm>>) dst(%dma_wait3A_310 : memref<640x128xf32, #tpu.memory_space<vmem_shared>>)
        tpu.yield
      }) : () -> ()
    } else {
    }
    %ne3A = arith.constant 0 : i32
    %ne3A_7 = arith.cmpi ne, %arg0, %ne3A : i32
    %convert_element_type3A_8 = arith.extui %ne3A_7 : i1 to i32
    %cond3A_9 = arith.constant 0 : i32
    %cond3A_10 = arith.cmpi ne, %convert_element_type3A_8, %cond3A_9 : i32
    scf.if %cond3A_10 {
      "tpu.region"() ({
        %run_scoped3A = tpu.sem_alloc : memref<!tpu.dma_semaphore, #tpu.memory_space<semaphore_mem>>
        %dma_start3A_305 = arith.constant 0 : i32
        %dma_start3A_306 = tpu.memref_slice %arg12[%mul3A_4, %dma_start3A_305] : memref<10240x128xf32, #tpu.memory_space<vmem_shared>> -> memref<640x128xf32, #tpu.memory_space<vmem_shared>>
        tpu.enqueue_dma source(%arg5 : memref<640x128xf32, #tpu.memory_space<hbm>>) target(%dma_start3A_306 : memref<640x128xf32, #tpu.memory_space<vmem_shared>>) target_semaphore(%run_scoped3A : memref<!tpu.dma_semaphore, #tpu.memory_space<semaphore_mem>>)
        %dma_wait3A_307 = arith.constant 0 : i32
        %dma_wait3A_308 = tpu.memref_slice %arg12[%mul3A_4, %dma_wait3A_307] : memref<10240x128xf32, #tpu.memory_space<vmem_shared>> -> memref<640x128xf32, #tpu.memory_space<vmem_shared>>
        tpu.wait_dma2 semaphore(%run_scoped3A : memref<!tpu.dma_semaphore, #tpu.memory_space<semaphore_mem>>) src(%arg5 : memref<640x128xf32, #tpu.memory_space<hbm>>) dst(%dma_wait3A_308 : memref<640x128xf32, #tpu.memory_space<vmem_shared>>)
        tpu.yield
      }) : () -> ()
    } else {
    }
    %barrier3A = arith.constant 0 : index
    tpu.barrier barrier_id(%barrier3A)
    %add3A_11 = arith.constant 0 : i32
    %add3A_12 = arith.addi %mul3A_2, %add3A_11 : i32
    "tpu.region"() ({
      %run_scoped3A = tpu.sem_alloc : memref<!tpu.dma_semaphore, #tpu.memory_space<semaphore_mem>>
      %dma_start3A_305 = arith.constant 0 : i32
      %dma_start3A_306 = tpu.memref_slice %arg3[%add3A_12, %dma_start3A_305] : memref<5120x64xi32, #tpu.memory_space<hbm>> -> memref<80x64xi32, #tpu.memory_space<hbm>>
      %dma_start3A_307 = arith.constant 0 : i32
      %dma_start3A_308 = tpu.memref_slice %arg3[%add3A_12, %dma_start3A_307] : memref<5120x64xi32, #tpu.memory_space<hbm>> -> memref<80x64xi32, #tpu.memory_space<hbm>>
      tpu.enqueue_dma source(%dma_start3A_308 : memref<80x64xi32, #tpu.memory_space<hbm>>) target(%arg7 : memref<80x64xi32, #tpu.memory_space<vmem>>) target_semaphore(%run_scoped3A : memref<!tpu.dma_semaphore, #tpu.memory_space<semaphore_mem>>)
      %dma_wait3A_309 = arith.constant 0 : i32
      %dma_wait3A_310 = tpu.memref_slice %arg3[%add3A_12, %dma_wait3A_309] : memref<5120x64xi32, #tpu.memory_space<hbm>> -> memref<80x64xi32, #tpu.memory_space<hbm>>
      %dma_wait3A_311 = arith.constant 0 : i32
      %dma_wait3A_312 = tpu.memref_slice %arg3[%add3A_12, %dma_wait3A_311] : memref<5120x64xi32, #tpu.memory_space<hbm>> -> memref<80x64xi32, #tpu.memory_space<hbm>>
      tpu.wait_dma2 semaphore(%run_scoped3A : memref<!tpu.dma_semaphore, #tpu.memory_space<semaphore_mem>>) src(%dma_wait3A_312 : memref<80x64xi32, #tpu.memory_space<hbm>>) dst(%arg7 : memref<80x64xi32, #tpu.memory_space<vmem>>)
      tpu.yield
    }) : () -> ()
    "tpu.region"() ({
      %run_scoped3A = tpu.sem_alloc : memref<!tpu.dma_semaphore, #tpu.memory_space<semaphore_mem>>
      %dma_start3A_305 = arith.constant 0 : i32
      %dma_start3A_306 = tpu.memref_slice %arg4[%add3A_12, %dma_start3A_305] : memref<5120x64xi32, #tpu.memory_space<hbm>> -> memref<80x64xi32, #tpu.memory_space<hbm>>
      %dma_start3A_307 = arith.constant 0 : i32
      %dma_start3A_308 = tpu.memref_slice %arg4[%add3A_12, %dma_start3A_307] : memref<5120x64xi32, #tpu.memory_space<hbm>> -> memref<80x64xi32, #tpu.memory_space<hbm>>
      tpu.enqueue_dma source(%dma_start3A_308 : memref<80x64xi32, #tpu.memory_space<hbm>>) target(%arg8 : memref<80x64xi32, #tpu.memory_space<vmem>>) target_semaphore(%run_scoped3A : memref<!tpu.dma_semaphore, #tpu.memory_space<semaphore_mem>>)
      %dma_wait3A_309 = arith.constant 0 : i32
      %dma_wait3A_310 = tpu.memref_slice %arg4[%add3A_12, %dma_wait3A_309] : memref<5120x64xi32, #tpu.memory_space<hbm>> -> memref<80x64xi32, #tpu.memory_space<hbm>>
      %dma_wait3A_311 = arith.constant 0 : i32
      %dma_wait3A_312 = tpu.memref_slice %arg4[%add3A_12, %dma_wait3A_311] : memref<5120x64xi32, #tpu.memory_space<hbm>> -> memref<80x64xi32, #tpu.memory_space<hbm>>
      tpu.wait_dma2 semaphore(%run_scoped3A : memref<!tpu.dma_semaphore, #tpu.memory_space<semaphore_mem>>) src(%dma_wait3A_312 : memref<80x64xi32, #tpu.memory_space<hbm>>) dst(%arg8 : memref<80x64xi32, #tpu.memory_space<vmem>>)
      tpu.yield
    }) : () -> ()
    %dma_start3A = arith.constant 0 : i32
    %dma_start3A_13 = arith.constant 0 : i32
    %dma_start3A_14 = tpu.memref_slice %arg7[%dma_start3A, %dma_start3A_13] : memref<80x64xi32, #tpu.memory_space<vmem>> -> memref<1x64xi32, #tpu.memory_space<vmem>>
    %dma_start3A_15 = tpu.memref_squeeze %dma_start3A_14 : memref<1x64xi32, #tpu.memory_space<vmem>> -> memref<64xi32, #tpu.memory_space<vmem>>
    %dma_start3A_16 = arith.constant 0 : i32
    %dma_start3A_17 = arith.constant 0 : i32
    %dma_start3A_18 = tpu.memref_slice %arg2[%dma_start3A_16, %dma_start3A_17] : memref<10240x128xf32, #tpu.memory_space<hbm>> -> memref<10240x128xf32, #tpu.memory_space<hbm>>
    tpu.enqueue_indirect_dma source(%dma_start3A_18 : memref<10240x128xf32, #tpu.memory_space<hbm>>) target(%arg9 : memref<64x128xf32, #tpu.memory_space<vmem>>) offsets(%dma_start3A_15 : memref<64xi32, #tpu.memory_space<vmem>>) semaphore(%arg13 : memref<!tpu.dma_semaphore, #tpu.memory_space<semaphore_mem>>)
    %dma_start3A_19 = arith.constant 1 : i32
    %dma_start3A_20 = arith.constant 0 : i32
    %dma_start3A_21 = tpu.memref_slice %arg7[%dma_start3A_19, %dma_start3A_20] : memref<80x64xi32, #tpu.memory_space<vmem>> -> memref<1x64xi32, #tpu.memory_space<vmem>>
    %dma_start3A_22 = tpu.memref_squeeze %dma_start3A_21 : memref<1x64xi32, #tpu.memory_space<vmem>> -> memref<64xi32, #tpu.memory_space<vmem>>
    %dma_start3A_23 = arith.constant 0 : i32
    %dma_start3A_24 = arith.constant 0 : i32
    %dma_start3A_25 = tpu.memref_slice %arg2[%dma_start3A_23, %dma_start3A_24] : memref<10240x128xf32, #tpu.memory_space<hbm>> -> memref<10240x128xf32, #tpu.memory_space<hbm>>
    tpu.enqueue_indirect_dma source(%dma_start3A_25 : memref<10240x128xf32, #tpu.memory_space<hbm>>) target(%arg10 : memref<64x128xf32, #tpu.memory_space<vmem>>) offsets(%dma_start3A_22 : memref<64xi32, #tpu.memory_space<vmem>>) semaphore(%arg14 : memref<!tpu.dma_semaphore, #tpu.memory_space<semaphore_mem>>)
    %dma_start3A_26 = arith.constant 2 : i32
    %dma_start3A_27 = arith.constant 0 : i32
    %dma_start3A_28 = tpu.memref_slice %arg7[%dma_start3A_26, %dma_start3A_27] : memref<80x64xi32, #tpu.memory_space<vmem>> -> memref<1x64xi32, #tpu.memory_space<vmem>>
    %dma_start3A_29 = tpu.memref_squeeze %dma_start3A_28 : memref<1x64xi32, #tpu.memory_space<vmem>> -> memref<64xi32, #tpu.memory_space<vmem>>
    %dma_start3A_30 = arith.constant 0 : i32
    %dma_start3A_31 = arith.constant 0 : i32
    %dma_start3A_32 = tpu.memref_slice %arg2[%dma_start3A_30, %dma_start3A_31] : memref<10240x128xf32, #tpu.memory_space<hbm>> -> memref<10240x128xf32, #tpu.memory_space<hbm>>
    tpu.enqueue_indirect_dma source(%dma_start3A_32 : memref<10240x128xf32, #tpu.memory_space<hbm>>) target(%arg11 : memref<64x128xf32, #tpu.memory_space<vmem>>) offsets(%dma_start3A_29 : memref<64xi32, #tpu.memory_space<vmem>>) semaphore(%arg15 : memref<!tpu.dma_semaphore, #tpu.memory_space<semaphore_mem>>)
    %dma_wait3A = arith.constant 0 : i32
    %dma_wait3A_33 = arith.constant 0 : i32
    %dma_wait3A_34 = tpu.memref_slice %arg7[%dma_wait3A, %dma_wait3A_33] : memref<80x64xi32, #tpu.memory_space<vmem>> -> memref<1x64xi32, #tpu.memory_space<vmem>>
    %dma_wait3A_35 = tpu.memref_squeeze %dma_wait3A_34 : memref<1x64xi32, #tpu.memory_space<vmem>> -> memref<64xi32, #tpu.memory_space<vmem>>
    %dma_wait3A_36 = arith.constant 0 : i32
    %dma_wait3A_37 = arith.constant 0 : i32
    %dma_wait3A_38 = tpu.memref_slice %arg2[%dma_wait3A_36, %dma_wait3A_37] : memref<10240x128xf32, #tpu.memory_space<hbm>> -> memref<10240x128xf32, #tpu.memory_space<hbm>>
    tpu.wait_indirect_dma semaphore(%arg13 : memref<!tpu.dma_semaphore, #tpu.memory_space<semaphore_mem>>) src(%dma_wait3A_38 : memref<10240x128xf32, #tpu.memory_space<hbm>>) dst(%arg9 : memref<64x128xf32, #tpu.memory_space<vmem>>)
    %dma_start3A_39 = arith.constant 0 : i32
    %dma_start3A_40 = arith.constant 0 : i32
    %dma_start3A_41 = tpu.memref_slice %arg8[%dma_start3A_39, %dma_start3A_40] : memref<80x64xi32, #tpu.memory_space<vmem>> -> memref<1x64xi32, #tpu.memory_space<vmem>>
    %dma_start3A_42 = tpu.memref_squeeze %dma_start3A_41 : memref<1x64xi32, #tpu.memory_space<vmem>> -> memref<64xi32, #tpu.memory_space<vmem>>
    %dma_start3A_43 = arith.constant 0 : i32
    %dma_start3A_44 = arith.constant 0 : i32
    %dma_start3A_45 = tpu.memref_slice %arg12[%dma_start3A_43, %dma_start3A_44] : memref<10240x128xf32, #tpu.memory_space<vmem_shared>> -> memref<10240x128xf32, #tpu.memory_space<vmem_shared>>
    tpu.enqueue_indirect_dma source(%arg9 : memref<64x128xf32, #tpu.memory_space<vmem>>) target(%dma_start3A_45 : memref<10240x128xf32, #tpu.memory_space<vmem_shared>>) offsets(%dma_start3A_42 : memref<64xi32, #tpu.memory_space<vmem>>) semaphore(%arg16 : memref<!tpu.dma_semaphore, #tpu.memory_space<semaphore_mem>>) {add = true}
    %scan3A = arith.constant 0 : i32
    %scan3A_46 = arith.constant 0 : i32
    %scan3A_47 = arith.constant 25 : i32
    %scan3A_48 = arith.addi %scan3A_46, %scan3A_47 : i32
    %scan3A_49 = arith.constant 1 : i32
    scf.for %scan3A_305 = %scan3A_46 to %scan3A_48 step %scan3A_49  : i32 {
      %mul3A_306 = arith.constant 3 : i32
      %mul3A_307 = arith.muli %mul3A_306, %scan3A_305 : i32
      %add3A_308 = arith.constant 1 : i32
      %add3A_309 = arith.addi %mul3A_307, %add3A_308 : i32
      %dma_wait3A_310 = arith.constant 0 : i32
      %dma_wait3A_311 = arith.constant 0 : i32
      %dma_wait3A_312 = tpu.memref_slice %arg8[%dma_wait3A_310, %dma_wait3A_311] : memref<80x64xi32, #tpu.memory_space<vmem>> -> memref<1x64xi32, #tpu.memory_space<vmem>>
      %dma_wait3A_313 = tpu.memref_squeeze %dma_wait3A_312 : memref<1x64xi32, #tpu.memory_space<vmem>> -> memref<64xi32, #tpu.memory_space<vmem>>
      %dma_wait3A_314 = arith.constant 0 : i32
      %dma_wait3A_315 = arith.constant 0 : i32
      %dma_wait3A_316 = tpu.memref_slice %arg12[%dma_wait3A_314, %dma_wait3A_315] : memref<10240x128xf32, #tpu.memory_space<vmem_shared>> -> memref<10240x128xf32, #tpu.memory_space<vmem_shared>>
      tpu.wait_indirect_dma semaphore(%arg16 : memref<!tpu.dma_semaphore, #tpu.memory_space<semaphore_mem>>) src(%arg9 : memref<64x128xf32, #tpu.memory_space<vmem>>) dst(%dma_wait3A_316 : memref<10240x128xf32, #tpu.memory_space<vmem_shared>>)
      %add3A_317 = arith.constant 2 : i32
      %add3A_318 = arith.addi %add3A_309, %add3A_317 : i32
      %dma_start3A_319 = arith.constant 0 : i32
      %dma_start3A_320 = tpu.memref_slice %arg7[%add3A_318, %dma_start3A_319] : memref<80x64xi32, #tpu.memory_space<vmem>> -> memref<1x64xi32, #tpu.memory_space<vmem>>
      %dma_start3A_321 = tpu.memref_squeeze %dma_start3A_320 : memref<1x64xi32, #tpu.memory_space<vmem>> -> memref<64xi32, #tpu.memory_space<vmem>>
      %dma_start3A_322 = arith.constant 0 : i32
      %dma_start3A_323 = arith.constant 0 : i32
      %dma_start3A_324 = tpu.memref_slice %arg2[%dma_start3A_322, %dma_start3A_323] : memref<10240x128xf32, #tpu.memory_space<hbm>> -> memref<10240x128xf32, #tpu.memory_space<hbm>>
      tpu.enqueue_indirect_dma source(%dma_start3A_324 : memref<10240x128xf32, #tpu.memory_space<hbm>>) target(%arg9 : memref<64x128xf32, #tpu.memory_space<vmem>>) offsets(%dma_start3A_321 : memref<64xi32, #tpu.memory_space<vmem>>) semaphore(%arg13 : memref<!tpu.dma_semaphore, #tpu.memory_space<semaphore_mem>>)
      %dma_wait3A_325 = arith.constant 0 : i32
      %dma_wait3A_326 = tpu.memref_slice %arg7[%add3A_309, %dma_wait3A_325] : memref<80x64xi32, #tpu.memory_space<vmem>> -> memref<1x64xi32, #tpu.memory_space<vmem>>
      %dma_wait3A_327 = tpu.memref_squeeze %dma_wait3A_326 : memref<1x64xi32, #tpu.memory_space<vmem>> -> memref<64xi32, #tpu.memory_space<vmem>>
      %dma_wait3A_328 = arith.constant 0 : i32
      %dma_wait3A_329 = arith.constant 0 : i32
      %dma_wait3A_330 = tpu.memref_slice %arg2[%dma_wait3A_328, %dma_wait3A_329] : memref<10240x128xf32, #tpu.memory_space<hbm>> -> memref<10240x128xf32, #tpu.memory_space<hbm>>
      tpu.wait_indirect_dma semaphore(%arg14 : memref<!tpu.dma_semaphore, #tpu.memory_space<semaphore_mem>>) src(%dma_wait3A_330 : memref<10240x128xf32, #tpu.memory_space<hbm>>) dst(%arg10 : memref<64x128xf32, #tpu.memory_space<vmem>>)
      %dma_start3A_331 = arith.constant 0 : i32
      %dma_start3A_332 = tpu.memref_slice %arg8[%add3A_309, %dma_start3A_331] : memref<80x64xi32, #tpu.memory_space<vmem>> -> memref<1x64xi32, #tpu.memory_space<vmem>>
      %dma_start3A_333 = tpu.memref_squeeze %dma_start3A_332 : memref<1x64xi32, #tpu.memory_space<vmem>> -> memref<64xi32, #tpu.memory_space<vmem>>
      %dma_start3A_334 = arith.constant 0 : i32
      %dma_start3A_335 = arith.constant 0 : i32
      %dma_start3A_336 = tpu.memref_slice %arg12[%dma_start3A_334, %dma_start3A_335] : memref<10240x128xf32, #tpu.memory_space<vmem_shared>> -> memref<10240x128xf32, #tpu.memory_space<vmem_shared>>
      tpu.enqueue_indirect_dma source(%arg10 : memref<64x128xf32, #tpu.memory_space<vmem>>) target(%dma_start3A_336 : memref<10240x128xf32, #tpu.memory_space<vmem_shared>>) offsets(%dma_start3A_333 : memref<64xi32, #tpu.memory_space<vmem>>) semaphore(%arg17 : memref<!tpu.dma_semaphore, #tpu.memory_space<semaphore_mem>>) {add = true}
      %add3A_337 = arith.constant 1 : i32
      %add3A_338 = arith.addi %add3A_309, %add3A_337 : i32
      %dma_wait3A_339 = arith.constant 0 : i32
      %dma_wait3A_340 = arith.constant 0 : i32
      %dma_wait3A_341 = tpu.memref_slice %arg8[%dma_wait3A_339, %dma_wait3A_340] : memref<80x64xi32, #tpu.memory_space<vmem>> -> memref<1x64xi32, #tpu.memory_space<vmem>>
      %dma_wait3A_342 = tpu.memref_squeeze %dma_wait3A_341 : memref<1x64xi32, #tpu.memory_space<vmem>> -> memref<64xi32, #tpu.memory_space<vmem>>
      %dma_wait3A_343 = arith.constant 0 : i32
      %dma_wait3A_344 = arith.constant 0 : i32
      %dma_wait3A_345 = tpu.memref_slice %arg12[%dma_wait3A_343, %dma_wait3A_344] : memref<10240x128xf32, #tpu.memory_space<vmem_shared>> -> memref<10240x128xf32, #tpu.memory_space<vmem_shared>>
      tpu.wait_indirect_dma semaphore(%arg17 : memref<!tpu.dma_semaphore, #tpu.memory_space<semaphore_mem>>) src(%arg10 : memref<64x128xf32, #tpu.memory_space<vmem>>) dst(%dma_wait3A_345 : memref<10240x128xf32, #tpu.memory_space<vmem_shared>>)
      %add3A_346 = arith.constant 2 : i32
      %add3A_347 = arith.addi %add3A_338, %add3A_346 : i32
      %dma_start3A_348 = arith.constant 0 : i32
      %dma_start3A_349 = tpu.memref_slice %arg7[%add3A_347, %dma_start3A_348] : memref<80x64xi32, #tpu.memory_space<vmem>> -> memref<1x64xi32, #tpu.memory_space<vmem>>
      %dma_start3A_350 = tpu.memref_squeeze %dma_start3A_349 : memref<1x64xi32, #tpu.memory_space<vmem>> -> memref<64xi32, #tpu.memory_space<vmem>>
      %dma_start3A_351 = arith.constant 0 : i32
      %dma_start3A_352 = arith.constant 0 : i32
      %dma_start3A_353 = tpu.memref_slice %arg2[%dma_start3A_351, %dma_start3A_352] : memref<10240x128xf32, #tpu.memory_space<hbm>> -> memref<10240x128xf32, #tpu.memory_space<hbm>>
      tpu.enqueue_indirect_dma source(%dma_start3A_353 : memref<10240x128xf32, #tpu.memory_space<hbm>>) target(%arg10 : memref<64x128xf32, #tpu.memory_space<vmem>>) offsets(%dma_start3A_350 : memref<64xi32, #tpu.memory_space<vmem>>) semaphore(%arg14 : memref<!tpu.dma_semaphore, #tpu.memory_space<semaphore_mem>>)
      %dma_wait3A_354 = arith.constant 0 : i32
      %dma_wait3A_355 = tpu.memref_slice %arg7[%add3A_338, %dma_wait3A_354] : memref<80x64xi32, #tpu.memory_space<vmem>> -> memref<1x64xi32, #tpu.memory_space<vmem>>
      %dma_wait3A_356 = tpu.memref_squeeze %dma_wait3A_355 : memref<1x64xi32, #tpu.memory_space<vmem>> -> memref<64xi32, #tpu.memory_space<vmem>>
      %dma_wait3A_357 = arith.constant 0 : i32
      %dma_wait3A_358 = arith.constant 0 : i32
      %dma_wait3A_359 = tpu.memref_slice %arg2[%dma_wait3A_357, %dma_wait3A_358] : memref<10240x128xf32, #tpu.memory_space<hbm>> -> memref<10240x128xf32, #tpu.memory_space<hbm>>
      tpu.wait_indirect_dma semaphore(%arg15 : memref<!tpu.dma_semaphore, #tpu.memory_space<semaphore_mem>>) src(%dma_wait3A_359 : memref<10240x128xf32, #tpu.memory_space<hbm>>) dst(%arg11 : memref<64x128xf32, #tpu.memory_space<vmem>>)
      %dma_start3A_360 = arith.constant 0 : i32
      %dma_start3A_361 = tpu.memref_slice %arg8[%add3A_338, %dma_start3A_360] : memref<80x64xi32, #tpu.memory_space<vmem>> -> memref<1x64xi32, #tpu.memory_space<vmem>>
      %dma_start3A_362 = tpu.memref_squeeze %dma_start3A_361 : memref<1x64xi32, #tpu.memory_space<vmem>> -> memref<64xi32, #tpu.memory_space<vmem>>
      %dma_start3A_363 = arith.constant 0 : i32
      %dma_start3A_364 = arith.constant 0 : i32
      %dma_start3A_365 = tpu.memref_slice %arg12[%dma_start3A_363, %dma_start3A_364] : memref<10240x128xf32, #tpu.memory_space<vmem_shared>> -> memref<10240x128xf32, #tpu.memory_space<vmem_shared>>
      tpu.enqueue_indirect_dma source(%arg11 : memref<64x128xf32, #tpu.memory_space<vmem>>) target(%dma_start3A_365 : memref<10240x128xf32, #tpu.memory_space<vmem_shared>>) offsets(%dma_start3A_362 : memref<64xi32, #tpu.memory_space<vmem>>) semaphore(%arg18 : memref<!tpu.dma_semaphore, #tpu.memory_space<semaphore_mem>>) {add = true}
      %add3A_366 = arith.constant 2 : i32
      %add3A_367 = arith.addi %add3A_309, %add3A_366 : i32
      %dma_wait3A_368 = arith.constant 0 : i32
      %dma_wait3A_369 = arith.constant 0 : i32
      %dma_wait3A_370 = tpu.memref_slice %arg8[%dma_wait3A_368, %dma_wait3A_369] : memref<80x64xi32, #tpu.memory_space<vmem>> -> memref<1x64xi32, #tpu.memory_space<vmem>>
      %dma_wait3A_371 = tpu.memref_squeeze %dma_wait3A_370 : memref<1x64xi32, #tpu.memory_space<vmem>> -> memref<64xi32, #tpu.memory_space<vmem>>
      %dma_wait3A_372 = arith.constant 0 : i32
      %dma_wait3A_373 = arith.constant 0 : i32
      %dma_wait3A_374 = tpu.memref_slice %arg12[%dma_wait3A_372, %dma_wait3A_373] : memref<10240x128xf32, #tpu.memory_space<vmem_shared>> -> memref<10240x128xf32, #tpu.memory_space<vmem_shared>>
      tpu.wait_indirect_dma semaphore(%arg18 : memref<!tpu.dma_semaphore, #tpu.memory_space<semaphore_mem>>) src(%arg11 : memref<64x128xf32, #tpu.memory_space<vmem>>) dst(%dma_wait3A_374 : memref<10240x128xf32, #tpu.memory_space<vmem_shared>>)
      %add3A_375 = arith.constant 2 : i32
      %add3A_376 = arith.addi %add3A_367, %add3A_375 : i32
      %dma_start3A_377 = arith.constant 0 : i32
      %dma_start3A_378 = tpu.memref_slice %arg7[%add3A_376, %dma_start3A_377] : memref<80x64xi32, #tpu.memory_space<vmem>> -> memref<1x64xi32, #tpu.memory_space<vmem>>
      %dma_start3A_379 = tpu.memref_squeeze %dma_start3A_378 : memref<1x64xi32, #tpu.memory_space<vmem>> -> memref<64xi32, #tpu.memory_space<vmem>>
      %dma_start3A_380 = arith.constant 0 : i32
      %dma_start3A_381 = arith.constant 0 : i32
      %dma_start3A_382 = tpu.memref_slice %arg2[%dma_start3A_380, %dma_start3A_381] : memref<10240x128xf32, #tpu.memory_space<hbm>> -> memref<10240x128xf32, #tpu.memory_space<hbm>>
      tpu.enqueue_indirect_dma source(%dma_start3A_382 : memref<10240x128xf32, #tpu.memory_space<hbm>>) target(%arg11 : memref<64x128xf32, #tpu.memory_space<vmem>>) offsets(%dma_start3A_379 : memref<64xi32, #tpu.memory_space<vmem>>) semaphore(%arg15 : memref<!tpu.dma_semaphore, #tpu.memory_space<semaphore_mem>>)
      %dma_wait3A_383 = arith.constant 0 : i32
      %dma_wait3A_384 = tpu.memref_slice %arg7[%add3A_367, %dma_wait3A_383] : memref<80x64xi32, #tpu.memory_space<vmem>> -> memref<1x64xi32, #tpu.memory_space<vmem>>
      %dma_wait3A_385 = tpu.memref_squeeze %dma_wait3A_384 : memref<1x64xi32, #tpu.memory_space<vmem>> -> memref<64xi32, #tpu.memory_space<vmem>>
      %dma_wait3A_386 = arith.constant 0 : i32
      %dma_wait3A_387 = arith.constant 0 : i32
      %dma_wait3A_388 = tpu.memref_slice %arg2[%dma_wait3A_386, %dma_wait3A_387] : memref<10240x128xf32, #tpu.memory_space<hbm>> -> memref<10240x128xf32, #tpu.memory_space<hbm>>
      tpu.wait_indirect_dma semaphore(%arg13 : memref<!tpu.dma_semaphore, #tpu.memory_space<semaphore_mem>>) src(%dma_wait3A_388 : memref<10240x128xf32, #tpu.memory_space<hbm>>) dst(%arg9 : memref<64x128xf32, #tpu.memory_space<vmem>>)
      %dma_start3A_389 = arith.constant 0 : i32
      %dma_start3A_390 = tpu.memref_slice %arg8[%add3A_367, %dma_start3A_389] : memref<80x64xi32, #tpu.memory_space<vmem>> -> memref<1x64xi32, #tpu.memory_space<vmem>>
      %dma_start3A_391 = tpu.memref_squeeze %dma_start3A_390 : memref<1x64xi32, #tpu.memory_space<vmem>> -> memref<64xi32, #tpu.memory_space<vmem>>
      %dma_start3A_392 = arith.constant 0 : i32
      %dma_start3A_393 = arith.constant 0 : i32
      %dma_start3A_394 = tpu.memref_slice %arg12[%dma_start3A_392, %dma_start3A_393] : memref<10240x128xf32, #tpu.memory_space<vmem_shared>> -> memref<10240x128xf32, #tpu.memory_space<vmem_shared>>
      tpu.enqueue_indirect_dma source(%arg9 : memref<64x128xf32, #tpu.memory_space<vmem>>) target(%dma_start3A_394 : memref<10240x128xf32, #tpu.memory_space<vmem_shared>>) offsets(%dma_start3A_391 : memref<64xi32, #tpu.memory_space<vmem>>) semaphore(%arg16 : memref<!tpu.dma_semaphore, #tpu.memory_space<semaphore_mem>>) {add = true}
    }
    %scan3A_50 = arith.constant 25 : i32
    %dma_wait3A_51 = arith.constant 0 : i32
    %dma_wait3A_52 = arith.constant 0 : i32
    %dma_wait3A_53 = tpu.memref_slice %arg8[%dma_wait3A_51, %dma_wait3A_52] : memref<80x64xi32, #tpu.memory_space<vmem>> -> memref<1x64xi32, #tpu.memory_space<vmem>>
    %dma_wait3A_54 = tpu.memref_squeeze %dma_wait3A_53 : memref<1x64xi32, #tpu.memory_space<vmem>> -> memref<64xi32, #tpu.memory_space<vmem>>
    %dma_wait3A_55 = arith.constant 0 : i32
    %dma_wait3A_56 = arith.constant 0 : i32
    %dma_wait3A_57 = tpu.memref_slice %arg12[%dma_wait3A_55, %dma_wait3A_56] : memref<10240x128xf32, #tpu.memory_space<vmem_shared>> -> memref<10240x128xf32, #tpu.memory_space<vmem_shared>>
    tpu.wait_indirect_dma semaphore(%arg16 : memref<!tpu.dma_semaphore, #tpu.memory_space<semaphore_mem>>) src(%arg9 : memref<64x128xf32, #tpu.memory_space<vmem>>) dst(%dma_wait3A_57 : memref<10240x128xf32, #tpu.memory_space<vmem_shared>>)
    %dma_start3A_58 = arith.constant 78 : i32
    %dma_start3A_59 = arith.constant 0 : i32
    %dma_start3A_60 = tpu.memref_slice %arg7[%dma_start3A_58, %dma_start3A_59] : memref<80x64xi32, #tpu.memory_space<vmem>> -> memref<1x64xi32, #tpu.memory_space<vmem>>
    %dma_start3A_61 = tpu.memref_squeeze %dma_start3A_60 : memref<1x64xi32, #tpu.memory_space<vmem>> -> memref<64xi32, #tpu.memory_space<vmem>>
    %dma_start3A_62 = arith.constant 0 : i32
    %dma_start3A_63 = arith.constant 0 : i32
    %dma_start3A_64 = tpu.memref_slice %arg2[%dma_start3A_62, %dma_start3A_63] : memref<10240x128xf32, #tpu.memory_space<hbm>> -> memref<10240x128xf32, #tpu.memory_space<hbm>>
    tpu.enqueue_indirect_dma source(%dma_start3A_64 : memref<10240x128xf32, #tpu.memory_space<hbm>>) target(%arg9 : memref<64x128xf32, #tpu.memory_space<vmem>>) offsets(%dma_start3A_61 : memref<64xi32, #tpu.memory_space<vmem>>) semaphore(%arg13 : memref<!tpu.dma_semaphore, #tpu.memory_space<semaphore_mem>>)
    %dma_wait3A_65 = arith.constant 76 : i32
    %dma_wait3A_66 = arith.constant 0 : i32
    %dma_wait3A_67 = tpu.memref_slice %arg7[%dma_wait3A_65, %dma_wait3A_66] : memref<80x64xi32, #tpu.memory_space<vmem>> -> memref<1x64xi32, #tpu.memory_space<vmem>>
    %dma_wait3A_68 = tpu.memref_squeeze %dma_wait3A_67 : memref<1x64xi32, #tpu.memory_space<vmem>> -> memref<64xi32, #tpu.memory_space<vmem>>
    %dma_wait3A_69 = arith.constant 0 : i32
    %dma_wait3A_70 = arith.constant 0 : i32
    %dma_wait3A_71 = tpu.memref_slice %arg2[%dma_wait3A_69, %dma_wait3A_70] : memref<10240x128xf32, #tpu.memory_space<hbm>> -> memref<10240x128xf32, #tpu.memory_space<hbm>>
    tpu.wait_indirect_dma semaphore(%arg14 : memref<!tpu.dma_semaphore, #tpu.memory_space<semaphore_mem>>) src(%dma_wait3A_71 : memref<10240x128xf32, #tpu.memory_space<hbm>>) dst(%arg10 : memref<64x128xf32, #tpu.memory_space<vmem>>)
    %dma_start3A_72 = arith.constant 76 : i32
    %dma_start3A_73 = arith.constant 0 : i32
    %dma_start3A_74 = tpu.memref_slice %arg8[%dma_start3A_72, %dma_start3A_73] : memref<80x64xi32, #tpu.memory_space<vmem>> -> memref<1x64xi32, #tpu.memory_space<vmem>>
    %dma_start3A_75 = tpu.memref_squeeze %dma_start3A_74 : memref<1x64xi32, #tpu.memory_space<vmem>> -> memref<64xi32, #tpu.memory_space<vmem>>
    %dma_start3A_76 = arith.constant 0 : i32
    %dma_start3A_77 = arith.constant 0 : i32
    %dma_start3A_78 = tpu.memref_slice %arg12[%dma_start3A_76, %dma_start3A_77] : memref<10240x128xf32, #tpu.memory_space<vmem_shared>> -> memref<10240x128xf32, #tpu.memory_space<vmem_shared>>
    tpu.enqueue_indirect_dma source(%arg10 : memref<64x128xf32, #tpu.memory_space<vmem>>) target(%dma_start3A_78 : memref<10240x128xf32, #tpu.memory_space<vmem_shared>>) offsets(%dma_start3A_75 : memref<64xi32, #tpu.memory_space<vmem>>) semaphore(%arg17 : memref<!tpu.dma_semaphore, #tpu.memory_space<semaphore_mem>>) {add = true}
    %dma_wait3A_79 = arith.constant 0 : i32
    %dma_wait3A_80 = arith.constant 0 : i32
    %dma_wait3A_81 = tpu.memref_slice %arg8[%dma_wait3A_79, %dma_wait3A_80] : memref<80x64xi32, #tpu.memory_space<vmem>> -> memref<1x64xi32, #tpu.memory_space<vmem>>
    %dma_wait3A_82 = tpu.memref_squeeze %dma_wait3A_81 : memref<1x64xi32, #tpu.memory_space<vmem>> -> memref<64xi32, #tpu.memory_space<vmem>>
    %dma_wait3A_83 = arith.constant 0 : i32
    %dma_wait3A_84 = arith.constant 0 : i32
    %dma_wait3A_85 = tpu.memref_slice %arg12[%dma_wait3A_83, %dma_wait3A_84] : memref<10240x128xf32, #tpu.memory_space<vmem_shared>> -> memref<10240x128xf32, #tpu.memory_space<vmem_shared>>
    tpu.wait_indirect_dma semaphore(%arg17 : memref<!tpu.dma_semaphore, #tpu.memory_space<semaphore_mem>>) src(%arg10 : memref<64x128xf32, #tpu.memory_space<vmem>>) dst(%dma_wait3A_85 : memref<10240x128xf32, #tpu.memory_space<vmem_shared>>)
    %dma_start3A_86 = arith.constant 79 : i32
    %dma_start3A_87 = arith.constant 0 : i32
    %dma_start3A_88 = tpu.memref_slice %arg7[%dma_start3A_86, %dma_start3A_87] : memref<80x64xi32, #tpu.memory_space<vmem>> -> memref<1x64xi32, #tpu.memory_space<vmem>>
    %dma_start3A_89 = tpu.memref_squeeze %dma_start3A_88 : memref<1x64xi32, #tpu.memory_space<vmem>> -> memref<64xi32, #tpu.memory_space<vmem>>
    %dma_start3A_90 = arith.constant 0 : i32
    %dma_start3A_91 = arith.constant 0 : i32
    %dma_start3A_92 = tpu.memref_slice %arg2[%dma_start3A_90, %dma_start3A_91] : memref<10240x128xf32, #tpu.memory_space<hbm>> -> memref<10240x128xf32, #tpu.memory_space<hbm>>
    tpu.enqueue_indirect_dma source(%dma_start3A_92 : memref<10240x128xf32, #tpu.memory_space<hbm>>) target(%arg10 : memref<64x128xf32, #tpu.memory_space<vmem>>) offsets(%dma_start3A_89 : memref<64xi32, #tpu.memory_space<vmem>>) semaphore(%arg14 : memref<!tpu.dma_semaphore, #tpu.memory_space<semaphore_mem>>)
    %dma_wait3A_93 = arith.constant 77 : i32
    %dma_wait3A_94 = arith.constant 0 : i32
    %dma_wait3A_95 = tpu.memref_slice %arg7[%dma_wait3A_93, %dma_wait3A_94] : memref<80x64xi32, #tpu.memory_space<vmem>> -> memref<1x64xi32, #tpu.memory_space<vmem>>
    %dma_wait3A_96 = tpu.memref_squeeze %dma_wait3A_95 : memref<1x64xi32, #tpu.memory_space<vmem>> -> memref<64xi32, #tpu.memory_space<vmem>>
    %dma_wait3A_97 = arith.constant 0 : i32
    %dma_wait3A_98 = arith.constant 0 : i32
    %dma_wait3A_99 = tpu.memref_slice %arg2[%dma_wait3A_97, %dma_wait3A_98] : memref<10240x128xf32, #tpu.memory_space<hbm>> -> memref<10240x128xf32, #tpu.memory_space<hbm>>
    tpu.wait_indirect_dma semaphore(%arg15 : memref<!tpu.dma_semaphore, #tpu.memory_space<semaphore_mem>>) src(%dma_wait3A_99 : memref<10240x128xf32, #tpu.memory_space<hbm>>) dst(%arg11 : memref<64x128xf32, #tpu.memory_space<vmem>>)
    %dma_start3A_100 = arith.constant 77 : i32
    %dma_start3A_101 = arith.constant 0 : i32
    %dma_start3A_102 = tpu.memref_slice %arg8[%dma_start3A_100, %dma_start3A_101] : memref<80x64xi32, #tpu.memory_space<vmem>> -> memref<1x64xi32, #tpu.memory_space<vmem>>
    %dma_start3A_103 = tpu.memref_squeeze %dma_start3A_102 : memref<1x64xi32, #tpu.memory_space<vmem>> -> memref<64xi32, #tpu.memory_space<vmem>>
    %dma_start3A_104 = arith.constant 0 : i32
    %dma_start3A_105 = arith.constant 0 : i32
    %dma_start3A_106 = tpu.memref_slice %arg12[%dma_start3A_104, %dma_start3A_105] : memref<10240x128xf32, #tpu.memory_space<vmem_shared>> -> memref<10240x128xf32, #tpu.memory_space<vmem_shared>>
    tpu.enqueue_indirect_dma source(%arg11 : memref<64x128xf32, #tpu.memory_space<vmem>>) target(%dma_start3A_106 : memref<10240x128xf32, #tpu.memory_space<vmem_shared>>) offsets(%dma_start3A_103 : memref<64xi32, #tpu.memory_space<vmem>>) semaphore(%arg18 : memref<!tpu.dma_semaphore, #tpu.memory_space<semaphore_mem>>) {add = true}
    %dma_wait3A_107 = arith.constant 78 : i32
    %dma_wait3A_108 = arith.constant 0 : i32
    %dma_wait3A_109 = tpu.memref_slice %arg7[%dma_wait3A_107, %dma_wait3A_108] : memref<80x64xi32, #tpu.memory_space<vmem>> -> memref<1x64xi32, #tpu.memory_space<vmem>>
    %dma_wait3A_110 = tpu.memref_squeeze %dma_wait3A_109 : memref<1x64xi32, #tpu.memory_space<vmem>> -> memref<64xi32, #tpu.memory_space<vmem>>
    %dma_wait3A_111 = arith.constant 0 : i32
    %dma_wait3A_112 = arith.constant 0 : i32
    %dma_wait3A_113 = tpu.memref_slice %arg2[%dma_wait3A_111, %dma_wait3A_112] : memref<10240x128xf32, #tpu.memory_space<hbm>> -> memref<10240x128xf32, #tpu.memory_space<hbm>>
    tpu.wait_indirect_dma semaphore(%arg13 : memref<!tpu.dma_semaphore, #tpu.memory_space<semaphore_mem>>) src(%dma_wait3A_113 : memref<10240x128xf32, #tpu.memory_space<hbm>>) dst(%arg9 : memref<64x128xf32, #tpu.memory_space<vmem>>)
    %dma_start3A_114 = arith.constant 78 : i32
    %dma_start3A_115 = arith.constant 0 : i32
    %dma_start3A_116 = tpu.memref_slice %arg8[%dma_start3A_114, %dma_start3A_115] : memref<80x64xi32, #tpu.memory_space<vmem>> -> memref<1x64xi32, #tpu.memory_space<vmem>>
    %dma_start3A_117 = tpu.memref_squeeze %dma_start3A_116 : memref<1x64xi32, #tpu.memory_space<vmem>> -> memref<64xi32, #tpu.memory_space<vmem>>
    %dma_start3A_118 = arith.constant 0 : i32
    %dma_start3A_119 = arith.constant 0 : i32
    %dma_start3A_120 = tpu.memref_slice %arg12[%dma_start3A_118, %dma_start3A_119] : memref<10240x128xf32, #tpu.memory_space<vmem_shared>> -> memref<10240x128xf32, #tpu.memory_space<vmem_shared>>
    tpu.enqueue_indirect_dma source(%arg9 : memref<64x128xf32, #tpu.memory_space<vmem>>) target(%dma_start3A_120 : memref<10240x128xf32, #tpu.memory_space<vmem_shared>>) offsets(%dma_start3A_117 : memref<64xi32, #tpu.memory_space<vmem>>) semaphore(%arg16 : memref<!tpu.dma_semaphore, #tpu.memory_space<semaphore_mem>>) {add = true}
    %dma_wait3A_121 = arith.constant 79 : i32
    %dma_wait3A_122 = arith.constant 0 : i32
    %dma_wait3A_123 = tpu.memref_slice %arg7[%dma_wait3A_121, %dma_wait3A_122] : memref<80x64xi32, #tpu.memory_space<vmem>> -> memref<1x64xi32, #tpu.memory_space<vmem>>
    %dma_wait3A_124 = tpu.memref_squeeze %dma_wait3A_123 : memref<1x64xi32, #tpu.memory_space<vmem>> -> memref<64xi32, #tpu.memory_space<vmem>>
    %dma_wait3A_125 = arith.constant 0 : i32
    %dma_wait3A_126 = arith.constant 0 : i32
    %dma_wait3A_127 = tpu.memref_slice %arg2[%dma_wait3A_125, %dma_wait3A_126] : memref<10240x128xf32, #tpu.memory_space<hbm>> -> memref<10240x128xf32, #tpu.memory_space<hbm>>
    tpu.wait_indirect_dma semaphore(%arg14 : memref<!tpu.dma_semaphore, #tpu.memory_space<semaphore_mem>>) src(%dma_wait3A_127 : memref<10240x128xf32, #tpu.memory_space<hbm>>) dst(%arg10 : memref<64x128xf32, #tpu.memory_space<vmem>>)
    %dma_start3A_128 = arith.constant 79 : i32
    %dma_start3A_129 = arith.constant 0 : i32
    %dma_start3A_130 = tpu.memref_slice %arg8[%dma_start3A_128, %dma_start3A_129] : memref<80x64xi32, #tpu.memory_space<vmem>> -> memref<1x64xi32, #tpu.memory_space<vmem>>
    %dma_start3A_131 = tpu.memref_squeeze %dma_start3A_130 : memref<1x64xi32, #tpu.memory_space<vmem>> -> memref<64xi32, #tpu.memory_space<vmem>>
    %dma_start3A_132 = arith.constant 0 : i32
    %dma_start3A_133 = arith.constant 0 : i32
    %dma_start3A_134 = tpu.memref_slice %arg12[%dma_start3A_132, %dma_start3A_133] : memref<10240x128xf32, #tpu.memory_space<vmem_shared>> -> memref<10240x128xf32, #tpu.memory_space<vmem_shared>>
    tpu.enqueue_indirect_dma source(%arg10 : memref<64x128xf32, #tpu.memory_space<vmem>>) target(%dma_start3A_134 : memref<10240x128xf32, #tpu.memory_space<vmem_shared>>) offsets(%dma_start3A_131 : memref<64xi32, #tpu.memory_space<vmem>>) semaphore(%arg17 : memref<!tpu.dma_semaphore, #tpu.memory_space<semaphore_mem>>) {add = true}
    %dma_wait3A_135 = arith.constant 0 : i32
    %dma_wait3A_136 = arith.constant 0 : i32
    %dma_wait3A_137 = tpu.memref_slice %arg8[%dma_wait3A_135, %dma_wait3A_136] : memref<80x64xi32, #tpu.memory_space<vmem>> -> memref<1x64xi32, #tpu.memory_space<vmem>>
    %dma_wait3A_138 = tpu.memref_squeeze %dma_wait3A_137 : memref<1x64xi32, #tpu.memory_space<vmem>> -> memref<64xi32, #tpu.memory_space<vmem>>
    %dma_wait3A_139 = arith.constant 0 : i32
    %dma_wait3A_140 = arith.constant 0 : i32
    %dma_wait3A_141 = tpu.memref_slice %arg12[%dma_wait3A_139, %dma_wait3A_140] : memref<10240x128xf32, #tpu.memory_space<vmem_shared>> -> memref<10240x128xf32, #tpu.memory_space<vmem_shared>>
    tpu.wait_indirect_dma semaphore(%arg16 : memref<!tpu.dma_semaphore, #tpu.memory_space<semaphore_mem>>) src(%arg9 : memref<64x128xf32, #tpu.memory_space<vmem>>) dst(%dma_wait3A_141 : memref<10240x128xf32, #tpu.memory_space<vmem_shared>>)
    %dma_wait3A_142 = arith.constant 0 : i32
    %dma_wait3A_143 = arith.constant 0 : i32
    %dma_wait3A_144 = tpu.memref_slice %arg8[%dma_wait3A_142, %dma_wait3A_143] : memref<80x64xi32, #tpu.memory_space<vmem>> -> memref<1x64xi32, #tpu.memory_space<vmem>>
    %dma_wait3A_145 = tpu.memref_squeeze %dma_wait3A_144 : memref<1x64xi32, #tpu.memory_space<vmem>> -> memref<64xi32, #tpu.memory_space<vmem>>
    %dma_wait3A_146 = arith.constant 0 : i32
    %dma_wait3A_147 = arith.constant 0 : i32
    %dma_wait3A_148 = tpu.memref_slice %arg12[%dma_wait3A_146, %dma_wait3A_147] : memref<10240x128xf32, #tpu.memory_space<vmem_shared>> -> memref<10240x128xf32, #tpu.memory_space<vmem_shared>>
    tpu.wait_indirect_dma semaphore(%arg17 : memref<!tpu.dma_semaphore, #tpu.memory_space<semaphore_mem>>) src(%arg10 : memref<64x128xf32, #tpu.memory_space<vmem>>) dst(%dma_wait3A_148 : memref<10240x128xf32, #tpu.memory_space<vmem_shared>>)
    %dma_wait3A_149 = arith.constant 0 : i32
    %dma_wait3A_150 = arith.constant 0 : i32
    %dma_wait3A_151 = tpu.memref_slice %arg8[%dma_wait3A_149, %dma_wait3A_150] : memref<80x64xi32, #tpu.memory_space<vmem>> -> memref<1x64xi32, #tpu.memory_space<vmem>>
    %dma_wait3A_152 = tpu.memref_squeeze %dma_wait3A_151 : memref<1x64xi32, #tpu.memory_space<vmem>> -> memref<64xi32, #tpu.memory_space<vmem>>
    %dma_wait3A_153 = arith.constant 0 : i32
    %dma_wait3A_154 = arith.constant 0 : i32
    %dma_wait3A_155 = tpu.memref_slice %arg12[%dma_wait3A_153, %dma_wait3A_154] : memref<10240x128xf32, #tpu.memory_space<vmem_shared>> -> memref<10240x128xf32, #tpu.memory_space<vmem_shared>>
    tpu.wait_indirect_dma semaphore(%arg18 : memref<!tpu.dma_semaphore, #tpu.memory_space<semaphore_mem>>) src(%arg11 : memref<64x128xf32, #tpu.memory_space<vmem>>) dst(%dma_wait3A_155 : memref<10240x128xf32, #tpu.memory_space<vmem_shared>>)
    %add3A_156 = arith.constant 80 : i32
    %add3A_157 = arith.addi %mul3A_2, %add3A_156 : i32
    "tpu.region"() ({
      %run_scoped3A = tpu.sem_alloc : memref<!tpu.dma_semaphore, #tpu.memory_space<semaphore_mem>>
      %dma_start3A_305 = arith.constant 0 : i32
      %dma_start3A_306 = tpu.memref_slice %arg3[%add3A_157, %dma_start3A_305] : memref<5120x64xi32, #tpu.memory_space<hbm>> -> memref<80x64xi32, #tpu.memory_space<hbm>>
      %dma_start3A_307 = arith.constant 0 : i32
      %dma_start3A_308 = tpu.memref_slice %arg3[%add3A_157, %dma_start3A_307] : memref<5120x64xi32, #tpu.memory_space<hbm>> -> memref<80x64xi32, #tpu.memory_space<hbm>>
      tpu.enqueue_dma source(%dma_start3A_308 : memref<80x64xi32, #tpu.memory_space<hbm>>) target(%arg7 : memref<80x64xi32, #tpu.memory_space<vmem>>) target_semaphore(%run_scoped3A : memref<!tpu.dma_semaphore, #tpu.memory_space<semaphore_mem>>)
      %dma_wait3A_309 = arith.constant 0 : i32
      %dma_wait3A_310 = tpu.memref_slice %arg3[%add3A_157, %dma_wait3A_309] : memref<5120x64xi32, #tpu.memory_space<hbm>> -> memref<80x64xi32, #tpu.memory_space<hbm>>
      %dma_wait3A_311 = arith.constant 0 : i32
      %dma_wait3A_312 = tpu.memref_slice %arg3[%add3A_157, %dma_wait3A_311] : memref<5120x64xi32, #tpu.memory_space<hbm>> -> memref<80x64xi32, #tpu.memory_space<hbm>>
      tpu.wait_dma2 semaphore(%run_scoped3A : memref<!tpu.dma_semaphore, #tpu.memory_space<semaphore_mem>>) src(%dma_wait3A_312 : memref<80x64xi32, #tpu.memory_space<hbm>>) dst(%arg7 : memref<80x64xi32, #tpu.memory_space<vmem>>)
      tpu.yield
    }) : () -> ()
    "tpu.region"() ({
      %run_scoped3A = tpu.sem_alloc : memref<!tpu.dma_semaphore, #tpu.memory_space<semaphore_mem>>
      %dma_start3A_305 = arith.constant 0 : i32
      %dma_start3A_306 = tpu.memref_slice %arg4[%add3A_157, %dma_start3A_305] : memref<5120x64xi32, #tpu.memory_space<hbm>> -> memref<80x64xi32, #tpu.memory_space<hbm>>
      %dma_start3A_307 = arith.constant 0 : i32
      %dma_start3A_308 = tpu.memref_slice %arg4[%add3A_157, %dma_start3A_307] : memref<5120x64xi32, #tpu.memory_space<hbm>> -> memref<80x64xi32, #tpu.memory_space<hbm>>
      tpu.enqueue_dma source(%dma_start3A_308 : memref<80x64xi32, #tpu.memory_space<hbm>>) target(%arg8 : memref<80x64xi32, #tpu.memory_space<vmem>>) target_semaphore(%run_scoped3A : memref<!tpu.dma_semaphore, #tpu.memory_space<semaphore_mem>>)
      %dma_wait3A_309 = arith.constant 0 : i32
      %dma_wait3A_310 = tpu.memref_slice %arg4[%add3A_157, %dma_wait3A_309] : memref<5120x64xi32, #tpu.memory_space<hbm>> -> memref<80x64xi32, #tpu.memory_space<hbm>>
      %dma_wait3A_311 = arith.constant 0 : i32
      %dma_wait3A_312 = tpu.memref_slice %arg4[%add3A_157, %dma_wait3A_311] : memref<5120x64xi32, #tpu.memory_space<hbm>> -> memref<80x64xi32, #tpu.memory_space<hbm>>
      tpu.wait_dma2 semaphore(%run_scoped3A : memref<!tpu.dma_semaphore, #tpu.memory_space<semaphore_mem>>) src(%dma_wait3A_312 : memref<80x64xi32, #tpu.memory_space<hbm>>) dst(%arg8 : memref<80x64xi32, #tpu.memory_space<vmem>>)
      tpu.yield
    }) : () -> ()
    %dma_start3A_158 = arith.constant 0 : i32
    %dma_start3A_159 = arith.constant 0 : i32
    %dma_start3A_160 = tpu.memref_slice %arg7[%dma_start3A_158, %dma_start3A_159] : memref<80x64xi32, #tpu.memory_space<vmem>> -> memref<1x64xi32, #tpu.memory_space<vmem>>
    %dma_start3A_161 = tpu.memref_squeeze %dma_start3A_160 : memref<1x64xi32, #tpu.memory_space<vmem>> -> memref<64xi32, #tpu.memory_space<vmem>>
    %dma_start3A_162 = arith.constant 0 : i32
    %dma_start3A_163 = arith.constant 0 : i32
    %dma_start3A_164 = tpu.memref_slice %arg2[%dma_start3A_162, %dma_start3A_163] : memref<10240x128xf32, #tpu.memory_space<hbm>> -> memref<10240x128xf32, #tpu.memory_space<hbm>>
    tpu.enqueue_indirect_dma source(%dma_start3A_164 : memref<10240x128xf32, #tpu.memory_space<hbm>>) target(%arg9 : memref<64x128xf32, #tpu.memory_space<vmem>>) offsets(%dma_start3A_161 : memref<64xi32, #tpu.memory_space<vmem>>) semaphore(%arg13 : memref<!tpu.dma_semaphore, #tpu.memory_space<semaphore_mem>>)
    %dma_start3A_165 = arith.constant 1 : i32
    %dma_start3A_166 = arith.constant 0 : i32
    %dma_start3A_167 = tpu.memref_slice %arg7[%dma_start3A_165, %dma_start3A_166] : memref<80x64xi32, #tpu.memory_space<vmem>> -> memref<1x64xi32, #tpu.memory_space<vmem>>
    %dma_start3A_168 = tpu.memref_squeeze %dma_start3A_167 : memref<1x64xi32, #tpu.memory_space<vmem>> -> memref<64xi32, #tpu.memory_space<vmem>>
    %dma_start3A_169 = arith.constant 0 : i32
    %dma_start3A_170 = arith.constant 0 : i32
    %dma_start3A_171 = tpu.memref_slice %arg2[%dma_start3A_169, %dma_start3A_170] : memref<10240x128xf32, #tpu.memory_space<hbm>> -> memref<10240x128xf32, #tpu.memory_space<hbm>>
    tpu.enqueue_indirect_dma source(%dma_start3A_171 : memref<10240x128xf32, #tpu.memory_space<hbm>>) target(%arg10 : memref<64x128xf32, #tpu.memory_space<vmem>>) offsets(%dma_start3A_168 : memref<64xi32, #tpu.memory_space<vmem>>) semaphore(%arg14 : memref<!tpu.dma_semaphore, #tpu.memory_space<semaphore_mem>>)
    %dma_start3A_172 = arith.constant 2 : i32
    %dma_start3A_173 = arith.constant 0 : i32
    %dma_start3A_174 = tpu.memref_slice %arg7[%dma_start3A_172, %dma_start3A_173] : memref<80x64xi32, #tpu.memory_space<vmem>> -> memref<1x64xi32, #tpu.memory_space<vmem>>
    %dma_start3A_175 = tpu.memref_squeeze %dma_start3A_174 : memref<1x64xi32, #tpu.memory_space<vmem>> -> memref<64xi32, #tpu.memory_space<vmem>>
    %dma_start3A_176 = arith.constant 0 : i32
    %dma_start3A_177 = arith.constant 0 : i32
    %dma_start3A_178 = tpu.memref_slice %arg2[%dma_start3A_176, %dma_start3A_177] : memref<10240x128xf32, #tpu.memory_space<hbm>> -> memref<10240x128xf32, #tpu.memory_space<hbm>>
    tpu.enqueue_indirect_dma source(%dma_start3A_178 : memref<10240x128xf32, #tpu.memory_space<hbm>>) target(%arg11 : memref<64x128xf32, #tpu.memory_space<vmem>>) offsets(%dma_start3A_175 : memref<64xi32, #tpu.memory_space<vmem>>) semaphore(%arg15 : memref<!tpu.dma_semaphore, #tpu.memory_space<semaphore_mem>>)
    %dma_wait3A_179 = arith.constant 0 : i32
    %dma_wait3A_180 = arith.constant 0 : i32
    %dma_wait3A_181 = tpu.memref_slice %arg7[%dma_wait3A_179, %dma_wait3A_180] : memref<80x64xi32, #tpu.memory_space<vmem>> -> memref<1x64xi32, #tpu.memory_space<vmem>>
    %dma_wait3A_182 = tpu.memref_squeeze %dma_wait3A_181 : memref<1x64xi32, #tpu.memory_space<vmem>> -> memref<64xi32, #tpu.memory_space<vmem>>
    %dma_wait3A_183 = arith.constant 0 : i32
    %dma_wait3A_184 = arith.constant 0 : i32
    %dma_wait3A_185 = tpu.memref_slice %arg2[%dma_wait3A_183, %dma_wait3A_184] : memref<10240x128xf32, #tpu.memory_space<hbm>> -> memref<10240x128xf32, #tpu.memory_space<hbm>>
    tpu.wait_indirect_dma semaphore(%arg13 : memref<!tpu.dma_semaphore, #tpu.memory_space<semaphore_mem>>) src(%dma_wait3A_185 : memref<10240x128xf32, #tpu.memory_space<hbm>>) dst(%arg9 : memref<64x128xf32, #tpu.memory_space<vmem>>)
    %dma_start3A_186 = arith.constant 0 : i32
    %dma_start3A_187 = arith.constant 0 : i32
    %dma_start3A_188 = tpu.memref_slice %arg8[%dma_start3A_186, %dma_start3A_187] : memref<80x64xi32, #tpu.memory_space<vmem>> -> memref<1x64xi32, #tpu.memory_space<vmem>>
    %dma_start3A_189 = tpu.memref_squeeze %dma_start3A_188 : memref<1x64xi32, #tpu.memory_space<vmem>> -> memref<64xi32, #tpu.memory_space<vmem>>
    %dma_start3A_190 = arith.constant 0 : i32
    %dma_start3A_191 = arith.constant 0 : i32
    %dma_start3A_192 = tpu.memref_slice %arg12[%dma_start3A_190, %dma_start3A_191] : memref<10240x128xf32, #tpu.memory_space<vmem_shared>> -> memref<10240x128xf32, #tpu.memory_space<vmem_shared>>
    tpu.enqueue_indirect_dma source(%arg9 : memref<64x128xf32, #tpu.memory_space<vmem>>) target(%dma_start3A_192 : memref<10240x128xf32, #tpu.memory_space<vmem_shared>>) offsets(%dma_start3A_189 : memref<64xi32, #tpu.memory_space<vmem>>) semaphore(%arg16 : memref<!tpu.dma_semaphore, #tpu.memory_space<semaphore_mem>>) {add = true}
    %scan3A_193 = arith.constant 0 : i32
    %scan3A_194 = arith.constant 0 : i32
    %scan3A_195 = arith.constant 25 : i32
    %scan3A_196 = arith.addi %scan3A_194, %scan3A_195 : i32
    %scan3A_197 = arith.constant 1 : i32
    scf.for %scan3A_305 = %scan3A_194 to %scan3A_196 step %scan3A_197  : i32 {
      %mul3A_306 = arith.constant 3 : i32
      %mul3A_307 = arith.muli %mul3A_306, %scan3A_305 : i32
      %add3A_308 = arith.constant 1 : i32
      %add3A_309 = arith.addi %mul3A_307, %add3A_308 : i32
      %dma_wait3A_310 = arith.constant 0 : i32
      %dma_wait3A_311 = arith.constant 0 : i32
      %dma_wait3A_312 = tpu.memref_slice %arg8[%dma_wait3A_310, %dma_wait3A_311] : memref<80x64xi32, #tpu.memory_space<vmem>> -> memref<1x64xi32, #tpu.memory_space<vmem>>
      %dma_wait3A_313 = tpu.memref_squeeze %dma_wait3A_312 : memref<1x64xi32, #tpu.memory_space<vmem>> -> memref<64xi32, #tpu.memory_space<vmem>>
      %dma_wait3A_314 = arith.constant 0 : i32
      %dma_wait3A_315 = arith.constant 0 : i32
      %dma_wait3A_316 = tpu.memref_slice %arg12[%dma_wait3A_314, %dma_wait3A_315] : memref<10240x128xf32, #tpu.memory_space<vmem_shared>> -> memref<10240x128xf32, #tpu.memory_space<vmem_shared>>
      tpu.wait_indirect_dma semaphore(%arg16 : memref<!tpu.dma_semaphore, #tpu.memory_space<semaphore_mem>>) src(%arg9 : memref<64x128xf32, #tpu.memory_space<vmem>>) dst(%dma_wait3A_316 : memref<10240x128xf32, #tpu.memory_space<vmem_shared>>)
      %add3A_317 = arith.constant 2 : i32
      %add3A_318 = arith.addi %add3A_309, %add3A_317 : i32
      %dma_start3A_319 = arith.constant 0 : i32
      %dma_start3A_320 = tpu.memref_slice %arg7[%add3A_318, %dma_start3A_319] : memref<80x64xi32, #tpu.memory_space<vmem>> -> memref<1x64xi32, #tpu.memory_space<vmem>>
      %dma_start3A_321 = tpu.memref_squeeze %dma_start3A_320 : memref<1x64xi32, #tpu.memory_space<vmem>> -> memref<64xi32, #tpu.memory_space<vmem>>
      %dma_start3A_322 = arith.constant 0 : i32
      %dma_start3A_323 = arith.constant 0 : i32
      %dma_start3A_324 = tpu.memref_slice %arg2[%dma_start3A_322, %dma_start3A_323] : memref<10240x128xf32, #tpu.memory_space<hbm>> -> memref<10240x128xf32, #tpu.memory_space<hbm>>
      tpu.enqueue_indirect_dma source(%dma_start3A_324 : memref<10240x128xf32, #tpu.memory_space<hbm>>) target(%arg9 : memref<64x128xf32, #tpu.memory_space<vmem>>) offsets(%dma_start3A_321 : memref<64xi32, #tpu.memory_space<vmem>>) semaphore(%arg13 : memref<!tpu.dma_semaphore, #tpu.memory_space<semaphore_mem>>)
      %dma_wait3A_325 = arith.constant 0 : i32
      %dma_wait3A_326 = tpu.memref_slice %arg7[%add3A_309, %dma_wait3A_325] : memref<80x64xi32, #tpu.memory_space<vmem>> -> memref<1x64xi32, #tpu.memory_space<vmem>>
      %dma_wait3A_327 = tpu.memref_squeeze %dma_wait3A_326 : memref<1x64xi32, #tpu.memory_space<vmem>> -> memref<64xi32, #tpu.memory_space<vmem>>
      %dma_wait3A_328 = arith.constant 0 : i32
      %dma_wait3A_329 = arith.constant 0 : i32
      %dma_wait3A_330 = tpu.memref_slice %arg2[%dma_wait3A_328, %dma_wait3A_329] : memref<10240x128xf32, #tpu.memory_space<hbm>> -> memref<10240x128xf32, #tpu.memory_space<hbm>>
      tpu.wait_indirect_dma semaphore(%arg14 : memref<!tpu.dma_semaphore, #tpu.memory_space<semaphore_mem>>) src(%dma_wait3A_330 : memref<10240x128xf32, #tpu.memory_space<hbm>>) dst(%arg10 : memref<64x128xf32, #tpu.memory_space<vmem>>)
      %dma_start3A_331 = arith.constant 0 : i32
      %dma_start3A_332 = tpu.memref_slice %arg8[%add3A_309, %dma_start3A_331] : memref<80x64xi32, #tpu.memory_space<vmem>> -> memref<1x64xi32, #tpu.memory_space<vmem>>
      %dma_start3A_333 = tpu.memref_squeeze %dma_start3A_332 : memref<1x64xi32, #tpu.memory_space<vmem>> -> memref<64xi32, #tpu.memory_space<vmem>>
      %dma_start3A_334 = arith.constant 0 : i32
      %dma_start3A_335 = arith.constant 0 : i32
      %dma_start3A_336 = tpu.memref_slice %arg12[%dma_start3A_334, %dma_start3A_335] : memref<10240x128xf32, #tpu.memory_space<vmem_shared>> -> memref<10240x128xf32, #tpu.memory_space<vmem_shared>>
      tpu.enqueue_indirect_dma source(%arg10 : memref<64x128xf32, #tpu.memory_space<vmem>>) target(%dma_start3A_336 : memref<10240x128xf32, #tpu.memory_space<vmem_shared>>) offsets(%dma_start3A_333 : memref<64xi32, #tpu.memory_space<vmem>>) semaphore(%arg17 : memref<!tpu.dma_semaphore, #tpu.memory_space<semaphore_mem>>) {add = true}
      %add3A_337 = arith.constant 1 : i32
      %add3A_338 = arith.addi %add3A_309, %add3A_337 : i32
      %dma_wait3A_339 = arith.constant 0 : i32
      %dma_wait3A_340 = arith.constant 0 : i32
      %dma_wait3A_341 = tpu.memref_slice %arg8[%dma_wait3A_339, %dma_wait3A_340] : memref<80x64xi32, #tpu.memory_space<vmem>> -> memref<1x64xi32, #tpu.memory_space<vmem>>
      %dma_wait3A_342 = tpu.memref_squeeze %dma_wait3A_341 : memref<1x64xi32, #tpu.memory_space<vmem>> -> memref<64xi32, #tpu.memory_space<vmem>>
      %dma_wait3A_343 = arith.constant 0 : i32
      %dma_wait3A_344 = arith.constant 0 : i32
      %dma_wait3A_345 = tpu.memref_slice %arg12[%dma_wait3A_343, %dma_wait3A_344] : memref<10240x128xf32, #tpu.memory_space<vmem_shared>> -> memref<10240x128xf32, #tpu.memory_space<vmem_shared>>
      tpu.wait_indirect_dma semaphore(%arg17 : memref<!tpu.dma_semaphore, #tpu.memory_space<semaphore_mem>>) src(%arg10 : memref<64x128xf32, #tpu.memory_space<vmem>>) dst(%dma_wait3A_345 : memref<10240x128xf32, #tpu.memory_space<vmem_shared>>)
      %add3A_346 = arith.constant 2 : i32
      %add3A_347 = arith.addi %add3A_338, %add3A_346 : i32
      %dma_start3A_348 = arith.constant 0 : i32
      %dma_start3A_349 = tpu.memref_slice %arg7[%add3A_347, %dma_start3A_348] : memref<80x64xi32, #tpu.memory_space<vmem>> -> memref<1x64xi32, #tpu.memory_space<vmem>>
      %dma_start3A_350 = tpu.memref_squeeze %dma_start3A_349 : memref<1x64xi32, #tpu.memory_space<vmem>> -> memref<64xi32, #tpu.memory_space<vmem>>
      %dma_start3A_351 = arith.constant 0 : i32
      %dma_start3A_352 = arith.constant 0 : i32
      %dma_start3A_353 = tpu.memref_slice %arg2[%dma_start3A_351, %dma_start3A_352] : memref<10240x128xf32, #tpu.memory_space<hbm>> -> memref<10240x128xf32, #tpu.memory_space<hbm>>
      tpu.enqueue_indirect_dma source(%dma_start3A_353 : memref<10240x128xf32, #tpu.memory_space<hbm>>) target(%arg10 : memref<64x128xf32, #tpu.memory_space<vmem>>) offsets(%dma_start3A_350 : memref<64xi32, #tpu.memory_space<vmem>>) semaphore(%arg14 : memref<!tpu.dma_semaphore, #tpu.memory_space<semaphore_mem>>)
      %dma_wait3A_354 = arith.constant 0 : i32
      %dma_wait3A_355 = tpu.memref_slice %arg7[%add3A_338, %dma_wait3A_354] : memref<80x64xi32, #tpu.memory_space<vmem>> -> memref<1x64xi32, #tpu.memory_space<vmem>>
      %dma_wait3A_356 = tpu.memref_squeeze %dma_wait3A_355 : memref<1x64xi32, #tpu.memory_space<vmem>> -> memref<64xi32, #tpu.memory_space<vmem>>
      %dma_wait3A_357 = arith.constant 0 : i32
      %dma_wait3A_358 = arith.constant 0 : i32
      %dma_wait3A_359 = tpu.memref_slice %arg2[%dma_wait3A_357, %dma_wait3A_358] : memref<10240x128xf32, #tpu.memory_space<hbm>> -> memref<10240x128xf32, #tpu.memory_space<hbm>>
      tpu.wait_indirect_dma semaphore(%arg15 : memref<!tpu.dma_semaphore, #tpu.memory_space<semaphore_mem>>) src(%dma_wait3A_359 : memref<10240x128xf32, #tpu.memory_space<hbm>>) dst(%arg11 : memref<64x128xf32, #tpu.memory_space<vmem>>)
      %dma_start3A_360 = arith.constant 0 : i32
      %dma_start3A_361 = tpu.memref_slice %arg8[%add3A_338, %dma_start3A_360] : memref<80x64xi32, #tpu.memory_space<vmem>> -> memref<1x64xi32, #tpu.memory_space<vmem>>
      %dma_start3A_362 = tpu.memref_squeeze %dma_start3A_361 : memref<1x64xi32, #tpu.memory_space<vmem>> -> memref<64xi32, #tpu.memory_space<vmem>>
      %dma_start3A_363 = arith.constant 0 : i32
      %dma_start3A_364 = arith.constant 0 : i32
      %dma_start3A_365 = tpu.memref_slice %arg12[%dma_start3A_363, %dma_start3A_364] : memref<10240x128xf32, #tpu.memory_space<vmem_shared>> -> memref<10240x128xf32, #tpu.memory_space<vmem_shared>>
      tpu.enqueue_indirect_dma source(%arg11 : memref<64x128xf32, #tpu.memory_space<vmem>>) target(%dma_start3A_365 : memref<10240x128xf32, #tpu.memory_space<vmem_shared>>) offsets(%dma_start3A_362 : memref<64xi32, #tpu.memory_space<vmem>>) semaphore(%arg18 : memref<!tpu.dma_semaphore, #tpu.memory_space<semaphore_mem>>) {add = true}
      %add3A_366 = arith.constant 2 : i32
      %add3A_367 = arith.addi %add3A_309, %add3A_366 : i32
      %dma_wait3A_368 = arith.constant 0 : i32
      %dma_wait3A_369 = arith.constant 0 : i32
      %dma_wait3A_370 = tpu.memref_slice %arg8[%dma_wait3A_368, %dma_wait3A_369] : memref<80x64xi32, #tpu.memory_space<vmem>> -> memref<1x64xi32, #tpu.memory_space<vmem>>
      %dma_wait3A_371 = tpu.memref_squeeze %dma_wait3A_370 : memref<1x64xi32, #tpu.memory_space<vmem>> -> memref<64xi32, #tpu.memory_space<vmem>>
      %dma_wait3A_372 = arith.constant 0 : i32
      %dma_wait3A_373 = arith.constant 0 : i32
      %dma_wait3A_374 = tpu.memref_slice %arg12[%dma_wait3A_372, %dma_wait3A_373] : memref<10240x128xf32, #tpu.memory_space<vmem_shared>> -> memref<10240x128xf32, #tpu.memory_space<vmem_shared>>
      tpu.wait_indirect_dma semaphore(%arg18 : memref<!tpu.dma_semaphore, #tpu.memory_space<semaphore_mem>>) src(%arg11 : memref<64x128xf32, #tpu.memory_space<vmem>>) dst(%dma_wait3A_374 : memref<10240x128xf32, #tpu.memory_space<vmem_shared>>)
      %add3A_375 = arith.constant 2 : i32
      %add3A_376 = arith.addi %add3A_367, %add3A_375 : i32
      %dma_start3A_377 = arith.constant 0 : i32
      %dma_start3A_378 = tpu.memref_slice %arg7[%add3A_376, %dma_start3A_377] : memref<80x64xi32, #tpu.memory_space<vmem>> -> memref<1x64xi32, #tpu.memory_space<vmem>>
      %dma_start3A_379 = tpu.memref_squeeze %dma_start3A_378 : memref<1x64xi32, #tpu.memory_space<vmem>> -> memref<64xi32, #tpu.memory_space<vmem>>
      %dma_start3A_380 = arith.constant 0 : i32
      %dma_start3A_381 = arith.constant 0 : i32
      %dma_start3A_382 = tpu.memref_slice %arg2[%dma_start3A_380, %dma_start3A_381] : memref<10240x128xf32, #tpu.memory_space<hbm>> -> memref<10240x128xf32, #tpu.memory_space<hbm>>
      tpu.enqueue_indirect_dma source(%dma_start3A_382 : memref<10240x128xf32, #tpu.memory_space<hbm>>) target(%arg11 : memref<64x128xf32, #tpu.memory_space<vmem>>) offsets(%dma_start3A_379 : memref<64xi32, #tpu.memory_space<vmem>>) semaphore(%arg15 : memref<!tpu.dma_semaphore, #tpu.memory_space<semaphore_mem>>)
      %dma_wait3A_383 = arith.constant 0 : i32
      %dma_wait3A_384 = tpu.memref_slice %arg7[%add3A_367, %dma_wait3A_383] : memref<80x64xi32, #tpu.memory_space<vmem>> -> memref<1x64xi32, #tpu.memory_space<vmem>>
      %dma_wait3A_385 = tpu.memref_squeeze %dma_wait3A_384 : memref<1x64xi32, #tpu.memory_space<vmem>> -> memref<64xi32, #tpu.memory_space<vmem>>
      %dma_wait3A_386 = arith.constant 0 : i32
      %dma_wait3A_387 = arith.constant 0 : i32
      %dma_wait3A_388 = tpu.memref_slice %arg2[%dma_wait3A_386, %dma_wait3A_387] : memref<10240x128xf32, #tpu.memory_space<hbm>> -> memref<10240x128xf32, #tpu.memory_space<hbm>>
      tpu.wait_indirect_dma semaphore(%arg13 : memref<!tpu.dma_semaphore, #tpu.memory_space<semaphore_mem>>) src(%dma_wait3A_388 : memref<10240x128xf32, #tpu.memory_space<hbm>>) dst(%arg9 : memref<64x128xf32, #tpu.memory_space<vmem>>)
      %dma_start3A_389 = arith.constant 0 : i32
      %dma_start3A_390 = tpu.memref_slice %arg8[%add3A_367, %dma_start3A_389] : memref<80x64xi32, #tpu.memory_space<vmem>> -> memref<1x64xi32, #tpu.memory_space<vmem>>
      %dma_start3A_391 = tpu.memref_squeeze %dma_start3A_390 : memref<1x64xi32, #tpu.memory_space<vmem>> -> memref<64xi32, #tpu.memory_space<vmem>>
      %dma_start3A_392 = arith.constant 0 : i32
      %dma_start3A_393 = arith.constant 0 : i32
      %dma_start3A_394 = tpu.memref_slice %arg12[%dma_start3A_392, %dma_start3A_393] : memref<10240x128xf32, #tpu.memory_space<vmem_shared>> -> memref<10240x128xf32, #tpu.memory_space<vmem_shared>>
      tpu.enqueue_indirect_dma source(%arg9 : memref<64x128xf32, #tpu.memory_space<vmem>>) target(%dma_start3A_394 : memref<10240x128xf32, #tpu.memory_space<vmem_shared>>) offsets(%dma_start3A_391 : memref<64xi32, #tpu.memory_space<vmem>>) semaphore(%arg16 : memref<!tpu.dma_semaphore, #tpu.memory_space<semaphore_mem>>) {add = true}
    }
    %scan3A_198 = arith.constant 25 : i32
    %dma_wait3A_199 = arith.constant 0 : i32
    %dma_wait3A_200 = arith.constant 0 : i32
    %dma_wait3A_201 = tpu.memref_slice %arg8[%dma_wait3A_199, %dma_wait3A_200] : memref<80x64xi32, #tpu.memory_space<vmem>> -> memref<1x64xi32, #tpu.memory_space<vmem>>
    %dma_wait3A_202 = tpu.memref_squeeze %dma_wait3A_201 : memref<1x64xi32, #tpu.memory_space<vmem>> -> memref<64xi32, #tpu.memory_space<vmem>>
    %dma_wait3A_203 = arith.constant 0 : i32
    %dma_wait3A_204 = arith.constant 0 : i32
    %dma_wait3A_205 = tpu.memref_slice %arg12[%dma_wait3A_203, %dma_wait3A_204] : memref<10240x128xf32, #tpu.memory_space<vmem_shared>> -> memref<10240x128xf32, #tpu.memory_space<vmem_shared>>
    tpu.wait_indirect_dma semaphore(%arg16 : memref<!tpu.dma_semaphore, #tpu.memory_space<semaphore_mem>>) src(%arg9 : memref<64x128xf32, #tpu.memory_space<vmem>>) dst(%dma_wait3A_205 : memref<10240x128xf32, #tpu.memory_space<vmem_shared>>)
    %dma_start3A_206 = arith.constant 78 : i32
    %dma_start3A_207 = arith.constant 0 : i32
    %dma_start3A_208 = tpu.memref_slice %arg7[%dma_start3A_206, %dma_start3A_207] : memref<80x64xi32, #tpu.memory_space<vmem>> -> memref<1x64xi32, #tpu.memory_space<vmem>>
    %dma_start3A_209 = tpu.memref_squeeze %dma_start3A_208 : memref<1x64xi32, #tpu.memory_space<vmem>> -> memref<64xi32, #tpu.memory_space<vmem>>
    %dma_start3A_210 = arith.constant 0 : i32
    %dma_start3A_211 = arith.constant 0 : i32
    %dma_start3A_212 = tpu.memref_slice %arg2[%dma_start3A_210, %dma_start3A_211] : memref<10240x128xf32, #tpu.memory_space<hbm>> -> memref<10240x128xf32, #tpu.memory_space<hbm>>
    tpu.enqueue_indirect_dma source(%dma_start3A_212 : memref<10240x128xf32, #tpu.memory_space<hbm>>) target(%arg9 : memref<64x128xf32, #tpu.memory_space<vmem>>) offsets(%dma_start3A_209 : memref<64xi32, #tpu.memory_space<vmem>>) semaphore(%arg13 : memref<!tpu.dma_semaphore, #tpu.memory_space<semaphore_mem>>)
    %dma_wait3A_213 = arith.constant 76 : i32
    %dma_wait3A_214 = arith.constant 0 : i32
    %dma_wait3A_215 = tpu.memref_slice %arg7[%dma_wait3A_213, %dma_wait3A_214] : memref<80x64xi32, #tpu.memory_space<vmem>> -> memref<1x64xi32, #tpu.memory_space<vmem>>
    %dma_wait3A_216 = tpu.memref_squeeze %dma_wait3A_215 : memref<1x64xi32, #tpu.memory_space<vmem>> -> memref<64xi32, #tpu.memory_space<vmem>>
    %dma_wait3A_217 = arith.constant 0 : i32
    %dma_wait3A_218 = arith.constant 0 : i32
    %dma_wait3A_219 = tpu.memref_slice %arg2[%dma_wait3A_217, %dma_wait3A_218] : memref<10240x128xf32, #tpu.memory_space<hbm>> -> memref<10240x128xf32, #tpu.memory_space<hbm>>
    tpu.wait_indirect_dma semaphore(%arg14 : memref<!tpu.dma_semaphore, #tpu.memory_space<semaphore_mem>>) src(%dma_wait3A_219 : memref<10240x128xf32, #tpu.memory_space<hbm>>) dst(%arg10 : memref<64x128xf32, #tpu.memory_space<vmem>>)
    %dma_start3A_220 = arith.constant 76 : i32
    %dma_start3A_221 = arith.constant 0 : i32
    %dma_start3A_222 = tpu.memref_slice %arg8[%dma_start3A_220, %dma_start3A_221] : memref<80x64xi32, #tpu.memory_space<vmem>> -> memref<1x64xi32, #tpu.memory_space<vmem>>
    %dma_start3A_223 = tpu.memref_squeeze %dma_start3A_222 : memref<1x64xi32, #tpu.memory_space<vmem>> -> memref<64xi32, #tpu.memory_space<vmem>>
    %dma_start3A_224 = arith.constant 0 : i32
    %dma_start3A_225 = arith.constant 0 : i32
    %dma_start3A_226 = tpu.memref_slice %arg12[%dma_start3A_224, %dma_start3A_225] : memref<10240x128xf32, #tpu.memory_space<vmem_shared>> -> memref<10240x128xf32, #tpu.memory_space<vmem_shared>>
    tpu.enqueue_indirect_dma source(%arg10 : memref<64x128xf32, #tpu.memory_space<vmem>>) target(%dma_start3A_226 : memref<10240x128xf32, #tpu.memory_space<vmem_shared>>) offsets(%dma_start3A_223 : memref<64xi32, #tpu.memory_space<vmem>>) semaphore(%arg17 : memref<!tpu.dma_semaphore, #tpu.memory_space<semaphore_mem>>) {add = true}
    %dma_wait3A_227 = arith.constant 0 : i32
    %dma_wait3A_228 = arith.constant 0 : i32
    %dma_wait3A_229 = tpu.memref_slice %arg8[%dma_wait3A_227, %dma_wait3A_228] : memref<80x64xi32, #tpu.memory_space<vmem>> -> memref<1x64xi32, #tpu.memory_space<vmem>>
    %dma_wait3A_230 = tpu.memref_squeeze %dma_wait3A_229 : memref<1x64xi32, #tpu.memory_space<vmem>> -> memref<64xi32, #tpu.memory_space<vmem>>
    %dma_wait3A_231 = arith.constant 0 : i32
    %dma_wait3A_232 = arith.constant 0 : i32
    %dma_wait3A_233 = tpu.memref_slice %arg12[%dma_wait3A_231, %dma_wait3A_232] : memref<10240x128xf32, #tpu.memory_space<vmem_shared>> -> memref<10240x128xf32, #tpu.memory_space<vmem_shared>>
    tpu.wait_indirect_dma semaphore(%arg17 : memref<!tpu.dma_semaphore, #tpu.memory_space<semaphore_mem>>) src(%arg10 : memref<64x128xf32, #tpu.memory_space<vmem>>) dst(%dma_wait3A_233 : memref<10240x128xf32, #tpu.memory_space<vmem_shared>>)
    %dma_start3A_234 = arith.constant 79 : i32
    %dma_start3A_235 = arith.constant 0 : i32
    %dma_start3A_236 = tpu.memref_slice %arg7[%dma_start3A_234, %dma_start3A_235] : memref<80x64xi32, #tpu.memory_space<vmem>> -> memref<1x64xi32, #tpu.memory_space<vmem>>
    %dma_start3A_237 = tpu.memref_squeeze %dma_start3A_236 : memref<1x64xi32, #tpu.memory_space<vmem>> -> memref<64xi32, #tpu.memory_space<vmem>>
    %dma_start3A_238 = arith.constant 0 : i32
    %dma_start3A_239 = arith.constant 0 : i32
    %dma_start3A_240 = tpu.memref_slice %arg2[%dma_start3A_238, %dma_start3A_239] : memref<10240x128xf32, #tpu.memory_space<hbm>> -> memref<10240x128xf32, #tpu.memory_space<hbm>>
    tpu.enqueue_indirect_dma source(%dma_start3A_240 : memref<10240x128xf32, #tpu.memory_space<hbm>>) target(%arg10 : memref<64x128xf32, #tpu.memory_space<vmem>>) offsets(%dma_start3A_237 : memref<64xi32, #tpu.memory_space<vmem>>) semaphore(%arg14 : memref<!tpu.dma_semaphore, #tpu.memory_space<semaphore_mem>>)
    %dma_wait3A_241 = arith.constant 77 : i32
    %dma_wait3A_242 = arith.constant 0 : i32
    %dma_wait3A_243 = tpu.memref_slice %arg7[%dma_wait3A_241, %dma_wait3A_242] : memref<80x64xi32, #tpu.memory_space<vmem>> -> memref<1x64xi32, #tpu.memory_space<vmem>>
    %dma_wait3A_244 = tpu.memref_squeeze %dma_wait3A_243 : memref<1x64xi32, #tpu.memory_space<vmem>> -> memref<64xi32, #tpu.memory_space<vmem>>
    %dma_wait3A_245 = arith.constant 0 : i32
    %dma_wait3A_246 = arith.constant 0 : i32
    %dma_wait3A_247 = tpu.memref_slice %arg2[%dma_wait3A_245, %dma_wait3A_246] : memref<10240x128xf32, #tpu.memory_space<hbm>> -> memref<10240x128xf32, #tpu.memory_space<hbm>>
    tpu.wait_indirect_dma semaphore(%arg15 : memref<!tpu.dma_semaphore, #tpu.memory_space<semaphore_mem>>) src(%dma_wait3A_247 : memref<10240x128xf32, #tpu.memory_space<hbm>>) dst(%arg11 : memref<64x128xf32, #tpu.memory_space<vmem>>)
    %dma_start3A_248 = arith.constant 77 : i32
    %dma_start3A_249 = arith.constant 0 : i32
    %dma_start3A_250 = tpu.memref_slice %arg8[%dma_start3A_248, %dma_start3A_249] : memref<80x64xi32, #tpu.memory_space<vmem>> -> memref<1x64xi32, #tpu.memory_space<vmem>>
    %dma_start3A_251 = tpu.memref_squeeze %dma_start3A_250 : memref<1x64xi32, #tpu.memory_space<vmem>> -> memref<64xi32, #tpu.memory_space<vmem>>
    %dma_start3A_252 = arith.constant 0 : i32
    %dma_start3A_253 = arith.constant 0 : i32
    %dma_start3A_254 = tpu.memref_slice %arg12[%dma_start3A_252, %dma_start3A_253] : memref<10240x128xf32, #tpu.memory_space<vmem_shared>> -> memref<10240x128xf32, #tpu.memory_space<vmem_shared>>
    tpu.enqueue_indirect_dma source(%arg11 : memref<64x128xf32, #tpu.memory_space<vmem>>) target(%dma_start3A_254 : memref<10240x128xf32, #tpu.memory_space<vmem_shared>>) offsets(%dma_start3A_251 : memref<64xi32, #tpu.memory_space<vmem>>) semaphore(%arg18 : memref<!tpu.dma_semaphore, #tpu.memory_space<semaphore_mem>>) {add = true}
    %dma_wait3A_255 = arith.constant 78 : i32
    %dma_wait3A_256 = arith.constant 0 : i32
    %dma_wait3A_257 = tpu.memref_slice %arg7[%dma_wait3A_255, %dma_wait3A_256] : memref<80x64xi32, #tpu.memory_space<vmem>> -> memref<1x64xi32, #tpu.memory_space<vmem>>
    %dma_wait3A_258 = tpu.memref_squeeze %dma_wait3A_257 : memref<1x64xi32, #tpu.memory_space<vmem>> -> memref<64xi32, #tpu.memory_space<vmem>>
    %dma_wait3A_259 = arith.constant 0 : i32
    %dma_wait3A_260 = arith.constant 0 : i32
    %dma_wait3A_261 = tpu.memref_slice %arg2[%dma_wait3A_259, %dma_wait3A_260] : memref<10240x128xf32, #tpu.memory_space<hbm>> -> memref<10240x128xf32, #tpu.memory_space<hbm>>
    tpu.wait_indirect_dma semaphore(%arg13 : memref<!tpu.dma_semaphore, #tpu.memory_space<semaphore_mem>>) src(%dma_wait3A_261 : memref<10240x128xf32, #tpu.memory_space<hbm>>) dst(%arg9 : memref<64x128xf32, #tpu.memory_space<vmem>>)
    %dma_start3A_262 = arith.constant 78 : i32
    %dma_start3A_263 = arith.constant 0 : i32
    %dma_start3A_264 = tpu.memref_slice %arg8[%dma_start3A_262, %dma_start3A_263] : memref<80x64xi32, #tpu.memory_space<vmem>> -> memref<1x64xi32, #tpu.memory_space<vmem>>
    %dma_start3A_265 = tpu.memref_squeeze %dma_start3A_264 : memref<1x64xi32, #tpu.memory_space<vmem>> -> memref<64xi32, #tpu.memory_space<vmem>>
    %dma_start3A_266 = arith.constant 0 : i32
    %dma_start3A_267 = arith.constant 0 : i32
    %dma_start3A_268 = tpu.memref_slice %arg12[%dma_start3A_266, %dma_start3A_267] : memref<10240x128xf32, #tpu.memory_space<vmem_shared>> -> memref<10240x128xf32, #tpu.memory_space<vmem_shared>>
    tpu.enqueue_indirect_dma source(%arg9 : memref<64x128xf32, #tpu.memory_space<vmem>>) target(%dma_start3A_268 : memref<10240x128xf32, #tpu.memory_space<vmem_shared>>) offsets(%dma_start3A_265 : memref<64xi32, #tpu.memory_space<vmem>>) semaphore(%arg16 : memref<!tpu.dma_semaphore, #tpu.memory_space<semaphore_mem>>) {add = true}
    %dma_wait3A_269 = arith.constant 79 : i32
    %dma_wait3A_270 = arith.constant 0 : i32
    %dma_wait3A_271 = tpu.memref_slice %arg7[%dma_wait3A_269, %dma_wait3A_270] : memref<80x64xi32, #tpu.memory_space<vmem>> -> memref<1x64xi32, #tpu.memory_space<vmem>>
    %dma_wait3A_272 = tpu.memref_squeeze %dma_wait3A_271 : memref<1x64xi32, #tpu.memory_space<vmem>> -> memref<64xi32, #tpu.memory_space<vmem>>
    %dma_wait3A_273 = arith.constant 0 : i32
    %dma_wait3A_274 = arith.constant 0 : i32
    %dma_wait3A_275 = tpu.memref_slice %arg2[%dma_wait3A_273, %dma_wait3A_274] : memref<10240x128xf32, #tpu.memory_space<hbm>> -> memref<10240x128xf32, #tpu.memory_space<hbm>>
    tpu.wait_indirect_dma semaphore(%arg14 : memref<!tpu.dma_semaphore, #tpu.memory_space<semaphore_mem>>) src(%dma_wait3A_275 : memref<10240x128xf32, #tpu.memory_space<hbm>>) dst(%arg10 : memref<64x128xf32, #tpu.memory_space<vmem>>)
    %dma_start3A_276 = arith.constant 79 : i32
    %dma_start3A_277 = arith.constant 0 : i32
    %dma_start3A_278 = tpu.memref_slice %arg8[%dma_start3A_276, %dma_start3A_277] : memref<80x64xi32, #tpu.memory_space<vmem>> -> memref<1x64xi32, #tpu.memory_space<vmem>>
    %dma_start3A_279 = tpu.memref_squeeze %dma_start3A_278 : memref<1x64xi32, #tpu.memory_space<vmem>> -> memref<64xi32, #tpu.memory_space<vmem>>
    %dma_start3A_280 = arith.constant 0 : i32
    %dma_start3A_281 = arith.constant 0 : i32
    %dma_start3A_282 = tpu.memref_slice %arg12[%dma_start3A_280, %dma_start3A_281] : memref<10240x128xf32, #tpu.memory_space<vmem_shared>> -> memref<10240x128xf32, #tpu.memory_space<vmem_shared>>
    tpu.enqueue_indirect_dma source(%arg10 : memref<64x128xf32, #tpu.memory_space<vmem>>) target(%dma_start3A_282 : memref<10240x128xf32, #tpu.memory_space<vmem_shared>>) offsets(%dma_start3A_279 : memref<64xi32, #tpu.memory_space<vmem>>) semaphore(%arg17 : memref<!tpu.dma_semaphore, #tpu.memory_space<semaphore_mem>>) {add = true}
    %dma_wait3A_283 = arith.constant 0 : i32
    %dma_wait3A_284 = arith.constant 0 : i32
    %dma_wait3A_285 = tpu.memref_slice %arg8[%dma_wait3A_283, %dma_wait3A_284] : memref<80x64xi32, #tpu.memory_space<vmem>> -> memref<1x64xi32, #tpu.memory_space<vmem>>
    %dma_wait3A_286 = tpu.memref_squeeze %dma_wait3A_285 : memref<1x64xi32, #tpu.memory_space<vmem>> -> memref<64xi32, #tpu.memory_space<vmem>>
    %dma_wait3A_287 = arith.constant 0 : i32
    %dma_wait3A_288 = arith.constant 0 : i32
    %dma_wait3A_289 = tpu.memref_slice %arg12[%dma_wait3A_287, %dma_wait3A_288] : memref<10240x128xf32, #tpu.memory_space<vmem_shared>> -> memref<10240x128xf32, #tpu.memory_space<vmem_shared>>
    tpu.wait_indirect_dma semaphore(%arg16 : memref<!tpu.dma_semaphore, #tpu.memory_space<semaphore_mem>>) src(%arg9 : memref<64x128xf32, #tpu.memory_space<vmem>>) dst(%dma_wait3A_289 : memref<10240x128xf32, #tpu.memory_space<vmem_shared>>)
    %dma_wait3A_290 = arith.constant 0 : i32
    %dma_wait3A_291 = arith.constant 0 : i32
    %dma_wait3A_292 = tpu.memref_slice %arg8[%dma_wait3A_290, %dma_wait3A_291] : memref<80x64xi32, #tpu.memory_space<vmem>> -> memref<1x64xi32, #tpu.memory_space<vmem>>
    %dma_wait3A_293 = tpu.memref_squeeze %dma_wait3A_292 : memref<1x64xi32, #tpu.memory_space<vmem>> -> memref<64xi32, #tpu.memory_space<vmem>>
    %dma_wait3A_294 = arith.constant 0 : i32
    %dma_wait3A_295 = arith.constant 0 : i32
    %dma_wait3A_296 = tpu.memref_slice %arg12[%dma_wait3A_294, %dma_wait3A_295] : memref<10240x128xf32, #tpu.memory_space<vmem_shared>> -> memref<10240x128xf32, #tpu.memory_space<vmem_shared>>
    tpu.wait_indirect_dma semaphore(%arg17 : memref<!tpu.dma_semaphore, #tpu.memory_space<semaphore_mem>>) src(%arg10 : memref<64x128xf32, #tpu.memory_space<vmem>>) dst(%dma_wait3A_296 : memref<10240x128xf32, #tpu.memory_space<vmem_shared>>)
    %dma_wait3A_297 = arith.constant 0 : i32
    %dma_wait3A_298 = arith.constant 0 : i32
    %dma_wait3A_299 = tpu.memref_slice %arg8[%dma_wait3A_297, %dma_wait3A_298] : memref<80x64xi32, #tpu.memory_space<vmem>> -> memref<1x64xi32, #tpu.memory_space<vmem>>
    %dma_wait3A_300 = tpu.memref_squeeze %dma_wait3A_299 : memref<1x64xi32, #tpu.memory_space<vmem>> -> memref<64xi32, #tpu.memory_space<vmem>>
    %dma_wait3A_301 = arith.constant 0 : i32
    %dma_wait3A_302 = arith.constant 0 : i32
    %dma_wait3A_303 = tpu.memref_slice %arg12[%dma_wait3A_301, %dma_wait3A_302] : memref<10240x128xf32, #tpu.memory_space<vmem_shared>> -> memref<10240x128xf32, #tpu.memory_space<vmem_shared>>
    tpu.wait_indirect_dma semaphore(%arg18 : memref<!tpu.dma_semaphore, #tpu.memory_space<semaphore_mem>>) src(%arg11 : memref<64x128xf32, #tpu.memory_space<vmem>>) dst(%dma_wait3A_303 : memref<10240x128xf32, #tpu.memory_space<vmem_shared>>)
    %barrier3A_304 = arith.constant 0 : index
    tpu.barrier barrier_id(%barrier3A_304)
    "tpu.region"() ({
      %run_scoped3A = tpu.sem_alloc : memref<!tpu.dma_semaphore, #tpu.memory_space<semaphore_mem>>
      %dma_start3A_305 = arith.constant 0 : i32
      %dma_start3A_306 = tpu.memref_slice %arg6[%arg0, %mul3A_4, %dma_start3A_305] : memref<2x10240x128xf32, #tpu.memory_space<hbm>> -> memref<1x640x128xf32, #tpu.memory_space<hbm>>
      %dma_start3A_307 = tpu.memref_squeeze %dma_start3A_306 : memref<1x640x128xf32, #tpu.memory_space<hbm>> -> memref<640x128xf32, #tpu.memory_space<hbm>>
      %dma_start3A_308 = arith.constant 0 : i32
      %dma_start3A_309 = tpu.memref_slice %arg12[%mul3A_4, %dma_start3A_308] : memref<10240x128xf32, #tpu.memory_space<vmem_shared>> -> memref<640x128xf32, #tpu.memory_space<vmem_shared>>
      tpu.enqueue_dma source(%dma_start3A_309 : memref<640x128xf32, #tpu.memory_space<vmem_shared>>) target(%dma_start3A_307 : memref<640x128xf32, #tpu.memory_space<hbm>>) target_semaphore(%run_scoped3A : memref<!tpu.dma_semaphore, #tpu.memory_space<semaphore_mem>>)
      %dma_wait3A_310 = arith.constant 0 : i32
      %dma_wait3A_311 = tpu.memref_slice %arg6[%arg0, %mul3A_4, %dma_wait3A_310] : memref<2x10240x128xf32, #tpu.memory_space<hbm>> -> memref<1x640x128xf32, #tpu.memory_space<hbm>>
      %dma_wait3A_312 = tpu.memref_squeeze %dma_wait3A_311 : memref<1x640x128xf32, #tpu.memory_space<hbm>> -> memref<640x128xf32, #tpu.memory_space<hbm>>
      %dma_wait3A_313 = arith.constant 0 : i32
      %dma_wait3A_314 = tpu.memref_slice %arg12[%mul3A_4, %dma_wait3A_313] : memref<10240x128xf32, #tpu.memory_space<vmem_shared>> -> memref<640x128xf32, #tpu.memory_space<vmem_shared>>
      tpu.wait_dma2 semaphore(%run_scoped3A : memref<!tpu.dma_semaphore, #tpu.memory_space<semaphore_mem>>) src(%dma_wait3A_314 : memref<640x128xf32, #tpu.memory_space<vmem_shared>>) dst(%dma_wait3A_312 : memref<640x128xf32, #tpu.memory_space<hbm>>)
      tpu.yield
    }) : () -> ()
    return
  }
}

module attributes {stable_mosaic.version = 14 : i64} {
  func.func @_proj_body(%arg0: memref<10000x128xf32, #tpu.memory_space<vmem>>, %arg1: memref<128x128xf32, #tpu.memory_space<vmem>>, %arg2: memref<1x128xf32, #tpu.memory_space<vmem>>, %arg3: memref<128x128xf32, #tpu.memory_space<vmem>>, %arg4: memref<1x128xf32, #tpu.memory_space<vmem>>, %arg5: memref<10240x128xf32, #tpu.memory_space<vmem>>, %arg6: memref<10240x128xf32, #tpu.memory_space<vmem>>) attributes {dimension_semantics = [], scalar_prefetch = 0 : i64, scratch_operands = 0 : i64, tpu.core_type = #tpu.core_type<tc>} {
    %get3A = arith.constant 0 : index
    %get3A_0 = arith.constant 0 : index
    %get3A_1 = vector.load %arg0[%get3A, %get3A_0] : memref<10000x128xf32, #tpu.memory_space<vmem>>, vector<10000x128xf32>
    %get3A_2 = arith.constant 0 : index
    %get3A_3 = arith.constant 0 : index
    %get3A_4 = vector.load %arg1[%get3A_2, %get3A_3] : memref<128x128xf32, #tpu.memory_space<vmem>>, vector<128x128xf32>
    %dot_general3A = arith.constant dense<0.000000e+00> : vector<10000x128xf32>
    %dot_general3A_5 = tpu.matmul %get3A_1, %get3A_4, %dot_general3A {dimension_numbers = #tpu.dot_dimension_numbers<[1], [0], [0], [1], [0, 0, 1, 1], [], []>, transpose_lhs_hint = false} : vector<10000x128xf32>, vector<128x128xf32>, vector<10000x128xf32> -> vector<10000x128xf32>
    %get3A_6 = arith.constant 0 : index
    %get3A_7 = arith.constant 0 : index
    %get3A_8 = vector.load %arg2[%get3A_6, %get3A_7] : memref<1x128xf32, #tpu.memory_space<vmem>>, vector<1x128xf32>
    %add3A = vector.broadcast %get3A_8 : vector<1x128xf32> to vector<10000x128xf32>
    %add3A_9 = arith.addf %dot_general3A_5, %add3A : vector<10000x128xf32>
    %max3A = arith.constant 0.000000e+00 : f32
    %max3A_10 = vector.broadcast %max3A : f32 to vector<10000x128xf32>
    %max3A_11 = arith.maximumf %add3A_9, %max3A_10 : vector<10000x128xf32>
    %get3A_12 = arith.constant 0 : index
    %get3A_13 = arith.constant 0 : index
    %get3A_14 = vector.load %arg3[%get3A_12, %get3A_13] : memref<128x128xf32, #tpu.memory_space<vmem>>, vector<128x128xf32>
    %dot_general3A_15 = arith.constant dense<0.000000e+00> : vector<10000x128xf32>
    %dot_general3A_16 = tpu.matmul %max3A_11, %get3A_14, %dot_general3A_15 {dimension_numbers = #tpu.dot_dimension_numbers<[1], [0], [0], [1], [0, 0, 1, 1], [], []>, transpose_lhs_hint = false} : vector<10000x128xf32>, vector<128x128xf32>, vector<10000x128xf32> -> vector<10000x128xf32>
    %get3A_17 = arith.constant 0 : index
    %get3A_18 = arith.constant 0 : index
    %get3A_19 = vector.load %arg4[%get3A_17, %get3A_18] : memref<1x128xf32, #tpu.memory_space<vmem>>, vector<1x128xf32>
    %add3A_20 = vector.broadcast %get3A_19 : vector<1x128xf32> to vector<10000x128xf32>
    %add3A_21 = arith.addf %dot_general3A_16, %add3A_20 : vector<10000x128xf32>
    %swap3A = arith.constant 0 : index
    %swap3A_22 = arith.constant 0 : index
    %swap3A_23 = vector.load %arg5[%swap3A, %swap3A_22] : memref<10240x128xf32, #tpu.memory_space<vmem>>, vector<10000x128xf32>
    tpu.vector_store %arg5[%swap3A, %swap3A_22], %max3A_11 {strides = array<i32>} : memref<10240x128xf32, #tpu.memory_space<vmem>>, vector<10000x128xf32>,
    %broadcast_in_dim3A = arith.constant 0.000000e+00 : f32
    %broadcast_in_dim3A_24 = vector.broadcast %broadcast_in_dim3A : f32 to vector<240x128xf32>
    %swap3A_25 = arith.constant 10000 : index
    %swap3A_26 = arith.constant 0 : index
    %swap3A_27 = vector.load %arg5[%swap3A_25, %swap3A_26] : memref<10240x128xf32, #tpu.memory_space<vmem>>, vector<240x128xf32>
    tpu.vector_store %arg5[%swap3A_25, %swap3A_26], %broadcast_in_dim3A_24 {strides = array<i32>} : memref<10240x128xf32, #tpu.memory_space<vmem>>, vector<240x128xf32>,
    %swap3A_28 = arith.constant 0 : index
    %swap3A_29 = arith.constant 0 : index
    %swap3A_30 = vector.load %arg6[%swap3A_28, %swap3A_29] : memref<10240x128xf32, #tpu.memory_space<vmem>>, vector<10000x128xf32>
    tpu.vector_store %arg6[%swap3A_28, %swap3A_29], %add3A_21 {strides = array<i32>} : memref<10240x128xf32, #tpu.memory_space<vmem>>, vector<10000x128xf32>,
    %broadcast_in_dim3A_31 = arith.constant 0.000000e+00 : f32
    %broadcast_in_dim3A_32 = vector.broadcast %broadcast_in_dim3A_31 : f32 to vector<240x128xf32>
    %swap3A_33 = arith.constant 10000 : index
    %swap3A_34 = arith.constant 0 : index
    %swap3A_35 = vector.load %arg6[%swap3A_33, %swap3A_34] : memref<10240x128xf32, #tpu.memory_space<vmem>>, vector<240x128xf32>
    tpu.vector_store %arg6[%swap3A_33, %swap3A_34], %broadcast_in_dim3A_32 {strides = array<i32>} : memref<10240x128xf32, #tpu.memory_space<vmem>>, vector<240x128xf32>,
    return
  }
}

module attributes {stable_mosaic.version = 14 : i64} {
  func.func @_layer0_body(%arg0: memref<2x10240x128xf32, #tpu.memory_space<vmem>>, %arg1: memref<2x10240x1xf32, #tpu.memory_space<vmem>>, %arg2: memref<1x128xf32, #tpu.memory_space<vmem>>, %arg3: memref<1x128xf32, #tpu.memory_space<vmem>>, %arg4: memref<128x128xf32, #tpu.memory_space<vmem>>, %arg5: memref<1x128xf32, #tpu.memory_space<vmem>>, %arg6: memref<10240x128xf32, #tpu.memory_space<vmem>>, %arg7: memref<10240x128xf32, #tpu.memory_space<vmem>>) attributes {dimension_semantics = [], scalar_prefetch = 0 : i64, scratch_operands = 0 : i64, tpu.core_type = #tpu.core_type<tc>} {
    %get3A = arith.constant 0 : index
    %get3A_0 = arith.constant 0 : index
    %get3A_1 = arith.constant 0 : index
    %get3A_2 = vector.load %arg1[%get3A, %get3A_0, %get3A_1] : memref<2x10240x1xf32, #tpu.memory_space<vmem>>, vector<1x10240x1xf32>
    %get3A_3 = vector.shape_cast %get3A_2 : vector<1x10240x1xf32> to vector<10240x1xf32>
    %get3A_4 = arith.constant 1 : index
    %get3A_5 = arith.constant 0 : index
    %get3A_6 = arith.constant 0 : index
    %get3A_7 = vector.load %arg1[%get3A_4, %get3A_5, %get3A_6] : memref<2x10240x1xf32, #tpu.memory_space<vmem>>, vector<1x10240x1xf32>
    %get3A_8 = vector.shape_cast %get3A_7 : vector<1x10240x1xf32> to vector<10240x1xf32>
    %add3A = arith.addf %get3A_3, %get3A_8 : vector<10240x1xf32>
    %add3A_9 = arith.constant 1.000000e+00 : f32
    %add3A_10 = vector.broadcast %add3A_9 : f32 to vector<10240x1xf32>
    %add3A_11 = arith.addf %add3A, %add3A_10 : vector<10240x1xf32>
    %div3A = arith.constant 1.000000e+00 : f32
    %div3A_12 = vector.broadcast %div3A : f32 to vector<10240x1xf32>
    %div3A_13 = arith.divf %div3A_12, %add3A_11 : vector<10240x1xf32>
    %get3A_14 = arith.constant 0 : index
    %get3A_15 = arith.constant 0 : index
    %get3A_16 = arith.constant 0 : index
    %get3A_17 = vector.load %arg0[%get3A_14, %get3A_15, %get3A_16] : memref<2x10240x128xf32, #tpu.memory_space<vmem>>, vector<1x10240x128xf32>
    %get3A_18 = vector.shape_cast %get3A_17 : vector<1x10240x128xf32> to vector<10240x128xf32>
    %get3A_19 = arith.constant 1 : index
    %get3A_20 = arith.constant 0 : index
    %get3A_21 = arith.constant 0 : index
    %get3A_22 = vector.load %arg0[%get3A_19, %get3A_20, %get3A_21] : memref<2x10240x128xf32, #tpu.memory_space<vmem>>, vector<1x10240x128xf32>
    %get3A_23 = vector.shape_cast %get3A_22 : vector<1x10240x128xf32> to vector<10240x128xf32>
    %add3A_24 = arith.addf %get3A_18, %get3A_23 : vector<10240x128xf32>
    %mul3A = vector.broadcast %div3A_13 : vector<10240x1xf32> to vector<10240x128xf32>
    %mul3A_25 = arith.mulf %add3A_24, %mul3A : vector<10240x128xf32>
    %slice3A = vector.extract_strided_slice %mul3A_25 {offsets = [0, 0], sizes = [10000, 128], strides = [1, 1]} : vector<10240x128xf32> to vector<10000x128xf32>
    %reduce_sum3A = arith.constant dense<0.000000e+00> : vector<128xf32>
    %reduce_sum3A_26 = vector.multi_reduction <add>, %slice3A, %reduce_sum3A [0] : vector<10000x128xf32> to vector<128xf32>
    %broadcast_in_dim3A = vector.shape_cast %reduce_sum3A_26 : vector<128xf32> to vector<1x128xf32>
    %div3A_27 = arith.constant 1.000000e+04 : f32
    %div3A_28 = vector.broadcast %div3A_27 : f32 to vector<1x128xf32>
    %div3A_29 = arith.divf %broadcast_in_dim3A, %div3A_28 : vector<1x128xf32>
    %sub3A = vector.broadcast %div3A_29 : vector<1x128xf32> to vector<10000x128xf32>
    %sub3A_30 = arith.subf %slice3A, %sub3A : vector<10000x128xf32>
    %integer_pow3A = arith.mulf %sub3A_30, %sub3A_30 : vector<10000x128xf32>
    %reduce_sum3A_31 = arith.constant dense<0.000000e+00> : vector<128xf32>
    %reduce_sum3A_32 = vector.multi_reduction <add>, %integer_pow3A, %reduce_sum3A_31 [0] : vector<10000x128xf32> to vector<128xf32>
    %broadcast_in_dim3A_33 = vector.shape_cast %reduce_sum3A_32 : vector<128xf32> to vector<1x128xf32>
    %div3A_34 = arith.constant 1.000000e+04 : f32
    %div3A_35 = vector.broadcast %div3A_34 : f32 to vector<1x128xf32>
    %div3A_36 = arith.divf %broadcast_in_dim3A_33, %div3A_35 : vector<1x128xf32>
    %sub3A_37 = vector.broadcast %div3A_29 : vector<1x128xf32> to vector<10240x128xf32>
    %sub3A_38 = arith.subf %mul3A_25, %sub3A_37 : vector<10240x128xf32>
    %add3A_39 = arith.constant 9.99999974E-6 : f32
    %add3A_40 = vector.broadcast %add3A_39 : f32 to vector<1x128xf32>
    %add3A_41 = arith.addf %div3A_36, %add3A_40 : vector<1x128xf32>
    %rsqrt3A = math.rsqrt %add3A_41 : vector<1x128xf32>
    %mul3A_42 = vector.broadcast %rsqrt3A : vector<1x128xf32> to vector<10240x128xf32>
    %mul3A_43 = arith.mulf %sub3A_38, %mul3A_42 : vector<10240x128xf32>
    %get3A_44 = arith.constant 0 : index
    %get3A_45 = arith.constant 0 : index
    %get3A_46 = vector.load %arg2[%get3A_44, %get3A_45] : memref<1x128xf32, #tpu.memory_space<vmem>>, vector<1x128xf32>
    %mul3A_47 = vector.broadcast %get3A_46 : vector<1x128xf32> to vector<10240x128xf32>
    %mul3A_48 = arith.mulf %mul3A_43, %mul3A_47 : vector<10240x128xf32>
    %get3A_49 = arith.constant 0 : index
    %get3A_50 = arith.constant 0 : index
    %get3A_51 = vector.load %arg3[%get3A_49, %get3A_50] : memref<1x128xf32, #tpu.memory_space<vmem>>, vector<1x128xf32>
    %add3A_52 = vector.broadcast %get3A_51 : vector<1x128xf32> to vector<10240x128xf32>
    %add3A_53 = arith.addf %mul3A_48, %add3A_52 : vector<10240x128xf32>
    %max3A = arith.constant 0.000000e+00 : f32
    %max3A_54 = vector.broadcast %max3A : f32 to vector<10240x128xf32>
    %max3A_55 = arith.maximumf %add3A_53, %max3A_54 : vector<10240x128xf32>
    %swap3A = arith.constant 0 : index
    %swap3A_56 = arith.constant 0 : index
    %swap3A_57 = vector.load %arg6[%swap3A, %swap3A_56] : memref<10240x128xf32, #tpu.memory_space<vmem>>, vector<10240x128xf32>
    tpu.vector_store %arg6[%swap3A, %swap3A_56], %max3A_55 {strides = array<i32>} : memref<10240x128xf32, #tpu.memory_space<vmem>>, vector<10240x128xf32>,
    %get3A_58 = arith.constant 0 : index
    %get3A_59 = arith.constant 0 : index
    %get3A_60 = vector.load %arg4[%get3A_58, %get3A_59] : memref<128x128xf32, #tpu.memory_space<vmem>>, vector<128x128xf32>
    %dot_general3A = arith.constant dense<0.000000e+00> : vector<10240x128xf32>
    %dot_general3A_61 = tpu.matmul %max3A_55, %get3A_60, %dot_general3A {dimension_numbers = #tpu.dot_dimension_numbers<[1], [0], [0], [1], [0, 0, 1, 1], [], []>, transpose_lhs_hint = false} : vector<10240x128xf32>, vector<128x128xf32>, vector<10240x128xf32> -> vector<10240x128xf32>
    %get3A_62 = arith.constant 0 : index
    %get3A_63 = arith.constant 0 : index
    %get3A_64 = vector.load %arg5[%get3A_62, %get3A_63] : memref<1x128xf32, #tpu.memory_space<vmem>>, vector<1x128xf32>
    %add3A_65 = vector.broadcast %get3A_64 : vector<1x128xf32> to vector<10240x128xf32>
    %add3A_66 = arith.addf %dot_general3A_61, %add3A_65 : vector<10240x128xf32>
    %swap3A_67 = arith.constant 0 : index
    %swap3A_68 = arith.constant 0 : index
    %swap3A_69 = vector.load %arg7[%swap3A_67, %swap3A_68] : memref<10240x128xf32, #tpu.memory_space<vmem>>, vector<10240x128xf32>
    tpu.vector_store %arg7[%swap3A_67, %swap3A_68], %add3A_66 {strides = array<i32>} : memref<10240x128xf32, #tpu.memory_space<vmem>>, vector<10240x128xf32>,
    return
  }
}

module attributes {stable_mosaic.version = 14 : i64} {
  func.func @_layer1_body(%arg0: memref<2x10240x128xf32, #tpu.memory_space<vmem>>, %arg1: memref<2x10240x1xf32, #tpu.memory_space<vmem>>, %arg2: memref<10240x128xf32, #tpu.memory_space<vmem>>, %arg3: memref<1x128xf32, #tpu.memory_space<vmem>>, %arg4: memref<1x128xf32, #tpu.memory_space<vmem>>, %arg5: memref<128x128xf32, #tpu.memory_space<vmem>>, %arg6: memref<1x128xf32, #tpu.memory_space<vmem>>, %arg7: memref<10240x128xf32, #tpu.memory_space<vmem>>, %arg8: memref<10240x128xf32, #tpu.memory_space<vmem>>) attributes {dimension_semantics = [], scalar_prefetch = 0 : i64, scratch_operands = 0 : i64, tpu.core_type = #tpu.core_type<tc>} {
    %get3A = arith.constant 0 : index
    %get3A_0 = arith.constant 0 : index
    %get3A_1 = arith.constant 0 : index
    %get3A_2 = vector.load %arg1[%get3A, %get3A_0, %get3A_1] : memref<2x10240x1xf32, #tpu.memory_space<vmem>>, vector<1x10240x1xf32>
    %get3A_3 = vector.shape_cast %get3A_2 : vector<1x10240x1xf32> to vector<10240x1xf32>
    %get3A_4 = arith.constant 1 : index
    %get3A_5 = arith.constant 0 : index
    %get3A_6 = arith.constant 0 : index
    %get3A_7 = vector.load %arg1[%get3A_4, %get3A_5, %get3A_6] : memref<2x10240x1xf32, #tpu.memory_space<vmem>>, vector<1x10240x1xf32>
    %get3A_8 = vector.shape_cast %get3A_7 : vector<1x10240x1xf32> to vector<10240x1xf32>
    %add3A = arith.addf %get3A_3, %get3A_8 : vector<10240x1xf32>
    %add3A_9 = arith.constant 1.000000e+00 : f32
    %add3A_10 = vector.broadcast %add3A_9 : f32 to vector<10240x1xf32>
    %add3A_11 = arith.addf %add3A, %add3A_10 : vector<10240x1xf32>
    %div3A = arith.constant 1.000000e+00 : f32
    %div3A_12 = vector.broadcast %div3A : f32 to vector<10240x1xf32>
    %div3A_13 = arith.divf %div3A_12, %add3A_11 : vector<10240x1xf32>
    %get3A_14 = arith.constant 0 : index
    %get3A_15 = arith.constant 0 : index
    %get3A_16 = arith.constant 0 : index
    %get3A_17 = vector.load %arg0[%get3A_14, %get3A_15, %get3A_16] : memref<2x10240x128xf32, #tpu.memory_space<vmem>>, vector<1x10240x128xf32>
    %get3A_18 = vector.shape_cast %get3A_17 : vector<1x10240x128xf32> to vector<10240x128xf32>
    %get3A_19 = arith.constant 1 : index
    %get3A_20 = arith.constant 0 : index
    %get3A_21 = arith.constant 0 : index
    %get3A_22 = vector.load %arg0[%get3A_19, %get3A_20, %get3A_21] : memref<2x10240x128xf32, #tpu.memory_space<vmem>>, vector<1x10240x128xf32>
    %get3A_23 = vector.shape_cast %get3A_22 : vector<1x10240x128xf32> to vector<10240x128xf32>
    %add3A_24 = arith.addf %get3A_18, %get3A_23 : vector<10240x128xf32>
    %mul3A = vector.broadcast %div3A_13 : vector<10240x1xf32> to vector<10240x128xf32>
    %mul3A_25 = arith.mulf %add3A_24, %mul3A : vector<10240x128xf32>
    %slice3A = vector.extract_strided_slice %mul3A_25 {offsets = [0, 0], sizes = [10000, 128], strides = [1, 1]} : vector<10240x128xf32> to vector<10000x128xf32>
    %reduce_sum3A = arith.constant dense<0.000000e+00> : vector<128xf32>
    %reduce_sum3A_26 = vector.multi_reduction <add>, %slice3A, %reduce_sum3A [0] : vector<10000x128xf32> to vector<128xf32>
    %broadcast_in_dim3A = vector.shape_cast %reduce_sum3A_26 : vector<128xf32> to vector<1x128xf32>
    %div3A_27 = arith.constant 1.000000e+04 : f32
    %div3A_28 = vector.broadcast %div3A_27 : f32 to vector<1x128xf32>
    %div3A_29 = arith.divf %broadcast_in_dim3A, %div3A_28 : vector<1x128xf32>
    %sub3A = vector.broadcast %div3A_29 : vector<1x128xf32> to vector<10000x128xf32>
    %sub3A_30 = arith.subf %slice3A, %sub3A : vector<10000x128xf32>
    %integer_pow3A = arith.mulf %sub3A_30, %sub3A_30 : vector<10000x128xf32>
    %reduce_sum3A_31 = arith.constant dense<0.000000e+00> : vector<128xf32>
    %reduce_sum3A_32 = vector.multi_reduction <add>, %integer_pow3A, %reduce_sum3A_31 [0] : vector<10000x128xf32> to vector<128xf32>
    %broadcast_in_dim3A_33 = vector.shape_cast %reduce_sum3A_32 : vector<128xf32> to vector<1x128xf32>
    %div3A_34 = arith.constant 1.000000e+04 : f32
    %div3A_35 = vector.broadcast %div3A_34 : f32 to vector<1x128xf32>
    %div3A_36 = arith.divf %broadcast_in_dim3A_33, %div3A_35 : vector<1x128xf32>
    %sub3A_37 = vector.broadcast %div3A_29 : vector<1x128xf32> to vector<10240x128xf32>
    %sub3A_38 = arith.subf %mul3A_25, %sub3A_37 : vector<10240x128xf32>
    %add3A_39 = arith.constant 9.99999974E-6 : f32
    %add3A_40 = vector.broadcast %add3A_39 : f32 to vector<1x128xf32>
    %add3A_41 = arith.addf %div3A_36, %add3A_40 : vector<1x128xf32>
    %rsqrt3A = math.rsqrt %add3A_41 : vector<1x128xf32>
    %mul3A_42 = vector.broadcast %rsqrt3A : vector<1x128xf32> to vector<10240x128xf32>
    %mul3A_43 = arith.mulf %sub3A_38, %mul3A_42 : vector<10240x128xf32>
    %get3A_44 = arith.constant 0 : index
    %get3A_45 = arith.constant 0 : index
    %get3A_46 = vector.load %arg3[%get3A_44, %get3A_45] : memref<1x128xf32, #tpu.memory_space<vmem>>, vector<1x128xf32>
    %mul3A_47 = vector.broadcast %get3A_46 : vector<1x128xf32> to vector<10240x128xf32>
    %mul3A_48 = arith.mulf %mul3A_43, %mul3A_47 : vector<10240x128xf32>
    %get3A_49 = arith.constant 0 : index
    %get3A_50 = arith.constant 0 : index
    %get3A_51 = vector.load %arg4[%get3A_49, %get3A_50] : memref<1x128xf32, #tpu.memory_space<vmem>>, vector<1x128xf32>
    %add3A_52 = vector.broadcast %get3A_51 : vector<1x128xf32> to vector<10240x128xf32>
    %add3A_53 = arith.addf %mul3A_48, %add3A_52 : vector<10240x128xf32>
    %max3A = arith.constant 0.000000e+00 : f32
    %max3A_54 = vector.broadcast %max3A : f32 to vector<10240x128xf32>
    %max3A_55 = arith.maximumf %add3A_53, %max3A_54 : vector<10240x128xf32>
    %get3A_56 = arith.constant 0 : index
    %get3A_57 = arith.constant 0 : index
    %get3A_58 = vector.load %arg2[%get3A_56, %get3A_57] : memref<10240x128xf32, #tpu.memory_space<vmem>>, vector<10240x128xf32>
    %add3A_59 = arith.addf %max3A_55, %get3A_58 : vector<10240x128xf32>
    %swap3A = arith.constant 0 : index
    %swap3A_60 = arith.constant 0 : index
    %swap3A_61 = vector.load %arg7[%swap3A, %swap3A_60] : memref<10240x128xf32, #tpu.memory_space<vmem>>, vector<10240x128xf32>
    tpu.vector_store %arg7[%swap3A, %swap3A_60], %add3A_59 {strides = array<i32>} : memref<10240x128xf32, #tpu.memory_space<vmem>>, vector<10240x128xf32>,
    %get3A_62 = arith.constant 0 : index
    %get3A_63 = arith.constant 0 : index
    %get3A_64 = vector.load %arg5[%get3A_62, %get3A_63] : memref<128x128xf32, #tpu.memory_space<vmem>>, vector<128x128xf32>
    %dot_general3A = arith.constant dense<0.000000e+00> : vector<10240x128xf32>
    %dot_general3A_65 = tpu.matmul %add3A_59, %get3A_64, %dot_general3A {dimension_numbers = #tpu.dot_dimension_numbers<[1], [0], [0], [1], [0, 0, 1, 1], [], []>, transpose_lhs_hint = false} : vector<10240x128xf32>, vector<128x128xf32>, vector<10240x128xf32> -> vector<10240x128xf32>
    %get3A_66 = arith.constant 0 : index
    %get3A_67 = arith.constant 0 : index
    %get3A_68 = vector.load %arg6[%get3A_66, %get3A_67] : memref<1x128xf32, #tpu.memory_space<vmem>>, vector<1x128xf32>
    %add3A_69 = vector.broadcast %get3A_68 : vector<1x128xf32> to vector<10240x128xf32>
    %add3A_70 = arith.addf %dot_general3A_65, %add3A_69 : vector<10240x128xf32>
    %swap3A_71 = arith.constant 0 : index
    %swap3A_72 = arith.constant 0 : index
    %swap3A_73 = vector.load %arg8[%swap3A_71, %swap3A_72] : memref<10240x128xf32, #tpu.memory_space<vmem>>, vector<10240x128xf32>
    tpu.vector_store %arg8[%swap3A_71, %swap3A_72], %add3A_70 {strides = array<i32>} : memref<10240x128xf32, #tpu.memory_space<vmem>>, vector<10240x128xf32>,
    return
  }
}

module attributes {stable_mosaic.version = 14 : i64} {
  func.func @_final_body(%arg0: memref<2x10240x128xf32, #tpu.memory_space<vmem>>, %arg1: memref<2x10240x1xf32, #tpu.memory_space<vmem>>, %arg2: memref<10240x128xf32, #tpu.memory_space<vmem>>, %arg3: memref<10240x128xf32, #tpu.memory_space<vmem>>, %arg4: memref<10240x128xf32, #tpu.memory_space<vmem>>, %arg5: memref<1x128xf32, #tpu.memory_space<vmem>>, %arg6: memref<1x128xf32, #tpu.memory_space<vmem>>, %arg7: memref<3x128xf32, #tpu.memory_space<vmem>>, %arg8: memref<128x128xf32, #tpu.memory_space<vmem>>, %arg9: memref<1x128xf32, #tpu.memory_space<vmem>>, %arg10: memref<128x64xf32, #tpu.memory_space<vmem>>, %arg11: memref<1x64xf32, #tpu.memory_space<vmem>>, %arg12: memref<64x8xf32, #tpu.memory_space<vmem>>, %arg13: memref<1x8xf32, #tpu.memory_space<vmem>>, %arg14: memref<10240x8xf32, #tpu.memory_space<vmem>>) attributes {dimension_semantics = [], scalar_prefetch = 0 : i64, scratch_operands = 0 : i64, tpu.core_type = #tpu.core_type<tc>} {
    %get3A = arith.constant 0 : index
    %get3A_0 = arith.constant 0 : index
    %get3A_1 = arith.constant 0 : index
    %get3A_2 = vector.load %arg1[%get3A, %get3A_0, %get3A_1] : memref<2x10240x1xf32, #tpu.memory_space<vmem>>, vector<1x10240x1xf32>
    %get3A_3 = vector.shape_cast %get3A_2 : vector<1x10240x1xf32> to vector<10240x1xf32>
    %get3A_4 = arith.constant 1 : index
    %get3A_5 = arith.constant 0 : index
    %get3A_6 = arith.constant 0 : index
    %get3A_7 = vector.load %arg1[%get3A_4, %get3A_5, %get3A_6] : memref<2x10240x1xf32, #tpu.memory_space<vmem>>, vector<1x10240x1xf32>
    %get3A_8 = vector.shape_cast %get3A_7 : vector<1x10240x1xf32> to vector<10240x1xf32>
    %add3A = arith.addf %get3A_3, %get3A_8 : vector<10240x1xf32>
    %add3A_9 = arith.constant 1.000000e+00 : f32
    %add3A_10 = vector.broadcast %add3A_9 : f32 to vector<10240x1xf32>
    %add3A_11 = arith.addf %add3A, %add3A_10 : vector<10240x1xf32>
    %div3A = arith.constant 1.000000e+00 : f32
    %div3A_12 = vector.broadcast %div3A : f32 to vector<10240x1xf32>
    %div3A_13 = arith.divf %div3A_12, %add3A_11 : vector<10240x1xf32>
    %get3A_14 = arith.constant 0 : index
    %get3A_15 = arith.constant 0 : index
    %get3A_16 = arith.constant 0 : index
    %get3A_17 = vector.load %arg0[%get3A_14, %get3A_15, %get3A_16] : memref<2x10240x128xf32, #tpu.memory_space<vmem>>, vector<1x10240x128xf32>
    %get3A_18 = vector.shape_cast %get3A_17 : vector<1x10240x128xf32> to vector<10240x128xf32>
    %get3A_19 = arith.constant 1 : index
    %get3A_20 = arith.constant 0 : index
    %get3A_21 = arith.constant 0 : index
    %get3A_22 = vector.load %arg0[%get3A_19, %get3A_20, %get3A_21] : memref<2x10240x128xf32, #tpu.memory_space<vmem>>, vector<1x10240x128xf32>
    %get3A_23 = vector.shape_cast %get3A_22 : vector<1x10240x128xf32> to vector<10240x128xf32>
    %add3A_24 = arith.addf %get3A_18, %get3A_23 : vector<10240x128xf32>
    %mul3A = vector.broadcast %div3A_13 : vector<10240x1xf32> to vector<10240x128xf32>
    %mul3A_25 = arith.mulf %add3A_24, %mul3A : vector<10240x128xf32>
    %slice3A = vector.extract_strided_slice %mul3A_25 {offsets = [0, 0], sizes = [10000, 128], strides = [1, 1]} : vector<10240x128xf32> to vector<10000x128xf32>
    %reduce_sum3A = arith.constant dense<0.000000e+00> : vector<128xf32>
    %reduce_sum3A_26 = vector.multi_reduction <add>, %slice3A, %reduce_sum3A [0] : vector<10000x128xf32> to vector<128xf32>
    %broadcast_in_dim3A = vector.shape_cast %reduce_sum3A_26 : vector<128xf32> to vector<1x128xf32>
    %div3A_27 = arith.constant 1.000000e+04 : f32
    %div3A_28 = vector.broadcast %div3A_27 : f32 to vector<1x128xf32>
    %div3A_29 = arith.divf %broadcast_in_dim3A, %div3A_28 : vector<1x128xf32>
    %sub3A = vector.broadcast %div3A_29 : vector<1x128xf32> to vector<10000x128xf32>
    %sub3A_30 = arith.subf %slice3A, %sub3A : vector<10000x128xf32>
    %integer_pow3A = arith.mulf %sub3A_30, %sub3A_30 : vector<10000x128xf32>
    %reduce_sum3A_31 = arith.constant dense<0.000000e+00> : vector<128xf32>
    %reduce_sum3A_32 = vector.multi_reduction <add>, %integer_pow3A, %reduce_sum3A_31 [0] : vector<10000x128xf32> to vector<128xf32>
    %broadcast_in_dim3A_33 = vector.shape_cast %reduce_sum3A_32 : vector<128xf32> to vector<1x128xf32>
    %div3A_34 = arith.constant 1.000000e+04 : f32
    %div3A_35 = vector.broadcast %div3A_34 : f32 to vector<1x128xf32>
    %div3A_36 = arith.divf %broadcast_in_dim3A_33, %div3A_35 : vector<1x128xf32>
    %sub3A_37 = vector.broadcast %div3A_29 : vector<1x128xf32> to vector<10240x128xf32>
    %sub3A_38 = arith.subf %mul3A_25, %sub3A_37 : vector<10240x128xf32>
    %add3A_39 = arith.constant 9.99999974E-6 : f32
    %add3A_40 = vector.broadcast %add3A_39 : f32 to vector<1x128xf32>
    %add3A_41 = arith.addf %div3A_36, %add3A_40 : vector<1x128xf32>
    %rsqrt3A = math.rsqrt %add3A_41 : vector<1x128xf32>
    %mul3A_42 = vector.broadcast %rsqrt3A : vector<1x128xf32> to vector<10240x128xf32>
    %mul3A_43 = arith.mulf %sub3A_38, %mul3A_42 : vector<10240x128xf32>
    %get3A_44 = arith.constant 0 : index
    %get3A_45 = arith.constant 0 : index
    %get3A_46 = vector.load %arg5[%get3A_44, %get3A_45] : memref<1x128xf32, #tpu.memory_space<vmem>>, vector<1x128xf32>
    %mul3A_47 = vector.broadcast %get3A_46 : vector<1x128xf32> to vector<10240x128xf32>
    %mul3A_48 = arith.mulf %mul3A_43, %mul3A_47 : vector<10240x128xf32>
    %get3A_49 = arith.constant 0 : index
    %get3A_50 = arith.constant 0 : index
    %get3A_51 = vector.load %arg6[%get3A_49, %get3A_50] : memref<1x128xf32, #tpu.memory_space<vmem>>, vector<1x128xf32>
    %add3A_52 = vector.broadcast %get3A_51 : vector<1x128xf32> to vector<10240x128xf32>
    %add3A_53 = arith.addf %mul3A_48, %add3A_52 : vector<10240x128xf32>
    %max3A = arith.constant 0.000000e+00 : f32
    %max3A_54 = vector.broadcast %max3A : f32 to vector<10240x128xf32>
    %max3A_55 = arith.maximumf %add3A_53, %max3A_54 : vector<10240x128xf32>
    %get3A_56 = arith.constant 0 : index
    %get3A_57 = arith.constant 0 : index
    %get3A_58 = vector.load %arg2[%get3A_56, %get3A_57] : memref<10240x128xf32, #tpu.memory_space<vmem>>, vector<10240x128xf32>
    %add3A_59 = arith.addf %max3A_55, %get3A_58 : vector<10240x128xf32>
    %get3A_60 = arith.constant 0 : index
    %get3A_61 = arith.constant 0 : index
    %get3A_62 = vector.load %arg7[%get3A_60, %get3A_61] : memref<3x128xf32, #tpu.memory_space<vmem>>, vector<3x128xf32>
    %reduce_max3A = arith.constant dense<0xFF800000> : vector<128xf32>
    %reduce_max3A_63 = vector.multi_reduction <maximumf>, %get3A_62, %reduce_max3A [0] : vector<3x128xf32> to vector<128xf32>
    %broadcast_in_dim3A_64 = vector.shape_cast %reduce_max3A_63 : vector<128xf32> to vector<1x128xf32>
    %sub3A_65 = vector.broadcast %broadcast_in_dim3A_64 : vector<1x128xf32> to vector<3x128xf32>
    %sub3A_66 = arith.subf %get3A_62, %sub3A_65 : vector<3x128xf32>
    %exp3A = math.exp %sub3A_66 : vector<3x128xf32>
    %reduce_sum3A_67 = arith.constant dense<0.000000e+00> : vector<128xf32>
    %reduce_sum3A_68 = vector.multi_reduction <add>, %exp3A, %reduce_sum3A_67 [0] : vector<3x128xf32> to vector<128xf32>
    %broadcast_in_dim3A_69 = vector.shape_cast %reduce_sum3A_68 : vector<128xf32> to vector<1x128xf32>
    %div3A_70 = vector.broadcast %broadcast_in_dim3A_69 : vector<1x128xf32> to vector<3x128xf32>
    %div3A_71 = arith.divf %exp3A, %div3A_70 : vector<3x128xf32>
    %get3A_72 = arith.constant 0 : index
    %get3A_73 = arith.constant 0 : index
    %get3A_74 = vector.load %arg3[%get3A_72, %get3A_73] : memref<10240x128xf32, #tpu.memory_space<vmem>>, vector<10240x128xf32>
    %slice3A_75 = vector.extract_strided_slice %div3A_71 {offsets = [0, 0], sizes = [1, 128], strides = [1, 1]} : vector<3x128xf32> to vector<1x128xf32>
    %mul3A_76 = vector.broadcast %slice3A_75 : vector<1x128xf32> to vector<10240x128xf32>
    %mul3A_77 = arith.mulf %get3A_74, %mul3A_76 : vector<10240x128xf32>
    %get3A_78 = arith.constant 0 : index
    %get3A_79 = arith.constant 0 : index
    %get3A_80 = vector.load %arg4[%get3A_78, %get3A_79] : memref<10240x128xf32, #tpu.memory_space<vmem>>, vector<10240x128xf32>
    %slice3A_81 = vector.extract_strided_slice %div3A_71 {offsets = [1, 0], sizes = [1, 128], strides = [1, 1]} : vector<3x128xf32> to vector<1x128xf32>
    %mul3A_82 = vector.broadcast %slice3A_81 : vector<1x128xf32> to vector<10240x128xf32>
    %mul3A_83 = arith.mulf %get3A_80, %mul3A_82 : vector<10240x128xf32>
    %add3A_84 = arith.addf %mul3A_77, %mul3A_83 : vector<10240x128xf32>
    %slice3A_85 = vector.extract_strided_slice %div3A_71 {offsets = [2, 0], sizes = [1, 128], strides = [1, 1]} : vector<3x128xf32> to vector<1x128xf32>
    %mul3A_86 = vector.broadcast %slice3A_85 : vector<1x128xf32> to vector<10240x128xf32>
    %mul3A_87 = arith.mulf %add3A_59, %mul3A_86 : vector<10240x128xf32>
    %add3A_88 = arith.addf %add3A_84, %mul3A_87 : vector<10240x128xf32>
    %get3A_89 = arith.constant 0 : index
    %get3A_90 = arith.constant 0 : index
    %get3A_91 = vector.load %arg8[%get3A_89, %get3A_90] : memref<128x128xf32, #tpu.memory_space<vmem>>, vector<128x128xf32>
    %dot_general3A = arith.constant dense<0.000000e+00> : vector<10240x128xf32>
    %dot_general3A_92 = tpu.matmul %add3A_88, %get3A_91, %dot_general3A {dimension_numbers = #tpu.dot_dimension_numbers<[1], [0], [0], [1], [0, 0, 1, 1], [], []>, transpose_lhs_hint = false} : vector<10240x128xf32>, vector<128x128xf32>, vector<10240x128xf32> -> vector<10240x128xf32>
    %get3A_93 = arith.constant 0 : index
    %get3A_94 = arith.constant 0 : index
    %get3A_95 = vector.load %arg9[%get3A_93, %get3A_94] : memref<1x128xf32, #tpu.memory_space<vmem>>, vector<1x128xf32>
    %add3A_96 = vector.broadcast %get3A_95 : vector<1x128xf32> to vector<10240x128xf32>
    %add3A_97 = arith.addf %dot_general3A_92, %add3A_96 : vector<10240x128xf32>
    %max3A_98 = arith.constant 0.000000e+00 : f32
    %max3A_99 = vector.broadcast %max3A_98 : f32 to vector<10240x128xf32>
    %max3A_100 = arith.maximumf %add3A_97, %max3A_99 : vector<10240x128xf32>
    %get3A_101 = arith.constant 0 : index
    %get3A_102 = arith.constant 0 : index
    %get3A_103 = vector.load %arg10[%get3A_101, %get3A_102] : memref<128x64xf32, #tpu.memory_space<vmem>>, vector<128x64xf32>
    %dot_general3A_104 = arith.constant dense<0.000000e+00> : vector<10240x64xf32>
    %dot_general3A_105 = tpu.matmul %max3A_100, %get3A_103, %dot_general3A_104 {dimension_numbers = #tpu.dot_dimension_numbers<[1], [0], [0], [1], [0, 0, 1, 1], [], []>, transpose_lhs_hint = false} : vector<10240x128xf32>, vector<128x64xf32>, vector<10240x64xf32> -> vector<10240x64xf32>
    %get3A_106 = arith.constant 0 : index
    %get3A_107 = arith.constant 0 : index
    %get3A_108 = vector.load %arg11[%get3A_106, %get3A_107] : memref<1x64xf32, #tpu.memory_space<vmem>>, vector<1x64xf32>
    %add3A_109 = vector.broadcast %get3A_108 : vector<1x64xf32> to vector<10240x64xf32>
    %add3A_110 = arith.addf %dot_general3A_105, %add3A_109 : vector<10240x64xf32>
    %max3A_111 = arith.constant 0.000000e+00 : f32
    %max3A_112 = vector.broadcast %max3A_111 : f32 to vector<10240x64xf32>
    %max3A_113 = arith.maximumf %add3A_110, %max3A_112 : vector<10240x64xf32>
    %get3A_114 = arith.constant 0 : index
    %get3A_115 = arith.constant 0 : index
    %get3A_116 = vector.load %arg12[%get3A_114, %get3A_115] : memref<64x8xf32, #tpu.memory_space<vmem>>, vector<64x8xf32>
    %dot_general3A_117 = arith.constant dense<0.000000e+00> : vector<10240x8xf32>
    %dot_general3A_118 = tpu.matmul %max3A_113, %get3A_116, %dot_general3A_117 {dimension_numbers = #tpu.dot_dimension_numbers<[1], [0], [0], [1], [0, 0, 1, 1], [], []>, transpose_lhs_hint = false} : vector<10240x64xf32>, vector<64x8xf32>, vector<10240x8xf32> -> vector<10240x8xf32>
    %get3A_119 = arith.constant 0 : index
    %get3A_120 = arith.constant 0 : index
    %get3A_121 = vector.load %arg13[%get3A_119, %get3A_120] : memref<1x8xf32, #tpu.memory_space<vmem>>, vector<1x8xf32>
    %add3A_122 = vector.broadcast %get3A_121 : vector<1x8xf32> to vector<10240x8xf32>
    %add3A_123 = arith.addf %dot_general3A_118, %add3A_122 : vector<10240x8xf32>
    %swap3A = arith.constant 0 : index
    %swap3A_124 = arith.constant 0 : index
    %swap3A_125 = vector.load %arg14[%swap3A, %swap3A_124] : memref<10240x8xf32, #tpu.memory_space<vmem>>, vector<10240x8xf32>
    tpu.vector_store %arg14[%swap3A, %swap3A_124], %add3A_123 {strides = array<i32>} : memref<10240x8xf32, #tpu.memory_space<vmem>>, vector<10240x8xf32>,
    return
  }
}

</mosaic_0001>

<sc_bundles>
// kernel: kernel.12.cloned.1.call-start
scs
__scs_entry_jumppad:
0x0: {  	(pc) =	sbr.rel $0x88, $3  }
0x1: {  	(tag) =	ssettag $0x0;
	lr =	simm.s32 $0x1  }
0x2: {  	[smem:$0x3F92] =	sst lr;
	_ =	strace $0xD0000000  }
0x3: {  	_ = 	snop  }
0x4: {  	_ = 	snop  }
0x5: {  	_ = 	snop  }
0x6: {  	_ = 	snop  }
0x7: {  	_ = 	snop  }
__scs_overlays_trampoline_lowered:
0x8: {  	[smem:$0x3FA1] =	sst s0  }
0x9: {  	[smem:$0x3FA2] =	sst s1  }
0xa: {  	[smem:$0x3FA3] =	sst s2  }
0xb: {  	[smem:$0x3FA4] =	sst s3  }
0xc: {  	[smem:$0x3FA5] =	sst s4  }
0xd: {  	[smem:$0x3FA6] =	sst s5  }
0xe: {  	[smem:$0x3FA7] =	sst s6  }
0xf: {  	[smem:$0x3FA8] =	sst s7  }
0x10: {  	[smem:$0x3FA9] =	sst s8  }
0x11: {  	[smem:$0x3FAA] =	sst s9;
	s0 =	simm.s32 @!p0 $0x0  }
0x12: {  	s1 =	sld [smem:$0x3F90];
	s0 =	simm.s32 @p0 $0x1  }
0x13: {  	[smem:$0x3FAB] =	sst s0;
	s0 =	simm.s32 @!p1 $0x0  }
0x14: {  	s2 =	sld [smem:$0x3F8F];
	s0 =	simm.s32 @p1 $0x1  }
0x15: {  	[smem:$0x3FAC] =	sst s0;
	s0 =	simm.s32 @!p2 $0x0  }
0x16: {  	s3 =	sld [smem:$0x3FDB];
	s0 =	simm.s32 @p2 $0x1  }
0x17: {  	s4 =	simm.s32 $0x1BF5;
	[smem:$0x3FAE] =	sst s0  }
0x18: {  	s0 =	sld [smem:$0x3F91];
	_ =	swait.ge [sflag:s4], $0x0  }
0x19: {  	s7 =	sld [smem:$0x3F92]  }
0x1a: {  	s8 =	sadd.s32 $0xFFFFE003, lr  }
0x1b: {  	s9 =	sadd.s32 $0xFFFFFEF7, lr;
	s5 =	simm.s32 $0xFFFFFFFF;
	p2 =	slt.u32 s8, $0xFFFFF086  }
0x1c: {  	p1 =	slt.u32 s9, $0xF7A;
	s5 =	simm.s32 @!p2 $0x0  }
0x1d: {  	s5 =	simm.s32 @p1 $0x1;
	p0 =	seq.s32 s7, s2  }
0x1e: {  	s7 =	smul.u32 @!p0 $0xF7A, s2;
	p2 =	seq.s32 @!p0 s5, $0x0  }
0x1f: {  	s9 =	smul.u32 $0xF7A, s1;
	s8 =	simm.s32 @!p0 $0x1BF5;
	p2 =	por !p2, p0  }
0x20: {  	[sflag:s8] =	ssyncset.s32 @!p0 $0xFFFFF086;
	s6 =	sadd.s32 @!p0 s3, s7;
	s7 =	simm.s32 @!p0 $0x108  }
0x21: {  	s3 =	sadd.s32 s3, s9;
	s6 =	sadd.s32 @!p0 $0x88, s6;
	s7 =	simm.s32 @p2 $0x1082  }
0x22: {  	[simem:s7], [sflag:s8] =	dma.local @!p0 [hbm:s6], $0xF7A  }
0x23: {  	s9 =	sor.u32 $0xD0000000, s2;
	s6 =	simm.s32 $0x108;
	_ =	swait.ge @!p0 [sflag:s8], $0x0  }
0x24: {  	s3 =	sadd.s32 $0x88, s3;
	s6 =	simm.s32 @!p1 $0x1082;
	[sflag:s4] =	ssyncset.s32 $0xFFFFF086  }
0x25: {  	[simem:s6], [sflag:s4] =	dma.local [hbm:s3], $0xF7A  }
0x26: {  	[smem:$0x3F92] =	sst s1;
	(tag) =	ssettag s2;
	_ =	strace s9  }
0x27: {  	s1 =	sld [smem:$0x3FA2]  }
0x28: {  	s2 =	sld [smem:$0x3FA3]  }
0x29: {  	s4 =	sld [smem:$0x3FA5]  }
0x2a: {  	p0 =	seq.s32 s5, $0x0;
	s5 =	sld [smem:$0x3FA6]  }
0x2b: {  	s6 =	sld [smem:$0x3FA7]  }
0x2c: {  	s7 =	sld [smem:$0x3FA8]  }
0x2d: {  	s3 =	simm.s32 $0x108;
	s8 =	sld [smem:$0x3FA9]  }
0x2e: {  	s3 =	simm.s32 @!p0 $0x1082;
	s9 =	sld [smem:$0x3FAA]  }
0x2f: {  	lr =	sadd.s32 s0, s3;
	s0 =	sld [smem:$0x3FA1]  }
0x30: {  	s3 =	sld [smem:$0x3FA4]  }
0x31: {  	[smem:$0x3FAD] =	sst s10  }
0x32: {  	s10 =	sld [smem:$0x3FAB];
	_ =	sdelay $0x3  }
0x33: {  	p0 =	seq.s32 s10, $0x1;
	s10 =	sld [smem:$0x3FAD];
	_ =	sdelay $0x3  }
0x34: {  	[smem:$0x3FAD] =	sst s10  }
0x35: {  	s10 =	sld [smem:$0x3FAC];
	_ =	sdelay $0x3  }
0x36: {  	p1 =	seq.s32 s10, $0x1;
	s10 =	sld [smem:$0x3FAD];
	_ =	sdelay $0x3  }
0x37: {  	[smem:$0x3FAD] =	sst s10  }
0x38: {  	s10 =	sld [smem:$0x3FAE]  }
0x39: {  	_ = 	snop;
	(pc) =	sbr.ind lr, $3  }
0x3a: {  	_ = 	snop  }
0x3b: {  	_ = 	snop  }
0x3c: {  	p2 =	seq.s32 s10, $0x1;
	s10 =	sld [smem:$0x3FAD]  }
0x3d: {  	_ =	shalt  }
0x3e: {  	_ =	shalt  }
0x3f: {  	_ =	shalt  }
0x40: {  	_ =	shalt  }
0x41: {  	_ =	shalt  }
0x42: {  	_ =	shalt  }
0x43: {  	_ =	shalt  }
0x44: {  	_ =	shalt  }
0x45: {  	_ =	shalt  }
0x46: {  	_ =	shalt  }
0x47: {  	_ =	shalt  }
0x48: {  	_ =	shalt  }
0x49: {  	_ =	shalt  }
0x4a: {  	_ =	shalt  }
0x4b: {  	_ =	shalt  }
0x4c: {  	_ =	shalt  }
0x4d: {  	_ =	shalt  }
0x4e: {  	_ =	shalt  }
0x4f: {  	_ =	shalt  }
0x50: {  	_ =	shalt  }
0x51: {  	_ =	shalt  }
0x52: {  	_ =	shalt  }
0x53: {  	_ =	shalt  }
0x54: {  	_ =	shalt  }
0x55: {  	_ =	shalt  }
0x56: {  	_ =	shalt  }
0x57: {  	_ =	shalt  }
0x58: {  	_ =	shalt  }
0x59: {  	_ =	shalt  }
0x5a: {  	_ =	shalt  }
0x5b: {  	_ =	shalt  }
0x5c: {  	_ =	shalt  }
0x5d: {  	_ =	shalt  }
0x5e: {  	_ =	shalt  }
0x5f: {  	_ =	shalt  }
0x60: {  	_ =	shalt  }
0x61: {  	_ =	shalt  }
0x62: {  	_ =	shalt  }
0x63: {  	_ =	shalt  }
0x64: {  	_ =	shalt  }
0x65: {  	_ =	shalt  }
0x66: {  	_ =	shalt  }
0x67: {  	_ =	shalt  }
0x68: {  	_ =	shalt  }
0x69: {  	_ =	shalt  }
0x6a: {  	_ =	shalt  }
0x6b: {  	_ =	shalt  }
0x6c: {  	_ =	shalt  }
0x6d: {  	_ =	shalt  }
0x6e: {  	_ =	shalt  }
0x6f: {  	_ =	shalt  }
0x70: {  	_ =	shalt  }
0x71: {  	_ =	shalt  }
0x72: {  	_ =	shalt  }
0x73: {  	_ =	shalt  }
0x74: {  	_ =	shalt  }
0x75: {  	_ =	shalt  }
0x76: {  	_ =	shalt  }
0x77: {  	_ =	shalt  }
0x78: {  	_ =	shalt  }
0x79: {  	_ =	shalt  }
0x7a: {  	_ =	shalt  }
0x7b: {  	_ =	shalt  }
0x7c: {  	_ =	shalt  }
0x7d: {  	_ =	shalt  }
0x7e: {  	_ =	shalt  }
0x7f: {  	_ =	shalt  }
0x80: {  	_ =	shalt  }
0x81: {  	_ =	shalt  }
0x82: {  	_ =	shalt  }
0x83: {  	_ =	shalt  }
0x84: {  	_ =	shalt  }
0x85: {  	_ =	shalt  }
0x86: {  	_ =	shalt  }
0x87: {  	_ =	shalt  }
.Lfunc_end0:
.L_simem_size_0:
called_computation.1_lowered:
.L_overlay_start_0:
0x88: {  	s2 =	sld [smem:$0x3FD9]  }
0x89: {  	s3 =	sld [smem:$0x3FFE];
	_ =	sdelay $0x1  }
0x8a: {  	s1 =	srdreg.scid  }
0x8b: {  	s0 =	sand.u32 $0x1, s1  }
0x8c: {  	s16 =	sshll.u32 s0, $0xA;
	s2 =	sadd.s32 s3, s2  }
0x8d: {  	s2 =	sadd.s32 s2, s16  }
0x8e: {  	[smem:$0x3FB9] =	sst s2  }
0x8f: {  	_ = 	snop  }
0x90: {  	(tm) =	ssettm $0x1  }
0x91: {  	s17 =	sld [smem:$0x3FFB];
	_ =	sdelay $0x3  }
0x92: {  	_ =	strace s17  }
0x93: {  	s2 =	sld [smem:$0x3FFC];
	_ =	sdelay $0x3  }
0x94: {  	_ =	strace s2  }
0x95: {  	s2 =	sld [smem:$0x3FFD];
	_ =	sdelay $0x3  }
0x96: {  	_ =	strace s2  }
0x97: {  	_ =	strace $0x8FFFFFFF  }
0x98: {  	s18 =	sld [smem:$0x3FDB];
	_ =	sdelay $0x1  }
0x99: {  	s19 =	simm.s32 $_scs_section_size  }
0x9a: {  	s4 =	simm.s32 $_size__tile_overlayer_lowered;
	s5 =	simm.s32 $_tile_overlayer_lowered  }
0x9b: {  	s22 =	simm.s32 $0x1BFF;
	s21 =	sshll.u32 s5, $0x1;
	s2 =	sadd.s32 s19, s18  }
0x9c: {  	s6 =	simm.s32 $0x0;
	s20 =	sshll.u32 s4, $0x1;
	s4 =	sadd.s32 s21, s2  }
0x9d: {  	[timem:s6], [sflag:s22] =	dma.local [hbm:s4], s20  }
0x9e: {  	_ =	swait.ge [sflag:s22], s20  }
0x9f: {  	s3 =	ssub.s32 $0x0, s20;
	[sflag:s22] =	ssyncset.done $0x0  }
0xa0: {  	[sflag:s22] =	ssyncadd.s32 s3;
	_ =	sdelay $0x1  }
0xa1: {  	s23 =	simm.s32 $0x1B8B  }
0xa2: {  	_ =	swait.ge [sflag:s23], $0x1  }
0xa3: {  	[sflag:s23] =	ssyncset.done $0x0  }
0xa4: {  	s25 =	simm.s32 $0x1B8E;
	s24 =	sld [smem:$0x3FFE];
	[sflag:s23] =	ssyncadd.s32 $0xFFFFFFFF  }
0xa5: {  	s26 =	simm.s32 $execute0_lowered;
	[smem:$0x3FD2] =	sst s25  }
0xa6: {  	s4 =	sshll.u32 s26, $0x1;
	_ =	strace $0x80000049;
	[dreg:$0x1] =	wrdreg $0xFFFFFFFF  }
0xa7: {  	s28 =	simm.s32 $_size_execute0_lowered;
	s2 =	sadd.s32 s2, s4;
	[dreg:$0x0] =	wrdreg $0x0  }
0xa8: {  	s4 =	sshll.u32 s28, $0x1;
	[dreg:$0x2] =	wrdreg s2  }
0xa9: {  	[dreg:$0x3] =	wrdreg s4  }
0xaa: {  	[dreg:$0x4] =	wrdreg $0xC0  }
0xab: {  	_ =	task [dreg:s6], $0x5FFFF  }
0xac: {  	[dreg:$0x1] =	wrdreg $0xFFFFFFFF  }
0xad: {  	[dreg:$0x0] =	wrdreg $0x60  }
0xae: {  	[dreg:$0x2] =	wrdreg s24  }
0xaf: {  	[dreg:$0x3] =	wrdreg $0xB0000  }
0xb0: {  	[dreg:$0x4] =	wrdreg $0x9  }
0xb1: {  	_ =	task.clear_ibuf [dreg:s6], $0x5FFFF;
	_ =	strace $0x90000049  }
0xb2: {  	s29 =	simm.s32 $0x9;
	_ =	strace $0x8000004B  }
0xb3: {  	_ =	swait.ge [sflag:s29], $0x1  }
0xb4: {  	[sflag:s29] =	ssyncadd.s32 $0xFFFFFFFF  }
0xb5: {  	_ =	strace $0x9000004B  }
0xb6: {  	_ =	sfence  }
0xb7: {  	s30 =	sld [smem:$0x0];
	_ =	sdelay $0x2  }
0xb8: {  	s31 =	sshll.u32 s1, $0xD;
	s1 =	sshrl.u32 s1, $0x2  }
0xb9: {  	s3 =	sand.u32 $0x4000, s31;
	s1 =	sadd.s32 s1, s30  }
0xba: {  	s0 =	sor.u32 s3, s0;
	s1 =	sshll.u32 s1, $0x11  }
0xbb: {  	s0 =	sor.u32 s1, s0  }
0xbc: {  	s0 =	sadd.s32 $0x8F2B, s0  }
0xbd: {  	[sflag:s0] =	ssyncadd.remote.s32 $0x1  }
0xbe: {  	_ =	sfence.sel $0xFFFF  }
0xbf: {  	[dreg:$0x0] =	wrdreg $0xFFFFFFFF;
	(pc) =	sbr.abs _section_cstart, $3  }
0xc0: {  	[dreg:$0x1] =	wrdreg $0xFFFFFFFF  }
0xc1: {  	_ =	task.clear_ibuf [dreg:s6], $0x2FFFF;
	_ =	strace $0x9FFFFFFF  }
0xc2: {  	(tm) =	ssettm $0x7FFFFFFF  }
0xc3: {  	_ =	shalt  }
tec
execute0_lowered:
.L_overlay_start_1:
0x0: {  	(tag) =	ssettag $0x1  }
0x1: {  	s0 =	rddreg [dreg:$0x0]  }
0x2: {  	s1 =	rddreg [dreg:$0x1]  }
0x3: {  	s2 =	srdreg.scid;
	s3 =	simm.s32 $0x0;
	s15 =	stileid.u32  }
0x4: {  	s16 =	simm.s32 $0x40;
	s17 =	simm.s32 $0x5000;
	s18 =	simm.s32 $0x80  }
0x5: {  	s19 =	simm.s32 $0x7000;
	s28 =	simm.s32 $0x6;
	s29 =	simm.s32 $0x2700  }
0x6: {  	s30 =	simm.s32 $0x4E00;
	s31 =	simm.s32 $0x2780;
	s2 =	sand.u32 $0x1, s2  }
0x7: {  	[smem:$0x7FF] =	sst s3;
	s6 =	smul.u32 $0x14000, s15;
	s4 =	sadd.s32 $0x2B400, s0  }
0x8: {  	s7 =	sadd.s32 $0x3400, s0;
	s8 =	sadd.s32 $0x17400, s0;
	s10 =	smul.u32 $0x50000, s15  }
0x9: {  	s9 =	sadd.s32 $0x53400, s0;
	s12 =	smul.u32 $0x2800, s15;
	s26 =	sshll.u32 s15, $0x6  }
0xa: {  	s5 =	smul.u32 $0x140000, s2;
	_ =	strace $0x8000004A;
	s20 =	sshll.u32 s2, $0x4  }
0xb: {  	s11 =	ssub.s32 $0x2, s2;
	p0 =	sne.s32 s2, $0x0;
	s2 =	simm.s32 $0x4F00  }
0xc: {  	s21 =	sshrl.u32 s11, $0x1;
	s22 =	sshrl.u32 s10, $0x2;
	s5 =	sadd.s32 s6, s5  }
0xd: {  	s6 =	sor.u32 s15, s20;
	s11 =	ssub.s32 s11, s21;
	s14 =	sadd.s32 s22, s1  }
0xe: {  	s15 =	simm.s32 $0x2800;
	s20 =	simm.s32 $0x100;
	s21 =	simm.s32 $0x9000  }
0xf: {  	s22 =	simm.s32 $0x1;
	s5 =	sshrl.u32 s5, $0x3;
	s13 =	smul.u32 $0x5000, s6  }
0x10: {  	s6 =	smul.u32 $0xA00, s6;
	s11 =	smax.u32 s11, $0x1;
	s0 =	sadd.s32 s5, s0  }
0x11: {  	s5 =	sadd.s32 s4, s12;
	s12 =	sor.u32 $0x1C07, s26;
	s26 =	simm.s32 $0x3  }
0x12: {  	s23 =	sshrl.u32 s13, $0x3;
	s24 =	sadd.s32 s7, s6;
	s6 =	sadd.s32 s8, s6  }
0x13: {  	s0 =	sadd.s32 $0x55C00, s0;
	s5 =	smov.u32 @p0 s9;
	[dreg:$0x3] =	wrdreg s24  }
0x14: {  	s13 =	sshrl.u32 s14, $0x3;
	s14 =	simm.s32 $0x7;
	[dreg:$0x4] =	wrdreg s6  }
0x15: {  	s25 =	sadd.s32 $0x500, s23;
	[dreg:$0x7] =	wrdreg s0;
	s23 =	simm.s32 $0x4  }
0x16: {  	s24 =	simm.s32 $0x2;
	s0 =	simm.s32 $0x4E80;
	s7 =	sadd.s32 s7, s25  }
0x17: {  	s6 =	sadd.s32 s8, s25;
	s25 =	simm.s32 $0x5;
	[dreg:$0x5] =	wrdreg s7  }
0x18: {  	[dreg:$0x6] =	wrdreg s6;
	s6 =	simm.s32 $0x4F80;
	s7 =	simm.s32 $0x0  }
.LBB2_1:
0x19: {  	[spmem:s13], [sflag:s12] =	dma.local [hbm:s5], $0x2800  }
0x1a: {  	_ =	swait.ge [sflag:s14], $0x2800  }
0x1b: {  	[sflag:s14] =	ssyncset.done $0x0  }
0x1c: {  	[sflag:s14] =	ssyncadd.s32 $0xFFFFD800  }
0x1d: {  	[bflag:$0x0] =	sbarrier.arrive $0xFFFF  }
0x1e: {  	s8 =	rddreg [dreg:$0x3]  }
0x1f: {  	[tilespmem:s3], [sflag:$0x7] =	stream.linear.gather [hbm4b:s8+s3], $0x2800, $0x38;
	[tilespmem:$0x1F000] =	vst v63  }
0x20: {  	_ =	swait.ge [sflag:s14], $0x2800  }
0x21: {  	[sflag:s14] =	ssyncset.done $0x0  }
0x22: {  	s9 =	rddreg [dreg:$0x4];
	[sflag:s14] =	ssyncadd.s32 $0xFFFFD800  }
0x23: {  	[tilespmem:s15], [sflag:$0x7] =	stream.linear.gather [hbm4b:s9+s3], $0x2800, $0x38;
	[tilespmem:$0x1F000] =	vst v63  }
0x24: {  	_ =	swait.ge [sflag:s14], $0x2800  }
0x25: {  	[sflag:s14] =	ssyncset.done $0x0  }
0x26: {  	[sflag:s14] =	ssyncadd.s32 $0xFFFFD800  }
0x27: {  	[tilespmem:s17], [sflag:$0x1] =	stream.indirect.gather [hbm4b:s4+s16], $0x80, s3, s16, $0xb8;
	[tilespmem:$0x1F000] =	vst v63  }
0x28: {  	_ = 	snop  }
0x29: {  	[tilespmem:s19], [sflag:$0x2] =	stream.indirect.gather [hbm4b:s4+s16], $0x80, s18, s16, $0xb8;
	[tilespmem:$0x1F000] =	vst v63  }
0x2a: {  	_ = 	snop  }
0x2b: {  	[tilespmem:s21], [sflag:$0x3] =	stream.indirect.gather [hbm4b:s4+s16], $0x80, s20, s16, $0xb8;
	[tilespmem:$0x1F000] =	vst v63  }
0x2c: {  	_ =	swait.ge [sflag:s22], $0x2000  }
0x2d: {  	[sflag:s22] =	ssyncset.done $0x0  }
0x2e: {  	[sflag:s22] =	ssyncadd.s32 $0xFFFFE000  }
0x2f: {  	[spmem:s1] =	stream.indirect.scatter.add.f32 [tilespmem:s17], [sflag:$0x4], $0x80, s15, s16, $0xb8;
	[tilespmem:$0x1F000] =	vst v63  }
0x30: {  	_ =	swait.ge [sflag:s23], $0x2000  }
0x31: {  	[sflag:s23] =	ssyncset.done $0x0  }
0x32: {  	s10 =	simm.s32 $0x180;
	[sflag:s23] =	ssyncadd.s32 $0xFFFFE000  }
0x33: {  	[tilespmem:s17], [sflag:$0x1] =	stream.indirect.gather [hbm4b:s4+s16], $0x80, s10, s16, $0xb8;
	[tilespmem:$0x1F000] =	vst v63  }
0x34: {  	_ =	swait.ge [sflag:s24], $0x2000  }
0x35: {  	[sflag:s24] =	ssyncset.done $0x0  }
0x36: {  	s9 =	simm.s32 $0x2880;
	[sflag:s24] =	ssyncadd.s32 $0xFFFFE000  }
0x37: {  	[spmem:s1] =	stream.indirect.scatter.add.f32 [tilespmem:s19], [sflag:$0x5], $0x80, s9, s16, $0xb8;
	[tilespmem:$0x1F000] =	vst v63  }
0x38: {  	_ =	swait.ge [sflag:s25], $0x2000  }
0x39: {  	[sflag:s25] =	ssyncset.done $0x0  }
0x3a: {  	s10 =	simm.s32 $0x200;
	[sflag:s25] =	ssyncadd.s32 $0xFFFFE000  }
0x3b: {  	[tilespmem:s19], [sflag:$0x2] =	stream.indirect.gather [hbm4b:s4+s16], $0x80, s10, s16, $0xb8;
	[tilespmem:$0x1F000] =	vst v63  }
0x3c: {  	_ =	swait.ge [sflag:s26], $0x2000  }
0x3d: {  	[sflag:s26] =	ssyncset.done $0x0  }
0x3e: {  	s9 =	simm.s32 $0x2900;
	[sflag:s26] =	ssyncadd.s32 $0xFFFFE000  }
0x3f: {  	[spmem:s1] =	stream.indirect.scatter.add.f32 [tilespmem:s21], [sflag:$0x6], $0x80, s9, s16, $0xb8;
	[tilespmem:$0x1F000] =	vst v63  }
0x40: {  	_ =	swait.ge [sflag:s28], $0x2000  }
0x41: {  	[sflag:s28] =	ssyncset.done $0x0  }
0x42: {  	s10 =	simm.s32 $0x280;
	[sflag:s28] =	ssyncadd.s32 $0xFFFFE000  }
0x43: {  	[tilespmem:s21], [sflag:$0x3] =	stream.indirect.gather [hbm4b:s4+s16], $0x80, s10, s16, $0xb8;
	[tilespmem:$0x1F000] =	vst v63  }
0x44: {  	_ =	swait.ge [sflag:s22], $0x2000  }
0x45: {  	[sflag:s22] =	ssyncset.done $0x0  }
0x46: {  	s8 =	simm.s32 $0x600;
	s9 =	simm.s32 $0x2980;
	[sflag:s22] =	ssyncadd.s32 $0xFFFFE000  }
.LBB2_2:
0x47: {  	[spmem:s1] =	stream.indirect.scatter.add.f32 [tilespmem:s17], [sflag:$0x4], $0x80, s9, s16, $0xb8;
	[tilespmem:$0x1F000] =	vst v63  }
0x48: {  	s9 =	smov.u32 s8  }
0x49: {  	p0 =	sne.s32 s8, $0x9000;
	s8 =	sadd.s32 $0x600, s8;
	_ =	swait.ge [sflag:s23], $0x2000  }
0x4a: {  	s9 =	sshra.s32 s9, $0x2;
	[sflag:s23] =	ssyncset.done $0x0  }
0x4b: {  	s10 =	sadd.s32 $0x180, s9;
	[sflag:s23] =	ssyncadd.s32 $0xFFFFE000  }
0x4c: {  	[tilespmem:s17], [sflag:$0x1] =	stream.indirect.gather [hbm4b:s4+s16], $0x80, s10, s16, $0xb8;
	[tilespmem:$0x1F000] =	vst v63  }
0x4d: {  	_ =	swait.ge [sflag:s24], $0x2000  }
0x4e: {  	[sflag:s24] =	ssyncset.done $0x0  }
0x4f: {  	s10 =	sadd.s32 $0x2880, s9;
	[sflag:s24] =	ssyncadd.s32 $0xFFFFE000  }
0x50: {  	[spmem:s1] =	stream.indirect.scatter.add.f32 [tilespmem:s19], [sflag:$0x5], $0x80, s10, s16, $0xb8;
	[tilespmem:$0x1F000] =	vst v63  }
0x51: {  	_ =	swait.ge [sflag:s25], $0x2000  }
0x52: {  	[sflag:s25] =	ssyncset.done $0x0  }
0x53: {  	s10 =	sadd.s32 $0x200, s9;
	[sflag:s25] =	ssyncadd.s32 $0xFFFFE000  }
0x54: {  	[tilespmem:s19], [sflag:$0x2] =	stream.indirect.gather [hbm4b:s4+s16], $0x80, s10, s16, $0xb8;
	[tilespmem:$0x1F000] =	vst v63  }
0x55: {  	_ =	swait.ge [sflag:s26], $0x2000  }
0x56: {  	[sflag:s26] =	ssyncset.done $0x0  }
0x57: {  	s10 =	sadd.s32 $0x2900, s9;
	[sflag:s26] =	ssyncadd.s32 $0xFFFFE000  }
0x58: {  	[spmem:s1] =	stream.indirect.scatter.add.f32 [tilespmem:s21], [sflag:$0x6], $0x80, s10, s16, $0xb8;
	[tilespmem:$0x1F000] =	vst v63  }
0x59: {  	_ =	swait.ge [sflag:s28], $0x2000  }
0x5a: {  	[sflag:s28] =	ssyncset.done $0x0  }
.Ltmp0:
0x5b: {  	s10 =	sadd.s32 $0x280, s9;
	[sflag:s28] =	ssyncadd.s32 $0xFFFFE000;
	(pc) =	sbr.rel @p0 .LBB2_2-.Ltmp0, $4  }
0x5c: {  	[tilespmem:s21], [sflag:$0x3] =	stream.indirect.gather [hbm4b:s4+s16], $0x80, s10, s16, $0xb8;
	[tilespmem:$0x1F000] =	vst v63  }
0x5d: {  	_ =	swait.ge [sflag:s22], $0x2000  }
0x5e: {  	[sflag:s22] =	ssyncset.done $0x0  }
0x5f: {  	s9 =	sadd.s32 $0x2980, s9;
	[sflag:s22] =	ssyncadd.s32 $0xFFFFE000  }
0x60: {  	[spmem:s1] =	stream.indirect.scatter.add.f32 [tilespmem:s17], [sflag:$0x4], $0x80, s9, s16, $0xb8;
	[tilespmem:$0x1F000] =	vst v63  }
0x61: {  	_ =	swait.ge [sflag:s23], $0x2000  }
0x62: {  	[sflag:s23] =	ssyncset.done $0x0  }
0x63: {  	[sflag:s23] =	ssyncadd.s32 $0xFFFFE000  }
0x64: {  	[tilespmem:s17], [sflag:$0x1] =	stream.indirect.gather [hbm4b:s4+s16], $0x80, s29, s16, $0xb8;
	[tilespmem:$0x1F000] =	vst v63  }
0x65: {  	_ =	swait.ge [sflag:s24], $0x2000  }
0x66: {  	[sflag:s24] =	ssyncset.done $0x0  }
0x67: {  	[sflag:s24] =	ssyncadd.s32 $0xFFFFE000  }
0x68: {  	[spmem:s1] =	stream.indirect.scatter.add.f32 [tilespmem:s19], [sflag:$0x5], $0x80, s30, s16, $0xb8;
	[tilespmem:$0x1F000] =	vst v63  }
0x69: {  	_ =	swait.ge [sflag:s25], $0x2000  }
0x6a: {  	[sflag:s25] =	ssyncset.done $0x0  }
0x6b: {  	[sflag:s25] =	ssyncadd.s32 $0xFFFFE000  }
0x6c: {  	[tilespmem:s19], [sflag:$0x2] =	stream.indirect.gather [hbm4b:s4+s16], $0x80, s31, s16, $0xb8;
	[tilespmem:$0x1F000] =	vst v63  }
0x6d: {  	_ =	swait.ge [sflag:s26], $0x2000  }
0x6e: {  	[sflag:s26] =	ssyncset.done $0x0  }
0x6f: {  	[sflag:s26] =	ssyncadd.s32 $0xFFFFE000  }
0x70: {  	[spmem:s1] =	stream.indirect.scatter.add.f32 [tilespmem:s21], [sflag:$0x6], $0x80, s0, s16, $0xb8;
	[tilespmem:$0x1F000] =	vst v63  }
0x71: {  	_ =	swait.ge [sflag:s22], $0x2000  }
0x72: {  	[sflag:s22] =	ssyncset.done $0x0  }
0x73: {  	[sflag:s22] =	ssyncadd.s32 $0xFFFFE000  }
0x74: {  	[spmem:s1] =	stream.indirect.scatter.add.f32 [tilespmem:s17], [sflag:$0x4], $0x80, s2, s16, $0xb8;
	[tilespmem:$0x1F000] =	vst v63  }
0x75: {  	_ =	swait.ge [sflag:s24], $0x2000  }
0x76: {  	[sflag:s24] =	ssyncset.done $0x0  }
0x77: {  	[sflag:s24] =	ssyncadd.s32 $0xFFFFE000  }
0x78: {  	[spmem:s1] =	stream.indirect.scatter.add.f32 [tilespmem:s19], [sflag:$0x5], $0x80, s6, s16, $0xb8;
	[tilespmem:$0x1F000] =	vst v63  }
0x79: {  	_ =	swait.ge [sflag:s23], $0x2000  }
0x7a: {  	[sflag:s23] =	ssyncset.done $0x0  }
0x7b: {  	[sflag:s23] =	ssyncadd.s32 $0xFFFFE000  }
0x7c: {  	_ =	swait.ge [sflag:s25], $0x2000  }
0x7d: {  	[sflag:s25] =	ssyncset.done $0x0  }
0x7e: {  	[sflag:s25] =	ssyncadd.s32 $0xFFFFE000  }
0x7f: {  	_ =	swait.ge [sflag:s28], $0x2000  }
0x80: {  	[sflag:s28] =	ssyncset.done $0x0  }
0x81: {  	s8 =	simm.s32 $0x0;
	s10 =	rddreg [dreg:$0x5];
	[sflag:s28] =	ssyncadd.s32 $0xFFFFE000  }
0x82: {  	[tilespmem:s8], [sflag:$0x7] =	stream.linear.gather [hbm4b:s10+s8], $0x2800, $0x38;
	[tilespmem:$0x1F000] =	vst v63  }
0x83: {  	_ =	swait.ge [sflag:s14], $0x2800  }
0x84: {  	[sflag:s14] =	ssyncset.done $0x0  }
0x85: {  	s10 =	rddreg [dreg:$0x6];
	[sflag:s14] =	ssyncadd.s32 $0xFFFFD800  }
0x86: {  	[tilespmem:s15], [sflag:$0x7] =	stream.linear.gather [hbm4b:s10+s8], $0x2800, $0x38;
	[tilespmem:$0x1F000] =	vst v63  }
0x87: {  	_ =	swait.ge [sflag:s14], $0x2800  }
0x88: {  	[sflag:s14] =	ssyncset.done $0x0  }
0x89: {  	[sflag:s14] =	ssyncadd.s32 $0xFFFFD800  }
0x8a: {  	[tilespmem:s17], [sflag:$0x1] =	stream.indirect.gather [hbm4b:s4+s16], $0x80, s8, s16, $0xb8;
	[tilespmem:$0x1F000] =	vst v63  }
0x8b: {  	_ = 	snop  }
0x8c: {  	[tilespmem:s19], [sflag:$0x2] =	stream.indirect.gather [hbm4b:s4+s16], $0x80, s18, s16, $0xb8;
	[tilespmem:$0x1F000] =	vst v63  }
0x8d: {  	_ = 	snop  }
0x8e: {  	[tilespmem:s21], [sflag:$0x3] =	stream.indirect.gather [hbm4b:s4+s16], $0x80, s20, s16, $0xb8;
	[tilespmem:$0x1F000] =	vst v63  }
0x8f: {  	_ =	swait.ge [sflag:s22], $0x2000  }
0x90: {  	[sflag:s22] =	ssyncset.done $0x0  }
0x91: {  	[sflag:s22] =	ssyncadd.s32 $0xFFFFE000  }
0x92: {  	[spmem:s1] =	stream.indirect.scatter.add.f32 [tilespmem:s17], [sflag:$0x4], $0x80, s15, s16, $0xb8;
	[tilespmem:$0x1F000] =	vst v63  }
0x93: {  	_ =	swait.ge [sflag:s23], $0x2000  }
0x94: {  	[sflag:s23] =	ssyncset.done $0x0  }
0x95: {  	s10 =	simm.s32 $0x180;
	[sflag:s23] =	ssyncadd.s32 $0xFFFFE000  }
0x96: {  	[tilespmem:s17], [sflag:$0x1] =	stream.indirect.gather [hbm4b:s4+s16], $0x80, s10, s16, $0xb8;
	[tilespmem:$0x1F000] =	vst v63  }
0x97: {  	_ =	swait.ge [sflag:s24], $0x2000  }
0x98: {  	[sflag:s24] =	ssyncset.done $0x0  }
0x99: {  	s9 =	simm.s32 $0x2880;
	[sflag:s24] =	ssyncadd.s32 $0xFFFFE000  }
0x9a: {  	[spmem:s1] =	stream.indirect.scatter.add.f32 [tilespmem:s19], [sflag:$0x5], $0x80, s9, s16, $0xb8;
	[tilespmem:$0x1F000] =	vst v63  }
0x9b: {  	_ =	swait.ge [sflag:s25], $0x2000  }
0x9c: {  	[sflag:s25] =	ssyncset.done $0x0  }
0x9d: {  	s10 =	simm.s32 $0x200;
	[sflag:s25] =	ssyncadd.s32 $0xFFFFE000  }
0x9e: {  	[tilespmem:s19], [sflag:$0x2] =	stream.indirect.gather [hbm4b:s4+s16], $0x80, s10, s16, $0xb8;
	[tilespmem:$0x1F000] =	vst v63  }
0x9f: {  	_ =	swait.ge [sflag:s26], $0x2000  }
0xa0: {  	[sflag:s26] =	ssyncset.done $0x0  }
0xa1: {  	s9 =	simm.s32 $0x2900;
	[sflag:s26] =	ssyncadd.s32 $0xFFFFE000  }
0xa2: {  	[spmem:s1] =	stream.indirect.scatter.add.f32 [tilespmem:s21], [sflag:$0x6], $0x80, s9, s16, $0xb8;
	[tilespmem:$0x1F000] =	vst v63  }
0xa3: {  	_ =	swait.ge [sflag:s28], $0x2000  }
0xa4: {  	[sflag:s28] =	ssyncset.done $0x0  }
0xa5: {  	s10 =	simm.s32 $0x280;
	[sflag:s28] =	ssyncadd.s32 $0xFFFFE000  }
0xa6: {  	[tilespmem:s21], [sflag:$0x3] =	stream.indirect.gather [hbm4b:s4+s16], $0x80, s10, s16, $0xb8;
	[tilespmem:$0x1F000] =	vst v63  }
0xa7: {  	_ =	swait.ge [sflag:s22], $0x2000  }
0xa8: {  	[sflag:s22] =	ssyncset.done $0x0  }
0xa9: {  	s8 =	simm.s32 $0x600;
	s9 =	simm.s32 $0x2980;
	[sflag:s22] =	ssyncadd.s32 $0xFFFFE000  }
.LBB2_4:
0xaa: {  	[spmem:s1] =	stream.indirect.scatter.add.f32 [tilespmem:s17], [sflag:$0x4], $0x80, s9, s16, $0xb8;
	[tilespmem:$0x1F000] =	vst v63  }
0xab: {  	s9 =	smov.u32 s8  }
0xac: {  	p0 =	sne.s32 s8, $0x9000;
	s8 =	sadd.s32 $0x600, s8;
	_ =	swait.ge [sflag:s23], $0x2000  }
0xad: {  	s9 =	sshra.s32 s9, $0x2;
	[sflag:s23] =	ssyncset.done $0x0  }
0xae: {  	s10 =	sadd.s32 $0x180, s9;
	[sflag:s23] =	ssyncadd.s32 $0xFFFFE000  }
0xaf: {  	[tilespmem:s17], [sflag:$0x1] =	stream.indirect.gather [hbm4b:s4+s16], $0x80, s10, s16, $0xb8;
	[tilespmem:$0x1F000] =	vst v63  }
0xb0: {  	_ =	swait.ge [sflag:s24], $0x2000  }
0xb1: {  	[sflag:s24] =	ssyncset.done $0x0  }
0xb2: {  	s10 =	sadd.s32 $0x2880, s9;
	[sflag:s24] =	ssyncadd.s32 $0xFFFFE000  }
0xb3: {  	[spmem:s1] =	stream.indirect.scatter.add.f32 [tilespmem:s19], [sflag:$0x5], $0x80, s10, s16, $0xb8;
	[tilespmem:$0x1F000] =	vst v63  }
0xb4: {  	_ =	swait.ge [sflag:s25], $0x2000  }
0xb5: {  	[sflag:s25] =	ssyncset.done $0x0  }
0xb6: {  	s10 =	sadd.s32 $0x200, s9;
	[sflag:s25] =	ssyncadd.s32 $0xFFFFE000  }
0xb7: {  	[tilespmem:s19], [sflag:$0x2] =	stream.indirect.gather [hbm4b:s4+s16], $0x80, s10, s16, $0xb8;
	[tilespmem:$0x1F000] =	vst v63  }
0xb8: {  	_ =	swait.ge [sflag:s26], $0x2000  }
0xb9: {  	[sflag:s26] =	ssyncset.done $0x0  }
0xba: {  	s10 =	sadd.s32 $0x2900, s9;
	[sflag:s26] =	ssyncadd.s32 $0xFFFFE000  }
0xbb: {  	[spmem:s1] =	stream.indirect.scatter.add.f32 [tilespmem:s21], [sflag:$0x6], $0x80, s10, s16, $0xb8;
	[tilespmem:$0x1F000] =	vst v63  }
0xbc: {  	_ =	swait.ge [sflag:s28], $0x2000  }
0xbd: {  	[sflag:s28] =	ssyncset.done $0x0  }
.Ltmp1:
0xbe: {  	s10 =	sadd.s32 $0x280, s9;
	[sflag:s28] =	ssyncadd.s32 $0xFFFFE000;
	(pc) =	sbr.rel @p0 .LBB2_4-.Ltmp1, $4  }
0xbf: {  	[tilespmem:s21], [sflag:$0x3] =	stream.indirect.gather [hbm4b:s4+s16], $0x80, s10, s16, $0xb8;
	[tilespmem:$0x1F000] =	vst v63  }
0xc0: {  	_ =	swait.ge [sflag:s22], $0x2000  }
0xc1: {  	[sflag:s22] =	ssyncset.done $0x0  }
0xc2: {  	s9 =	sadd.s32 $0x2980, s9;
	[sflag:s22] =	ssyncadd.s32 $0xFFFFE000  }
0xc3: {  	[spmem:s1] =	stream.indirect.scatter.add.f32 [tilespmem:s17], [sflag:$0x4], $0x80, s9, s16, $0xb8;
	[tilespmem:$0x1F000] =	vst v63  }
0xc4: {  	_ =	swait.ge [sflag:s23], $0x2000  }
0xc5: {  	[sflag:s23] =	ssyncset.done $0x0  }
0xc6: {  	[sflag:s23] =	ssyncadd.s32 $0xFFFFE000  }
0xc7: {  	[tilespmem:s17], [sflag:$0x1] =	stream.indirect.gather [hbm4b:s4+s16], $0x80, s29, s16, $0xb8;
	[tilespmem:$0x1F000] =	vst v63  }
0xc8: {  	_ =	swait.ge [sflag:s24], $0x2000  }
0xc9: {  	[sflag:s24] =	ssyncset.done $0x0  }
0xca: {  	[sflag:s24] =	ssyncadd.s32 $0xFFFFE000  }
0xcb: {  	[spmem:s1] =	stream.indirect.scatter.add.f32 [tilespmem:s19], [sflag:$0x5], $0x80, s30, s16, $0xb8;
	[tilespmem:$0x1F000] =	vst v63  }
0xcc: {  	_ =	swait.ge [sflag:s25], $0x2000  }
0xcd: {  	[sflag:s25] =	ssyncset.done $0x0  }
0xce: {  	[sflag:s25] =	ssyncadd.s32 $0xFFFFE000  }
0xcf: {  	[tilespmem:s19], [sflag:$0x2] =	stream.indirect.gather [hbm4b:s4+s16], $0x80, s31, s16, $0xb8;
	[tilespmem:$0x1F000] =	vst v63  }
0xd0: {  	_ =	swait.ge [sflag:s26], $0x2000  }
0xd1: {  	[sflag:s26] =	ssyncset.done $0x0  }
0xd2: {  	[sflag:s26] =	ssyncadd.s32 $0xFFFFE000  }
0xd3: {  	[spmem:s1] =	stream.indirect.scatter.add.f32 [tilespmem:s21], [sflag:$0x6], $0x80, s0, s16, $0xb8;
	[tilespmem:$0x1F000] =	vst v63  }
0xd4: {  	_ =	swait.ge [sflag:s22], $0x2000  }
0xd5: {  	[sflag:s22] =	ssyncset.done $0x0  }
0xd6: {  	[sflag:s22] =	ssyncadd.s32 $0xFFFFE000  }
0xd7: {  	[spmem:s1] =	stream.indirect.scatter.add.f32 [tilespmem:s17], [sflag:$0x4], $0x80, s2, s16, $0xb8;
	[tilespmem:$0x1F000] =	vst v63  }
0xd8: {  	_ =	swait.ge [sflag:s24], $0x2000  }
0xd9: {  	[sflag:s24] =	ssyncset.done $0x0  }
0xda: {  	[sflag:s24] =	ssyncadd.s32 $0xFFFFE000  }
0xdb: {  	[spmem:s1] =	stream.indirect.scatter.add.f32 [tilespmem:s19], [sflag:$0x5], $0x80, s6, s16, $0xb8;
	[tilespmem:$0x1F000] =	vst v63  }
0xdc: {  	_ =	swait.ge [sflag:s23], $0x2000  }
0xdd: {  	[sflag:s23] =	ssyncset.done $0x0  }
0xde: {  	[sflag:s23] =	ssyncadd.s32 $0xFFFFE000  }
0xdf: {  	_ =	swait.ge [sflag:s25], $0x2000  }
0xe0: {  	[sflag:s25] =	ssyncset.done $0x0  }
0xe1: {  	[sflag:s25] =	ssyncadd.s32 $0xFFFFE000  }
0xe2: {  	_ =	swait.ge [sflag:s28], $0x2000  }
0xe3: {  	[sflag:s28] =	ssyncset.done $0x0  }
0xe4: {  	s7 =	sadd.s32 $0x1, s7;
	[sflag:s28] =	ssyncadd.s32 $0xFFFFE000  }
0xe5: {  	p0 =	sne.s32 s7, s11;
	[bflag:$0x0] =	sbarrier.arrive $0xFFFF  }
.Ltmp2:
0xe6: {  	s8 =	rddreg [dreg:$0x7];
	(pc) =	sbr.rel @p0 .LBB2_1-.Ltmp2, $4  }
0xe7: {  	[hbm:s8], [sflag:s12] =	dma.local [spmem:s13], $0x2800  }
0xe8: {  	_ =	swait.ge [sflag:s14], $0x2800  }
0xe9: {  	[sflag:s14] =	ssyncset.done $0x0  }
0xea: {  	[sflag:s14] =	ssyncadd.s32 $0xFFFFD800  }
0xeb: {  	_ =	sfence.sel $0x180000  }
0xec: {  	[bflag:$0x0] =	sbarrier.arrive $0xFFFF  }
0xed: {  	_ =	strace $0x9000004A  }
0xee: {  	s0 =	stileid.u32;
	[bflag:$0x2] =	sbarrier.arrive $0xFFFF  }
0xef: {  	p0 =	sne.s32 s0, $0x0;
	s0 =	rddreg [dreg:$0x2]  }
0xf0: {  	s0 =	sadd.s32 @!p0 $0x100000, s0  }
0xf1: {  	[sflag:s0] =	ssyncadd.tile.s32 @!p0 $0x1;
	_ =	shalt  }
.Lfunc_end2:
_tile_overlayer_lowered:
.L_overlay_start_2:
0xf2: {  	(tag) =	ssettag $0x2  }
0xf3: {  	s0 =	rddreg [dreg:$0x0];
	s2 =	stileid.u32  }
0xf4: {  	s1 =	rddreg [dreg:$0x1];
	p0 =	sne.s32 s2, $0x0  }
0xf5: {  	s3 =	rddreg [dreg:$0x2];
	[bflag:$0x3] =	sbarrier.arrive $0xFFFF;
	s2 =	simm.s32 @!p0 $0x1C07  }
0xf6: {  	[timem:s3], [sflag:s2] =	dma.local @!p0 [hbm:s0], s1  }
0xf7: {  	s0 =	simm.s32 @!p0 $0x7  }
0xf8: {  	_ =	swait.ge @!p0 [sflag:s0], s1  }
0xf9: {  	s1 =	ssub.s32 @!p0 $0x0, s1;
	[sflag:s0] =	ssyncset.done @!p0 $0x0  }
0xfa: {  	[sflag:s0] =	ssyncadd.s32 @!p0 s1  }
0xfb: {  	[bflag:$0x3] =	sbarrier.arrive $0xFFFF  }
0xfc: {  	_ =	shalt  }

// kernel: kernel.15.cloned.1.call-start
scs
__scs_entry_jumppad:
0x0: {  	(pc) =	sbr.rel $0x88, $3  }
0x1: {  	(tag) =	ssettag $0x0;
	lr =	simm.s32 $0x1  }
0x2: {  	[smem:$0x3F92] =	sst lr;
	_ =	strace $0xD0000000  }
0x3: {  	_ = 	snop  }
0x4: {  	_ = 	snop  }
0x5: {  	_ = 	snop  }
0x6: {  	_ = 	snop  }
0x7: {  	_ = 	snop  }
__scs_overlays_trampoline_lowered:
0x8: {  	[smem:$0x3FA1] =	sst s0  }
0x9: {  	[smem:$0x3FA2] =	sst s1  }
0xa: {  	[smem:$0x3FA3] =	sst s2  }
0xb: {  	[smem:$0x3FA4] =	sst s3  }
0xc: {  	[smem:$0x3FA5] =	sst s4  }
0xd: {  	[smem:$0x3FA6] =	sst s5  }
0xe: {  	[smem:$0x3FA7] =	sst s6  }
0xf: {  	[smem:$0x3FA8] =	sst s7  }
0x10: {  	[smem:$0x3FA9] =	sst s8  }
0x11: {  	[smem:$0x3FAA] =	sst s9;
	s0 =	simm.s32 @!p0 $0x0  }
0x12: {  	s1 =	sld [smem:$0x3F90];
	s0 =	simm.s32 @p0 $0x1  }
0x13: {  	[smem:$0x3FAB] =	sst s0;
	s0 =	simm.s32 @!p1 $0x0  }
0x14: {  	s2 =	sld [smem:$0x3F8F];
	s0 =	simm.s32 @p1 $0x1  }
0x15: {  	[smem:$0x3FAC] =	sst s0;
	s0 =	simm.s32 @!p2 $0x0  }
0x16: {  	s3 =	sld [smem:$0x3FDB];
	s0 =	simm.s32 @p2 $0x1  }
0x17: {  	s4 =	simm.s32 $0x1BF5;
	[smem:$0x3FAE] =	sst s0  }
0x18: {  	s0 =	sld [smem:$0x3F91];
	_ =	swait.ge [sflag:s4], $0x0  }
0x19: {  	s7 =	sld [smem:$0x3F92]  }
0x1a: {  	s8 =	sadd.s32 $0xFFFFE003, lr  }
0x1b: {  	s9 =	sadd.s32 $0xFFFFFEF7, lr;
	s5 =	simm.s32 $0xFFFFFFFF;
	p2 =	slt.u32 s8, $0xFFFFF086  }
0x1c: {  	p1 =	slt.u32 s9, $0xF7A;
	s5 =	simm.s32 @!p2 $0x0  }
0x1d: {  	s5 =	simm.s32 @p1 $0x1;
	p0 =	seq.s32 s7, s2  }
0x1e: {  	s7 =	smul.u32 @!p0 $0xF7A, s2;
	p2 =	seq.s32 @!p0 s5, $0x0  }
0x1f: {  	s9 =	smul.u32 $0xF7A, s1;
	s8 =	simm.s32 @!p0 $0x1BF5;
	p2 =	por !p2, p0  }
0x20: {  	[sflag:s8] =	ssyncset.s32 @!p0 $0xFFFFF086;
	s6 =	sadd.s32 @!p0 s3, s7;
	s7 =	simm.s32 @!p0 $0x108  }
0x21: {  	s3 =	sadd.s32 s3, s9;
	s6 =	sadd.s32 @!p0 $0x88, s6;
	s7 =	simm.s32 @p2 $0x1082  }
0x22: {  	[simem:s7], [sflag:s8] =	dma.local @!p0 [hbm:s6], $0xF7A  }
0x23: {  	s9 =	sor.u32 $0xD0000000, s2;
	s6 =	simm.s32 $0x108;
	_ =	swait.ge @!p0 [sflag:s8], $0x0  }
0x24: {  	s3 =	sadd.s32 $0x88, s3;
	s6 =	simm.s32 @!p1 $0x1082;
	[sflag:s4] =	ssyncset.s32 $0xFFFFF086  }
0x25: {  	[simem:s6], [sflag:s4] =	dma.local [hbm:s3], $0xF7A  }
0x26: {  	[smem:$0x3F92] =	sst s1;
	(tag) =	ssettag s2;
	_ =	strace s9  }
0x27: {  	s1 =	sld [smem:$0x3FA2]  }
0x28: {  	s2 =	sld [smem:$0x3FA3]  }
0x29: {  	s4 =	sld [smem:$0x3FA5]  }
0x2a: {  	p0 =	seq.s32 s5, $0x0;
	s5 =	sld [smem:$0x3FA6]  }
0x2b: {  	s6 =	sld [smem:$0x3FA7]  }
0x2c: {  	s7 =	sld [smem:$0x3FA8]  }
0x2d: {  	s3 =	simm.s32 $0x108;
	s8 =	sld [smem:$0x3FA9]  }
0x2e: {  	s3 =	simm.s32 @!p0 $0x1082;
	s9 =	sld [smem:$0x3FAA]  }
0x2f: {  	lr =	sadd.s32 s0, s3;
	s0 =	sld [smem:$0x3FA1]  }
0x30: {  	s3 =	sld [smem:$0x3FA4]  }
0x31: {  	[smem:$0x3FAD] =	sst s10  }
0x32: {  	s10 =	sld [smem:$0x3FAB];
	_ =	sdelay $0x3  }
0x33: {  	p0 =	seq.s32 s10, $0x1;
	s10 =	sld [smem:$0x3FAD];
	_ =	sdelay $0x3  }
0x34: {  	[smem:$0x3FAD] =	sst s10  }
0x35: {  	s10 =	sld [smem:$0x3FAC];
	_ =	sdelay $0x3  }
0x36: {  	p1 =	seq.s32 s10, $0x1;
	s10 =	sld [smem:$0x3FAD];
	_ =	sdelay $0x3  }
0x37: {  	[smem:$0x3FAD] =	sst s10  }
0x38: {  	s10 =	sld [smem:$0x3FAE]  }
0x39: {  	_ = 	snop;
	(pc) =	sbr.ind lr, $3  }
0x3a: {  	_ = 	snop  }
0x3b: {  	_ = 	snop  }
0x3c: {  	p2 =	seq.s32 s10, $0x1;
	s10 =	sld [smem:$0x3FAD]  }
0x3d: {  	_ =	shalt  }
0x3e: {  	_ =	shalt  }
0x3f: {  	_ =	shalt  }
0x40: {  	_ =	shalt  }
0x41: {  	_ =	shalt  }
0x42: {  	_ =	shalt  }
0x43: {  	_ =	shalt  }
0x44: {  	_ =	shalt  }
0x45: {  	_ =	shalt  }
0x46: {  	_ =	shalt  }
0x47: {  	_ =	shalt  }
0x48: {  	_ =	shalt  }
0x49: {  	_ =	shalt  }
0x4a: {  	_ =	shalt  }
0x4b: {  	_ =	shalt  }
0x4c: {  	_ =	shalt  }
0x4d: {  	_ =	shalt  }
0x4e: {  	_ =	shalt  }
0x4f: {  	_ =	shalt  }
0x50: {  	_ =	shalt  }
0x51: {  	_ =	shalt  }
0x52: {  	_ =	shalt  }
0x53: {  	_ =	shalt  }
0x54: {  	_ =	shalt  }
0x55: {  	_ =	shalt  }
0x56: {  	_ =	shalt  }
0x57: {  	_ =	shalt  }
0x58: {  	_ =	shalt  }
0x59: {  	_ =	shalt  }
0x5a: {  	_ =	shalt  }
0x5b: {  	_ =	shalt  }
0x5c: {  	_ =	shalt  }
0x5d: {  	_ =	shalt  }
0x5e: {  	_ =	shalt  }
0x5f: {  	_ =	shalt  }
0x60: {  	_ =	shalt  }
0x61: {  	_ =	shalt  }
0x62: {  	_ =	shalt  }
0x63: {  	_ =	shalt  }
0x64: {  	_ =	shalt  }
0x65: {  	_ =	shalt  }
0x66: {  	_ =	shalt  }
0x67: {  	_ =	shalt  }
0x68: {  	_ =	shalt  }
0x69: {  	_ =	shalt  }
0x6a: {  	_ =	shalt  }
0x6b: {  	_ =	shalt  }
0x6c: {  	_ =	shalt  }
0x6d: {  	_ =	shalt  }
0x6e: {  	_ =	shalt  }
0x6f: {  	_ =	shalt  }
0x70: {  	_ =	shalt  }
0x71: {  	_ =	shalt  }
0x72: {  	_ =	shalt  }
0x73: {  	_ =	shalt  }
0x74: {  	_ =	shalt  }
0x75: {  	_ =	shalt  }
0x76: {  	_ =	shalt  }
0x77: {  	_ =	shalt  }
0x78: {  	_ =	shalt  }
0x79: {  	_ =	shalt  }
0x7a: {  	_ =	shalt  }
0x7b: {  	_ =	shalt  }
0x7c: {  	_ =	shalt  }
0x7d: {  	_ =	shalt  }
0x7e: {  	_ =	shalt  }
0x7f: {  	_ =	shalt  }
0x80: {  	_ =	shalt  }
0x81: {  	_ =	shalt  }
0x82: {  	_ =	shalt  }
0x83: {  	_ =	shalt  }
0x84: {  	_ =	shalt  }
0x85: {  	_ =	shalt  }
0x86: {  	_ =	shalt  }
0x87: {  	_ =	shalt  }
.Lfunc_end0:
.L_simem_size_0:
called_computation.2_lowered:
.L_overlay_start_0:
0x88: {  	s2 =	sld [smem:$0x3FD9]  }
0x89: {  	s3 =	sld [smem:$0x3FFE];
	_ =	sdelay $0x1  }
0x8a: {  	s1 =	srdreg.scid  }
0x8b: {  	s0 =	sand.u32 $0x1, s1  }
0x8c: {  	s16 =	sshll.u32 s0, $0xA;
	s2 =	sadd.s32 s3, s2  }
0x8d: {  	s2 =	sadd.s32 s2, s16  }
0x8e: {  	[smem:$0x3FB9] =	sst s2  }
0x8f: {  	_ = 	snop  }
0x90: {  	(tm) =	ssettm $0x1  }
0x91: {  	s17 =	sld [smem:$0x3FFB];
	_ =	sdelay $0x3  }
0x92: {  	_ =	strace s17  }
0x93: {  	s2 =	sld [smem:$0x3FFC];
	_ =	sdelay $0x3  }
0x94: {  	_ =	strace s2  }
0x95: {  	s2 =	sld [smem:$0x3FFD];
	_ =	sdelay $0x3  }
0x96: {  	_ =	strace s2  }
0x97: {  	_ =	strace $0x8FFFFFFF  }
0x98: {  	s18 =	sld [smem:$0x3FDB];
	_ =	sdelay $0x1  }
0x99: {  	s19 =	simm.s32 $_scs_section_size  }
0x9a: {  	s4 =	simm.s32 $_size__tile_overlayer_lowered;
	s5 =	simm.s32 $_tile_overlayer_lowered  }
0x9b: {  	s22 =	simm.s32 $0x1BFF;
	s21 =	sshll.u32 s5, $0x1;
	s2 =	sadd.s32 s19, s18  }
0x9c: {  	s6 =	simm.s32 $0x0;
	s20 =	sshll.u32 s4, $0x1;
	s4 =	sadd.s32 s21, s2  }
0x9d: {  	[timem:s6], [sflag:s22] =	dma.local [hbm:s4], s20  }
0x9e: {  	_ =	swait.ge [sflag:s22], s20  }
0x9f: {  	s3 =	ssub.s32 $0x0, s20;
	[sflag:s22] =	ssyncset.done $0x0  }
0xa0: {  	[sflag:s22] =	ssyncadd.s32 s3;
	_ =	sdelay $0x1  }
0xa1: {  	s23 =	simm.s32 $0x1B8B  }
0xa2: {  	_ =	swait.ge [sflag:s23], $0x1  }
0xa3: {  	[sflag:s23] =	ssyncset.done $0x0  }
0xa4: {  	s25 =	simm.s32 $0x1B8E;
	s24 =	sld [smem:$0x3FFE];
	[sflag:s23] =	ssyncadd.s32 $0xFFFFFFFF  }
0xa5: {  	s26 =	simm.s32 $execute0_lowered;
	[smem:$0x3FD2] =	sst s25  }
0xa6: {  	s4 =	sshll.u32 s26, $0x1;
	_ =	strace $0x8000004C;
	[dreg:$0x1] =	wrdreg $0xFFFFFFFF  }
0xa7: {  	s28 =	simm.s32 $_size_execute0_lowered;
	s2 =	sadd.s32 s2, s4;
	[dreg:$0x0] =	wrdreg $0x0  }
0xa8: {  	s4 =	sshll.u32 s28, $0x1;
	[dreg:$0x2] =	wrdreg s2  }
0xa9: {  	[dreg:$0x3] =	wrdreg s4  }
0xaa: {  	[dreg:$0x4] =	wrdreg $0xC0  }
0xab: {  	_ =	task [dreg:s6], $0x5FFFF  }
0xac: {  	[dreg:$0x1] =	wrdreg $0xFFFFFFFF  }
0xad: {  	[dreg:$0x0] =	wrdreg $0x60  }
0xae: {  	[dreg:$0x2] =	wrdreg s24  }
0xaf: {  	[dreg:$0x3] =	wrdreg $0xB0000  }
0xb0: {  	[dreg:$0x4] =	wrdreg $0x9  }
0xb1: {  	_ =	task.clear_ibuf [dreg:s6], $0x5FFFF;
	_ =	strace $0x9000004C  }
0xb2: {  	s29 =	simm.s32 $0x9;
	_ =	strace $0x8000004E  }
0xb3: {  	_ =	swait.ge [sflag:s29], $0x1  }
0xb4: {  	[sflag:s29] =	ssyncadd.s32 $0xFFFFFFFF  }
0xb5: {  	_ =	strace $0x9000004E  }
0xb6: {  	_ =	sfence  }
0xb7: {  	s30 =	sld [smem:$0x0];
	_ =	sdelay $0x2  }
0xb8: {  	s31 =	sshll.u32 s1, $0xD;
	s1 =	sshrl.u32 s1, $0x2  }
0xb9: {  	s3 =	sand.u32 $0x4000, s31;
	s1 =	sadd.s32 s1, s30  }
0xba: {  	s0 =	sor.u32 s3, s0;
	s1 =	sshll.u32 s1, $0x11  }
0xbb: {  	s0 =	sor.u32 s1, s0  }
0xbc: {  	s0 =	sadd.s32 $0x8F2B, s0  }
0xbd: {  	[sflag:s0] =	ssyncadd.remote.s32 $0x1  }
0xbe: {  	_ =	sfence.sel $0xFFFF  }
0xbf: {  	[dreg:$0x0] =	wrdreg $0xFFFFFFFF;
	(pc) =	sbr.abs _section_cstart, $3  }
0xc0: {  	[dreg:$0x1] =	wrdreg $0xFFFFFFFF  }
0xc1: {  	_ =	task.clear_ibuf [dreg:s6], $0x2FFFF;
	_ =	strace $0x9FFFFFFF  }
0xc2: {  	(tm) =	ssettm $0x7FFFFFFF  }
0xc3: {  	_ =	shalt  }
tec
execute0_lowered:
.L_overlay_start_1:
0x0: {  	(tag) =	ssettag $0x1  }
0x1: {  	s0 =	rddreg [dreg:$0x0]  }
0x2: {  	s1 =	rddreg [dreg:$0x1]  }
0x3: {  	s2 =	srdreg.scid;
	s3 =	simm.s32 $0x0;
	s15 =	stileid.u32  }
0x4: {  	s16 =	simm.s32 $0x40;
	s17 =	simm.s32 $0x5000;
	s18 =	simm.s32 $0x80  }
0x5: {  	s19 =	simm.s32 $0x7000;
	s28 =	simm.s32 $0x6;
	s29 =	simm.s32 $0x2700  }
0x6: {  	s30 =	simm.s32 $0x4E00;
	s31 =	simm.s32 $0x2780;
	s2 =	sand.u32 $0x1, s2  }
0x7: {  	[smem:$0x7FF] =	sst s3;
	s6 =	smul.u32 $0x14000, s15;
	s4 =	sadd.s32 $0x2B400, s0  }
0x8: {  	s7 =	sadd.s32 $0x3400, s0;
	s8 =	sadd.s32 $0x17400, s0;
	s10 =	smul.u32 $0x50000, s15  }
0x9: {  	s9 =	sadd.s32 $0x53400, s0;
	s12 =	smul.u32 $0x2800, s15;
	s26 =	sshll.u32 s15, $0x6  }
0xa: {  	s5 =	smul.u32 $0x140000, s2;
	_ =	strace $0x8000004D;
	s20 =	sshll.u32 s2, $0x4  }
0xb: {  	s11 =	ssub.s32 $0x2, s2;
	p0 =	sne.s32 s2, $0x0;
	s2 =	simm.s32 $0x4F00  }
0xc: {  	s21 =	sshrl.u32 s11, $0x1;
	s22 =	sshrl.u32 s10, $0x2;
	s5 =	sadd.s32 s6, s5  }
0xd: {  	s6 =	sor.u32 s15, s20;
	s11 =	ssub.s32 s11, s21;
	s14 =	sadd.s32 s22, s1  }
0xe: {  	s15 =	simm.s32 $0x2800;
	s20 =	simm.s32 $0x100;
	s21 =	simm.s32 $0x9000  }
0xf: {  	s22 =	simm.s32 $0x1;
	s5 =	sshrl.u32 s5, $0x3;
	s13 =	smul.u32 $0x5000, s6  }
0x10: {  	s6 =	smul.u32 $0xA00, s6;
	s11 =	smax.u32 s11, $0x1;
	s0 =	sadd.s32 s5, s0  }
0x11: {  	s5 =	sadd.s32 s4, s12;
	s12 =	sor.u32 $0x1C07, s26;
	s26 =	simm.s32 $0x3  }
0x12: {  	s23 =	sshrl.u32 s13, $0x3;
	s24 =	sadd.s32 s7, s6;
	s6 =	sadd.s32 s8, s6  }
0x13: {  	s0 =	sadd.s32 $0x55C00, s0;
	s5 =	smov.u32 @p0 s9;
	[dreg:$0x3] =	wrdreg s24  }
0x14: {  	s13 =	sshrl.u32 s14, $0x3;
	s14 =	simm.s32 $0x7;
	[dreg:$0x4] =	wrdreg s6  }
0x15: {  	s25 =	sadd.s32 $0x500, s23;
	[dreg:$0x7] =	wrdreg s0;
	s23 =	simm.s32 $0x4  }
0x16: {  	s24 =	simm.s32 $0x2;
	s0 =	simm.s32 $0x4E80;
	s7 =	sadd.s32 s7, s25  }
0x17: {  	s6 =	sadd.s32 s8, s25;
	s25 =	simm.s32 $0x5;
	[dreg:$0x5] =	wrdreg s7  }
0x18: {  	[dreg:$0x6] =	wrdreg s6;
	s6 =	simm.s32 $0x4F80;
	s7 =	simm.s32 $0x0  }
.LBB2_1:
0x19: {  	[spmem:s13], [sflag:s12] =	dma.local [hbm:s5], $0x2800  }
0x1a: {  	_ =	swait.ge [sflag:s14], $0x2800  }
0x1b: {  	[sflag:s14] =	ssyncset.done $0x0  }
0x1c: {  	[sflag:s14] =	ssyncadd.s32 $0xFFFFD800  }
0x1d: {  	[bflag:$0x0] =	sbarrier.arrive $0xFFFF  }
0x1e: {  	s8 =	rddreg [dreg:$0x3]  }
0x1f: {  	[tilespmem:s3], [sflag:$0x7] =	stream.linear.gather [hbm4b:s8+s3], $0x2800, $0x38;
	[tilespmem:$0x1F000] =	vst v63  }
0x20: {  	_ =	swait.ge [sflag:s14], $0x2800  }
0x21: {  	[sflag:s14] =	ssyncset.done $0x0  }
0x22: {  	s9 =	rddreg [dreg:$0x4];
	[sflag:s14] =	ssyncadd.s32 $0xFFFFD800  }
0x23: {  	[tilespmem:s15], [sflag:$0x7] =	stream.linear.gather [hbm4b:s9+s3], $0x2800, $0x38;
	[tilespmem:$0x1F000] =	vst v63  }
0x24: {  	_ =	swait.ge [sflag:s14], $0x2800  }
0x25: {  	[sflag:s14] =	ssyncset.done $0x0  }
0x26: {  	[sflag:s14] =	ssyncadd.s32 $0xFFFFD800  }
0x27: {  	[tilespmem:s17], [sflag:$0x1] =	stream.indirect.gather [hbm4b:s4+s16], $0x80, s3, s16, $0xb8;
	[tilespmem:$0x1F000] =	vst v63  }
0x28: {  	_ = 	snop  }
0x29: {  	[tilespmem:s19], [sflag:$0x2] =	stream.indirect.gather [hbm4b:s4+s16], $0x80, s18, s16, $0xb8;
	[tilespmem:$0x1F000] =	vst v63  }
0x2a: {  	_ = 	snop  }
0x2b: {  	[tilespmem:s21], [sflag:$0x3] =	stream.indirect.gather [hbm4b:s4+s16], $0x80, s20, s16, $0xb8;
	[tilespmem:$0x1F000] =	vst v63  }
0x2c: {  	_ =	swait.ge [sflag:s22], $0x2000  }
0x2d: {  	[sflag:s22] =	ssyncset.done $0x0  }
0x2e: {  	[sflag:s22] =	ssyncadd.s32 $0xFFFFE000  }
0x2f: {  	[spmem:s1] =	stream.indirect.scatter.add.f32 [tilespmem:s17], [sflag:$0x4], $0x80, s15, s16, $0xb8;
	[tilespmem:$0x1F000] =	vst v63  }
0x30: {  	_ =	swait.ge [sflag:s23], $0x2000  }
0x31: {  	[sflag:s23] =	ssyncset.done $0x0  }
0x32: {  	s10 =	simm.s32 $0x180;
	[sflag:s23] =	ssyncadd.s32 $0xFFFFE000  }
0x33: {  	[tilespmem:s17], [sflag:$0x1] =	stream.indirect.gather [hbm4b:s4+s16], $0x80, s10, s16, $0xb8;
	[tilespmem:$0x1F000] =	vst v63  }
0x34: {  	_ =	swait.ge [sflag:s24], $0x2000  }
0x35: {  	[sflag:s24] =	ssyncset.done $0x0  }
0x36: {  	s9 =	simm.s32 $0x2880;
	[sflag:s24] =	ssyncadd.s32 $0xFFFFE000  }
0x37: {  	[spmem:s1] =	stream.indirect.scatter.add.f32 [tilespmem:s19], [sflag:$0x5], $0x80, s9, s16, $0xb8;
	[tilespmem:$0x1F000] =	vst v63  }
0x38: {  	_ =	swait.ge [sflag:s25], $0x2000  }
0x39: {  	[sflag:s25] =	ssyncset.done $0x0  }
0x3a: {  	s10 =	simm.s32 $0x200;
	[sflag:s25] =	ssyncadd.s32 $0xFFFFE000  }
0x3b: {  	[tilespmem:s19], [sflag:$0x2] =	stream.indirect.gather [hbm4b:s4+s16], $0x80, s10, s16, $0xb8;
	[tilespmem:$0x1F000] =	vst v63  }
0x3c: {  	_ =	swait.ge [sflag:s26], $0x2000  }
0x3d: {  	[sflag:s26] =	ssyncset.done $0x0  }
0x3e: {  	s9 =	simm.s32 $0x2900;
	[sflag:s26] =	ssyncadd.s32 $0xFFFFE000  }
0x3f: {  	[spmem:s1] =	stream.indirect.scatter.add.f32 [tilespmem:s21], [sflag:$0x6], $0x80, s9, s16, $0xb8;
	[tilespmem:$0x1F000] =	vst v63  }
0x40: {  	_ =	swait.ge [sflag:s28], $0x2000  }
0x41: {  	[sflag:s28] =	ssyncset.done $0x0  }
0x42: {  	s10 =	simm.s32 $0x280;
	[sflag:s28] =	ssyncadd.s32 $0xFFFFE000  }
0x43: {  	[tilespmem:s21], [sflag:$0x3] =	stream.indirect.gather [hbm4b:s4+s16], $0x80, s10, s16, $0xb8;
	[tilespmem:$0x1F000] =	vst v63  }
0x44: {  	_ =	swait.ge [sflag:s22], $0x2000  }
0x45: {  	[sflag:s22] =	ssyncset.done $0x0  }
0x46: {  	s8 =	simm.s32 $0x600;
	s9 =	simm.s32 $0x2980;
	[sflag:s22] =	ssyncadd.s32 $0xFFFFE000  }
.LBB2_2:
0x47: {  	[spmem:s1] =	stream.indirect.scatter.add.f32 [tilespmem:s17], [sflag:$0x4], $0x80, s9, s16, $0xb8;
	[tilespmem:$0x1F000] =	vst v63  }
0x48: {  	s9 =	smov.u32 s8  }
0x49: {  	p0 =	sne.s32 s8, $0x9000;
	s8 =	sadd.s32 $0x600, s8;
	_ =	swait.ge [sflag:s23], $0x2000  }
0x4a: {  	s9 =	sshra.s32 s9, $0x2;
	[sflag:s23] =	ssyncset.done $0x0  }
0x4b: {  	s10 =	sadd.s32 $0x180, s9;
	[sflag:s23] =	ssyncadd.s32 $0xFFFFE000  }
0x4c: {  	[tilespmem:s17], [sflag:$0x1] =	stream.indirect.gather [hbm4b:s4+s16], $0x80, s10, s16, $0xb8;
	[tilespmem:$0x1F000] =	vst v63  }
0x4d: {  	_ =	swait.ge [sflag:s24], $0x2000  }
0x4e: {  	[sflag:s24] =	ssyncset.done $0x0  }
0x4f: {  	s10 =	sadd.s32 $0x2880, s9;
	[sflag:s24] =	ssyncadd.s32 $0xFFFFE000  }
0x50: {  	[spmem:s1] =	stream.indirect.scatter.add.f32 [tilespmem:s19], [sflag:$0x5], $0x80, s10, s16, $0xb8;
	[tilespmem:$0x1F000] =	vst v63  }
0x51: {  	_ =	swait.ge [sflag:s25], $0x2000  }
0x52: {  	[sflag:s25] =	ssyncset.done $0x0  }
0x53: {  	s10 =	sadd.s32 $0x200, s9;
	[sflag:s25] =	ssyncadd.s32 $0xFFFFE000  }
0x54: {  	[tilespmem:s19], [sflag:$0x2] =	stream.indirect.gather [hbm4b:s4+s16], $0x80, s10, s16, $0xb8;
	[tilespmem:$0x1F000] =	vst v63  }
0x55: {  	_ =	swait.ge [sflag:s26], $0x2000  }
0x56: {  	[sflag:s26] =	ssyncset.done $0x0  }
0x57: {  	s10 =	sadd.s32 $0x2900, s9;
	[sflag:s26] =	ssyncadd.s32 $0xFFFFE000  }
0x58: {  	[spmem:s1] =	stream.indirect.scatter.add.f32 [tilespmem:s21], [sflag:$0x6], $0x80, s10, s16, $0xb8;
	[tilespmem:$0x1F000] =	vst v63  }
0x59: {  	_ =	swait.ge [sflag:s28], $0x2000  }
0x5a: {  	[sflag:s28] =	ssyncset.done $0x0  }
.Ltmp0:
0x5b: {  	s10 =	sadd.s32 $0x280, s9;
	[sflag:s28] =	ssyncadd.s32 $0xFFFFE000;
	(pc) =	sbr.rel @p0 .LBB2_2-.Ltmp0, $4  }
0x5c: {  	[tilespmem:s21], [sflag:$0x3] =	stream.indirect.gather [hbm4b:s4+s16], $0x80, s10, s16, $0xb8;
	[tilespmem:$0x1F000] =	vst v63  }
0x5d: {  	_ =	swait.ge [sflag:s22], $0x2000  }
0x5e: {  	[sflag:s22] =	ssyncset.done $0x0  }
0x5f: {  	s9 =	sadd.s32 $0x2980, s9;
	[sflag:s22] =	ssyncadd.s32 $0xFFFFE000  }
0x60: {  	[spmem:s1] =	stream.indirect.scatter.add.f32 [tilespmem:s17], [sflag:$0x4], $0x80, s9, s16, $0xb8;
	[tilespmem:$0x1F000] =	vst v63  }
0x61: {  	_ =	swait.ge [sflag:s23], $0x2000  }
0x62: {  	[sflag:s23] =	ssyncset.done $0x0  }
0x63: {  	[sflag:s23] =	ssyncadd.s32 $0xFFFFE000  }
0x64: {  	[tilespmem:s17], [sflag:$0x1] =	stream.indirect.gather [hbm4b:s4+s16], $0x80, s29, s16, $0xb8;
	[tilespmem:$0x1F000] =	vst v63  }
0x65: {  	_ =	swait.ge [sflag:s24], $0x2000  }
0x66: {  	[sflag:s24] =	ssyncset.done $0x0  }
0x67: {  	[sflag:s24] =	ssyncadd.s32 $0xFFFFE000  }
0x68: {  	[spmem:s1] =	stream.indirect.scatter.add.f32 [tilespmem:s19], [sflag:$0x5], $0x80, s30, s16, $0xb8;
	[tilespmem:$0x1F000] =	vst v63  }
0x69: {  	_ =	swait.ge [sflag:s25], $0x2000  }
0x6a: {  	[sflag:s25] =	ssyncset.done $0x0  }
0x6b: {  	[sflag:s25] =	ssyncadd.s32 $0xFFFFE000  }
0x6c: {  	[tilespmem:s19], [sflag:$0x2] =	stream.indirect.gather [hbm4b:s4+s16], $0x80, s31, s16, $0xb8;
	[tilespmem:$0x1F000] =	vst v63  }
0x6d: {  	_ =	swait.ge [sflag:s26], $0x2000  }
0x6e: {  	[sflag:s26] =	ssyncset.done $0x0  }
0x6f: {  	[sflag:s26] =	ssyncadd.s32 $0xFFFFE000  }
0x70: {  	[spmem:s1] =	stream.indirect.scatter.add.f32 [tilespmem:s21], [sflag:$0x6], $0x80, s0, s16, $0xb8;
	[tilespmem:$0x1F000] =	vst v63  }
0x71: {  	_ =	swait.ge [sflag:s22], $0x2000  }
0x72: {  	[sflag:s22] =	ssyncset.done $0x0  }
0x73: {  	[sflag:s22] =	ssyncadd.s32 $0xFFFFE000  }
0x74: {  	[spmem:s1] =	stream.indirect.scatter.add.f32 [tilespmem:s17], [sflag:$0x4], $0x80, s2, s16, $0xb8;
	[tilespmem:$0x1F000] =	vst v63  }
0x75: {  	_ =	swait.ge [sflag:s24], $0x2000  }
0x76: {  	[sflag:s24] =	ssyncset.done $0x0  }
0x77: {  	[sflag:s24] =	ssyncadd.s32 $0xFFFFE000  }
0x78: {  	[spmem:s1] =	stream.indirect.scatter.add.f32 [tilespmem:s19], [sflag:$0x5], $0x80, s6, s16, $0xb8;
	[tilespmem:$0x1F000] =	vst v63  }
0x79: {  	_ =	swait.ge [sflag:s23], $0x2000  }
0x7a: {  	[sflag:s23] =	ssyncset.done $0x0  }
0x7b: {  	[sflag:s23] =	ssyncadd.s32 $0xFFFFE000  }
0x7c: {  	_ =	swait.ge [sflag:s25], $0x2000  }
0x7d: {  	[sflag:s25] =	ssyncset.done $0x0  }
0x7e: {  	[sflag:s25] =	ssyncadd.s32 $0xFFFFE000  }
0x7f: {  	_ =	swait.ge [sflag:s28], $0x2000  }
0x80: {  	[sflag:s28] =	ssyncset.done $0x0  }
0x81: {  	s8 =	simm.s32 $0x0;
	s10 =	rddreg [dreg:$0x5];
	[sflag:s28] =	ssyncadd.s32 $0xFFFFE000  }
0x82: {  	[tilespmem:s8], [sflag:$0x7] =	stream.linear.gather [hbm4b:s10+s8], $0x2800, $0x38;
	[tilespmem:$0x1F000] =	vst v63  }
0x83: {  	_ =	swait.ge [sflag:s14], $0x2800  }
0x84: {  	[sflag:s14] =	ssyncset.done $0x0  }
0x85: {  	s10 =	rddreg [dreg:$0x6];
	[sflag:s14] =	ssyncadd.s32 $0xFFFFD800  }
0x86: {  	[tilespmem:s15], [sflag:$0x7] =	stream.linear.gather [hbm4b:s10+s8], $0x2800, $0x38;
	[tilespmem:$0x1F000] =	vst v63  }
0x87: {  	_ =	swait.ge [sflag:s14], $0x2800  }
0x88: {  	[sflag:s14] =	ssyncset.done $0x0  }
0x89: {  	[sflag:s14] =	ssyncadd.s32 $0xFFFFD800  }
0x8a: {  	[tilespmem:s17], [sflag:$0x1] =	stream.indirect.gather [hbm4b:s4+s16], $0x80, s8, s16, $0xb8;
	[tilespmem:$0x1F000] =	vst v63  }
0x8b: {  	_ = 	snop  }
0x8c: {  	[tilespmem:s19], [sflag:$0x2] =	stream.indirect.gather [hbm4b:s4+s16], $0x80, s18, s16, $0xb8;
	[tilespmem:$0x1F000] =	vst v63  }
0x8d: {  	_ = 	snop  }
0x8e: {  	[tilespmem:s21], [sflag:$0x3] =	stream.indirect.gather [hbm4b:s4+s16], $0x80, s20, s16, $0xb8;
	[tilespmem:$0x1F000] =	vst v63  }
0x8f: {  	_ =	swait.ge [sflag:s22], $0x2000  }
0x90: {  	[sflag:s22] =	ssyncset.done $0x0  }
0x91: {  	[sflag:s22] =	ssyncadd.s32 $0xFFFFE000  }
0x92: {  	[spmem:s1] =	stream.indirect.scatter.add.f32 [tilespmem:s17], [sflag:$0x4], $0x80, s15, s16, $0xb8;
	[tilespmem:$0x1F000] =	vst v63  }
0x93: {  	_ =	swait.ge [sflag:s23], $0x2000  }
0x94: {  	[sflag:s23] =	ssyncset.done $0x0  }
0x95: {  	s10 =	simm.s32 $0x180;
	[sflag:s23] =	ssyncadd.s32 $0xFFFFE000  }
0x96: {  	[tilespmem:s17], [sflag:$0x1] =	stream.indirect.gather [hbm4b:s4+s16], $0x80, s10, s16, $0xb8;
	[tilespmem:$0x1F000] =	vst v63  }
0x97: {  	_ =	swait.ge [sflag:s24], $0x2000  }
0x98: {  	[sflag:s24] =	ssyncset.done $0x0  }
0x99: {  	s9 =	simm.s32 $0x2880;
	[sflag:s24] =	ssyncadd.s32 $0xFFFFE000  }
0x9a: {  	[spmem:s1] =	stream.indirect.scatter.add.f32 [tilespmem:s19], [sflag:$0x5], $0x80, s9, s16, $0xb8;
	[tilespmem:$0x1F000] =	vst v63  }
0x9b: {  	_ =	swait.ge [sflag:s25], $0x2000  }
0x9c: {  	[sflag:s25] =	ssyncset.done $0x0  }
0x9d: {  	s10 =	simm.s32 $0x200;
	[sflag:s25] =	ssyncadd.s32 $0xFFFFE000  }
0x9e: {  	[tilespmem:s19], [sflag:$0x2] =	stream.indirect.gather [hbm4b:s4+s16], $0x80, s10, s16, $0xb8;
	[tilespmem:$0x1F000] =	vst v63  }
0x9f: {  	_ =	swait.ge [sflag:s26], $0x2000  }
0xa0: {  	[sflag:s26] =	ssyncset.done $0x0  }
0xa1: {  	s9 =	simm.s32 $0x2900;
	[sflag:s26] =	ssyncadd.s32 $0xFFFFE000  }
0xa2: {  	[spmem:s1] =	stream.indirect.scatter.add.f32 [tilespmem:s21], [sflag:$0x6], $0x80, s9, s16, $0xb8;
	[tilespmem:$0x1F000] =	vst v63  }
0xa3: {  	_ =	swait.ge [sflag:s28], $0x2000  }
0xa4: {  	[sflag:s28] =	ssyncset.done $0x0  }
0xa5: {  	s10 =	simm.s32 $0x280;
	[sflag:s28] =	ssyncadd.s32 $0xFFFFE000  }
0xa6: {  	[tilespmem:s21], [sflag:$0x3] =	stream.indirect.gather [hbm4b:s4+s16], $0x80, s10, s16, $0xb8;
	[tilespmem:$0x1F000] =	vst v63  }
0xa7: {  	_ =	swait.ge [sflag:s22], $0x2000  }
0xa8: {  	[sflag:s22] =	ssyncset.done $0x0  }
0xa9: {  	s8 =	simm.s32 $0x600;
	s9 =	simm.s32 $0x2980;
	[sflag:s22] =	ssyncadd.s32 $0xFFFFE000  }
.LBB2_4:
0xaa: {  	[spmem:s1] =	stream.indirect.scatter.add.f32 [tilespmem:s17], [sflag:$0x4], $0x80, s9, s16, $0xb8;
	[tilespmem:$0x1F000] =	vst v63  }
0xab: {  	s9 =	smov.u32 s8  }
0xac: {  	p0 =	sne.s32 s8, $0x9000;
	s8 =	sadd.s32 $0x600, s8;
	_ =	swait.ge [sflag:s23], $0x2000  }
0xad: {  	s9 =	sshra.s32 s9, $0x2;
	[sflag:s23] =	ssyncset.done $0x0  }
0xae: {  	s10 =	sadd.s32 $0x180, s9;
	[sflag:s23] =	ssyncadd.s32 $0xFFFFE000  }
0xaf: {  	[tilespmem:s17], [sflag:$0x1] =	stream.indirect.gather [hbm4b:s4+s16], $0x80, s10, s16, $0xb8;
	[tilespmem:$0x1F000] =	vst v63  }
0xb0: {  	_ =	swait.ge [sflag:s24], $0x2000  }
0xb1: {  	[sflag:s24] =	ssyncset.done $0x0  }
0xb2: {  	s10 =	sadd.s32 $0x2880, s9;
	[sflag:s24] =	ssyncadd.s32 $0xFFFFE000  }
0xb3: {  	[spmem:s1] =	stream.indirect.scatter.add.f32 [tilespmem:s19], [sflag:$0x5], $0x80, s10, s16, $0xb8;
	[tilespmem:$0x1F000] =	vst v63  }
0xb4: {  	_ =	swait.ge [sflag:s25], $0x2000  }
0xb5: {  	[sflag:s25] =	ssyncset.done $0x0  }
0xb6: {  	s10 =	sadd.s32 $0x200, s9;
	[sflag:s25] =	ssyncadd.s32 $0xFFFFE000  }
0xb7: {  	[tilespmem:s19], [sflag:$0x2] =	stream.indirect.gather [hbm4b:s4+s16], $0x80, s10, s16, $0xb8;
	[tilespmem:$0x1F000] =	vst v63  }
0xb8: {  	_ =	swait.ge [sflag:s26], $0x2000  }
0xb9: {  	[sflag:s26] =	ssyncset.done $0x0  }
0xba: {  	s10 =	sadd.s32 $0x2900, s9;
	[sflag:s26] =	ssyncadd.s32 $0xFFFFE000  }
0xbb: {  	[spmem:s1] =	stream.indirect.scatter.add.f32 [tilespmem:s21], [sflag:$0x6], $0x80, s10, s16, $0xb8;
	[tilespmem:$0x1F000] =	vst v63  }
0xbc: {  	_ =	swait.ge [sflag:s28], $0x2000  }
0xbd: {  	[sflag:s28] =	ssyncset.done $0x0  }
.Ltmp1:
0xbe: {  	s10 =	sadd.s32 $0x280, s9;
	[sflag:s28] =	ssyncadd.s32 $0xFFFFE000;
	(pc) =	sbr.rel @p0 .LBB2_4-.Ltmp1, $4  }
0xbf: {  	[tilespmem:s21], [sflag:$0x3] =	stream.indirect.gather [hbm4b:s4+s16], $0x80, s10, s16, $0xb8;
	[tilespmem:$0x1F000] =	vst v63  }
0xc0: {  	_ =	swait.ge [sflag:s22], $0x2000  }
0xc1: {  	[sflag:s22] =	ssyncset.done $0x0  }
0xc2: {  	s9 =	sadd.s32 $0x2980, s9;
	[sflag:s22] =	ssyncadd.s32 $0xFFFFE000  }
0xc3: {  	[spmem:s1] =	stream.indirect.scatter.add.f32 [tilespmem:s17], [sflag:$0x4], $0x80, s9, s16, $0xb8;
	[tilespmem:$0x1F000] =	vst v63  }
0xc4: {  	_ =	swait.ge [sflag:s23], $0x2000  }
0xc5: {  	[sflag:s23] =	ssyncset.done $0x0  }
0xc6: {  	[sflag:s23] =	ssyncadd.s32 $0xFFFFE000  }
0xc7: {  	[tilespmem:s17], [sflag:$0x1] =	stream.indirect.gather [hbm4b:s4+s16], $0x80, s29, s16, $0xb8;
	[tilespmem:$0x1F000] =	vst v63  }
0xc8: {  	_ =	swait.ge [sflag:s24], $0x2000  }
0xc9: {  	[sflag:s24] =	ssyncset.done $0x0  }
0xca: {  	[sflag:s24] =	ssyncadd.s32 $0xFFFFE000  }
0xcb: {  	[spmem:s1] =	stream.indirect.scatter.add.f32 [tilespmem:s19], [sflag:$0x5], $0x80, s30, s16, $0xb8;
	[tilespmem:$0x1F000] =	vst v63  }
0xcc: {  	_ =	swait.ge [sflag:s25], $0x2000  }
0xcd: {  	[sflag:s25] =	ssyncset.done $0x0  }
0xce: {  	[sflag:s25] =	ssyncadd.s32 $0xFFFFE000  }
0xcf: {  	[tilespmem:s19], [sflag:$0x2] =	stream.indirect.gather [hbm4b:s4+s16], $0x80, s31, s16, $0xb8;
	[tilespmem:$0x1F000] =	vst v63  }
0xd0: {  	_ =	swait.ge [sflag:s26], $0x2000  }
0xd1: {  	[sflag:s26] =	ssyncset.done $0x0  }
0xd2: {  	[sflag:s26] =	ssyncadd.s32 $0xFFFFE000  }
0xd3: {  	[spmem:s1] =	stream.indirect.scatter.add.f32 [tilespmem:s21], [sflag:$0x6], $0x80, s0, s16, $0xb8;
	[tilespmem:$0x1F000] =	vst v63  }
0xd4: {  	_ =	swait.ge [sflag:s22], $0x2000  }
0xd5: {  	[sflag:s22] =	ssyncset.done $0x0  }
0xd6: {  	[sflag:s22] =	ssyncadd.s32 $0xFFFFE000  }
0xd7: {  	[spmem:s1] =	stream.indirect.scatter.add.f32 [tilespmem:s17], [sflag:$0x4], $0x80, s2, s16, $0xb8;
	[tilespmem:$0x1F000] =	vst v63  }
0xd8: {  	_ =	swait.ge [sflag:s24], $0x2000  }
0xd9: {  	[sflag:s24] =	ssyncset.done $0x0  }
0xda: {  	[sflag:s24] =	ssyncadd.s32 $0xFFFFE000  }
0xdb: {  	[spmem:s1] =	stream.indirect.scatter.add.f32 [tilespmem:s19], [sflag:$0x5], $0x80, s6, s16, $0xb8;
	[tilespmem:$0x1F000] =	vst v63  }
0xdc: {  	_ =	swait.ge [sflag:s23], $0x2000  }
0xdd: {  	[sflag:s23] =	ssyncset.done $0x0  }
0xde: {  	[sflag:s23] =	ssyncadd.s32 $0xFFFFE000  }
0xdf: {  	_ =	swait.ge [sflag:s25], $0x2000  }
0xe0: {  	[sflag:s25] =	ssyncset.done $0x0  }
0xe1: {  	[sflag:s25] =	ssyncadd.s32 $0xFFFFE000  }
0xe2: {  	_ =	swait.ge [sflag:s28], $0x2000  }
0xe3: {  	[sflag:s28] =	ssyncset.done $0x0  }
0xe4: {  	s7 =	sadd.s32 $0x1, s7;
	[sflag:s28] =	ssyncadd.s32 $0xFFFFE000  }
0xe5: {  	p0 =	sne.s32 s7, s11;
	[bflag:$0x0] =	sbarrier.arrive $0xFFFF  }
.Ltmp2:
0xe6: {  	s8 =	rddreg [dreg:$0x7];
	(pc) =	sbr.rel @p0 .LBB2_1-.Ltmp2, $4  }
0xe7: {  	[hbm:s8], [sflag:s12] =	dma.local [spmem:s13], $0x2800  }
0xe8: {  	_ =	swait.ge [sflag:s14], $0x2800  }
0xe9: {  	[sflag:s14] =	ssyncset.done $0x0  }
0xea: {  	[sflag:s14] =	ssyncadd.s32 $0xFFFFD800  }
0xeb: {  	_ =	sfence.sel $0x180000  }
0xec: {  	[bflag:$0x0] =	sbarrier.arrive $0xFFFF  }
0xed: {  	_ =	strace $0x9000004D  }
0xee: {  	s0 =	stileid.u32;
	[bflag:$0x2] =	sbarrier.arrive $0xFFFF  }
0xef: {  	p0 =	sne.s32 s0, $0x0;
	s0 =	rddreg [dreg:$0x2]  }
0xf0: {  	s0 =	sadd.s32 @!p0 $0x100000, s0  }
0xf1: {  	[sflag:s0] =	ssyncadd.tile.s32 @!p0 $0x1;
	_ =	shalt  }
.Lfunc_end2:
_tile_overlayer_lowered:
.L_overlay_start_2:
0xf2: {  	(tag) =	ssettag $0x2  }
0xf3: {  	s0 =	rddreg [dreg:$0x0];
	s2 =	stileid.u32  }
0xf4: {  	s1 =	rddreg [dreg:$0x1];
	p0 =	sne.s32 s2, $0x0  }
0xf5: {  	s3 =	rddreg [dreg:$0x2];
	[bflag:$0x3] =	sbarrier.arrive $0xFFFF;
	s2 =	simm.s32 @!p0 $0x1C07  }
0xf6: {  	[timem:s3], [sflag:s2] =	dma.local @!p0 [hbm:s0], s1  }
0xf7: {  	s0 =	simm.s32 @!p0 $0x7  }
0xf8: {  	_ =	swait.ge @!p0 [sflag:s0], s1  }
0xf9: {  	s1 =	ssub.s32 @!p0 $0x0, s1;
	[sflag:s0] =	ssyncset.done @!p0 $0x0  }
0xfa: {  	[sflag:s0] =	ssyncadd.s32 @!p0 s1  }
0xfb: {  	[bflag:$0x3] =	sbarrier.arrive $0xFFFF  }
0xfc: {  	_ =	shalt  }

// kernel: kernel.9.cloned.1.call-start
scs
__scs_entry_jumppad:
0x0: {  	(pc) =	sbr.rel $0x88, $3  }
0x1: {  	(tag) =	ssettag $0x0;
	lr =	simm.s32 $0x1  }
0x2: {  	[smem:$0x3F92] =	sst lr;
	_ =	strace $0xD0000000  }
0x3: {  	_ = 	snop  }
0x4: {  	_ = 	snop  }
0x5: {  	_ = 	snop  }
0x6: {  	_ = 	snop  }
0x7: {  	_ = 	snop  }
__scs_overlays_trampoline_lowered:
0x8: {  	[smem:$0x3FA1] =	sst s0  }
0x9: {  	[smem:$0x3FA2] =	sst s1  }
0xa: {  	[smem:$0x3FA3] =	sst s2  }
0xb: {  	[smem:$0x3FA4] =	sst s3  }
0xc: {  	[smem:$0x3FA5] =	sst s4  }
0xd: {  	[smem:$0x3FA6] =	sst s5  }
0xe: {  	[smem:$0x3FA7] =	sst s6  }
0xf: {  	[smem:$0x3FA8] =	sst s7  }
0x10: {  	[smem:$0x3FA9] =	sst s8  }
0x11: {  	[smem:$0x3FAA] =	sst s9;
	s0 =	simm.s32 @!p0 $0x0  }
0x12: {  	s1 =	sld [smem:$0x3F90];
	s0 =	simm.s32 @p0 $0x1  }
0x13: {  	[smem:$0x3FAB] =	sst s0;
	s0 =	simm.s32 @!p1 $0x0  }
0x14: {  	s2 =	sld [smem:$0x3F8F];
	s0 =	simm.s32 @p1 $0x1  }
0x15: {  	[smem:$0x3FAC] =	sst s0;
	s0 =	simm.s32 @!p2 $0x0  }
0x16: {  	s3 =	sld [smem:$0x3FDB];
	s0 =	simm.s32 @p2 $0x1  }
0x17: {  	s4 =	simm.s32 $0x1BF5;
	[smem:$0x3FAE] =	sst s0  }
0x18: {  	s0 =	sld [smem:$0x3F91];
	_ =	swait.ge [sflag:s4], $0x0  }
0x19: {  	s7 =	sld [smem:$0x3F92]  }
0x1a: {  	s8 =	sadd.s32 $0xFFFFE003, lr  }
0x1b: {  	s9 =	sadd.s32 $0xFFFFFEF7, lr;
	s5 =	simm.s32 $0xFFFFFFFF;
	p2 =	slt.u32 s8, $0xFFFFF086  }
0x1c: {  	p1 =	slt.u32 s9, $0xF7A;
	s5 =	simm.s32 @!p2 $0x0  }
0x1d: {  	s5 =	simm.s32 @p1 $0x1;
	p0 =	seq.s32 s7, s2  }
0x1e: {  	s7 =	smul.u32 @!p0 $0xF7A, s2;
	p2 =	seq.s32 @!p0 s5, $0x0  }
0x1f: {  	s9 =	smul.u32 $0xF7A, s1;
	s8 =	simm.s32 @!p0 $0x1BF5;
	p2 =	por !p2, p0  }
0x20: {  	[sflag:s8] =	ssyncset.s32 @!p0 $0xFFFFF086;
	s6 =	sadd.s32 @!p0 s3, s7;
	s7 =	simm.s32 @!p0 $0x108  }
0x21: {  	s3 =	sadd.s32 s3, s9;
	s6 =	sadd.s32 @!p0 $0x88, s6;
	s7 =	simm.s32 @p2 $0x1082  }
0x22: {  	[simem:s7], [sflag:s8] =	dma.local @!p0 [hbm:s6], $0xF7A  }
0x23: {  	s9 =	sor.u32 $0xD0000000, s2;
	s6 =	simm.s32 $0x108;
	_ =	swait.ge @!p0 [sflag:s8], $0x0  }
0x24: {  	s3 =	sadd.s32 $0x88, s3;
	s6 =	simm.s32 @!p1 $0x1082;
	[sflag:s4] =	ssyncset.s32 $0xFFFFF086  }
0x25: {  	[simem:s6], [sflag:s4] =	dma.local [hbm:s3], $0xF7A  }
0x26: {  	[smem:$0x3F92] =	sst s1;
	(tag) =	ssettag s2;
	_ =	strace s9  }
0x27: {  	s1 =	sld [smem:$0x3FA2]  }
0x28: {  	s2 =	sld [smem:$0x3FA3]  }
0x29: {  	s4 =	sld [smem:$0x3FA5]  }
0x2a: {  	p0 =	seq.s32 s5, $0x0;
	s5 =	sld [smem:$0x3FA6]  }
0x2b: {  	s6 =	sld [smem:$0x3FA7]  }
0x2c: {  	s7 =	sld [smem:$0x3FA8]  }
0x2d: {  	s3 =	simm.s32 $0x108;
	s8 =	sld [smem:$0x3FA9]  }
0x2e: {  	s3 =	simm.s32 @!p0 $0x1082;
	s9 =	sld [smem:$0x3FAA]  }
0x2f: {  	lr =	sadd.s32 s0, s3;
	s0 =	sld [smem:$0x3FA1]  }
0x30: {  	s3 =	sld [smem:$0x3FA4]  }
0x31: {  	[smem:$0x3FAD] =	sst s10  }
0x32: {  	s10 =	sld [smem:$0x3FAB];
	_ =	sdelay $0x3  }
0x33: {  	p0 =	seq.s32 s10, $0x1;
	s10 =	sld [smem:$0x3FAD];
	_ =	sdelay $0x3  }
0x34: {  	[smem:$0x3FAD] =	sst s10  }
0x35: {  	s10 =	sld [smem:$0x3FAC];
	_ =	sdelay $0x3  }
0x36: {  	p1 =	seq.s32 s10, $0x1;
	s10 =	sld [smem:$0x3FAD];
	_ =	sdelay $0x3  }
0x37: {  	[smem:$0x3FAD] =	sst s10  }
0x38: {  	s10 =	sld [smem:$0x3FAE]  }
0x39: {  	_ = 	snop;
	(pc) =	sbr.ind lr, $3  }
0x3a: {  	_ = 	snop  }
0x3b: {  	_ = 	snop  }
0x3c: {  	p2 =	seq.s32 s10, $0x1;
	s10 =	sld [smem:$0x3FAD]  }
0x3d: {  	_ =	shalt  }
0x3e: {  	_ =	shalt  }
0x3f: {  	_ =	shalt  }
0x40: {  	_ =	shalt  }
0x41: {  	_ =	shalt  }
0x42: {  	_ =	shalt  }
0x43: {  	_ =	shalt  }
0x44: {  	_ =	shalt  }
0x45: {  	_ =	shalt  }
0x46: {  	_ =	shalt  }
0x47: {  	_ =	shalt  }
0x48: {  	_ =	shalt  }
0x49: {  	_ =	shalt  }
0x4a: {  	_ =	shalt  }
0x4b: {  	_ =	shalt  }
0x4c: {  	_ =	shalt  }
0x4d: {  	_ =	shalt  }
0x4e: {  	_ =	shalt  }
0x4f: {  	_ =	shalt  }
0x50: {  	_ =	shalt  }
0x51: {  	_ =	shalt  }
0x52: {  	_ =	shalt  }
0x53: {  	_ =	shalt  }
0x54: {  	_ =	shalt  }
0x55: {  	_ =	shalt  }
0x56: {  	_ =	shalt  }
0x57: {  	_ =	shalt  }
0x58: {  	_ =	shalt  }
0x59: {  	_ =	shalt  }
0x5a: {  	_ =	shalt  }
0x5b: {  	_ =	shalt  }
0x5c: {  	_ =	shalt  }
0x5d: {  	_ =	shalt  }
0x5e: {  	_ =	shalt  }
0x5f: {  	_ =	shalt  }
0x60: {  	_ =	shalt  }
0x61: {  	_ =	shalt  }
0x62: {  	_ =	shalt  }
0x63: {  	_ =	shalt  }
0x64: {  	_ =	shalt  }
0x65: {  	_ =	shalt  }
0x66: {  	_ =	shalt  }
0x67: {  	_ =	shalt  }
0x68: {  	_ =	shalt  }
0x69: {  	_ =	shalt  }
0x6a: {  	_ =	shalt  }
0x6b: {  	_ =	shalt  }
0x6c: {  	_ =	shalt  }
0x6d: {  	_ =	shalt  }
0x6e: {  	_ =	shalt  }
0x6f: {  	_ =	shalt  }
0x70: {  	_ =	shalt  }
0x71: {  	_ =	shalt  }
0x72: {  	_ =	shalt  }
0x73: {  	_ =	shalt  }
0x74: {  	_ =	shalt  }
0x75: {  	_ =	shalt  }
0x76: {  	_ =	shalt  }
0x77: {  	_ =	shalt  }
0x78: {  	_ =	shalt  }
0x79: {  	_ =	shalt  }
0x7a: {  	_ =	shalt  }
0x7b: {  	_ =	shalt  }
0x7c: {  	_ =	shalt  }
0x7d: {  	_ =	shalt  }
0x7e: {  	_ =	shalt  }
0x7f: {  	_ =	shalt  }
0x80: {  	_ =	shalt  }
0x81: {  	_ =	shalt  }
0x82: {  	_ =	shalt  }
0x83: {  	_ =	shalt  }
0x84: {  	_ =	shalt  }
0x85: {  	_ =	shalt  }
0x86: {  	_ =	shalt  }
0x87: {  	_ =	shalt  }
.Lfunc_end0:
.L_simem_size_0:
called_computation_lowered:
.L_overlay_start_0:
0x88: {  	s2 =	sld [smem:$0x3FD9]  }
0x89: {  	s3 =	sld [smem:$0x3FFE];
	_ =	sdelay $0x1  }
0x8a: {  	s1 =	srdreg.scid  }
0x8b: {  	s0 =	sand.u32 $0x1, s1  }
0x8c: {  	s16 =	sshll.u32 s0, $0xA;
	s2 =	sadd.s32 s3, s2  }
0x8d: {  	s2 =	sadd.s32 s2, s16  }
0x8e: {  	[smem:$0x3FB9] =	sst s2  }
0x8f: {  	_ = 	snop  }
0x90: {  	(tm) =	ssettm $0x1  }
0x91: {  	s17 =	sld [smem:$0x3FFB];
	_ =	sdelay $0x3  }
0x92: {  	_ =	strace s17  }
0x93: {  	s2 =	sld [smem:$0x3FFC];
	_ =	sdelay $0x3  }
0x94: {  	_ =	strace s2  }
0x95: {  	s2 =	sld [smem:$0x3FFD];
	_ =	sdelay $0x3  }
0x96: {  	_ =	strace s2  }
0x97: {  	_ =	strace $0x8FFFFFFF  }
0x98: {  	s18 =	sld [smem:$0x3FDB];
	_ =	sdelay $0x1  }
0x99: {  	s19 =	simm.s32 $_scs_section_size  }
0x9a: {  	s4 =	simm.s32 $_size__tile_overlayer_lowered;
	s5 =	simm.s32 $_tile_overlayer_lowered  }
0x9b: {  	s22 =	simm.s32 $0x1BFF;
	s21 =	sshll.u32 s5, $0x1;
	s2 =	sadd.s32 s19, s18  }
0x9c: {  	s6 =	simm.s32 $0x0;
	s20 =	sshll.u32 s4, $0x1;
	s4 =	sadd.s32 s21, s2  }
0x9d: {  	[timem:s6], [sflag:s22] =	dma.local [hbm:s4], s20  }
0x9e: {  	_ =	swait.ge [sflag:s22], s20  }
0x9f: {  	s3 =	ssub.s32 $0x0, s20;
	[sflag:s22] =	ssyncset.done $0x0  }
0xa0: {  	[sflag:s22] =	ssyncadd.s32 s3;
	_ =	sdelay $0x1  }
0xa1: {  	s23 =	simm.s32 $0x1B8B  }
0xa2: {  	_ =	swait.ge [sflag:s23], $0x1  }
0xa3: {  	[sflag:s23] =	ssyncset.done $0x0  }
0xa4: {  	s25 =	simm.s32 $0x1B8E;
	s24 =	sld [smem:$0x3FFE];
	[sflag:s23] =	ssyncadd.s32 $0xFFFFFFFF  }
0xa5: {  	s26 =	simm.s32 $execute0_lowered;
	[smem:$0x3FD2] =	sst s25  }
0xa6: {  	s4 =	sshll.u32 s26, $0x1;
	_ =	strace $0x80000046;
	[dreg:$0x1] =	wrdreg $0xFFFFFFFF  }
0xa7: {  	s28 =	simm.s32 $_size_execute0_lowered;
	s2 =	sadd.s32 s2, s4;
	[dreg:$0x0] =	wrdreg $0x0  }
0xa8: {  	s4 =	sshll.u32 s28, $0x1;
	[dreg:$0x2] =	wrdreg s2  }
0xa9: {  	[dreg:$0x3] =	wrdreg s4  }
0xaa: {  	[dreg:$0x4] =	wrdreg $0xC0  }
0xab: {  	_ =	task [dreg:s6], $0x5FFFF  }
0xac: {  	[dreg:$0x1] =	wrdreg $0xFFFFFFFF  }
0xad: {  	[dreg:$0x0] =	wrdreg $0x60  }
0xae: {  	[dreg:$0x2] =	wrdreg s24  }
0xaf: {  	[dreg:$0x3] =	wrdreg $0xB0000  }
0xb0: {  	[dreg:$0x4] =	wrdreg $0x1F3000  }
0xb1: {  	[dreg:$0x5] =	wrdreg $0x9  }
0xb2: {  	_ =	task.clear_ibuf [dreg:s6], $0x6FFFF;
	_ =	strace $0x90000046  }
0xb3: {  	s29 =	simm.s32 $0x9;
	_ =	strace $0x80000048  }
0xb4: {  	_ =	swait.ge [sflag:s29], $0x1  }
0xb5: {  	[sflag:s29] =	ssyncadd.s32 $0xFFFFFFFF  }
0xb6: {  	_ =	strace $0x90000048  }
0xb7: {  	_ =	sfence  }
0xb8: {  	s30 =	sld [smem:$0x0];
	_ =	sdelay $0x2  }
0xb9: {  	s31 =	sshll.u32 s1, $0xD;
	s1 =	sshrl.u32 s1, $0x2  }
0xba: {  	s3 =	sand.u32 $0x4000, s31;
	s1 =	sadd.s32 s1, s30  }
0xbb: {  	s0 =	sor.u32 s3, s0;
	s1 =	sshll.u32 s1, $0x11  }
0xbc: {  	s0 =	sor.u32 s1, s0  }
0xbd: {  	s0 =	sadd.s32 $0x8F2B, s0  }
0xbe: {  	[sflag:s0] =	ssyncadd.remote.s32 $0x1  }
0xbf: {  	_ =	sfence.sel $0xFFFF  }
0xc0: {  	[dreg:$0x0] =	wrdreg $0xFFFFFFFF;
	(pc) =	sbr.abs _section_cstart, $3  }
0xc1: {  	[dreg:$0x1] =	wrdreg $0xFFFFFFFF  }
0xc2: {  	_ =	task.clear_ibuf [dreg:s6], $0x2FFFF;
	_ =	strace $0x9FFFFFFF  }
0xc3: {  	(tm) =	ssettm $0x7FFFFFFF  }
tec
execute0_lowered:
.L_overlay_start_1:
0x0: {  	(tag) =	ssettag $0x1  }
0x1: {  	s0 =	rddreg [dreg:$0x0]  }
0x2: {  	s1 =	rddreg [dreg:$0x1]  }
0x3: {  	s2 =	rddreg [dreg:$0x2];
	s18 =	stileid.u32  }
0x4: {  	s4 =	simm.s32 $0x0;
	s3 =	srdreg.scid;
	s7 =	smul.u32 $0x14000, s18  }
0x5: {  	s28 =	simm.s32 $0x1F000;
	s29 =	simm.s32 $0x4;
	s9 =	smul.u32 $0x500, s18  }
0x6: {  	s30 =	simm.s32 $0x2;
	s31 =	simm.s32 $0x5;
	s24 =	smul.u32 $0x50000, s18  }
0x7: {  	[smem:$0x7FF] =	sst s4;
	s3 =	sand.u32 $0x1, s3;
	s12 =	smul.u32 $0x2800, s18  }
0x8: {  	s5 =	sadd.s32 $0x2B400, s0;
	s8 =	sadd.s32 $0x3400, s0;
	s14 =	smul.u32 $0xA00, s18  }
0x9: {  	s10 =	sadd.s32 $0x17400, s0;
	s11 =	sadd.s32 $0x53400, s0;
	s6 =	smul.u32 $0x140000, s3  }
0xa: {  	_ =	strace $0x80000047;
	s22 =	sshll.u32 s3, $0x7;
	s25 =	sshll.u32 s3, $0x4  }
0xb: {  	s13 =	ssub.s32 $0x2, s3;
	p0 =	sne.s32 s3, $0x0;
	s3 =	simm.s32 $0x6  }
0xc: {  	s15 =	sshrl.u32 s13, $0x1;
	s19 =	sshrl.u32 s14, $0x2;
	s6 =	sadd.s32 s7, s6  }
0xd: {  	s7 =	sor.u32 s22, s9;
	s13 =	ssub.s32 s13, s15;
	s6 =	sshrl.u32 s6, $0x3  }
0xe: {  	s23 =	sshrl.u32 s7, $0x3;
	s7 =	sshrl.u32 s24, $0x2;
	s9 =	sadd.s32 s6, s0  }
0xf: {  	s0 =	sadd.s32 s23, s0;
	s6 =	sor.u32 s18, s25;
	s17 =	sadd.s32 s7, s1  }
0x10: {  	s7 =	sadd.s32 s19, s2;
	s25 =	smax.u32 s13, $0x1;
	s16 =	smul.u32 $0x5000, s6  }
0x11: {  	s19 =	simm.s32 $0x2800;
	s13 =	simm.s32 $0x0;
	s26 =	smul.u32 $0xA00, s6  }
0x12: {  	s6 =	sadd.s32 s5, s12;
	s24 =	sadd.s32 $0x56600, s9;
	[dreg:$0xa] =	wrdreg s25  }
0x13: {  	s0 =	sadd.s32 $0x55C00, s0;
	s25 =	simm.s32 $0x9000;
	[dreg:$0x8] =	wrdreg s24  }
0x14: {  	s9 =	simm.s32 $0x2780;
	[dreg:$0x9] =	wrdreg s0;
	s6 =	smov.u32 @p0 s11  }
0x15: {  	s0 =	simm.s32 $0x3;
	s11 =	simm.s32 $0x4F00;
	s20 =	sshrl.u32 s16, $0x3  }
0x16: {  	s21 =	sadd.s32 s8, s26;
	s22 =	sadd.s32 s10, s26;
	s26 =	sshll.u32 s18, $0x6  }
0x17: {  	s16 =	sshrl.u32 s17, $0x3;
	s17 =	simm.s32 $0x7;
	[dreg:$0x4] =	wrdreg s21  }
0x18: {  	s18 =	simm.s32 $0x10;
	s12 =	sadd.s32 $0x500, s20;
	[dreg:$0x5] =	wrdreg s22  }
0x19: {  	s15 =	sor.u32 $0x1C07, s26;
	s20 =	simm.s32 $0x40;
	s21 =	simm.s32 $0x5000  }
0x1a: {  	s26 =	simm.s32 $0x1;
	s8 =	sadd.s32 s8, s12;
	s23 =	sadd.s32 s10, s12  }
0x1b: {  	s10 =	simm.s32 $0x4E80;
	s12 =	simm.s32 $0x4F80;
	[dreg:$0x6] =	wrdreg s8  }
0x1c: {  	v0 =	vimm.f32 $0.0e+00;
	v1 =	vimm.f32 $1.000000000e+00;
	[dreg:$0x7] =	wrdreg s23;
	s23 =	simm.s32 $0x7000;
	s8 =	simm.s32 $0x4E00  }
.LBB2_1:
0x1d: {  	[spmem:s16], [sflag:s15] =	dma.local [hbm:s6], $0x2800  }
0x1e: {  	_ =	swait.ge [sflag:s17], $0x2800  }
0x1f: {  	[sflag:s17] =	ssyncset.done $0x0  }
0x20: {  	[sflag:s17] =	ssyncadd.s32 $0xFFFFD800  }
0x21: {  	[tilespmem:$0x1F080] =	vst v0  }
0x22: {  	[tilespmem:$0x1F090] =	vst v0  }
0x23: {  	[tilespmem:$0x1F0A0] =	vst v0  }
0x24: {  	[tilespmem:$0x1F0B0] =	vst v0  }
0x25: {  	[tilespmem:$0x1F0C0] =	vst v0  }
0x26: {  	[tilespmem:$0x1F0D0] =	vst v0  }
0x27: {  	[tilespmem:$0x1F0E0] =	vst v0  }
0x28: {  	[tilespmem:$0x1F0F0] =	vst v0  }
0x29: {  	[tilespmem:$0x1F100] =	vst v0  }
0x2a: {  	[tilespmem:$0x1F110] =	vst v0  }
0x2b: {  	[tilespmem:$0x1F120] =	vst v0  }
0x2c: {  	[tilespmem:$0x1F130] =	vst v0  }
0x2d: {  	[tilespmem:$0x1F140] =	vst v0  }
0x2e: {  	[tilespmem:$0x1F150] =	vst v0  }
0x2f: {  	[tilespmem:$0x1F160] =	vst v0  }
0x30: {  	[tilespmem:$0x1F170] =	vst v0  }
0x31: {  	[tilespmem:$0x1F180] =	vst v0  }
0x32: {  	[tilespmem:$0x1F190] =	vst v0  }
0x33: {  	[tilespmem:$0x1F1A0] =	vst v0  }
0x34: {  	[tilespmem:$0x1F1B0] =	vst v0  }
0x35: {  	[tilespmem:$0x1F1C0] =	vst v0  }
0x36: {  	[tilespmem:$0x1F1D0] =	vst v0  }
0x37: {  	[tilespmem:$0x1F1E0] =	vst v0  }
0x38: {  	[tilespmem:$0x1F1F0] =	vst v0  }
0x39: {  	[tilespmem:$0x1F200] =	vst v0  }
0x3a: {  	[tilespmem:$0x1F210] =	vst v0  }
0x3b: {  	[tilespmem:$0x1F220] =	vst v0  }
0x3c: {  	[tilespmem:$0x1F230] =	vst v0  }
0x3d: {  	[tilespmem:$0x1F240] =	vst v0  }
0x3e: {  	[tilespmem:$0x1F250] =	vst v0  }
0x3f: {  	[tilespmem:$0x1F260] =	vst v0  }
0x40: {  	[tilespmem:$0x1F270] =	vst v0  }
0x41: {  	[tilespmem:$0x1F280] =	vst v0  }
0x42: {  	[tilespmem:$0x1F290] =	vst v0  }
0x43: {  	[tilespmem:$0x1F2A0] =	vst v0  }
0x44: {  	[tilespmem:$0x1F2B0] =	vst v0  }
0x45: {  	[tilespmem:$0x1F2C0] =	vst v0  }
0x46: {  	[tilespmem:$0x1F2D0] =	vst v0  }
0x47: {  	[tilespmem:$0x1F2E0] =	vst v0  }
0x48: {  	[tilespmem:$0x1F2F0] =	vst v0  }
0x49: {  	[tilespmem:$0x1F000] =	vst v1  }
0x4a: {  	[tilespmem:$0x1F010] =	vst v1  }
0x4b: {  	[tilespmem:$0x1F020] =	vst v1  }
0x4c: {  	s14 =	simm.s32 $0x1F080;
	[tilespmem:$0x1F030] =	vst v1  }
0x4d: {  	[spmem:s7] =	stream.linear.scatter [tilespmem:s14], [sflag:$0x7], $0x280, $0x38;
	[tilespmem:$0x1F580] =	vst v63  }
0x4e: {  	_ =	swait.ge [sflag:s17], $0x280  }
0x4f: {  	[sflag:s17] =	ssyncset.done $0x0  }
0x50: {  	[sflag:s17] =	ssyncadd.s32 $0xFFFFFD80  }
0x51: {  	[bflag:$0x0] =	sbarrier.arrive $0xFFFF  }
0x52: {  	s22 =	rddreg [dreg:$0x4]  }
0x53: {  	[tilespmem:s4], [sflag:$0x7] =	stream.linear.gather [hbm4b:s22+s4], $0x2800, $0x38;
	[tilespmem:$0x1F580] =	vst v63  }
0x54: {  	_ =	swait.ge [sflag:s17], $0x2800  }
0x55: {  	[sflag:s17] =	ssyncset.done $0x0  }
0x56: {  	s24 =	rddreg [dreg:$0x5];
	[sflag:s17] =	ssyncadd.s32 $0xFFFFD800  }
0x57: {  	[tilespmem:s19], [sflag:$0x7] =	stream.linear.gather [hbm4b:s24+s4], $0x2800, $0x38;
	[tilespmem:$0x1F580] =	vst v63  }
0x58: {  	_ =	swait.ge [sflag:s17], $0x2800  }
0x59: {  	[sflag:s17] =	ssyncset.done $0x0  }
0x5a: {  	[sflag:s17] =	ssyncadd.s32 $0xFFFFD800  }
0x5b: {  	[tilespmem:s21], [sflag:$0x1] =	stream.indirect.gather [hbm4b:s5+s20], $0x80, s4, s20, $0xb8;
	[tilespmem:$0x1F580] =	vst v63  }
0x5c: {  	s22 =	simm.s32 $0x80  }
0x5d: {  	[tilespmem:s23], [sflag:$0x2] =	stream.indirect.gather [hbm4b:s5+s20], $0x80, s22, s20, $0xb8;
	[tilespmem:$0x1F580] =	vst v63  }
0x5e: {  	s24 =	simm.s32 $0x100  }
0x5f: {  	[tilespmem:s25], [sflag:$0x3] =	stream.indirect.gather [hbm4b:s5+s20], $0x80, s24, s20, $0xb8;
	[tilespmem:$0x1F580] =	vst v63  }
0x60: {  	_ =	swait.ge [sflag:s26], $0x2000  }
0x61: {  	[sflag:s26] =	ssyncset.done $0x0  }
0x62: {  	[sflag:s26] =	ssyncadd.s32 $0xFFFFE000  }
0x63: {  	[spmem:s1] =	stream.indirect.scatter.add.f32 [tilespmem:s21], [sflag:$0x4], $0x80, s19, s20, $0xb8;
	[tilespmem:$0x1F580] =	vst v63  }
0x64: {  	_ = 	snop  }
0x65: {  	[spmem:s2] =	stream.indirect.scatter.add.f32 [tilespmem:s28], [sflag:$0x7], $0x1, s19, s20, $0xb8;
	[tilespmem:$0x1F580] =	vst v63  }
0x66: {  	_ =	swait.ge [sflag:s17], $0x40  }
0x67: {  	[sflag:s17] =	ssyncset.done $0x0  }
0x68: {  	[sflag:s17] =	ssyncadd.s32 $0xFFFFFFC0  }
0x69: {  	_ =	swait.ge [sflag:s29], $0x2000  }
0x6a: {  	[sflag:s29] =	ssyncset.done $0x0  }
0x6b: {  	s22 =	simm.s32 $0x180;
	[sflag:s29] =	ssyncadd.s32 $0xFFFFE000  }
0x6c: {  	[tilespmem:s21], [sflag:$0x1] =	stream.indirect.gather [hbm4b:s5+s20], $0x80, s22, s20, $0xb8;
	[tilespmem:$0x1F580] =	vst v63  }
0x6d: {  	_ =	swait.ge [sflag:s30], $0x2000  }
0x6e: {  	[sflag:s30] =	ssyncset.done $0x0  }
0x6f: {  	s24 =	simm.s32 $0x2880;
	[sflag:s30] =	ssyncadd.s32 $0xFFFFE000  }
0x70: {  	[spmem:s1] =	stream.indirect.scatter.add.f32 [tilespmem:s23], [sflag:$0x5], $0x80, s24, s20, $0xb8;
	[tilespmem:$0x1F580] =	vst v63  }
0x71: {  	_ = 	snop  }
0x72: {  	[spmem:s2] =	stream.indirect.scatter.add.f32 [tilespmem:s28], [sflag:$0x7], $0x1, s24, s20, $0xb8;
	[tilespmem:$0x1F580] =	vst v63  }
0x73: {  	_ =	swait.ge [sflag:s17], $0x40  }
0x74: {  	[sflag:s17] =	ssyncset.done $0x0  }
0x75: {  	[sflag:s17] =	ssyncadd.s32 $0xFFFFFFC0  }
0x76: {  	_ =	swait.ge [sflag:s31], $0x2000  }
0x77: {  	[sflag:s31] =	ssyncset.done $0x0  }
0x78: {  	s22 =	simm.s32 $0x200;
	[sflag:s31] =	ssyncadd.s32 $0xFFFFE000  }
0x79: {  	[tilespmem:s23], [sflag:$0x2] =	stream.indirect.gather [hbm4b:s5+s20], $0x80, s22, s20, $0xb8;
	[tilespmem:$0x1F580] =	vst v63  }
0x7a: {  	_ =	swait.ge [sflag:s0], $0x2000  }
0x7b: {  	[sflag:s0] =	ssyncset.done $0x0  }
0x7c: {  	s24 =	simm.s32 $0x2900;
	[sflag:s0] =	ssyncadd.s32 $0xFFFFE000  }
0x7d: {  	[spmem:s1] =	stream.indirect.scatter.add.f32 [tilespmem:s25], [sflag:$0x6], $0x80, s24, s20, $0xb8;
	[tilespmem:$0x1F580] =	vst v63  }
0x7e: {  	_ = 	snop  }
0x7f: {  	[spmem:s2] =	stream.indirect.scatter.add.f32 [tilespmem:s28], [sflag:$0x7], $0x1, s24, s20, $0xb8;
	[tilespmem:$0x1F580] =	vst v63  }
0x80: {  	_ =	swait.ge [sflag:s17], $0x40  }
0x81: {  	[sflag:s17] =	ssyncset.done $0x0  }
0x82: {  	[sflag:s17] =	ssyncadd.s32 $0xFFFFFFC0  }
0x83: {  	_ =	swait.ge [sflag:s3], $0x2000  }
0x84: {  	[sflag:s3] =	ssyncset.done $0x0  }
0x85: {  	s22 =	simm.s32 $0x280;
	[sflag:s3] =	ssyncadd.s32 $0xFFFFE000  }
0x86: {  	[tilespmem:s25], [sflag:$0x3] =	stream.indirect.gather [hbm4b:s5+s20], $0x80, s22, s20, $0xb8;
	[tilespmem:$0x1F580] =	vst v63  }
0x87: {  	_ =	swait.ge [sflag:s26], $0x2000  }
0x88: {  	[sflag:s26] =	ssyncset.done $0x0  }
0x89: {  	s24 =	simm.s32 $0x2980;
	[sflag:s26] =	ssyncadd.s32 $0xFFFFE000  }
0x8a: {  	[spmem:s1] =	stream.indirect.scatter.add.f32 [tilespmem:s21], [sflag:$0x4], $0x80, s24, s20, $0xb8;
	[tilespmem:$0x1F580] =	vst v63  }
0x8b: {  	_ = 	snop  }
0x8c: {  	[spmem:s2] =	stream.indirect.scatter.add.f32 [tilespmem:s28], [sflag:$0x7], $0x1, s24, s20, $0xb8;
	[tilespmem:$0x1F580] =	vst v63  }
0x8d: {  	_ =	swait.ge [sflag:s17], $0x40  }
0x8e: {  	s14 =	simm.s32 $0x600;
	[sflag:s17] =	ssyncset.done $0x0  }
.LBB2_2:
0x8f: {  	p0 =	sne.s32 s14, $0x9000  }
0x90: {  	[sflag:s17] =	ssyncadd.s32 $0xFFFFFFC0;
	s22 =	smov.u32 s14;
	s14 =	sadd.s32 $0x600, s14  }
0x91: {  	_ = 	snop  }
0x92: {  	_ =	swait.ge [sflag:s29], $0x2000  }
0x93: {  	s22 =	sshra.s32 s22, $0x2;
	[sflag:s29] =	ssyncset.done $0x0  }
0x94: {  	s24 =	sadd.s32 $0x180, s22;
	[sflag:s29] =	ssyncadd.s32 $0xFFFFE000  }
0x95: {  	[tilespmem:s21], [sflag:$0x1] =	stream.indirect.gather [hbm4b:s5+s20], $0x80, s24, s20, $0xb8;
	[tilespmem:$0x1F580] =	vst v63  }
0x96: {  	_ =	swait.ge [sflag:s30], $0x2000  }
0x97: {  	[sflag:s30] =	ssyncset.done $0x0  }
0x98: {  	s24 =	sadd.s32 $0x2880, s22;
	[sflag:s30] =	ssyncadd.s32 $0xFFFFE000  }
0x99: {  	[spmem:s1] =	stream.indirect.scatter.add.f32 [tilespmem:s23], [sflag:$0x5], $0x80, s24, s20, $0xb8;
	[tilespmem:$0x1F580] =	vst v63  }
0x9a: {  	_ = 	snop  }
0x9b: {  	[spmem:s2] =	stream.indirect.scatter.add.f32 [tilespmem:s28], [sflag:$0x7], $0x1, s24, s20, $0xb8;
	[tilespmem:$0x1F580] =	vst v63  }
0x9c: {  	_ =	swait.ge [sflag:s17], $0x40  }
0x9d: {  	[sflag:s17] =	ssyncset.done $0x0  }
0x9e: {  	[sflag:s17] =	ssyncadd.s32 $0xFFFFFFC0  }
0x9f: {  	_ =	swait.ge [sflag:s31], $0x2000  }
0xa0: {  	[sflag:s31] =	ssyncset.done $0x0  }
0xa1: {  	s24 =	sadd.s32 $0x200, s22;
	[sflag:s31] =	ssyncadd.s32 $0xFFFFE000  }
0xa2: {  	[tilespmem:s23], [sflag:$0x2] =	stream.indirect.gather [hbm4b:s5+s20], $0x80, s24, s20, $0xb8;
	[tilespmem:$0x1F580] =	vst v63  }
0xa3: {  	_ =	swait.ge [sflag:s0], $0x2000  }
0xa4: {  	[sflag:s0] =	ssyncset.done $0x0  }
0xa5: {  	s24 =	sadd.s32 $0x2900, s22;
	[sflag:s0] =	ssyncadd.s32 $0xFFFFE000  }
0xa6: {  	[spmem:s1] =	stream.indirect.scatter.add.f32 [tilespmem:s25], [sflag:$0x6], $0x80, s24, s20, $0xb8;
	[tilespmem:$0x1F580] =	vst v63  }
0xa7: {  	_ = 	snop  }
0xa8: {  	[spmem:s2] =	stream.indirect.scatter.add.f32 [tilespmem:s28], [sflag:$0x7], $0x1, s24, s20, $0xb8;
	[tilespmem:$0x1F580] =	vst v63  }
0xa9: {  	_ =	swait.ge [sflag:s17], $0x40  }
0xaa: {  	[sflag:s17] =	ssyncset.done $0x0  }
0xab: {  	[sflag:s17] =	ssyncadd.s32 $0xFFFFFFC0  }
0xac: {  	_ =	swait.ge [sflag:s3], $0x2000  }
0xad: {  	[sflag:s3] =	ssyncset.done $0x0  }
0xae: {  	s24 =	sadd.s32 $0x280, s22;
	[sflag:s3] =	ssyncadd.s32 $0xFFFFE000  }
0xaf: {  	[tilespmem:s25], [sflag:$0x3] =	stream.indirect.gather [hbm4b:s5+s20], $0x80, s24, s20, $0xb8;
	[tilespmem:$0x1F580] =	vst v63  }
0xb0: {  	_ =	swait.ge [sflag:s26], $0x2000  }
0xb1: {  	[sflag:s26] =	ssyncset.done $0x0  }
0xb2: {  	s22 =	sadd.s32 $0x2980, s22;
	[sflag:s26] =	ssyncadd.s32 $0xFFFFE000  }
0xb3: {  	[spmem:s1] =	stream.indirect.scatter.add.f32 [tilespmem:s21], [sflag:$0x4], $0x80, s22, s20, $0xb8;
	[tilespmem:$0x1F580] =	vst v63  }
.Ltmp0:
0xb4: {  	_ = 	snop;
	(pc) =	sbr.rel @p0 .LBB2_2-.Ltmp0, $4  }
0xb5: {  	_ = 	snop  }
0xb6: {  	[spmem:s2] =	stream.indirect.scatter.add.f32 [tilespmem:s28], [sflag:$0x7], $0x1, s22, s20, $0xb8;
	[tilespmem:$0x1F580] =	vst v63  }
0xb7: {  	_ =	swait.ge [sflag:s17], $0x40  }
0xb8: {  	[sflag:s17] =	ssyncset.done $0x0  }
0xb9: {  	[sflag:s17] =	ssyncadd.s32 $0xFFFFFFC0  }
0xba: {  	_ =	swait.ge [sflag:s29], $0x2000  }
0xbb: {  	[sflag:s29] =	ssyncset.done $0x0  }
0xbc: {  	s14 =	simm.s32 $0x2700;
	[sflag:s29] =	ssyncadd.s32 $0xFFFFE000  }
0xbd: {  	[tilespmem:s21], [sflag:$0x1] =	stream.indirect.gather [hbm4b:s5+s20], $0x80, s14, s20, $0xb8;
	[tilespmem:$0x1F580] =	vst v63  }
0xbe: {  	_ =	swait.ge [sflag:s30], $0x2000  }
0xbf: {  	[sflag:s30] =	ssyncset.done $0x0  }
0xc0: {  	[sflag:s30] =	ssyncadd.s32 $0xFFFFE000  }
0xc1: {  	[spmem:s1] =	stream.indirect.scatter.add.f32 [tilespmem:s23], [sflag:$0x5], $0x80, s8, s20, $0xb8;
	[tilespmem:$0x1F580] =	vst v63  }
0xc2: {  	_ = 	snop  }
0xc3: {  	[spmem:s2] =	stream.indirect.scatter.add.f32 [tilespmem:s28], [sflag:$0x7], $0x1, s8, s20, $0xb8;
	[tilespmem:$0x1F580] =	vst v63  }
0xc4: {  	_ =	swait.ge [sflag:s17], $0x40  }
0xc5: {  	[sflag:s17] =	ssyncset.done $0x0  }
0xc6: {  	[sflag:s17] =	ssyncadd.s32 $0xFFFFFFC0  }
0xc7: {  	_ =	swait.ge [sflag:s31], $0x2000  }
0xc8: {  	[sflag:s31] =	ssyncset.done $0x0  }
0xc9: {  	[sflag:s31] =	ssyncadd.s32 $0xFFFFE000  }
0xca: {  	[tilespmem:s23], [sflag:$0x2] =	stream.indirect.gather [hbm4b:s5+s20], $0x80, s9, s20, $0xb8;
	[tilespmem:$0x1F580] =	vst v63  }
0xcb: {  	_ =	swait.ge [sflag:s0], $0x2000  }
0xcc: {  	[sflag:s0] =	ssyncset.done $0x0  }
0xcd: {  	[sflag:s0] =	ssyncadd.s32 $0xFFFFE000  }
0xce: {  	[spmem:s1] =	stream.indirect.scatter.add.f32 [tilespmem:s25], [sflag:$0x6], $0x80, s10, s20, $0xb8;
	[tilespmem:$0x1F580] =	vst v63  }
0xcf: {  	_ = 	snop  }
0xd0: {  	[spmem:s2] =	stream.indirect.scatter.add.f32 [tilespmem:s28], [sflag:$0x7], $0x1, s10, s20, $0xb8;
	[tilespmem:$0x1F580] =	vst v63  }
0xd1: {  	_ =	swait.ge [sflag:s17], $0x40  }
0xd2: {  	[sflag:s17] =	ssyncset.done $0x0  }
0xd3: {  	[sflag:s17] =	ssyncadd.s32 $0xFFFFFFC0  }
0xd4: {  	_ =	swait.ge [sflag:s26], $0x2000  }
0xd5: {  	[sflag:s26] =	ssyncset.done $0x0  }
0xd6: {  	[sflag:s26] =	ssyncadd.s32 $0xFFFFE000  }
0xd7: {  	[spmem:s1] =	stream.indirect.scatter.add.f32 [tilespmem:s21], [sflag:$0x4], $0x80, s11, s20, $0xb8;
	[tilespmem:$0x1F580] =	vst v63  }
0xd8: {  	_ = 	snop  }
0xd9: {  	[spmem:s2] =	stream.indirect.scatter.add.f32 [tilespmem:s28], [sflag:$0x7], $0x1, s11, s20, $0xb8;
	[tilespmem:$0x1F580] =	vst v63  }
0xda: {  	_ =	swait.ge [sflag:s17], $0x40  }
0xdb: {  	[sflag:s17] =	ssyncset.done $0x0  }
0xdc: {  	[sflag:s17] =	ssyncadd.s32 $0xFFFFFFC0  }
0xdd: {  	_ =	swait.ge [sflag:s30], $0x2000  }
0xde: {  	[sflag:s30] =	ssyncset.done $0x0  }
0xdf: {  	[sflag:s30] =	ssyncadd.s32 $0xFFFFE000  }
0xe0: {  	[spmem:s1] =	stream.indirect.scatter.add.f32 [tilespmem:s23], [sflag:$0x5], $0x80, s12, s20, $0xb8;
	[tilespmem:$0x1F580] =	vst v63  }
0xe1: {  	_ = 	snop  }
0xe2: {  	[spmem:s2] =	stream.indirect.scatter.add.f32 [tilespmem:s28], [sflag:$0x7], $0x1, s12, s20, $0xb8;
	[tilespmem:$0x1F580] =	vst v63  }
0xe3: {  	_ =	swait.ge [sflag:s17], $0x40  }
0xe4: {  	[sflag:s17] =	ssyncset.done $0x0  }
0xe5: {  	[sflag:s17] =	ssyncadd.s32 $0xFFFFFFC0  }
0xe6: {  	_ =	swait.ge [sflag:s29], $0x2000  }
0xe7: {  	[sflag:s29] =	ssyncset.done $0x0  }
0xe8: {  	[sflag:s29] =	ssyncadd.s32 $0xFFFFE000  }
0xe9: {  	_ =	swait.ge [sflag:s31], $0x2000  }
0xea: {  	[sflag:s31] =	ssyncset.done $0x0  }
0xeb: {  	[sflag:s31] =	ssyncadd.s32 $0xFFFFE000  }
0xec: {  	_ =	swait.ge [sflag:s3], $0x2000  }
0xed: {  	[sflag:s3] =	ssyncset.done $0x0  }
0xee: {  	s14 =	simm.s32 $0x0;
	s22 =	rddreg [dreg:$0x6];
	[sflag:s3] =	ssyncadd.s32 $0xFFFFE000  }
0xef: {  	[tilespmem:s14], [sflag:$0x7] =	stream.linear.gather [hbm4b:s22+s14], $0x2800, $0x38;
	[tilespmem:$0x1F580] =	vst v63  }
0xf0: {  	_ =	swait.ge [sflag:s17], $0x2800  }
0xf1: {  	[sflag:s17] =	ssyncset.done $0x0  }
0xf2: {  	s24 =	rddreg [dreg:$0x7];
	[sflag:s17] =	ssyncadd.s32 $0xFFFFD800  }
0xf3: {  	[tilespmem:s19], [sflag:$0x7] =	stream.linear.gather [hbm4b:s24+s14], $0x2800, $0x38;
	[tilespmem:$0x1F580] =	vst v63  }
0xf4: {  	_ =	swait.ge [sflag:s17], $0x2800  }
0xf5: {  	[sflag:s17] =	ssyncset.done $0x0  }
0xf6: {  	[sflag:s17] =	ssyncadd.s32 $0xFFFFD800  }
0xf7: {  	[tilespmem:s21], [sflag:$0x1] =	stream.indirect.gather [hbm4b:s5+s20], $0x80, s14, s20, $0xb8;
	[tilespmem:$0x1F580] =	vst v63  }
0xf8: {  	s22 =	simm.s32 $0x80  }
0xf9: {  	[tilespmem:s23], [sflag:$0x2] =	stream.indirect.gather [hbm4b:s5+s20], $0x80, s22, s20, $0xb8;
	[tilespmem:$0x1F580] =	vst v63  }
0xfa: {  	s24 =	simm.s32 $0x100  }
0xfb: {  	[tilespmem:s25], [sflag:$0x3] =	stream.indirect.gather [hbm4b:s5+s20], $0x80, s24, s20, $0xb8;
	[tilespmem:$0x1F580] =	vst v63  }
0xfc: {  	_ =	swait.ge [sflag:s26], $0x2000  }
0xfd: {  	[sflag:s26] =	ssyncset.done $0x0  }
0xfe: {  	[sflag:s26] =	ssyncadd.s32 $0xFFFFE000  }
0xff: {  	[spmem:s1] =	stream.indirect.scatter.add.f32 [tilespmem:s21], [sflag:$0x4], $0x80, s19, s20, $0xb8;
	[tilespmem:$0x1F580] =	vst v63  }
0x100: {  	_ = 	snop  }
0x101: {  	[spmem:s2] =	stream.indirect.scatter.add.f32 [tilespmem:s28], [sflag:$0x7], $0x1, s19, s20, $0xb8;
	[tilespmem:$0x1F580] =	vst v63  }
0x102: {  	_ =	swait.ge [sflag:s17], $0x40  }
0x103: {  	[sflag:s17] =	ssyncset.done $0x0  }
0x104: {  	[sflag:s17] =	ssyncadd.s32 $0xFFFFFFC0  }
0x105: {  	_ =	swait.ge [sflag:s29], $0x2000  }
0x106: {  	[sflag:s29] =	ssyncset.done $0x0  }
0x107: {  	s22 =	simm.s32 $0x180;
	[sflag:s29] =	ssyncadd.s32 $0xFFFFE000  }
0x108: {  	[tilespmem:s21], [sflag:$0x1] =	stream.indirect.gather [hbm4b:s5+s20], $0x80, s22, s20, $0xb8;
	[tilespmem:$0x1F580] =	vst v63  }
0x109: {  	_ =	swait.ge [sflag:s30], $0x2000  }
0x10a: {  	[sflag:s30] =	ssyncset.done $0x0  }
0x10b: {  	s24 =	simm.s32 $0x2880;
	[sflag:s30] =	ssyncadd.s32 $0xFFFFE000  }
0x10c: {  	[spmem:s1] =	stream.indirect.scatter.add.f32 [tilespmem:s23], [sflag:$0x5], $0x80, s24, s20, $0xb8;
	[tilespmem:$0x1F580] =	vst v63  }
0x10d: {  	_ = 	snop  }
0x10e: {  	[spmem:s2] =	stream.indirect.scatter.add.f32 [tilespmem:s28], [sflag:$0x7], $0x1, s24, s20, $0xb8;
	[tilespmem:$0x1F580] =	vst v63  }
0x10f: {  	_ =	swait.ge [sflag:s17], $0x40  }
0x110: {  	[sflag:s17] =	ssyncset.done $0x0  }
0x111: {  	[sflag:s17] =	ssyncadd.s32 $0xFFFFFFC0  }
0x112: {  	_ =	swait.ge [sflag:s31], $0x2000  }
0x113: {  	[sflag:s31] =	ssyncset.done $0x0  }
0x114: {  	s22 =	simm.s32 $0x200;
	[sflag:s31] =	ssyncadd.s32 $0xFFFFE000  }
0x115: {  	[tilespmem:s23], [sflag:$0x2] =	stream.indirect.gather [hbm4b:s5+s20], $0x80, s22, s20, $0xb8;
	[tilespmem:$0x1F580] =	vst v63  }
0x116: {  	_ =	swait.ge [sflag:s0], $0x2000  }
0x117: {  	[sflag:s0] =	ssyncset.done $0x0  }
0x118: {  	s24 =	simm.s32 $0x2900;
	[sflag:s0] =	ssyncadd.s32 $0xFFFFE000  }
0x119: {  	[spmem:s1] =	stream.indirect.scatter.add.f32 [tilespmem:s25], [sflag:$0x6], $0x80, s24, s20, $0xb8;
	[tilespmem:$0x1F580] =	vst v63  }
0x11a: {  	_ = 	snop  }
0x11b: {  	[spmem:s2] =	stream.indirect.scatter.add.f32 [tilespmem:s28], [sflag:$0x7], $0x1, s24, s20, $0xb8;
	[tilespmem:$0x1F580] =	vst v63  }
0x11c: {  	_ =	swait.ge [sflag:s17], $0x40  }
0x11d: {  	[sflag:s17] =	ssyncset.done $0x0  }
0x11e: {  	[sflag:s17] =	ssyncadd.s32 $0xFFFFFFC0  }
0x11f: {  	_ =	swait.ge [sflag:s3], $0x2000  }
0x120: {  	[sflag:s3] =	ssyncset.done $0x0  }
0x121: {  	s22 =	simm.s32 $0x280;
	[sflag:s3] =	ssyncadd.s32 $0xFFFFE000  }
0x122: {  	[tilespmem:s25], [sflag:$0x3] =	stream.indirect.gather [hbm4b:s5+s20], $0x80, s22, s20, $0xb8;
	[tilespmem:$0x1F580] =	vst v63  }
0x123: {  	_ =	swait.ge [sflag:s26], $0x2000  }
0x124: {  	[sflag:s26] =	ssyncset.done $0x0  }
0x125: {  	s24 =	simm.s32 $0x2980;
	[sflag:s26] =	ssyncadd.s32 $0xFFFFE000  }
0x126: {  	[spmem:s1] =	stream.indirect.scatter.add.f32 [tilespmem:s21], [sflag:$0x4], $0x80, s24, s20, $0xb8;
	[tilespmem:$0x1F580] =	vst v63  }
0x127: {  	_ = 	snop  }
0x128: {  	[spmem:s2] =	stream.indirect.scatter.add.f32 [tilespmem:s28], [sflag:$0x7], $0x1, s24, s20, $0xb8;
	[tilespmem:$0x1F580] =	vst v63  }
0x129: {  	_ =	swait.ge [sflag:s17], $0x40  }
0x12a: {  	s14 =	simm.s32 $0x600;
	[sflag:s17] =	ssyncset.done $0x0  }
.LBB2_4:
0x12b: {  	p0 =	sne.s32 s14, $0x9000  }
0x12c: {  	[sflag:s17] =	ssyncadd.s32 $0xFFFFFFC0;
	s22 =	smov.u32 s14;
	s14 =	sadd.s32 $0x600, s14  }
0x12d: {  	_ = 	snop  }
0x12e: {  	_ =	swait.ge [sflag:s29], $0x2000  }
0x12f: {  	s22 =	sshra.s32 s22, $0x2;
	[sflag:s29] =	ssyncset.done $0x0  }
0x130: {  	s24 =	sadd.s32 $0x180, s22;
	[sflag:s29] =	ssyncadd.s32 $0xFFFFE000  }
0x131: {  	[tilespmem:s21], [sflag:$0x1] =	stream.indirect.gather [hbm4b:s5+s20], $0x80, s24, s20, $0xb8;
	[tilespmem:$0x1F580] =	vst v63  }
0x132: {  	_ =	swait.ge [sflag:s30], $0x2000  }
0x133: {  	[sflag:s30] =	ssyncset.done $0x0  }
0x134: {  	s24 =	sadd.s32 $0x2880, s22;
	[sflag:s30] =	ssyncadd.s32 $0xFFFFE000  }
0x135: {  	[spmem:s1] =	stream.indirect.scatter.add.f32 [tilespmem:s23], [sflag:$0x5], $0x80, s24, s20, $0xb8;
	[tilespmem:$0x1F580] =	vst v63  }
0x136: {  	_ = 	snop  }
0x137: {  	[spmem:s2] =	stream.indirect.scatter.add.f32 [tilespmem:s28], [sflag:$0x7], $0x1, s24, s20, $0xb8;
	[tilespmem:$0x1F580] =	vst v63  }
0x138: {  	_ =	swait.ge [sflag:s17], $0x40  }
0x139: {  	[sflag:s17] =	ssyncset.done $0x0  }
0x13a: {  	[sflag:s17] =	ssyncadd.s32 $0xFFFFFFC0  }
0x13b: {  	_ =	swait.ge [sflag:s31], $0x2000  }
0x13c: {  	[sflag:s31] =	ssyncset.done $0x0  }
0x13d: {  	s24 =	sadd.s32 $0x200, s22;
	[sflag:s31] =	ssyncadd.s32 $0xFFFFE000  }
0x13e: {  	[tilespmem:s23], [sflag:$0x2] =	stream.indirect.gather [hbm4b:s5+s20], $0x80, s24, s20, $0xb8;
	[tilespmem:$0x1F580] =	vst v63  }
0x13f: {  	_ =	swait.ge [sflag:s0], $0x2000  }
0x140: {  	[sflag:s0] =	ssyncset.done $0x0  }
0x141: {  	s24 =	sadd.s32 $0x2900, s22;
	[sflag:s0] =	ssyncadd.s32 $0xFFFFE000  }
0x142: {  	[spmem:s1] =	stream.indirect.scatter.add.f32 [tilespmem:s25], [sflag:$0x6], $0x80, s24, s20, $0xb8;
	[tilespmem:$0x1F580] =	vst v63  }
0x143: {  	_ = 	snop  }
0x144: {  	[spmem:s2] =	stream.indirect.scatter.add.f32 [tilespmem:s28], [sflag:$0x7], $0x1, s24, s20, $0xb8;
	[tilespmem:$0x1F580] =	vst v63  }
0x145: {  	_ =	swait.ge [sflag:s17], $0x40  }
0x146: {  	[sflag:s17] =	ssyncset.done $0x0  }
0x147: {  	[sflag:s17] =	ssyncadd.s32 $0xFFFFFFC0  }
0x148: {  	_ =	swait.ge [sflag:s3], $0x2000  }
0x149: {  	[sflag:s3] =	ssyncset.done $0x0  }
0x14a: {  	s24 =	sadd.s32 $0x280, s22;
	[sflag:s3] =	ssyncadd.s32 $0xFFFFE000  }
0x14b: {  	[tilespmem:s25], [sflag:$0x3] =	stream.indirect.gather [hbm4b:s5+s20], $0x80, s24, s20, $0xb8;
	[tilespmem:$0x1F580] =	vst v63  }
0x14c: {  	_ =	swait.ge [sflag:s26], $0x2000  }
0x14d: {  	[sflag:s26] =	ssyncset.done $0x0  }
0x14e: {  	s22 =	sadd.s32 $0x2980, s22;
	[sflag:s26] =	ssyncadd.s32 $0xFFFFE000  }
0x14f: {  	[spmem:s1] =	stream.indirect.scatter.add.f32 [tilespmem:s21], [sflag:$0x4], $0x80, s22, s20, $0xb8;
	[tilespmem:$0x1F580] =	vst v63  }
.Ltmp1:
0x150: {  	_ = 	snop;
	(pc) =	sbr.rel @p0 .LBB2_4-.Ltmp1, $4  }
0x151: {  	_ = 	snop  }
0x152: {  	[spmem:s2] =	stream.indirect.scatter.add.f32 [tilespmem:s28], [sflag:$0x7], $0x1, s22, s20, $0xb8;
	[tilespmem:$0x1F580] =	vst v63  }
0x153: {  	_ =	swait.ge [sflag:s17], $0x40  }
0x154: {  	[sflag:s17] =	ssyncset.done $0x0  }
0x155: {  	[sflag:s17] =	ssyncadd.s32 $0xFFFFFFC0  }
0x156: {  	_ =	swait.ge [sflag:s29], $0x2000  }
0x157: {  	[sflag:s29] =	ssyncset.done $0x0  }
0x158: {  	s14 =	simm.s32 $0x2700;
	[sflag:s29] =	ssyncadd.s32 $0xFFFFE000  }
0x159: {  	[tilespmem:s21], [sflag:$0x1] =	stream.indirect.gather [hbm4b:s5+s20], $0x80, s14, s20, $0xb8;
	[tilespmem:$0x1F580] =	vst v63  }
0x15a: {  	_ =	swait.ge [sflag:s30], $0x2000  }
0x15b: {  	[sflag:s30] =	ssyncset.done $0x0  }
0x15c: {  	[sflag:s30] =	ssyncadd.s32 $0xFFFFE000  }
0x15d: {  	[spmem:s1] =	stream.indirect.scatter.add.f32 [tilespmem:s23], [sflag:$0x5], $0x80, s8, s20, $0xb8;
	[tilespmem:$0x1F580] =	vst v63  }
0x15e: {  	_ = 	snop  }
0x15f: {  	[spmem:s2] =	stream.indirect.scatter.add.f32 [tilespmem:s28], [sflag:$0x7], $0x1, s8, s20, $0xb8;
	[tilespmem:$0x1F580] =	vst v63  }
0x160: {  	_ =	swait.ge [sflag:s17], $0x40  }
0x161: {  	[sflag:s17] =	ssyncset.done $0x0  }
0x162: {  	[sflag:s17] =	ssyncadd.s32 $0xFFFFFFC0  }
0x163: {  	_ =	swait.ge [sflag:s31], $0x2000  }
0x164: {  	[sflag:s31] =	ssyncset.done $0x0  }
0x165: {  	[sflag:s31] =	ssyncadd.s32 $0xFFFFE000  }
0x166: {  	[tilespmem:s23], [sflag:$0x2] =	stream.indirect.gather [hbm4b:s5+s20], $0x80, s9, s20, $0xb8;
	[tilespmem:$0x1F580] =	vst v63  }
0x167: {  	_ =	swait.ge [sflag:s0], $0x2000  }
0x168: {  	[sflag:s0] =	ssyncset.done $0x0  }
0x169: {  	[sflag:s0] =	ssyncadd.s32 $0xFFFFE000  }
0x16a: {  	[spmem:s1] =	stream.indirect.scatter.add.f32 [tilespmem:s25], [sflag:$0x6], $0x80, s10, s20, $0xb8;
	[tilespmem:$0x1F580] =	vst v63  }
0x16b: {  	_ = 	snop  }
0x16c: {  	[spmem:s2] =	stream.indirect.scatter.add.f32 [tilespmem:s28], [sflag:$0x7], $0x1, s10, s20, $0xb8;
	[tilespmem:$0x1F580] =	vst v63  }
0x16d: {  	_ =	swait.ge [sflag:s17], $0x40  }
0x16e: {  	[sflag:s17] =	ssyncset.done $0x0  }
0x16f: {  	[sflag:s17] =	ssyncadd.s32 $0xFFFFFFC0  }
0x170: {  	_ =	swait.ge [sflag:s26], $0x2000  }
0x171: {  	[sflag:s26] =	ssyncset.done $0x0  }
0x172: {  	[sflag:s26] =	ssyncadd.s32 $0xFFFFE000  }
0x173: {  	[spmem:s1] =	stream.indirect.scatter.add.f32 [tilespmem:s21], [sflag:$0x4], $0x80, s11, s20, $0xb8;
	[tilespmem:$0x1F580] =	vst v63  }
0x174: {  	_ = 	snop  }
0x175: {  	[spmem:s2] =	stream.indirect.scatter.add.f32 [tilespmem:s28], [sflag:$0x7], $0x1, s11, s20, $0xb8;
	[tilespmem:$0x1F580] =	vst v63  }
0x176: {  	_ =	swait.ge [sflag:s17], $0x40  }
0x177: {  	[sflag:s17] =	ssyncset.done $0x0  }
0x178: {  	[sflag:s17] =	ssyncadd.s32 $0xFFFFFFC0  }
0x179: {  	_ =	swait.ge [sflag:s30], $0x2000  }
0x17a: {  	[sflag:s30] =	ssyncset.done $0x0  }
0x17b: {  	[sflag:s30] =	ssyncadd.s32 $0xFFFFE000  }
0x17c: {  	[spmem:s1] =	stream.indirect.scatter.add.f32 [tilespmem:s23], [sflag:$0x5], $0x80, s12, s20, $0xb8;
	[tilespmem:$0x1F580] =	vst v63  }
0x17d: {  	_ = 	snop  }
0x17e: {  	[spmem:s2] =	stream.indirect.scatter.add.f32 [tilespmem:s28], [sflag:$0x7], $0x1, s12, s20, $0xb8;
	[tilespmem:$0x1F580] =	vst v63  }
0x17f: {  	_ =	swait.ge [sflag:s17], $0x40  }
0x180: {  	[sflag:s17] =	ssyncset.done $0x0  }
0x181: {  	[sflag:s17] =	ssyncadd.s32 $0xFFFFFFC0  }
0x182: {  	_ =	swait.ge [sflag:s29], $0x2000  }
0x183: {  	[sflag:s29] =	ssyncset.done $0x0  }
0x184: {  	[sflag:s29] =	ssyncadd.s32 $0xFFFFE000  }
0x185: {  	_ =	swait.ge [sflag:s31], $0x2000  }
0x186: {  	[sflag:s31] =	ssyncset.done $0x0  }
0x187: {  	[sflag:s31] =	ssyncadd.s32 $0xFFFFE000  }
0x188: {  	_ =	swait.ge [sflag:s3], $0x2000  }
0x189: {  	[sflag:s3] =	ssyncset.done $0x0  }
0x18a: {  	[sflag:s3] =	ssyncadd.s32 $0xFFFFE000  }
0x18b: {  	[bflag:$0x0] =	sbarrier.arrive $0xFFFF  }
0x18c: {  	s22 =	rddreg [dreg:$0x8]  }
0x18d: {  	[hbm:s22], [sflag:s15] =	dma.local [spmem:s16], $0x2800  }
0x18e: {  	_ =	swait.ge [sflag:s17], $0x2800  }
0x18f: {  	s24 =	simm.s32 $0x20;
	[sflag:s17] =	ssyncset.done $0x0  }
0x190: {  	s14 =	sshrl.u32 s7, $0x3;
	s22 =	rddreg [dreg:$0x9];
	[sflag:s17] =	ssyncadd.s32 $0xFFFFD800  }
0x191: {  	[hbm:s22@s24], [sflag:s15] =	dma.strided [spmem:s14@s18], $0x50, s26, $0x10   }
0x192: {  	_ =	swait.ge [sflag:s17], $0x50  }
0x193: {  	s13 =	sadd.s32 $0x1, s13;
	s24 =	rddreg [dreg:$0xa]  }
0x194: {  	p0 =	sne.s32 s13, s24  }
.Ltmp2:
0x195: {  	_ = 	snop;
	(pc) =	sbr.rel @p0 .LBB2_1-.Ltmp2, $3  }
0x196: {  	_ =	sdelay $0x1  }
0x197: {  	[sflag:s17] =	ssyncset.done $0x0  }
0x198: {  	[sflag:s17] =	ssyncadd.s32 $0xFFFFFFB0  }
0x199: {  	_ =	sfence.sel $0x180000  }
0x19a: {  	[bflag:$0x0] =	sbarrier.arrive $0xFFFF  }
0x19b: {  	_ =	strace $0x90000047  }
0x19c: {  	s0 =	stileid.u32;
	[bflag:$0x2] =	sbarrier.arrive $0xFFFF  }
0x19d: {  	p0 =	sne.s32 s0, $0x0;
	s0 =	rddreg [dreg:$0x3]  }
0x19e: {  	s0 =	sadd.s32 @!p0 $0x100000, s0  }
0x19f: {  	[sflag:s0] =	ssyncadd.tile.s32 @!p0 $0x1;
	_ =	shalt  }
.Lfunc_end2:
_tile_overlayer_lowered:
.L_overlay_start_2:
0x1a0: {  	(tag) =	ssettag $0x2  }
0x1a1: {  	s0 =	rddreg [dreg:$0x0];
	s2 =	stileid.u32  }
0x1a2: {  	s1 =	rddreg [dreg:$0x1];
	p0 =	sne.s32 s2, $0x0  }
0x1a3: {  	s3 =	rddreg [dreg:$0x2];
	[bflag:$0x3] =	sbarrier.arrive $0xFFFF;
	s2 =	simm.s32 @!p0 $0x1C07  }
0x1a4: {  	[timem:s3], [sflag:s2] =	dma.local @!p0 [hbm:s0], s1  }
0x1a5: {  	s0 =	simm.s32 @!p0 $0x7  }
0x1a6: {  	_ =	swait.ge @!p0 [sflag:s0], s1  }
0x1a7: {  	s1 =	ssub.s32 @!p0 $0x0, s1;
	[sflag:s0] =	ssyncset.done @!p0 $0x0  }
0x1a8: {  	[sflag:s0] =	ssyncadd.s32 @!p0 s1  }
0x1a9: {  	[bflag:$0x3] =	sbarrier.arrive $0xFFFF  }
0x1aa: {  	_ =	shalt  }

</sc_bundles>
